<compile_context>
chip_gen: v7x
topology: tpu7x:2x2x1
jax: 0.10.2.dev20260603
libtpu: 0.0.44.dev20260713+nightly
codegen_flags: <defaults>
</compile_context>

<pallas_src>
import functools
import math

import numpy as np
import jax
import jax.numpy as jnp
from jax import lax
from jax.experimental import pallas as pl
from jax.experimental.pallas import tpu as pltpu
from jax.experimental.pallas import tpu_sc as plsc

D_MODEL = 64
_SCALE = 8.0
_L = 16


@jax.jit
def _run(xt, table, pe):
    PT, NW, PR, BB = xt.shape
    S = PT * PR
    V, D = table.shape
    NB = 8
    LEAD = 6
    n_groups = S // NB

    mesh = plsc.VectorSubcoreMesh(core_axis_name="c", subcore_axis_name="s")

    @functools.partial(
        pl.kernel,
        out_type=jax.ShapeDtypeStruct((S, D // 8, NW, 8, BB), jnp.float32),
        mesh=mesh,
        scratch_types=[
            pltpu.VMEM((PT, PR, BB), jnp.int32),
        ]
        + [pltpu.VMEM((BB, D), jnp.float32)] * NB
        + [
            pltpu.VMEM((D // 8, 8, BB + 8), jnp.float32),
            pltpu.VMEM((D // 8, 8, BB + 8), jnp.float32),
            pltpu.VMEM((S, D), jnp.float32),
        ]
        + [pltpu.SemaphoreType.DMA] * (NB + 3),
        compiler_params=pltpu.CompilerParams(
            use_tc_tiling_on_sc=False, needs_layout_passes=False
        ),
    )
    def sc_kernel(xt_hbm, table_hbm, pe_hbm, out_hbm, idx_all, *rest):
        bufs = rest[:NB]
        t0, t1, pe_v, isem = rest[NB : NB + 4]
        tbufs = (t0, t1)
        gsem = rest[NB + 4 : 2 * NB + 4]
        osem = rest[2 * NB + 4 :]
        bt = lax.axis_index("s") * 2 + lax.axis_index("c")

        pltpu.async_copy(
            xt_hbm.at[pl.ds(0, 1), bt], idx_all.at[pl.ds(0, 1)], isem
        ).wait()

        def gather_start(p, b):
            pltpu.async_copy(
                table_hbm.at[idx_all.at[p // PR, p % PR]], bufs[b], gsem[b]
            )

        def gather_wait(p, b):
            pltpu.make_async_copy(
                table_hbm.at[idx_all.at[p // PR, p % PR]], bufs[b], gsem[b]
            ).wait()

        def out_start(p, b):
            pltpu.async_copy(
                tbufs[b % 2].at[:, :, pl.ds(0, BB)],
                out_hbm.at[p, :, bt],
                osem[b % 2],
            )

        def out_wait(b):
            pltpu.make_async_copy(
                tbufs[b % 2].at[:, :, pl.ds(0, BB)],
                out_hbm.at[0, :, bt],
                osem[b % 2],
            ).wait()

        for b in range(LEAD):
            gather_start(b, b)
        pltpu.async_copy(
            xt_hbm.at[pl.ds(1, PT - 1), bt], idx_all.at[pl.ds(1, PT - 1)], isem
        )
        pltpu.sync_copy(pe_hbm, pe_v)
        pltpu.make_async_copy(
            xt_hbm.at[pl.ds(1, PT - 1), bt], idx_all.at[pl.ds(1, PT - 1)], isem
        ).wait()

        lane = lax.iota(jnp.int32, 16)
        dts = [(lane + 16 * j) // 8 for j in range(D // _L)]
        drs = [lane % 8 for _ in range(D // _L)]

        def group_body(g, carry):
            for b in range(NB):
                p = NB * g + b
                gather_wait(p, b)
                if b < 2:

                    @pl.when(g > 0)
                    def _():
                        out_wait(b)

                else:
                    out_wait(b)

                pe4 = [pe_v[p, pl.ds(16 * j, _L)] for j in range(D // _L)]

                @plsc.parallel_loop(0, BB, unroll=8)
                def _(i):
                    ci = jnp.full((_L,), i, jnp.int32)
                    for j in range(D // _L):
                        v = bufs[b][i, pl.ds(16 * j, _L)] * _SCALE + pe4[j]
                        plsc.store_scatter(
                            tbufs[b % 2], [dts[j], drs[j], ci], v
                        )
                out_start(p, b)

                @pl.when(p + LEAD < S)
                def _():
                    gather_start(p + LEAD, (b + LEAD) % NB)

            return carry

        lax.fori_loop(0, n_groups, group_body, 0)
        out_wait(0)
        out_wait(1)

    return sc_kernel(xt, table, pe)


def kernel(x, table):
    B, S = x.shape
    V, D = table.shape
    NW = 32
    BB = B // NW

    pe = np.zeros((S, D_MODEL), dtype=np.float32)
    pos = np.arange(S, dtype=np.float32)[:, None]
    div_term = np.exp(
        np.arange(0, D_MODEL, 2, dtype=np.float32) * (-math.log(10000.0) / D_MODEL)
    )
    pe[:, 0::2] = np.sin(pos * div_term)
    pe[:, 1::2] = np.cos(pos * div_term)

    xq = x.T.reshape(S // 8, 8, NW, BB).transpose(0, 2, 1, 3)
    out5 = _run(xq, table, jnp.asarray(pe))
    return out5.transpose(2, 4, 0, 1, 3).reshape(B, S, D)

# --- scband reference (transcript-rebuilt; emitter-appended) ---
"""Pipeline reference for scband-positional-encoding-11940009083305 (READ-ONLY COPY).

The authoritative reference and input builder live on the scoring server;
editing this copy changes nothing except your own understanding.
"""

import jax, jax.numpy as jnp
import numpy as np
import math

D_MODEL = 64
EMBEDDING_NUM = 100000
MAX_LEN = 5000
PADDING_IDX = 1
BATCH = 4096
SEQ = 200


def _make_pe():
    pe = np.zeros((MAX_LEN, D_MODEL), dtype=np.float32)
    pos = np.arange(MAX_LEN, dtype=np.float32)[:, None]
    div_term = np.exp(np.arange(0, D_MODEL, 2, dtype=np.float32) * (-math.log(10000.0) / D_MODEL))
    pe[:, 0::2] = np.sin(pos * div_term)
    pe[:, 1::2] = np.cos(pos * div_term)
    return jnp.asarray(pe)[None, :, :]


def setup_inputs(seed: int = 0) -> dict:
    key = jax.random.key(seed)
    k1, k2 = jax.random.split(key)
    x = jax.random.randint(k1, (BATCH, SEQ), 0, EMBEDDING_NUM, dtype=jnp.int32)
    table = jax.random.normal(k2, (EMBEDDING_NUM, D_MODEL), dtype=jnp.float32)
    table = table.at[PADDING_IDX].set(0.0)  # nn.Embedding padding_idx row is zero
    return {"x": x, "table": table}


def reference(x, table):
    pe = _make_pe()
    # embedding lookup (SparseCore gather)
    emb = jnp.take(table, x, axis=0)
    emb = emb * math.sqrt(D_MODEL)
    out = emb + pe[:, : x.shape[1]]
    # dropout omitted (eval mode / deterministic reference)
    return out

if __name__ == "__main__":
    import jax
    _d = setup_inputs()
    print(jax.jit(kernel)(*tuple(_d.values())))

</pallas_src>

<mosaic_0001>
#map = affine_map<(d0, d1) -> (0, 0, 0, 0)>
#map1 = affine_map<(d0, d1) -> (0, 0)>
#map2 = affine_map<(d0, d1) -> (0, 0, 0, 0, 0)>
module attributes {stable_mosaic.version = 14 : i64} {
  func.func @sc_kernel(%arg0: i32, %arg1: i32, %arg2: memref<25x32x8x128xi32, #tpu.memory_space<hbm>>, %arg3: memref<100000x64xf32, #tpu.memory_space<hbm>>, %arg4: memref<200x64xf32, #tpu.memory_space<hbm>>, %arg5: memref<200x8x32x8x128xf32, #tpu.memory_space<hbm>>, %arg6: memref<25x8x128xi32, #tpu.memory_space<vmem>>, %arg7: memref<128x64xf32, #tpu.memory_space<vmem>>, %arg8: memref<128x64xf32, #tpu.memory_space<vmem>>, %arg9: memref<128x64xf32, #tpu.memory_space<vmem>>, %arg10: memref<128x64xf32, #tpu.memory_space<vmem>>, %arg11: memref<128x64xf32, #tpu.memory_space<vmem>>, %arg12: memref<128x64xf32, #tpu.memory_space<vmem>>, %arg13: memref<128x64xf32, #tpu.memory_space<vmem>>, %arg14: memref<128x64xf32, #tpu.memory_space<vmem>>, %arg15: memref<8x8x136xf32, #tpu.memory_space<vmem>>, %arg16: memref<8x8x136xf32, #tpu.memory_space<vmem>>, %arg17: memref<200x64xf32, #tpu.memory_space<vmem>>, %arg18: memref<!tpu.dma_semaphore, #tpu.memory_space<semaphore_mem>>, %arg19: memref<!tpu.dma_semaphore, #tpu.memory_space<semaphore_mem>>, %arg20: memref<!tpu.dma_semaphore, #tpu.memory_space<semaphore_mem>>, %arg21: memref<!tpu.dma_semaphore, #tpu.memory_space<semaphore_mem>>, %arg22: memref<!tpu.dma_semaphore, #tpu.memory_space<semaphore_mem>>, %arg23: memref<!tpu.dma_semaphore, #tpu.memory_space<semaphore_mem>>, %arg24: memref<!tpu.dma_semaphore, #tpu.memory_space<semaphore_mem>>, %arg25: memref<!tpu.dma_semaphore, #tpu.memory_space<semaphore_mem>>, %arg26: memref<!tpu.dma_semaphore, #tpu.memory_space<semaphore_mem>>, %arg27: memref<!tpu.dma_semaphore, #tpu.memory_space<semaphore_mem>>, %arg28: memref<!tpu.dma_semaphore, #tpu.memory_space<semaphore_mem>>) attributes {dimension_semantics = [#tpu.dimension_semantics<core_parallel>, #tpu.dimension_semantics<subcore_parallel>], iteration_bounds = array<i64: 2, 16>, scalar_prefetch = 0 : i64, scratch_operands = 23 : i64, tpu.core_type = #tpu.core_type<sc_vector_subcore>, window_params = [{transform_indices = #map}, {transform_indices = #map1}, {transform_indices = #map1}, {transform_indices = #map2}]} {
    %mul3A = arith.constant 2 : i32
    %mul3A_0 = arith.muli %arg1, %mul3A : i32
    %add3A = arith.addi %mul3A_0, %arg0 : i32
    %dma_start3A = arith.constant 0 : i32
    %dma_start3A_1 = arith.constant 0 : i32
    %dma_start3A_2 = arith.constant 0 : i32
    %dma_start3A_3 = tpu.memref_slice %arg6[%dma_start3A, %dma_start3A_1, %dma_start3A_2] : memref<25x8x128xi32, #tpu.memory_space<vmem>> -> memref<1x8x128xi32, #tpu.memory_space<vmem>>
    %dma_start3A_4 = arith.constant 0 : i32
    %dma_start3A_5 = arith.constant 0 : i32
    %dma_start3A_6 = arith.constant 0 : i32
    %dma_start3A_7 = tpu.memref_slice %arg2[%dma_start3A_4, %add3A, %dma_start3A_5, %dma_start3A_6] : memref<25x32x8x128xi32, #tpu.memory_space<hbm>> -> memref<1x1x8x128xi32, #tpu.memory_space<hbm>>
    %dma_start3A_8 = tpu.memref_squeeze %dma_start3A_7 : memref<1x1x8x128xi32, #tpu.memory_space<hbm>> -> memref<1x8x128xi32, #tpu.memory_space<hbm>>
    %dma_start3A_9 = arith.constant 0 : i32
    %dma_start3A_10 = arith.constant 0 : i32
    %dma_start3A_11 = arith.constant 0 : i32
    %dma_start3A_12 = tpu.memref_slice %arg6[%dma_start3A_9, %dma_start3A_10, %dma_start3A_11] : memref<25x8x128xi32, #tpu.memory_space<vmem>> -> memref<1x8x128xi32, #tpu.memory_space<vmem>>
    %dma_start3A_13 = arith.constant 0 : i32
    %dma_start3A_14 = arith.constant 0 : i32
    %dma_start3A_15 = arith.constant 0 : i32
    %dma_start3A_16 = tpu.memref_slice %arg2[%dma_start3A_13, %add3A, %dma_start3A_14, %dma_start3A_15] : memref<25x32x8x128xi32, #tpu.memory_space<hbm>> -> memref<1x1x8x128xi32, #tpu.memory_space<hbm>>
    %dma_start3A_17 = tpu.memref_squeeze %dma_start3A_16 : memref<1x1x8x128xi32, #tpu.memory_space<hbm>> -> memref<1x8x128xi32, #tpu.memory_space<hbm>>
    tpu.enqueue_dma source(%dma_start3A_17 : memref<1x8x128xi32, #tpu.memory_space<hbm>>) target(%dma_start3A_12 : memref<1x8x128xi32, #tpu.memory_space<vmem>>) target_semaphore(%arg18 : memref<!tpu.dma_semaphore, #tpu.memory_space<semaphore_mem>>)
    %dma_wait3A = arith.constant 0 : i32
    %dma_wait3A_18 = arith.constant 0 : i32
    %dma_wait3A_19 = arith.constant 0 : i32
    %dma_wait3A_20 = tpu.memref_slice %arg6[%dma_wait3A, %dma_wait3A_18, %dma_wait3A_19] : memref<25x8x128xi32, #tpu.memory_space<vmem>> -> memref<1x8x128xi32, #tpu.memory_space<vmem>>
    %dma_wait3A_21 = arith.constant 0 : i32
    %dma_wait3A_22 = arith.constant 0 : i32
    %dma_wait3A_23 = arith.constant 0 : i32
    %dma_wait3A_24 = tpu.memref_slice %arg2[%dma_wait3A_21, %add3A, %dma_wait3A_22, %dma_wait3A_23] : memref<25x32x8x128xi32, #tpu.memory_space<hbm>> -> memref<1x1x8x128xi32, #tpu.memory_space<hbm>>
    %dma_wait3A_25 = tpu.memref_squeeze %dma_wait3A_24 : memref<1x1x8x128xi32, #tpu.memory_space<hbm>> -> memref<1x8x128xi32, #tpu.memory_space<hbm>>
    %dma_wait3A_26 = arith.constant 0 : i32
    %dma_wait3A_27 = arith.constant 0 : i32
    %dma_wait3A_28 = arith.constant 0 : i32
    %dma_wait3A_29 = tpu.memref_slice %arg6[%dma_wait3A_26, %dma_wait3A_27, %dma_wait3A_28] : memref<25x8x128xi32, #tpu.memory_space<vmem>> -> memref<1x8x128xi32, #tpu.memory_space<vmem>>
    %dma_wait3A_30 = arith.constant 0 : i32
    %dma_wait3A_31 = arith.constant 0 : i32
    %dma_wait3A_32 = arith.constant 0 : i32
    %dma_wait3A_33 = tpu.memref_slice %arg2[%dma_wait3A_30, %add3A, %dma_wait3A_31, %dma_wait3A_32] : memref<25x32x8x128xi32, #tpu.memory_space<hbm>> -> memref<1x1x8x128xi32, #tpu.memory_space<hbm>>
    %dma_wait3A_34 = tpu.memref_squeeze %dma_wait3A_33 : memref<1x1x8x128xi32, #tpu.memory_space<hbm>> -> memref<1x8x128xi32, #tpu.memory_space<hbm>>
    tpu.wait_dma2 semaphore(%arg18 : memref<!tpu.dma_semaphore, #tpu.memory_space<semaphore_mem>>) src(%dma_wait3A_34 : memref<1x8x128xi32, #tpu.memory_space<hbm>>) dst(%dma_wait3A_29 : memref<1x8x128xi32, #tpu.memory_space<vmem>>)
    %dma_start3A_35 = arith.constant 0 : i32
    %dma_start3A_36 = arith.constant 0 : i32
    %dma_start3A_37 = arith.constant 0 : i32
    %dma_start3A_38 = tpu.memref_slice %arg6[%dma_start3A_35, %dma_start3A_36, %dma_start3A_37] : memref<25x8x128xi32, #tpu.memory_space<vmem>> -> memref<1x1x128xi32, #tpu.memory_space<vmem>>
    %dma_start3A_39 = tpu.memref_squeeze %dma_start3A_38 : memref<1x1x128xi32, #tpu.memory_space<vmem>> -> memref<128xi32, #tpu.memory_space<vmem>>
    %dma_start3A_40 = arith.constant 0 : i32
    %dma_start3A_41 = arith.constant 0 : i32
    %dma_start3A_42 = tpu.memref_slice %arg3[%dma_start3A_40, %dma_start3A_41] : memref<100000x64xf32, #tpu.memory_space<hbm>> -> memref<100000x64xf32, #tpu.memory_space<hbm>>
    tpu.enqueue_indirect_dma source(%dma_start3A_42 : memref<100000x64xf32, #tpu.memory_space<hbm>>) target(%arg7 : memref<128x64xf32, #tpu.memory_space<vmem>>) offsets(%dma_start3A_39 : memref<128xi32, #tpu.memory_space<vmem>>) semaphore(%arg19 : memref<!tpu.dma_semaphore, #tpu.memory_space<semaphore_mem>>)
    %dma_start3A_43 = arith.constant 0 : i32
    %dma_start3A_44 = arith.constant 1 : i32
    %dma_start3A_45 = arith.constant 0 : i32
    %dma_start3A_46 = tpu.memref_slice %arg6[%dma_start3A_43, %dma_start3A_44, %dma_start3A_45] : memref<25x8x128xi32, #tpu.memory_space<vmem>> -> memref<1x1x128xi32, #tpu.memory_space<vmem>>
    %dma_start3A_47 = tpu.memref_squeeze %dma_start3A_46 : memref<1x1x128xi32, #tpu.memory_space<vmem>> -> memref<128xi32, #tpu.memory_space<vmem>>
    %dma_start3A_48 = arith.constant 0 : i32
    %dma_start3A_49 = arith.constant 0 : i32
    %dma_start3A_50 = tpu.memref_slice %arg3[%dma_start3A_48, %dma_start3A_49] : memref<100000x64xf32, #tpu.memory_space<hbm>> -> memref<100000x64xf32, #tpu.memory_space<hbm>>
    tpu.enqueue_indirect_dma source(%dma_start3A_50 : memref<100000x64xf32, #tpu.memory_space<hbm>>) target(%arg8 : memref<128x64xf32, #tpu.memory_space<vmem>>) offsets(%dma_start3A_47 : memref<128xi32, #tpu.memory_space<vmem>>) semaphore(%arg20 : memref<!tpu.dma_semaphore, #tpu.memory_space<semaphore_mem>>)
    %dma_start3A_51 = arith.constant 0 : i32
    %dma_start3A_52 = arith.constant 2 : i32
    %dma_start3A_53 = arith.constant 0 : i32
    %dma_start3A_54 = tpu.memref_slice %arg6[%dma_start3A_51, %dma_start3A_52, %dma_start3A_53] : memref<25x8x128xi32, #tpu.memory_space<vmem>> -> memref<1x1x128xi32, #tpu.memory_space<vmem>>
    %dma_start3A_55 = tpu.memref_squeeze %dma_start3A_54 : memref<1x1x128xi32, #tpu.memory_space<vmem>> -> memref<128xi32, #tpu.memory_space<vmem>>
    %dma_start3A_56 = arith.constant 0 : i32
    %dma_start3A_57 = arith.constant 0 : i32
    %dma_start3A_58 = tpu.memref_slice %arg3[%dma_start3A_56, %dma_start3A_57] : memref<100000x64xf32, #tpu.memory_space<hbm>> -> memref<100000x64xf32, #tpu.memory_space<hbm>>
    tpu.enqueue_indirect_dma source(%dma_start3A_58 : memref<100000x64xf32, #tpu.memory_space<hbm>>) target(%arg9 : memref<128x64xf32, #tpu.memory_space<vmem>>) offsets(%dma_start3A_55 : memref<128xi32, #tpu.memory_space<vmem>>) semaphore(%arg21 : memref<!tpu.dma_semaphore, #tpu.memory_space<semaphore_mem>>)
    %dma_start3A_59 = arith.constant 0 : i32
    %dma_start3A_60 = arith.constant 3 : i32
    %dma_start3A_61 = arith.constant 0 : i32
    %dma_start3A_62 = tpu.memref_slice %arg6[%dma_start3A_59, %dma_start3A_60, %dma_start3A_61] : memref<25x8x128xi32, #tpu.memory_space<vmem>> -> memref<1x1x128xi32, #tpu.memory_space<vmem>>
    %dma_start3A_63 = tpu.memref_squeeze %dma_start3A_62 : memref<1x1x128xi32, #tpu.memory_space<vmem>> -> memref<128xi32, #tpu.memory_space<vmem>>
    %dma_start3A_64 = arith.constant 0 : i32
    %dma_start3A_65 = arith.constant 0 : i32
    %dma_start3A_66 = tpu.memref_slice %arg3[%dma_start3A_64, %dma_start3A_65] : memref<100000x64xf32, #tpu.memory_space<hbm>> -> memref<100000x64xf32, #tpu.memory_space<hbm>>
    tpu.enqueue_indirect_dma source(%dma_start3A_66 : memref<100000x64xf32, #tpu.memory_space<hbm>>) target(%arg10 : memref<128x64xf32, #tpu.memory_space<vmem>>) offsets(%dma_start3A_63 : memref<128xi32, #tpu.memory_space<vmem>>) semaphore(%arg22 : memref<!tpu.dma_semaphore, #tpu.memory_space<semaphore_mem>>)
    %dma_start3A_67 = arith.constant 0 : i32
    %dma_start3A_68 = arith.constant 4 : i32
    %dma_start3A_69 = arith.constant 0 : i32
    %dma_start3A_70 = tpu.memref_slice %arg6[%dma_start3A_67, %dma_start3A_68, %dma_start3A_69] : memref<25x8x128xi32, #tpu.memory_space<vmem>> -> memref<1x1x128xi32, #tpu.memory_space<vmem>>
    %dma_start3A_71 = tpu.memref_squeeze %dma_start3A_70 : memref<1x1x128xi32, #tpu.memory_space<vmem>> -> memref<128xi32, #tpu.memory_space<vmem>>
    %dma_start3A_72 = arith.constant 0 : i32
    %dma_start3A_73 = arith.constant 0 : i32
    %dma_start3A_74 = tpu.memref_slice %arg3[%dma_start3A_72, %dma_start3A_73] : memref<100000x64xf32, #tpu.memory_space<hbm>> -> memref<100000x64xf32, #tpu.memory_space<hbm>>
    tpu.enqueue_indirect_dma source(%dma_start3A_74 : memref<100000x64xf32, #tpu.memory_space<hbm>>) target(%arg11 : memref<128x64xf32, #tpu.memory_space<vmem>>) offsets(%dma_start3A_71 : memref<128xi32, #tpu.memory_space<vmem>>) semaphore(%arg23 : memref<!tpu.dma_semaphore, #tpu.memory_space<semaphore_mem>>)
    %dma_start3A_75 = arith.constant 0 : i32
    %dma_start3A_76 = arith.constant 5 : i32
    %dma_start3A_77 = arith.constant 0 : i32
    %dma_start3A_78 = tpu.memref_slice %arg6[%dma_start3A_75, %dma_start3A_76, %dma_start3A_77] : memref<25x8x128xi32, #tpu.memory_space<vmem>> -> memref<1x1x128xi32, #tpu.memory_space<vmem>>
    %dma_start3A_79 = tpu.memref_squeeze %dma_start3A_78 : memref<1x1x128xi32, #tpu.memory_space<vmem>> -> memref<128xi32, #tpu.memory_space<vmem>>
    %dma_start3A_80 = arith.constant 0 : i32
    %dma_start3A_81 = arith.constant 0 : i32
    %dma_start3A_82 = tpu.memref_slice %arg3[%dma_start3A_80, %dma_start3A_81] : memref<100000x64xf32, #tpu.memory_space<hbm>> -> memref<100000x64xf32, #tpu.memory_space<hbm>>
    tpu.enqueue_indirect_dma source(%dma_start3A_82 : memref<100000x64xf32, #tpu.memory_space<hbm>>) target(%arg12 : memref<128x64xf32, #tpu.memory_space<vmem>>) offsets(%dma_start3A_79 : memref<128xi32, #tpu.memory_space<vmem>>) semaphore(%arg24 : memref<!tpu.dma_semaphore, #tpu.memory_space<semaphore_mem>>)
    %dma_start3A_83 = arith.constant 1 : i32
    %dma_start3A_84 = arith.constant 0 : i32
    %dma_start3A_85 = arith.constant 0 : i32
    %dma_start3A_86 = tpu.memref_slice %arg6[%dma_start3A_83, %dma_start3A_84, %dma_start3A_85] : memref<25x8x128xi32, #tpu.memory_space<vmem>> -> memref<24x8x128xi32, #tpu.memory_space<vmem>>
    %dma_start3A_87 = arith.constant 1 : i32
    %dma_start3A_88 = arith.constant 0 : i32
    %dma_start3A_89 = arith.constant 0 : i32
    %dma_start3A_90 = tpu.memref_slice %arg2[%dma_start3A_87, %add3A, %dma_start3A_88, %dma_start3A_89] : memref<25x32x8x128xi32, #tpu.memory_space<hbm>> -> memref<24x1x8x128xi32, #tpu.memory_space<hbm>>
    %dma_start3A_91 = tpu.memref_squeeze %dma_start3A_90 : memref<24x1x8x128xi32, #tpu.memory_space<hbm>> -> memref<24x8x128xi32, #tpu.memory_space<hbm>>
    %dma_start3A_92 = arith.constant 1 : i32
    %dma_start3A_93 = arith.constant 0 : i32
    %dma_start3A_94 = arith.constant 0 : i32
    %dma_start3A_95 = tpu.memref_slice %arg6[%dma_start3A_92, %dma_start3A_93, %dma_start3A_94] : memref<25x8x128xi32, #tpu.memory_space<vmem>> -> memref<24x8x128xi32, #tpu.memory_space<vmem>>
    %dma_start3A_96 = arith.constant 1 : i32
    %dma_start3A_97 = arith.constant 0 : i32
    %dma_start3A_98 = arith.constant 0 : i32
    %dma_start3A_99 = tpu.memref_slice %arg2[%dma_start3A_96, %add3A, %dma_start3A_97, %dma_start3A_98] : memref<25x32x8x128xi32, #tpu.memory_space<hbm>> -> memref<24x1x8x128xi32, #tpu.memory_space<hbm>>
    %dma_start3A_100 = tpu.memref_squeeze %dma_start3A_99 : memref<24x1x8x128xi32, #tpu.memory_space<hbm>> -> memref<24x8x128xi32, #tpu.memory_space<hbm>>
    tpu.enqueue_dma source(%dma_start3A_100 : memref<24x8x128xi32, #tpu.memory_space<hbm>>) target(%dma_start3A_95 : memref<24x8x128xi32, #tpu.memory_space<vmem>>) target_semaphore(%arg18 : memref<!tpu.dma_semaphore, #tpu.memory_space<semaphore_mem>>)
    "tpu.region"() ({
      %run_scoped3A = tpu.sem_alloc : memref<!tpu.dma_semaphore, #tpu.memory_space<semaphore_mem>>
      tpu.enqueue_dma source(%arg4 : memref<200x64xf32, #tpu.memory_space<hbm>>) target(%arg17 : memref<200x64xf32, #tpu.memory_space<vmem>>) target_semaphore(%run_scoped3A : memref<!tpu.dma_semaphore, #tpu.memory_space<semaphore_mem>>)
      tpu.wait_dma2 semaphore(%run_scoped3A : memref<!tpu.dma_semaphore, #tpu.memory_space<semaphore_mem>>) src(%arg4 : memref<200x64xf32, #tpu.memory_space<hbm>>) dst(%arg17 : memref<200x64xf32, #tpu.memory_space<vmem>>)
      tpu.yield
    }) : () -> ()
    %dma_wait3A_101 = arith.constant 1 : i32
    %dma_wait3A_102 = arith.constant 0 : i32
    %dma_wait3A_103 = arith.constant 0 : i32
    %dma_wait3A_104 = tpu.memref_slice %arg6[%dma_wait3A_101, %dma_wait3A_102, %dma_wait3A_103] : memref<25x8x128xi32, #tpu.memory_space<vmem>> -> memref<24x8x128xi32, #tpu.memory_space<vmem>>
    %dma_wait3A_105 = arith.constant 1 : i32
    %dma_wait3A_106 = arith.constant 0 : i32
    %dma_wait3A_107 = arith.constant 0 : i32
    %dma_wait3A_108 = tpu.memref_slice %arg2[%dma_wait3A_105, %add3A, %dma_wait3A_106, %dma_wait3A_107] : memref<25x32x8x128xi32, #tpu.memory_space<hbm>> -> memref<24x1x8x128xi32, #tpu.memory_space<hbm>>
    %dma_wait3A_109 = tpu.memref_squeeze %dma_wait3A_108 : memref<24x1x8x128xi32, #tpu.memory_space<hbm>> -> memref<24x8x128xi32, #tpu.memory_space<hbm>>
    %dma_wait3A_110 = arith.constant 1 : i32
    %dma_wait3A_111 = arith.constant 0 : i32
    %dma_wait3A_112 = arith.constant 0 : i32
    %dma_wait3A_113 = tpu.memref_slice %arg6[%dma_wait3A_110, %dma_wait3A_111, %dma_wait3A_112] : memref<25x8x128xi32, #tpu.memory_space<vmem>> -> memref<24x8x128xi32, #tpu.memory_space<vmem>>
    %dma_wait3A_114 = arith.constant 1 : i32
    %dma_wait3A_115 = arith.constant 0 : i32
    %dma_wait3A_116 = arith.constant 0 : i32
    %dma_wait3A_117 = tpu.memref_slice %arg2[%dma_wait3A_114, %add3A, %dma_wait3A_115, %dma_wait3A_116] : memref<25x32x8x128xi32, #tpu.memory_space<hbm>> -> memref<24x1x8x128xi32, #tpu.memory_space<hbm>>
    %dma_wait3A_118 = tpu.memref_squeeze %dma_wait3A_117 : memref<24x1x8x128xi32, #tpu.memory_space<hbm>> -> memref<24x8x128xi32, #tpu.memory_space<hbm>>
    tpu.wait_dma2 semaphore(%arg18 : memref<!tpu.dma_semaphore, #tpu.memory_space<semaphore_mem>>) src(%dma_wait3A_118 : memref<24x8x128xi32, #tpu.memory_space<hbm>>) dst(%dma_wait3A_113 : memref<24x8x128xi32, #tpu.memory_space<vmem>>)
    %iota3A = tpu.iota {dimensions = array<i32: 0>} : vector<16xi32>
    %add3A_119 = arith.constant 0 : i32
    %add3A_120 = vector.broadcast %add3A_119 : i32 to vector<16xi32>
    %add3A_121 = arith.addi %iota3A, %add3A_120 : vector<16xi32>
    %jit3A = arith.constant 8 : i32
    %div3A = vector.broadcast %jit3A : i32 to vector<16xi32>
    %div3A_122 = arith.divsi %add3A_121, %div3A : vector<16xi32>
    %sign3A = arith.constant 0 : i32
    %sign3A_123 = vector.broadcast %sign3A : i32 to vector<16xi32>
    %sign3A_124 = arith.cmpi sgt, %add3A_121, %sign3A_123 : vector<16xi32>
    %sign3A_125 = arith.extui %sign3A_124 : vector<16xi1> to vector<16xi32>
    %sign3A_126 = arith.constant 0 : i32
    %sign3A_127 = vector.broadcast %sign3A_126 : i32 to vector<16xi32>
    %sign3A_128 = arith.cmpi slt, %add3A_121, %sign3A_127 : vector<16xi32>
    %sign3A_129 = arith.extui %sign3A_128 : vector<16xi1> to vector<16xi32>
    %sign3A_130 = arith.subi %sign3A_125, %sign3A_129 : vector<16xi32>
    %sign3A_131 = arith.constant 0 : i32
    %sign3A_132 = arith.cmpi sgt, %jit3A, %sign3A_131 : i32
    %sign3A_133 = arith.extui %sign3A_132 : i1 to i32
    %sign3A_134 = arith.constant 0 : i32
    %sign3A_135 = arith.cmpi slt, %jit3A, %sign3A_134 : i32
    %sign3A_136 = arith.extui %sign3A_135 : i1 to i32
    %sign3A_137 = arith.subi %sign3A_133, %sign3A_136 : i32
    %ne3A = vector.broadcast %sign3A_137 : i32 to vector<16xi32>
    %ne3A_138 = arith.cmpi ne, %sign3A_130, %ne3A : vector<16xi32>
    %rem3A = vector.broadcast %jit3A : i32 to vector<16xi32>
    %rem3A_139 = arith.remsi %add3A_121, %rem3A : vector<16xi32>
    %ne3A_140 = arith.constant 0 : i32
    %ne3A_141 = vector.broadcast %ne3A_140 : i32 to vector<16xi32>
    %ne3A_142 = arith.cmpi ne, %rem3A_139, %ne3A_141 : vector<16xi32>
    %and3A = arith.andi %ne3A_138, %ne3A_142 : vector<16xi1>
    %sub3A = arith.constant 1 : i32
    %sub3A_143 = vector.broadcast %sub3A : i32 to vector<16xi32>
    %sub3A_144 = arith.subi %div3A_122, %sub3A_143 : vector<16xi32>
    %select_n3A = arith.select %and3A, %sub3A_144, %div3A_122 : vector<16xi1>, vector<16xi32>
    %add3A_145 = arith.constant 16 : i32
    %add3A_146 = vector.broadcast %add3A_145 : i32 to vector<16xi32>
    %add3A_147 = arith.addi %iota3A, %add3A_146 : vector<16xi32>
    %jit3A_148 = arith.constant 8 : i32
    %div3A_149 = vector.broadcast %jit3A_148 : i32 to vector<16xi32>
    %div3A_150 = arith.divsi %add3A_147, %div3A_149 : vector<16xi32>
    %sign3A_151 = arith.constant 0 : i32
    %sign3A_152 = vector.broadcast %sign3A_151 : i32 to vector<16xi32>
    %sign3A_153 = arith.cmpi sgt, %add3A_147, %sign3A_152 : vector<16xi32>
    %sign3A_154 = arith.extui %sign3A_153 : vector<16xi1> to vector<16xi32>
    %sign3A_155 = arith.constant 0 : i32
    %sign3A_156 = vector.broadcast %sign3A_155 : i32 to vector<16xi32>
    %sign3A_157 = arith.cmpi slt, %add3A_147, %sign3A_156 : vector<16xi32>
    %sign3A_158 = arith.extui %sign3A_157 : vector<16xi1> to vector<16xi32>
    %sign3A_159 = arith.subi %sign3A_154, %sign3A_158 : vector<16xi32>
    %sign3A_160 = arith.constant 0 : i32
    %sign3A_161 = arith.cmpi sgt, %jit3A_148, %sign3A_160 : i32
    %sign3A_162 = arith.extui %sign3A_161 : i1 to i32
    %sign3A_163 = arith.constant 0 : i32
    %sign3A_164 = arith.cmpi slt, %jit3A_148, %sign3A_163 : i32
    %sign3A_165 = arith.extui %sign3A_164 : i1 to i32
    %sign3A_166 = arith.subi %sign3A_162, %sign3A_165 : i32
    %ne3A_167 = vector.broadcast %sign3A_166 : i32 to vector<16xi32>
    %ne3A_168 = arith.cmpi ne, %sign3A_159, %ne3A_167 : vector<16xi32>
    %rem3A_169 = vector.broadcast %jit3A_148 : i32 to vector<16xi32>
    %rem3A_170 = arith.remsi %add3A_147, %rem3A_169 : vector<16xi32>
    %ne3A_171 = arith.constant 0 : i32
    %ne3A_172 = vector.broadcast %ne3A_171 : i32 to vector<16xi32>
    %ne3A_173 = arith.cmpi ne, %rem3A_170, %ne3A_172 : vector<16xi32>
    %and3A_174 = arith.andi %ne3A_168, %ne3A_173 : vector<16xi1>
    %sub3A_175 = arith.constant 1 : i32
    %sub3A_176 = vector.broadcast %sub3A_175 : i32 to vector<16xi32>
    %sub3A_177 = arith.subi %div3A_150, %sub3A_176 : vector<16xi32>
    %select_n3A_178 = arith.select %and3A_174, %sub3A_177, %div3A_150 : vector<16xi1>, vector<16xi32>
    %add3A_179 = arith.constant 32 : i32
    %add3A_180 = vector.broadcast %add3A_179 : i32 to vector<16xi32>
    %add3A_181 = arith.addi %iota3A, %add3A_180 : vector<16xi32>
    %jit3A_182 = arith.constant 8 : i32
    %div3A_183 = vector.broadcast %jit3A_182 : i32 to vector<16xi32>
    %div3A_184 = arith.divsi %add3A_181, %div3A_183 : vector<16xi32>
    %sign3A_185 = arith.constant 0 : i32
    %sign3A_186 = vector.broadcast %sign3A_185 : i32 to vector<16xi32>
    %sign3A_187 = arith.cmpi sgt, %add3A_181, %sign3A_186 : vector<16xi32>
    %sign3A_188 = arith.extui %sign3A_187 : vector<16xi1> to vector<16xi32>
    %sign3A_189 = arith.constant 0 : i32
    %sign3A_190 = vector.broadcast %sign3A_189 : i32 to vector<16xi32>
    %sign3A_191 = arith.cmpi slt, %add3A_181, %sign3A_190 : vector<16xi32>
    %sign3A_192 = arith.extui %sign3A_191 : vector<16xi1> to vector<16xi32>
    %sign3A_193 = arith.subi %sign3A_188, %sign3A_192 : vector<16xi32>
    %sign3A_194 = arith.constant 0 : i32
    %sign3A_195 = arith.cmpi sgt, %jit3A_182, %sign3A_194 : i32
    %sign3A_196 = arith.extui %sign3A_195 : i1 to i32
    %sign3A_197 = arith.constant 0 : i32
    %sign3A_198 = arith.cmpi slt, %jit3A_182, %sign3A_197 : i32
    %sign3A_199 = arith.extui %sign3A_198 : i1 to i32
    %sign3A_200 = arith.subi %sign3A_196, %sign3A_199 : i32
    %ne3A_201 = vector.broadcast %sign3A_200 : i32 to vector<16xi32>
    %ne3A_202 = arith.cmpi ne, %sign3A_193, %ne3A_201 : vector<16xi32>
    %rem3A_203 = vector.broadcast %jit3A_182 : i32 to vector<16xi32>
    %rem3A_204 = arith.remsi %add3A_181, %rem3A_203 : vector<16xi32>
    %ne3A_205 = arith.constant 0 : i32
    %ne3A_206 = vector.broadcast %ne3A_205 : i32 to vector<16xi32>
    %ne3A_207 = arith.cmpi ne, %rem3A_204, %ne3A_206 : vector<16xi32>
    %and3A_208 = arith.andi %ne3A_202, %ne3A_207 : vector<16xi1>
    %sub3A_209 = arith.constant 1 : i32
    %sub3A_210 = vector.broadcast %sub3A_209 : i32 to vector<16xi32>
    %sub3A_211 = arith.subi %div3A_184, %sub3A_210 : vector<16xi32>
    %select_n3A_212 = arith.select %and3A_208, %sub3A_211, %div3A_184 : vector<16xi1>, vector<16xi32>
    %add3A_213 = arith.constant 48 : i32
    %add3A_214 = vector.broadcast %add3A_213 : i32 to vector<16xi32>
    %add3A_215 = arith.addi %iota3A, %add3A_214 : vector<16xi32>
    %jit3A_216 = arith.constant 8 : i32
    %div3A_217 = vector.broadcast %jit3A_216 : i32 to vector<16xi32>
    %div3A_218 = arith.divsi %add3A_215, %div3A_217 : vector<16xi32>
    %sign3A_219 = arith.constant 0 : i32
    %sign3A_220 = vector.broadcast %sign3A_219 : i32 to vector<16xi32>
    %sign3A_221 = arith.cmpi sgt, %add3A_215, %sign3A_220 : vector<16xi32>
    %sign3A_222 = arith.extui %sign3A_221 : vector<16xi1> to vector<16xi32>
    %sign3A_223 = arith.constant 0 : i32
    %sign3A_224 = vector.broadcast %sign3A_223 : i32 to vector<16xi32>
    %sign3A_225 = arith.cmpi slt, %add3A_215, %sign3A_224 : vector<16xi32>
    %sign3A_226 = arith.extui %sign3A_225 : vector<16xi1> to vector<16xi32>
    %sign3A_227 = arith.subi %sign3A_222, %sign3A_226 : vector<16xi32>
    %sign3A_228 = arith.constant 0 : i32
    %sign3A_229 = arith.cmpi sgt, %jit3A_216, %sign3A_228 : i32
    %sign3A_230 = arith.extui %sign3A_229 : i1 to i32
    %sign3A_231 = arith.constant 0 : i32
    %sign3A_232 = arith.cmpi slt, %jit3A_216, %sign3A_231 : i32
    %sign3A_233 = arith.extui %sign3A_232 : i1 to i32
    %sign3A_234 = arith.subi %sign3A_230, %sign3A_233 : i32
    %ne3A_235 = vector.broadcast %sign3A_234 : i32 to vector<16xi32>
    %ne3A_236 = arith.cmpi ne, %sign3A_227, %ne3A_235 : vector<16xi32>
    %rem3A_237 = vector.broadcast %jit3A_216 : i32 to vector<16xi32>
    %rem3A_238 = arith.remsi %add3A_215, %rem3A_237 : vector<16xi32>
    %ne3A_239 = arith.constant 0 : i32
    %ne3A_240 = vector.broadcast %ne3A_239 : i32 to vector<16xi32>
    %ne3A_241 = arith.cmpi ne, %rem3A_238, %ne3A_240 : vector<16xi32>
    %and3A_242 = arith.andi %ne3A_236, %ne3A_241 : vector<16xi1>
    %sub3A_243 = arith.constant 1 : i32
    %sub3A_244 = vector.broadcast %sub3A_243 : i32 to vector<16xi32>
    %sub3A_245 = arith.subi %div3A_218, %sub3A_244 : vector<16xi32>
    %select_n3A_246 = arith.select %and3A_242, %sub3A_245, %div3A_218 : vector<16xi1>, vector<16xi32>
    %jit3A_247 = arith.constant 8 : i32
    %eq3A = arith.constant 0 : i32
    %eq3A_248 = arith.cmpi eq, %jit3A_247, %eq3A : i32
    %jit3A_249 = arith.constant 1 : i32
    %select_n3A_250 = arith.select %eq3A_248, %jit3A_249, %jit3A_247 : i32
    %rem3A_251 = vector.broadcast %select_n3A_250 : i32 to vector<16xi32>
    %rem3A_252 = arith.remsi %iota3A, %rem3A_251 : vector<16xi32>
    %ne3A_253 = arith.constant 0 : i32
    %ne3A_254 = vector.broadcast %ne3A_253 : i32 to vector<16xi32>
    %ne3A_255 = arith.cmpi ne, %rem3A_252, %ne3A_254 : vector<16xi32>
    %lt3A = arith.constant 0 : i32
    %lt3A_256 = vector.broadcast %lt3A : i32 to vector<16xi32>
    %lt3A_257 = arith.cmpi slt, %rem3A_252, %lt3A_256 : vector<16xi32>
    %lt3A_258 = arith.constant 0 : i32
    %lt3A_259 = arith.cmpi slt, %select_n3A_250, %lt3A_258 : i32
    %ne3A_260 = vector.broadcast %lt3A_259 : i1 to vector<16xi1>
    %ne3A_261 = vector.broadcast %ne3A_260 : vector<16xi1> to vector<16xi1>
    %ne3A_262 = arith.xori %lt3A_257, %ne3A_261 : vector<16xi1>
    %and3A_263 = arith.andi %ne3A_262, %ne3A_255 : vector<16xi1>
    %add3A_264 = vector.broadcast %select_n3A_250 : i32 to vector<16xi32>
    %add3A_265 = arith.addi %rem3A_252, %add3A_264 : vector<16xi32>
    %select_n3A_266 = arith.select %and3A_263, %add3A_265, %rem3A_252 : vector<16xi1>, vector<16xi32>
    %jit3A_267 = arith.constant 8 : i32
    %eq3A_268 = arith.constant 0 : i32
    %eq3A_269 = arith.cmpi eq, %jit3A_267, %eq3A_268 : i32
    %jit3A_270 = arith.constant 1 : i32
    %select_n3A_271 = arith.select %eq3A_269, %jit3A_270, %jit3A_267 : i32
    %rem3A_272 = vector.broadcast %select_n3A_271 : i32 to vector<16xi32>
    %rem3A_273 = arith.remsi %iota3A, %rem3A_272 : vector<16xi32>
    %ne3A_274 = arith.constant 0 : i32
    %ne3A_275 = vector.broadcast %ne3A_274 : i32 to vector<16xi32>
    %ne3A_276 = arith.cmpi ne, %rem3A_273, %ne3A_275 : vector<16xi32>
    %lt3A_277 = arith.constant 0 : i32
    %lt3A_278 = vector.broadcast %lt3A_277 : i32 to vector<16xi32>
    %lt3A_279 = arith.cmpi slt, %rem3A_273, %lt3A_278 : vector<16xi32>
    %lt3A_280 = arith.constant 0 : i32
    %lt3A_281 = arith.cmpi slt, %select_n3A_271, %lt3A_280 : i32
    %ne3A_282 = vector.broadcast %lt3A_281 : i1 to vector<16xi1>
    %ne3A_283 = vector.broadcast %ne3A_282 : vector<16xi1> to vector<16xi1>
    %ne3A_284 = arith.xori %lt3A_279, %ne3A_283 : vector<16xi1>
    %and3A_285 = arith.andi %ne3A_284, %ne3A_276 : vector<16xi1>
    %add3A_286 = vector.broadcast %select_n3A_271 : i32 to vector<16xi32>
    %add3A_287 = arith.addi %rem3A_273, %add3A_286 : vector<16xi32>
    %select_n3A_288 = arith.select %and3A_285, %add3A_287, %rem3A_273 : vector<16xi1>, vector<16xi32>
    %jit3A_289 = arith.constant 8 : i32
    %eq3A_290 = arith.constant 0 : i32
    %eq3A_291 = arith.cmpi eq, %jit3A_289, %eq3A_290 : i32
    %jit3A_292 = arith.constant 1 : i32
    %select_n3A_293 = arith.select %eq3A_291, %jit3A_292, %jit3A_289 : i32
    %rem3A_294 = vector.broadcast %select_n3A_293 : i32 to vector<16xi32>
    %rem3A_295 = arith.remsi %iota3A, %rem3A_294 : vector<16xi32>
    %ne3A_296 = arith.constant 0 : i32
    %ne3A_297 = vector.broadcast %ne3A_296 : i32 to vector<16xi32>
    %ne3A_298 = arith.cmpi ne, %rem3A_295, %ne3A_297 : vector<16xi32>
    %lt3A_299 = arith.constant 0 : i32
    %lt3A_300 = vector.broadcast %lt3A_299 : i32 to vector<16xi32>
    %lt3A_301 = arith.cmpi slt, %rem3A_295, %lt3A_300 : vector<16xi32>
    %lt3A_302 = arith.constant 0 : i32
    %lt3A_303 = arith.cmpi slt, %select_n3A_293, %lt3A_302 : i32
    %ne3A_304 = vector.broadcast %lt3A_303 : i1 to vector<16xi1>
    %ne3A_305 = vector.broadcast %ne3A_304 : vector<16xi1> to vector<16xi1>
    %ne3A_306 = arith.xori %lt3A_301, %ne3A_305 : vector<16xi1>
    %and3A_307 = arith.andi %ne3A_306, %ne3A_298 : vector<16xi1>
    %add3A_308 = vector.broadcast %select_n3A_293 : i32 to vector<16xi32>
    %add3A_309 = arith.addi %rem3A_295, %add3A_308 : vector<16xi32>
    %select_n3A_310 = arith.select %and3A_307, %add3A_309, %rem3A_295 : vector<16xi1>, vector<16xi32>
    %jit3A_311 = arith.constant 8 : i32
    %eq3A_312 = arith.constant 0 : i32
    %eq3A_313 = arith.cmpi eq, %jit3A_311, %eq3A_312 : i32
    %jit3A_314 = arith.constant 1 : i32
    %select_n3A_315 = arith.select %eq3A_313, %jit3A_314, %jit3A_311 : i32
    %rem3A_316 = vector.broadcast %select_n3A_315 : i32 to vector<16xi32>
    %rem3A_317 = arith.remsi %iota3A, %rem3A_316 : vector<16xi32>
    %ne3A_318 = arith.constant 0 : i32
    %ne3A_319 = vector.broadcast %ne3A_318 : i32 to vector<16xi32>
    %ne3A_320 = arith.cmpi ne, %rem3A_317, %ne3A_319 : vector<16xi32>
    %lt3A_321 = arith.constant 0 : i32
    %lt3A_322 = vector.broadcast %lt3A_321 : i32 to vector<16xi32>
    %lt3A_323 = arith.cmpi slt, %rem3A_317, %lt3A_322 : vector<16xi32>
    %lt3A_324 = arith.constant 0 : i32
    %lt3A_325 = arith.cmpi slt, %select_n3A_315, %lt3A_324 : i32
    %ne3A_326 = vector.broadcast %lt3A_325 : i1 to vector<16xi1>
    %ne3A_327 = vector.broadcast %ne3A_326 : vector<16xi1> to vector<16xi1>
    %ne3A_328 = arith.xori %lt3A_323, %ne3A_327 : vector<16xi1>
    %and3A_329 = arith.andi %ne3A_328, %ne3A_320 : vector<16xi1>
    %add3A_330 = vector.broadcast %select_n3A_315 : i32 to vector<16xi32>
    %add3A_331 = arith.addi %rem3A_317, %add3A_330 : vector<16xi32>
    %select_n3A_332 = arith.select %and3A_329, %add3A_331, %rem3A_317 : vector<16xi1>, vector<16xi32>
    %scan3A = arith.constant 0 : i32
    %scan3A_333 = arith.constant 0 : i32
    %scan3A_334 = arith.constant 25 : i32
    %scan3A_335 = arith.addi %scan3A_333, %scan3A_334 : i32
    %scan3A_336 = arith.constant 1 : i32
    scf.for %scan3A_376 = %scan3A_333 to %scan3A_335 step %scan3A_336  : i32 {
      %mul3A_377 = arith.constant 8 : i32
      %mul3A_378 = arith.muli %mul3A_377, %scan3A_376 : i32
      %add3A_379 = arith.constant 0 : i32
      %add3A_380 = arith.addi %mul3A_378, %add3A_379 : i32
      %jit3A_381 = arith.constant 8 : i32
      %div3A_382 = arith.divsi %add3A_380, %jit3A_381 : i32
      %sign3A_383 = arith.constant 0 : i32
      %sign3A_384 = arith.cmpi sgt, %add3A_380, %sign3A_383 : i32
      %sign3A_385 = arith.extui %sign3A_384 : i1 to i32
      %sign3A_386 = arith.constant 0 : i32
      %sign3A_387 = arith.cmpi slt, %add3A_380, %sign3A_386 : i32
      %sign3A_388 = arith.extui %sign3A_387 : i1 to i32
      %sign3A_389 = arith.subi %sign3A_385, %sign3A_388 : i32
      %sign3A_390 = arith.constant 0 : i32
      %sign3A_391 = arith.cmpi sgt, %jit3A_381, %sign3A_390 : i32
      %sign3A_392 = arith.extui %sign3A_391 : i1 to i32
      %sign3A_393 = arith.constant 0 : i32
      %sign3A_394 = arith.cmpi slt, %jit3A_381, %sign3A_393 : i32
      %sign3A_395 = arith.extui %sign3A_394 : i1 to i32
      %sign3A_396 = arith.subi %sign3A_392, %sign3A_395 : i32
      %ne3A_397 = arith.cmpi ne, %sign3A_389, %sign3A_396 : i32
      %rem3A_398 = arith.remsi %add3A_380, %jit3A_381 : i32
      %ne3A_399 = arith.constant 0 : i32
      %ne3A_400 = arith.cmpi ne, %rem3A_398, %ne3A_399 : i32
      %and3A_401 = arith.andi %ne3A_397, %ne3A_400 : i1
      %sub3A_402 = arith.constant 1 : i32
      %sub3A_403 = arith.subi %div3A_382, %sub3A_402 : i32
      %select_n3A_404 = arith.select %and3A_401, %sub3A_403, %div3A_382 : i32
      %jit3A_405 = arith.constant 8 : i32
      %eq3A_406 = arith.constant 0 : i32
      %eq3A_407 = arith.cmpi eq, %jit3A_405, %eq3A_406 : i32
      %jit3A_408 = arith.constant 1 : i32
      %select_n3A_409 = arith.select %eq3A_407, %jit3A_408, %jit3A_405 : i32
      %rem3A_410 = arith.remsi %add3A_380, %select_n3A_409 : i32
      %ne3A_411 = arith.constant 0 : i32
      %ne3A_412 = arith.cmpi ne, %rem3A_410, %ne3A_411 : i32
      %lt3A_413 = arith.constant 0 : i32
      %lt3A_414 = arith.cmpi slt, %rem3A_410, %lt3A_413 : i32
      %lt3A_415 = arith.constant 0 : i32
      %lt3A_416 = arith.cmpi slt, %select_n3A_409, %lt3A_415 : i32
      %ne3A_417 = arith.xori %lt3A_414, %lt3A_416 : i1
      %and3A_418 = arith.andi %ne3A_417, %ne3A_412 : i1
      %add3A_419 = arith.addi %rem3A_410, %select_n3A_409 : i32
      %select_n3A_420 = arith.select %and3A_418, %add3A_419, %rem3A_410 : i32
      %dma_wait3A_421 = arith.constant 0 : i32
      %dma_wait3A_422 = tpu.memref_slice %arg6[%select_n3A_404, %select_n3A_420, %dma_wait3A_421] : memref<25x8x128xi32, #tpu.memory_space<vmem>> -> memref<1x1x128xi32, #tpu.memory_space<vmem>>
      %dma_wait3A_423 = tpu.memref_squeeze %dma_wait3A_422 : memref<1x1x128xi32, #tpu.memory_space<vmem>> -> memref<128xi32, #tpu.memory_space<vmem>>
      %dma_wait3A_424 = arith.constant 0 : i32
      %dma_wait3A_425 = arith.constant 0 : i32
      %dma_wait3A_426 = tpu.memref_slice %arg3[%dma_wait3A_424, %dma_wait3A_425] : memref<100000x64xf32, #tpu.memory_space<hbm>> -> memref<100000x64xf32, #tpu.memory_space<hbm>>
      tpu.wait_indirect_dma semaphore(%arg19 : memref<!tpu.dma_semaphore, #tpu.memory_space<semaphore_mem>>) src(%dma_wait3A_426 : memref<100000x64xf32, #tpu.memory_space<hbm>>) dst(%arg7 : memref<128x64xf32, #tpu.memory_space<vmem>>)
      %gt3A = arith.constant 0 : i32
      %gt3A_427 = arith.cmpi sgt, %scan3A_376, %gt3A : i32
      %convert_element_type3A = arith.extui %gt3A_427 : i1 to i32
      %cond3A = arith.constant 0 : i32
      %cond3A_428 = arith.cmpi ne, %convert_element_type3A, %cond3A : i32
      scf.if %cond3A_428 {
        %dma_wait3A_1216 = arith.constant 0 : i32
        %dma_wait3A_1217 = arith.constant 0 : i32
        %dma_wait3A_1218 = arith.constant 0 : i32
        %dma_wait3A_1219 = arith.constant 0 : i32
        %dma_wait3A_1220 = tpu.memref_slice %arg15[%dma_wait3A_1217, %dma_wait3A_1218, %dma_wait3A_1219] : memref<8x8x136xf32, #tpu.memory_space<vmem>> -> memref<8x8x128xf32, #tpu.memory_space<vmem>>
        %dma_wait3A_1221 = arith.constant 0 : i32
        %dma_wait3A_1222 = arith.constant 0 : i32
        %dma_wait3A_1223 = arith.constant 0 : i32
        %dma_wait3A_1224 = tpu.memref_slice %arg5[%dma_wait3A_1216, %dma_wait3A_1221, %add3A, %dma_wait3A_1222, %dma_wait3A_1223] : memref<200x8x32x8x128xf32, #tpu.memory_space<hbm>> -> memref<1x8x1x8x128xf32, #tpu.memory_space<hbm>>
        %dma_wait3A_1225 = tpu.memref_squeeze %dma_wait3A_1224 : memref<1x8x1x8x128xf32, #tpu.memory_space<hbm>> -> memref<8x8x128xf32, #tpu.memory_space<hbm>>
        %dma_wait3A_1226 = arith.constant 0 : i32
        %dma_wait3A_1227 = arith.constant 0 : i32
        %dma_wait3A_1228 = arith.constant 0 : i32
        %dma_wait3A_1229 = tpu.memref_slice %arg5[%dma_wait3A_1216, %dma_wait3A_1226, %add3A, %dma_wait3A_1227, %dma_wait3A_1228] : memref<200x8x32x8x128xf32, #tpu.memory_space<hbm>> -> memref<1x8x1x8x128xf32, #tpu.memory_space<hbm>>
        %dma_wait3A_1230 = tpu.memref_squeeze %dma_wait3A_1229 : memref<1x8x1x8x128xf32, #tpu.memory_space<hbm>> -> memref<8x8x128xf32, #tpu.memory_space<hbm>>
        %dma_wait3A_1231 = arith.constant 0 : i32
        %dma_wait3A_1232 = arith.constant 0 : i32
        %dma_wait3A_1233 = arith.constant 0 : i32
        %dma_wait3A_1234 = tpu.memref_slice %arg15[%dma_wait3A_1231, %dma_wait3A_1232, %dma_wait3A_1233] : memref<8x8x136xf32, #tpu.memory_space<vmem>> -> memref<8x8x128xf32, #tpu.memory_space<vmem>>
        tpu.wait_dma2 semaphore(%arg27 : memref<!tpu.dma_semaphore, #tpu.memory_space<semaphore_mem>>) src(%dma_wait3A_1234 : memref<8x8x128xf32, #tpu.memory_space<vmem>>) dst(%dma_wait3A_1230 : memref<8x8x128xf32, #tpu.memory_space<hbm>>)
      } else {
      }
      %get3A = arith.index_cast %add3A_380 : i32 to index
      %get3A_429 = arith.constant 0 : index
      %get3A_430 = tpu.vector_load %arg17[%get3A, %get3A_429] {strides = array<i32>} : memref<200x64xf32, #tpu.memory_space<vmem>>, vector<16xf32>,
      %get3A_431 = arith.index_cast %add3A_380 : i32 to index
      %get3A_432 = arith.constant 16 : index
      %get3A_433 = tpu.vector_load %arg17[%get3A_431, %get3A_432] {strides = array<i32>} : memref<200x64xf32, #tpu.memory_space<vmem>>, vector<16xf32>,
      %get3A_434 = arith.index_cast %add3A_380 : i32 to index
      %get3A_435 = arith.constant 32 : index
      %get3A_436 = tpu.vector_load %arg17[%get3A_434, %get3A_435] {strides = array<i32>} : memref<200x64xf32, #tpu.memory_space<vmem>>, vector<16xf32>,
      %get3A_437 = arith.index_cast %add3A_380 : i32 to index
      %get3A_438 = arith.constant 48 : index
      %get3A_439 = tpu.vector_load %arg17[%get3A_437, %get3A_438] {strides = array<i32>} : memref<200x64xf32, #tpu.memory_space<vmem>>, vector<16xf32>,
      %parallel_loop3A = arith.constant 0 : i32
      %parallel_loop3A_440 = arith.constant 128 : i32
      %parallel_loop3A_441 = arith.constant 1 : i32
      scf.for %parallel_loop3A_1216 = %parallel_loop3A to %parallel_loop3A_440 step %parallel_loop3A_441  : i32 {
        %parallel_loop3A_1217 = vector.broadcast %parallel_loop3A_1216 : i32 to vector<16xi32>
        %parallel_loop3A_1218 = arith.index_cast %parallel_loop3A_1216 : i32 to index
        %parallel_loop3A_1219 = arith.constant 0 : index
        %parallel_loop3A_1220 = tpu.vector_load %arg7[%parallel_loop3A_1218, %parallel_loop3A_1219] {strides = array<i32>} : memref<128x64xf32, #tpu.memory_space<vmem>>, vector<16xf32>,
        %parallel_loop3A_1221 = arith.constant 8.000000e+00 : f32
        %parallel_loop3A_1222 = vector.broadcast %parallel_loop3A_1221 : f32 to vector<16xf32>
        %parallel_loop3A_1223 = arith.mulf %parallel_loop3A_1220, %parallel_loop3A_1222 : vector<16xf32>
        %parallel_loop3A_1224 = arith.addf %parallel_loop3A_1223, %get3A_430 : vector<16xf32>
        tpu.vector_store_idx %arg15[%select_n3A, %select_n3A_266, %parallel_loop3A_1217], %parallel_loop3A_1224 : memref<8x8x136xf32, #tpu.memory_space<vmem>>[vector<16xi32>, vector<16xi32>, vector<16xi32>], vector<16xf32>,
        %parallel_loop3A_1225 = arith.index_cast %parallel_loop3A_1216 : i32 to index
        %parallel_loop3A_1226 = arith.constant 16 : index
        %parallel_loop3A_1227 = tpu.vector_load %arg7[%parallel_loop3A_1225, %parallel_loop3A_1226] {strides = array<i32>} : memref<128x64xf32, #tpu.memory_space<vmem>>, vector<16xf32>,
        %parallel_loop3A_1228 = arith.constant 8.000000e+00 : f32
        %parallel_loop3A_1229 = vector.broadcast %parallel_loop3A_1228 : f32 to vector<16xf32>
        %parallel_loop3A_1230 = arith.mulf %parallel_loop3A_1227, %parallel_loop3A_1229 : vector<16xf32>
        %parallel_loop3A_1231 = arith.addf %parallel_loop3A_1230, %get3A_433 : vector<16xf32>
        tpu.vector_store_idx %arg15[%select_n3A_178, %select_n3A_288, %parallel_loop3A_1217], %parallel_loop3A_1231 : memref<8x8x136xf32, #tpu.memory_space<vmem>>[vector<16xi32>, vector<16xi32>, vector<16xi32>], vector<16xf32>,
        %parallel_loop3A_1232 = arith.index_cast %parallel_loop3A_1216 : i32 to index
        %parallel_loop3A_1233 = arith.constant 32 : index
        %parallel_loop3A_1234 = tpu.vector_load %arg7[%parallel_loop3A_1232, %parallel_loop3A_1233] {strides = array<i32>} : memref<128x64xf32, #tpu.memory_space<vmem>>, vector<16xf32>,
        %parallel_loop3A_1235 = arith.constant 8.000000e+00 : f32
        %parallel_loop3A_1236 = vector.broadcast %parallel_loop3A_1235 : f32 to vector<16xf32>
        %parallel_loop3A_1237 = arith.mulf %parallel_loop3A_1234, %parallel_loop3A_1236 : vector<16xf32>
        %parallel_loop3A_1238 = arith.addf %parallel_loop3A_1237, %get3A_436 : vector<16xf32>
        tpu.vector_store_idx %arg15[%select_n3A_212, %select_n3A_310, %parallel_loop3A_1217], %parallel_loop3A_1238 : memref<8x8x136xf32, #tpu.memory_space<vmem>>[vector<16xi32>, vector<16xi32>, vector<16xi32>], vector<16xf32>,
        %parallel_loop3A_1239 = arith.index_cast %parallel_loop3A_1216 : i32 to index
        %parallel_loop3A_1240 = arith.constant 48 : index
        %parallel_loop3A_1241 = tpu.vector_load %arg7[%parallel_loop3A_1239, %parallel_loop3A_1240] {strides = array<i32>} : memref<128x64xf32, #tpu.memory_space<vmem>>, vector<16xf32>,
        %parallel_loop3A_1242 = arith.constant 8.000000e+00 : f32
        %parallel_loop3A_1243 = vector.broadcast %parallel_loop3A_1242 : f32 to vector<16xf32>
        %parallel_loop3A_1244 = arith.mulf %parallel_loop3A_1241, %parallel_loop3A_1243 : vector<16xf32>
        %parallel_loop3A_1245 = arith.addf %parallel_loop3A_1244, %get3A_439 : vector<16xf32>
        tpu.vector_store_idx %arg15[%select_n3A_246, %select_n3A_332, %parallel_loop3A_1217], %parallel_loop3A_1245 : memref<8x8x136xf32, #tpu.memory_space<vmem>>[vector<16xi32>, vector<16xi32>, vector<16xi32>], vector<16xf32>,
      } {sc.loop_unroll_factor = 8 : i64, sc.parallel_access}
      %dma_start3A_442 = arith.constant 0 : i32
      %dma_start3A_443 = arith.constant 0 : i32
      %dma_start3A_444 = arith.constant 0 : i32
      %dma_start3A_445 = tpu.memref_slice %arg15[%dma_start3A_442, %dma_start3A_443, %dma_start3A_444] : memref<8x8x136xf32, #tpu.memory_space<vmem>> -> memref<8x8x128xf32, #tpu.memory_space<vmem>>
      %dma_start3A_446 = arith.constant 0 : i32
      %dma_start3A_447 = arith.constant 0 : i32
      %dma_start3A_448 = arith.constant 0 : i32
      %dma_start3A_449 = tpu.memref_slice %arg5[%add3A_380, %dma_start3A_446, %add3A, %dma_start3A_447, %dma_start3A_448] : memref<200x8x32x8x128xf32, #tpu.memory_space<hbm>> -> memref<1x8x1x8x128xf32, #tpu.memory_space<hbm>>
      %dma_start3A_450 = tpu.memref_squeeze %dma_start3A_449 : memref<1x8x1x8x128xf32, #tpu.memory_space<hbm>> -> memref<8x8x128xf32, #tpu.memory_space<hbm>>
      %dma_start3A_451 = arith.constant 0 : i32
      %dma_start3A_452 = arith.constant 0 : i32
      %dma_start3A_453 = arith.constant 0 : i32
      %dma_start3A_454 = tpu.memref_slice %arg5[%add3A_380, %dma_start3A_451, %add3A, %dma_start3A_452, %dma_start3A_453] : memref<200x8x32x8x128xf32, #tpu.memory_space<hbm>> -> memref<1x8x1x8x128xf32, #tpu.memory_space<hbm>>
      %dma_start3A_455 = tpu.memref_squeeze %dma_start3A_454 : memref<1x8x1x8x128xf32, #tpu.memory_space<hbm>> -> memref<8x8x128xf32, #tpu.memory_space<hbm>>
      %dma_start3A_456 = arith.constant 0 : i32
      %dma_start3A_457 = arith.constant 0 : i32
      %dma_start3A_458 = arith.constant 0 : i32
      %dma_start3A_459 = tpu.memref_slice %arg15[%dma_start3A_456, %dma_start3A_457, %dma_start3A_458] : memref<8x8x136xf32, #tpu.memory_space<vmem>> -> memref<8x8x128xf32, #tpu.memory_space<vmem>>
      tpu.enqueue_dma source(%dma_start3A_459 : memref<8x8x128xf32, #tpu.memory_space<vmem>>) target(%dma_start3A_455 : memref<8x8x128xf32, #tpu.memory_space<hbm>>) target_semaphore(%arg27 : memref<!tpu.dma_semaphore, #tpu.memory_space<semaphore_mem>>)
      %add3A_460 = arith.constant 6 : i32
      %add3A_461 = arith.addi %add3A_380, %add3A_460 : i32
      %lt3A_462 = arith.constant 200 : i32
      %lt3A_463 = arith.cmpi slt, %add3A_461, %lt3A_462 : i32
      %convert_element_type3A_464 = arith.extui %lt3A_463 : i1 to i32
      %cond3A_465 = arith.constant 0 : i32
      %cond3A_466 = arith.cmpi ne, %convert_element_type3A_464, %cond3A_465 : i32
      scf.if %cond3A_466 {
        %add3A_1216 = arith.constant 6 : i32
        %add3A_1217 = arith.addi %add3A_380, %add3A_1216 : i32
        %jit3A_1218 = arith.constant 8 : i32
        %div3A_1219 = arith.divsi %add3A_1217, %jit3A_1218 : i32
        %sign3A_1220 = arith.constant 0 : i32
        %sign3A_1221 = arith.cmpi sgt, %add3A_1217, %sign3A_1220 : i32
        %sign3A_1222 = arith.extui %sign3A_1221 : i1 to i32
        %sign3A_1223 = arith.constant 0 : i32
        %sign3A_1224 = arith.cmpi slt, %add3A_1217, %sign3A_1223 : i32
        %sign3A_1225 = arith.extui %sign3A_1224 : i1 to i32
        %sign3A_1226 = arith.subi %sign3A_1222, %sign3A_1225 : i32
        %sign3A_1227 = arith.constant 0 : i32
        %sign3A_1228 = arith.cmpi sgt, %jit3A_1218, %sign3A_1227 : i32
        %sign3A_1229 = arith.extui %sign3A_1228 : i1 to i32
        %sign3A_1230 = arith.constant 0 : i32
        %sign3A_1231 = arith.cmpi slt, %jit3A_1218, %sign3A_1230 : i32
        %sign3A_1232 = arith.extui %sign3A_1231 : i1 to i32
        %sign3A_1233 = arith.subi %sign3A_1229, %sign3A_1232 : i32
        %ne3A_1234 = arith.cmpi ne, %sign3A_1226, %sign3A_1233 : i32
        %rem3A_1235 = arith.remsi %add3A_1217, %jit3A_1218 : i32
        %ne3A_1236 = arith.constant 0 : i32
        %ne3A_1237 = arith.cmpi ne, %rem3A_1235, %ne3A_1236 : i32
        %and3A_1238 = arith.andi %ne3A_1234, %ne3A_1237 : i1
        %sub3A_1239 = arith.constant 1 : i32
        %sub3A_1240 = arith.subi %div3A_1219, %sub3A_1239 : i32
        %select_n3A_1241 = arith.select %and3A_1238, %sub3A_1240, %div3A_1219 : i32
        %jit3A_1242 = arith.constant 8 : i32
        %eq3A_1243 = arith.constant 0 : i32
        %eq3A_1244 = arith.cmpi eq, %jit3A_1242, %eq3A_1243 : i32
        %jit3A_1245 = arith.constant 1 : i32
        %select_n3A_1246 = arith.select %eq3A_1244, %jit3A_1245, %jit3A_1242 : i32
        %rem3A_1247 = arith.remsi %add3A_1217, %select_n3A_1246 : i32
        %ne3A_1248 = arith.constant 0 : i32
        %ne3A_1249 = arith.cmpi ne, %rem3A_1247, %ne3A_1248 : i32
        %lt3A_1250 = arith.constant 0 : i32
        %lt3A_1251 = arith.cmpi slt, %rem3A_1247, %lt3A_1250 : i32
        %lt3A_1252 = arith.constant 0 : i32
        %lt3A_1253 = arith.cmpi slt, %select_n3A_1246, %lt3A_1252 : i32
        %ne3A_1254 = arith.xori %lt3A_1251, %lt3A_1253 : i1
        %and3A_1255 = arith.andi %ne3A_1254, %ne3A_1249 : i1
        %add3A_1256 = arith.addi %rem3A_1247, %select_n3A_1246 : i32
        %select_n3A_1257 = arith.select %and3A_1255, %add3A_1256, %rem3A_1247 : i32
        %dma_start3A_1258 = arith.constant 0 : i32
        %dma_start3A_1259 = tpu.memref_slice %arg6[%select_n3A_1241, %select_n3A_1257, %dma_start3A_1258] : memref<25x8x128xi32, #tpu.memory_space<vmem>> -> memref<1x1x128xi32, #tpu.memory_space<vmem>>
        %dma_start3A_1260 = tpu.memref_squeeze %dma_start3A_1259 : memref<1x1x128xi32, #tpu.memory_space<vmem>> -> memref<128xi32, #tpu.memory_space<vmem>>
        %dma_start3A_1261 = arith.constant 0 : i32
        %dma_start3A_1262 = arith.constant 0 : i32
        %dma_start3A_1263 = tpu.memref_slice %arg3[%dma_start3A_1261, %dma_start3A_1262] : memref<100000x64xf32, #tpu.memory_space<hbm>> -> memref<100000x64xf32, #tpu.memory_space<hbm>>
        tpu.enqueue_indirect_dma source(%dma_start3A_1263 : memref<100000x64xf32, #tpu.memory_space<hbm>>) target(%arg13 : memref<128x64xf32, #tpu.memory_space<vmem>>) offsets(%dma_start3A_1260 : memref<128xi32, #tpu.memory_space<vmem>>) semaphore(%arg25 : memref<!tpu.dma_semaphore, #tpu.memory_space<semaphore_mem>>)
      } else {
      }
      %mul3A_467 = arith.constant 8 : i32
      %mul3A_468 = arith.muli %mul3A_467, %scan3A_376 : i32
      %add3A_469 = arith.constant 1 : i32
      %add3A_470 = arith.addi %mul3A_468, %add3A_469 : i32
      %jit3A_471 = arith.constant 8 : i32
      %div3A_472 = arith.divsi %add3A_470, %jit3A_471 : i32
      %sign3A_473 = arith.constant 0 : i32
      %sign3A_474 = arith.cmpi sgt, %add3A_470, %sign3A_473 : i32
      %sign3A_475 = arith.extui %sign3A_474 : i1 to i32
      %sign3A_476 = arith.constant 0 : i32
      %sign3A_477 = arith.cmpi slt, %add3A_470, %sign3A_476 : i32
      %sign3A_478 = arith.extui %sign3A_477 : i1 to i32
      %sign3A_479 = arith.subi %sign3A_475, %sign3A_478 : i32
      %sign3A_480 = arith.constant 0 : i32
      %sign3A_481 = arith.cmpi sgt, %jit3A_471, %sign3A_480 : i32
      %sign3A_482 = arith.extui %sign3A_481 : i1 to i32
      %sign3A_483 = arith.constant 0 : i32
      %sign3A_484 = arith.cmpi slt, %jit3A_471, %sign3A_483 : i32
      %sign3A_485 = arith.extui %sign3A_484 : i1 to i32
      %sign3A_486 = arith.subi %sign3A_482, %sign3A_485 : i32
      %ne3A_487 = arith.cmpi ne, %sign3A_479, %sign3A_486 : i32
      %rem3A_488 = arith.remsi %add3A_470, %jit3A_471 : i32
      %ne3A_489 = arith.constant 0 : i32
      %ne3A_490 = arith.cmpi ne, %rem3A_488, %ne3A_489 : i32
      %and3A_491 = arith.andi %ne3A_487, %ne3A_490 : i1
      %sub3A_492 = arith.constant 1 : i32
      %sub3A_493 = arith.subi %div3A_472, %sub3A_492 : i32
      %select_n3A_494 = arith.select %and3A_491, %sub3A_493, %div3A_472 : i32
      %jit3A_495 = arith.constant 8 : i32
      %eq3A_496 = arith.constant 0 : i32
      %eq3A_497 = arith.cmpi eq, %jit3A_495, %eq3A_496 : i32
      %jit3A_498 = arith.constant 1 : i32
      %select_n3A_499 = arith.select %eq3A_497, %jit3A_498, %jit3A_495 : i32
      %rem3A_500 = arith.remsi %add3A_470, %select_n3A_499 : i32
      %ne3A_501 = arith.constant 0 : i32
      %ne3A_502 = arith.cmpi ne, %rem3A_500, %ne3A_501 : i32
      %lt3A_503 = arith.constant 0 : i32
      %lt3A_504 = arith.cmpi slt, %rem3A_500, %lt3A_503 : i32
      %lt3A_505 = arith.constant 0 : i32
      %lt3A_506 = arith.cmpi slt, %select_n3A_499, %lt3A_505 : i32
      %ne3A_507 = arith.xori %lt3A_504, %lt3A_506 : i1
      %and3A_508 = arith.andi %ne3A_507, %ne3A_502 : i1
      %add3A_509 = arith.addi %rem3A_500, %select_n3A_499 : i32
      %select_n3A_510 = arith.select %and3A_508, %add3A_509, %rem3A_500 : i32
      %dma_wait3A_511 = arith.constant 0 : i32
      %dma_wait3A_512 = tpu.memref_slice %arg6[%select_n3A_494, %select_n3A_510, %dma_wait3A_511] : memref<25x8x128xi32, #tpu.memory_space<vmem>> -> memref<1x1x128xi32, #tpu.memory_space<vmem>>
      %dma_wait3A_513 = tpu.memref_squeeze %dma_wait3A_512 : memref<1x1x128xi32, #tpu.memory_space<vmem>> -> memref<128xi32, #tpu.memory_space<vmem>>
      %dma_wait3A_514 = arith.constant 0 : i32
      %dma_wait3A_515 = arith.constant 0 : i32
      %dma_wait3A_516 = tpu.memref_slice %arg3[%dma_wait3A_514, %dma_wait3A_515] : memref<100000x64xf32, #tpu.memory_space<hbm>> -> memref<100000x64xf32, #tpu.memory_space<hbm>>
      tpu.wait_indirect_dma semaphore(%arg20 : memref<!tpu.dma_semaphore, #tpu.memory_space<semaphore_mem>>) src(%dma_wait3A_516 : memref<100000x64xf32, #tpu.memory_space<hbm>>) dst(%arg8 : memref<128x64xf32, #tpu.memory_space<vmem>>)
      %gt3A_517 = arith.constant 0 : i32
      %gt3A_518 = arith.cmpi sgt, %scan3A_376, %gt3A_517 : i32
      %convert_element_type3A_519 = arith.extui %gt3A_518 : i1 to i32
      %cond3A_520 = arith.constant 0 : i32
      %cond3A_521 = arith.cmpi ne, %convert_element_type3A_519, %cond3A_520 : i32
      scf.if %cond3A_521 {
        %dma_wait3A_1216 = arith.constant 0 : i32
        %dma_wait3A_1217 = arith.constant 0 : i32
        %dma_wait3A_1218 = arith.constant 0 : i32
        %dma_wait3A_1219 = arith.constant 0 : i32
        %dma_wait3A_1220 = tpu.memref_slice %arg16[%dma_wait3A_1217, %dma_wait3A_1218, %dma_wait3A_1219] : memref<8x8x136xf32, #tpu.memory_space<vmem>> -> memref<8x8x128xf32, #tpu.memory_space<vmem>>
        %dma_wait3A_1221 = arith.constant 0 : i32
        %dma_wait3A_1222 = arith.constant 0 : i32
        %dma_wait3A_1223 = arith.constant 0 : i32
        %dma_wait3A_1224 = tpu.memref_slice %arg5[%dma_wait3A_1216, %dma_wait3A_1221, %add3A, %dma_wait3A_1222, %dma_wait3A_1223] : memref<200x8x32x8x128xf32, #tpu.memory_space<hbm>> -> memref<1x8x1x8x128xf32, #tpu.memory_space<hbm>>
        %dma_wait3A_1225 = tpu.memref_squeeze %dma_wait3A_1224 : memref<1x8x1x8x128xf32, #tpu.memory_space<hbm>> -> memref<8x8x128xf32, #tpu.memory_space<hbm>>
        %dma_wait3A_1226 = arith.constant 0 : i32
        %dma_wait3A_1227 = arith.constant 0 : i32
        %dma_wait3A_1228 = arith.constant 0 : i32
        %dma_wait3A_1229 = tpu.memref_slice %arg5[%dma_wait3A_1216, %dma_wait3A_1226, %add3A, %dma_wait3A_1227, %dma_wait3A_1228] : memref<200x8x32x8x128xf32, #tpu.memory_space<hbm>> -> memref<1x8x1x8x128xf32, #tpu.memory_space<hbm>>
        %dma_wait3A_1230 = tpu.memref_squeeze %dma_wait3A_1229 : memref<1x8x1x8x128xf32, #tpu.memory_space<hbm>> -> memref<8x8x128xf32, #tpu.memory_space<hbm>>
        %dma_wait3A_1231 = arith.constant 0 : i32
        %dma_wait3A_1232 = arith.constant 0 : i32
        %dma_wait3A_1233 = arith.constant 0 : i32
        %dma_wait3A_1234 = tpu.memref_slice %arg16[%dma_wait3A_1231, %dma_wait3A_1232, %dma_wait3A_1233] : memref<8x8x136xf32, #tpu.memory_space<vmem>> -> memref<8x8x128xf32, #tpu.memory_space<vmem>>
        tpu.wait_dma2 semaphore(%arg28 : memref<!tpu.dma_semaphore, #tpu.memory_space<semaphore_mem>>) src(%dma_wait3A_1234 : memref<8x8x128xf32, #tpu.memory_space<vmem>>) dst(%dma_wait3A_1230 : memref<8x8x128xf32, #tpu.memory_space<hbm>>)
      } else {
      }
      %get3A_522 = arith.index_cast %add3A_470 : i32 to index
      %get3A_523 = arith.constant 0 : index
      %get3A_524 = tpu.vector_load %arg17[%get3A_522, %get3A_523] {strides = array<i32>} : memref<200x64xf32, #tpu.memory_space<vmem>>, vector<16xf32>,
      %get3A_525 = arith.index_cast %add3A_470 : i32 to index
      %get3A_526 = arith.constant 16 : index
      %get3A_527 = tpu.vector_load %arg17[%get3A_525, %get3A_526] {strides = array<i32>} : memref<200x64xf32, #tpu.memory_space<vmem>>, vector<16xf32>,
      %get3A_528 = arith.index_cast %add3A_470 : i32 to index
      %get3A_529 = arith.constant 32 : index
      %get3A_530 = tpu.vector_load %arg17[%get3A_528, %get3A_529] {strides = array<i32>} : memref<200x64xf32, #tpu.memory_space<vmem>>, vector<16xf32>,
      %get3A_531 = arith.index_cast %add3A_470 : i32 to index
      %get3A_532 = arith.constant 48 : index
      %get3A_533 = tpu.vector_load %arg17[%get3A_531, %get3A_532] {strides = array<i32>} : memref<200x64xf32, #tpu.memory_space<vmem>>, vector<16xf32>,
      %parallel_loop3A_534 = arith.constant 0 : i32
      %parallel_loop3A_535 = arith.constant 128 : i32
      %parallel_loop3A_536 = arith.constant 1 : i32
      scf.for %parallel_loop3A_1216 = %parallel_loop3A_534 to %parallel_loop3A_535 step %parallel_loop3A_536  : i32 {
        %parallel_loop3A_1217 = vector.broadcast %parallel_loop3A_1216 : i32 to vector<16xi32>
        %parallel_loop3A_1218 = arith.index_cast %parallel_loop3A_1216 : i32 to index
        %parallel_loop3A_1219 = arith.constant 0 : index
        %parallel_loop3A_1220 = tpu.vector_load %arg8[%parallel_loop3A_1218, %parallel_loop3A_1219] {strides = array<i32>} : memref<128x64xf32, #tpu.memory_space<vmem>>, vector<16xf32>,
        %parallel_loop3A_1221 = arith.constant 8.000000e+00 : f32
        %parallel_loop3A_1222 = vector.broadcast %parallel_loop3A_1221 : f32 to vector<16xf32>
        %parallel_loop3A_1223 = arith.mulf %parallel_loop3A_1220, %parallel_loop3A_1222 : vector<16xf32>
        %parallel_loop3A_1224 = arith.addf %parallel_loop3A_1223, %get3A_524 : vector<16xf32>
        tpu.vector_store_idx %arg16[%select_n3A, %select_n3A_266, %parallel_loop3A_1217], %parallel_loop3A_1224 : memref<8x8x136xf32, #tpu.memory_space<vmem>>[vector<16xi32>, vector<16xi32>, vector<16xi32>], vector<16xf32>,
        %parallel_loop3A_1225 = arith.index_cast %parallel_loop3A_1216 : i32 to index
        %parallel_loop3A_1226 = arith.constant 16 : index
        %parallel_loop3A_1227 = tpu.vector_load %arg8[%parallel_loop3A_1225, %parallel_loop3A_1226] {strides = array<i32>} : memref<128x64xf32, #tpu.memory_space<vmem>>, vector<16xf32>,
        %parallel_loop3A_1228 = arith.constant 8.000000e+00 : f32
        %parallel_loop3A_1229 = vector.broadcast %parallel_loop3A_1228 : f32 to vector<16xf32>
        %parallel_loop3A_1230 = arith.mulf %parallel_loop3A_1227, %parallel_loop3A_1229 : vector<16xf32>
        %parallel_loop3A_1231 = arith.addf %parallel_loop3A_1230, %get3A_527 : vector<16xf32>
        tpu.vector_store_idx %arg16[%select_n3A_178, %select_n3A_288, %parallel_loop3A_1217], %parallel_loop3A_1231 : memref<8x8x136xf32, #tpu.memory_space<vmem>>[vector<16xi32>, vector<16xi32>, vector<16xi32>], vector<16xf32>,
        %parallel_loop3A_1232 = arith.index_cast %parallel_loop3A_1216 : i32 to index
        %parallel_loop3A_1233 = arith.constant 32 : index
        %parallel_loop3A_1234 = tpu.vector_load %arg8[%parallel_loop3A_1232, %parallel_loop3A_1233] {strides = array<i32>} : memref<128x64xf32, #tpu.memory_space<vmem>>, vector<16xf32>,
        %parallel_loop3A_1235 = arith.constant 8.000000e+00 : f32
        %parallel_loop3A_1236 = vector.broadcast %parallel_loop3A_1235 : f32 to vector<16xf32>
        %parallel_loop3A_1237 = arith.mulf %parallel_loop3A_1234, %parallel_loop3A_1236 : vector<16xf32>
        %parallel_loop3A_1238 = arith.addf %parallel_loop3A_1237, %get3A_530 : vector<16xf32>
        tpu.vector_store_idx %arg16[%select_n3A_212, %select_n3A_310, %parallel_loop3A_1217], %parallel_loop3A_1238 : memref<8x8x136xf32, #tpu.memory_space<vmem>>[vector<16xi32>, vector<16xi32>, vector<16xi32>], vector<16xf32>,
        %parallel_loop3A_1239 = arith.index_cast %parallel_loop3A_1216 : i32 to index
        %parallel_loop3A_1240 = arith.constant 48 : index
        %parallel_loop3A_1241 = tpu.vector_load %arg8[%parallel_loop3A_1239, %parallel_loop3A_1240] {strides = array<i32>} : memref<128x64xf32, #tpu.memory_space<vmem>>, vector<16xf32>,
        %parallel_loop3A_1242 = arith.constant 8.000000e+00 : f32
        %parallel_loop3A_1243 = vector.broadcast %parallel_loop3A_1242 : f32 to vector<16xf32>
        %parallel_loop3A_1244 = arith.mulf %parallel_loop3A_1241, %parallel_loop3A_1243 : vector<16xf32>
        %parallel_loop3A_1245 = arith.addf %parallel_loop3A_1244, %get3A_533 : vector<16xf32>
        tpu.vector_store_idx %arg16[%select_n3A_246, %select_n3A_332, %parallel_loop3A_1217], %parallel_loop3A_1245 : memref<8x8x136xf32, #tpu.memory_space<vmem>>[vector<16xi32>, vector<16xi32>, vector<16xi32>], vector<16xf32>,
      } {sc.loop_unroll_factor = 8 : i64, sc.parallel_access}
      %dma_start3A_537 = arith.constant 0 : i32
      %dma_start3A_538 = arith.constant 0 : i32
      %dma_start3A_539 = arith.constant 0 : i32
      %dma_start3A_540 = tpu.memref_slice %arg16[%dma_start3A_537, %dma_start3A_538, %dma_start3A_539] : memref<8x8x136xf32, #tpu.memory_space<vmem>> -> memref<8x8x128xf32, #tpu.memory_space<vmem>>
      %dma_start3A_541 = arith.constant 0 : i32
      %dma_start3A_542 = arith.constant 0 : i32
      %dma_start3A_543 = arith.constant 0 : i32
      %dma_start3A_544 = tpu.memref_slice %arg5[%add3A_470, %dma_start3A_541, %add3A, %dma_start3A_542, %dma_start3A_543] : memref<200x8x32x8x128xf32, #tpu.memory_space<hbm>> -> memref<1x8x1x8x128xf32, #tpu.memory_space<hbm>>
      %dma_start3A_545 = tpu.memref_squeeze %dma_start3A_544 : memref<1x8x1x8x128xf32, #tpu.memory_space<hbm>> -> memref<8x8x128xf32, #tpu.memory_space<hbm>>
      %dma_start3A_546 = arith.constant 0 : i32
      %dma_start3A_547 = arith.constant 0 : i32
      %dma_start3A_548 = arith.constant 0 : i32
      %dma_start3A_549 = tpu.memref_slice %arg5[%add3A_470, %dma_start3A_546, %add3A, %dma_start3A_547, %dma_start3A_548] : memref<200x8x32x8x128xf32, #tpu.memory_space<hbm>> -> memref<1x8x1x8x128xf32, #tpu.memory_space<hbm>>
      %dma_start3A_550 = tpu.memref_squeeze %dma_start3A_549 : memref<1x8x1x8x128xf32, #tpu.memory_space<hbm>> -> memref<8x8x128xf32, #tpu.memory_space<hbm>>
      %dma_start3A_551 = arith.constant 0 : i32
      %dma_start3A_552 = arith.constant 0 : i32
      %dma_start3A_553 = arith.constant 0 : i32
      %dma_start3A_554 = tpu.memref_slice %arg16[%dma_start3A_551, %dma_start3A_552, %dma_start3A_553] : memref<8x8x136xf32, #tpu.memory_space<vmem>> -> memref<8x8x128xf32, #tpu.memory_space<vmem>>
      tpu.enqueue_dma source(%dma_start3A_554 : memref<8x8x128xf32, #tpu.memory_space<vmem>>) target(%dma_start3A_550 : memref<8x8x128xf32, #tpu.memory_space<hbm>>) target_semaphore(%arg28 : memref<!tpu.dma_semaphore, #tpu.memory_space<semaphore_mem>>)
      %add3A_555 = arith.constant 6 : i32
      %add3A_556 = arith.addi %add3A_470, %add3A_555 : i32
      %lt3A_557 = arith.constant 200 : i32
      %lt3A_558 = arith.cmpi slt, %add3A_556, %lt3A_557 : i32
      %convert_element_type3A_559 = arith.extui %lt3A_558 : i1 to i32
      %cond3A_560 = arith.constant 0 : i32
      %cond3A_561 = arith.cmpi ne, %convert_element_type3A_559, %cond3A_560 : i32
      scf.if %cond3A_561 {
        %add3A_1216 = arith.constant 6 : i32
        %add3A_1217 = arith.addi %add3A_470, %add3A_1216 : i32
        %jit3A_1218 = arith.constant 8 : i32
        %div3A_1219 = arith.divsi %add3A_1217, %jit3A_1218 : i32
        %sign3A_1220 = arith.constant 0 : i32
        %sign3A_1221 = arith.cmpi sgt, %add3A_1217, %sign3A_1220 : i32
        %sign3A_1222 = arith.extui %sign3A_1221 : i1 to i32
        %sign3A_1223 = arith.constant 0 : i32
        %sign3A_1224 = arith.cmpi slt, %add3A_1217, %sign3A_1223 : i32
        %sign3A_1225 = arith.extui %sign3A_1224 : i1 to i32
        %sign3A_1226 = arith.subi %sign3A_1222, %sign3A_1225 : i32
        %sign3A_1227 = arith.constant 0 : i32
        %sign3A_1228 = arith.cmpi sgt, %jit3A_1218, %sign3A_1227 : i32
        %sign3A_1229 = arith.extui %sign3A_1228 : i1 to i32
        %sign3A_1230 = arith.constant 0 : i32
        %sign3A_1231 = arith.cmpi slt, %jit3A_1218, %sign3A_1230 : i32
        %sign3A_1232 = arith.extui %sign3A_1231 : i1 to i32
        %sign3A_1233 = arith.subi %sign3A_1229, %sign3A_1232 : i32
        %ne3A_1234 = arith.cmpi ne, %sign3A_1226, %sign3A_1233 : i32
        %rem3A_1235 = arith.remsi %add3A_1217, %jit3A_1218 : i32
        %ne3A_1236 = arith.constant 0 : i32
        %ne3A_1237 = arith.cmpi ne, %rem3A_1235, %ne3A_1236 : i32
        %and3A_1238 = arith.andi %ne3A_1234, %ne3A_1237 : i1
        %sub3A_1239 = arith.constant 1 : i32
        %sub3A_1240 = arith.subi %div3A_1219, %sub3A_1239 : i32
        %select_n3A_1241 = arith.select %and3A_1238, %sub3A_1240, %div3A_1219 : i32
        %jit3A_1242 = arith.constant 8 : i32
        %eq3A_1243 = arith.constant 0 : i32
        %eq3A_1244 = arith.cmpi eq, %jit3A_1242, %eq3A_1243 : i32
        %jit3A_1245 = arith.constant 1 : i32
        %select_n3A_1246 = arith.select %eq3A_1244, %jit3A_1245, %jit3A_1242 : i32
        %rem3A_1247 = arith.remsi %add3A_1217, %select_n3A_1246 : i32
        %ne3A_1248 = arith.constant 0 : i32
        %ne3A_1249 = arith.cmpi ne, %rem3A_1247, %ne3A_1248 : i32
        %lt3A_1250 = arith.constant 0 : i32
        %lt3A_1251 = arith.cmpi slt, %rem3A_1247, %lt3A_1250 : i32
        %lt3A_1252 = arith.constant 0 : i32
        %lt3A_1253 = arith.cmpi slt, %select_n3A_1246, %lt3A_1252 : i32
        %ne3A_1254 = arith.xori %lt3A_1251, %lt3A_1253 : i1
        %and3A_1255 = arith.andi %ne3A_1254, %ne3A_1249 : i1
        %add3A_1256 = arith.addi %rem3A_1247, %select_n3A_1246 : i32
        %select_n3A_1257 = arith.select %and3A_1255, %add3A_1256, %rem3A_1247 : i32
        %dma_start3A_1258 = arith.constant 0 : i32
        %dma_start3A_1259 = tpu.memref_slice %arg6[%select_n3A_1241, %select_n3A_1257, %dma_start3A_1258] : memref<25x8x128xi32, #tpu.memory_space<vmem>> -> memref<1x1x128xi32, #tpu.memory_space<vmem>>
        %dma_start3A_1260 = tpu.memref_squeeze %dma_start3A_1259 : memref<1x1x128xi32, #tpu.memory_space<vmem>> -> memref<128xi32, #tpu.memory_space<vmem>>
        %dma_start3A_1261 = arith.constant 0 : i32
        %dma_start3A_1262 = arith.constant 0 : i32
        %dma_start3A_1263 = tpu.memref_slice %arg3[%dma_start3A_1261, %dma_start3A_1262] : memref<100000x64xf32, #tpu.memory_space<hbm>> -> memref<100000x64xf32, #tpu.memory_space<hbm>>
        tpu.enqueue_indirect_dma source(%dma_start3A_1263 : memref<100000x64xf32, #tpu.memory_space<hbm>>) target(%arg14 : memref<128x64xf32, #tpu.memory_space<vmem>>) offsets(%dma_start3A_1260 : memref<128xi32, #tpu.memory_space<vmem>>) semaphore(%arg26 : memref<!tpu.dma_semaphore, #tpu.memory_space<semaphore_mem>>)
      } else {
      }
      %mul3A_562 = arith.constant 8 : i32
      %mul3A_563 = arith.muli %mul3A_562, %scan3A_376 : i32
      %add3A_564 = arith.constant 2 : i32
      %add3A_565 = arith.addi %mul3A_563, %add3A_564 : i32
      %jit3A_566 = arith.constant 8 : i32
      %div3A_567 = arith.divsi %add3A_565, %jit3A_566 : i32
      %sign3A_568 = arith.constant 0 : i32
      %sign3A_569 = arith.cmpi sgt, %add3A_565, %sign3A_568 : i32
      %sign3A_570 = arith.extui %sign3A_569 : i1 to i32
      %sign3A_571 = arith.constant 0 : i32
      %sign3A_572 = arith.cmpi slt, %add3A_565, %sign3A_571 : i32
      %sign3A_573 = arith.extui %sign3A_572 : i1 to i32
      %sign3A_574 = arith.subi %sign3A_570, %sign3A_573 : i32
      %sign3A_575 = arith.constant 0 : i32
      %sign3A_576 = arith.cmpi sgt, %jit3A_566, %sign3A_575 : i32
      %sign3A_577 = arith.extui %sign3A_576 : i1 to i32
      %sign3A_578 = arith.constant 0 : i32
      %sign3A_579 = arith.cmpi slt, %jit3A_566, %sign3A_578 : i32
      %sign3A_580 = arith.extui %sign3A_579 : i1 to i32
      %sign3A_581 = arith.subi %sign3A_577, %sign3A_580 : i32
      %ne3A_582 = arith.cmpi ne, %sign3A_574, %sign3A_581 : i32
      %rem3A_583 = arith.remsi %add3A_565, %jit3A_566 : i32
      %ne3A_584 = arith.constant 0 : i32
      %ne3A_585 = arith.cmpi ne, %rem3A_583, %ne3A_584 : i32
      %and3A_586 = arith.andi %ne3A_582, %ne3A_585 : i1
      %sub3A_587 = arith.constant 1 : i32
      %sub3A_588 = arith.subi %div3A_567, %sub3A_587 : i32
      %select_n3A_589 = arith.select %and3A_586, %sub3A_588, %div3A_567 : i32
      %jit3A_590 = arith.constant 8 : i32
      %eq3A_591 = arith.constant 0 : i32
      %eq3A_592 = arith.cmpi eq, %jit3A_590, %eq3A_591 : i32
      %jit3A_593 = arith.constant 1 : i32
      %select_n3A_594 = arith.select %eq3A_592, %jit3A_593, %jit3A_590 : i32
      %rem3A_595 = arith.remsi %add3A_565, %select_n3A_594 : i32
      %ne3A_596 = arith.constant 0 : i32
      %ne3A_597 = arith.cmpi ne, %rem3A_595, %ne3A_596 : i32
      %lt3A_598 = arith.constant 0 : i32
      %lt3A_599 = arith.cmpi slt, %rem3A_595, %lt3A_598 : i32
      %lt3A_600 = arith.constant 0 : i32
      %lt3A_601 = arith.cmpi slt, %select_n3A_594, %lt3A_600 : i32
      %ne3A_602 = arith.xori %lt3A_599, %lt3A_601 : i1
      %and3A_603 = arith.andi %ne3A_602, %ne3A_597 : i1
      %add3A_604 = arith.addi %rem3A_595, %select_n3A_594 : i32
      %select_n3A_605 = arith.select %and3A_603, %add3A_604, %rem3A_595 : i32
      %dma_wait3A_606 = arith.constant 0 : i32
      %dma_wait3A_607 = tpu.memref_slice %arg6[%select_n3A_589, %select_n3A_605, %dma_wait3A_606] : memref<25x8x128xi32, #tpu.memory_space<vmem>> -> memref<1x1x128xi32, #tpu.memory_space<vmem>>
      %dma_wait3A_608 = tpu.memref_squeeze %dma_wait3A_607 : memref<1x1x128xi32, #tpu.memory_space<vmem>> -> memref<128xi32, #tpu.memory_space<vmem>>
      %dma_wait3A_609 = arith.constant 0 : i32
      %dma_wait3A_610 = arith.constant 0 : i32
      %dma_wait3A_611 = tpu.memref_slice %arg3[%dma_wait3A_609, %dma_wait3A_610] : memref<100000x64xf32, #tpu.memory_space<hbm>> -> memref<100000x64xf32, #tpu.memory_space<hbm>>
      tpu.wait_indirect_dma semaphore(%arg21 : memref<!tpu.dma_semaphore, #tpu.memory_space<semaphore_mem>>) src(%dma_wait3A_611 : memref<100000x64xf32, #tpu.memory_space<hbm>>) dst(%arg9 : memref<128x64xf32, #tpu.memory_space<vmem>>)
      %dma_wait3A_612 = arith.constant 0 : i32
      %dma_wait3A_613 = arith.constant 0 : i32
      %dma_wait3A_614 = arith.constant 0 : i32
      %dma_wait3A_615 = arith.constant 0 : i32
      %dma_wait3A_616 = tpu.memref_slice %arg15[%dma_wait3A_613, %dma_wait3A_614, %dma_wait3A_615] : memref<8x8x136xf32, #tpu.memory_space<vmem>> -> memref<8x8x128xf32, #tpu.memory_space<vmem>>
      %dma_wait3A_617 = arith.constant 0 : i32
      %dma_wait3A_618 = arith.constant 0 : i32
      %dma_wait3A_619 = arith.constant 0 : i32
      %dma_wait3A_620 = tpu.memref_slice %arg5[%dma_wait3A_612, %dma_wait3A_617, %add3A, %dma_wait3A_618, %dma_wait3A_619] : memref<200x8x32x8x128xf32, #tpu.memory_space<hbm>> -> memref<1x8x1x8x128xf32, #tpu.memory_space<hbm>>
      %dma_wait3A_621 = tpu.memref_squeeze %dma_wait3A_620 : memref<1x8x1x8x128xf32, #tpu.memory_space<hbm>> -> memref<8x8x128xf32, #tpu.memory_space<hbm>>
      %dma_wait3A_622 = arith.constant 0 : i32
      %dma_wait3A_623 = arith.constant 0 : i32
      %dma_wait3A_624 = arith.constant 0 : i32
      %dma_wait3A_625 = tpu.memref_slice %arg5[%dma_wait3A_612, %dma_wait3A_622, %add3A, %dma_wait3A_623, %dma_wait3A_624] : memref<200x8x32x8x128xf32, #tpu.memory_space<hbm>> -> memref<1x8x1x8x128xf32, #tpu.memory_space<hbm>>
      %dma_wait3A_626 = tpu.memref_squeeze %dma_wait3A_625 : memref<1x8x1x8x128xf32, #tpu.memory_space<hbm>> -> memref<8x8x128xf32, #tpu.memory_space<hbm>>
      %dma_wait3A_627 = arith.constant 0 : i32
      %dma_wait3A_628 = arith.constant 0 : i32
      %dma_wait3A_629 = arith.constant 0 : i32
      %dma_wait3A_630 = tpu.memref_slice %arg15[%dma_wait3A_627, %dma_wait3A_628, %dma_wait3A_629] : memref<8x8x136xf32, #tpu.memory_space<vmem>> -> memref<8x8x128xf32, #tpu.memory_space<vmem>>
      tpu.wait_dma2 semaphore(%arg27 : memref<!tpu.dma_semaphore, #tpu.memory_space<semaphore_mem>>) src(%dma_wait3A_630 : memref<8x8x128xf32, #tpu.memory_space<vmem>>) dst(%dma_wait3A_626 : memref<8x8x128xf32, #tpu.memory_space<hbm>>)
      %get3A_631 = arith.index_cast %add3A_565 : i32 to index
      %get3A_632 = arith.constant 0 : index
      %get3A_633 = tpu.vector_load %arg17[%get3A_631, %get3A_632] {strides = array<i32>} : memref<200x64xf32, #tpu.memory_space<vmem>>, vector<16xf32>,
      %get3A_634 = arith.index_cast %add3A_565 : i32 to index
      %get3A_635 = arith.constant 16 : index
      %get3A_636 = tpu.vector_load %arg17[%get3A_634, %get3A_635] {strides = array<i32>} : memref<200x64xf32, #tpu.memory_space<vmem>>, vector<16xf32>,
      %get3A_637 = arith.index_cast %add3A_565 : i32 to index
      %get3A_638 = arith.constant 32 : index
      %get3A_639 = tpu.vector_load %arg17[%get3A_637, %get3A_638] {strides = array<i32>} : memref<200x64xf32, #tpu.memory_space<vmem>>, vector<16xf32>,
      %get3A_640 = arith.index_cast %add3A_565 : i32 to index
      %get3A_641 = arith.constant 48 : index
      %get3A_642 = tpu.vector_load %arg17[%get3A_640, %get3A_641] {strides = array<i32>} : memref<200x64xf32, #tpu.memory_space<vmem>>, vector<16xf32>,
      %parallel_loop3A_643 = arith.constant 0 : i32
      %parallel_loop3A_644 = arith.constant 128 : i32
      %parallel_loop3A_645 = arith.constant 1 : i32
      scf.for %parallel_loop3A_1216 = %parallel_loop3A_643 to %parallel_loop3A_644 step %parallel_loop3A_645  : i32 {
        %parallel_loop3A_1217 = vector.broadcast %parallel_loop3A_1216 : i32 to vector<16xi32>
        %parallel_loop3A_1218 = arith.index_cast %parallel_loop3A_1216 : i32 to index
        %parallel_loop3A_1219 = arith.constant 0 : index
        %parallel_loop3A_1220 = tpu.vector_load %arg9[%parallel_loop3A_1218, %parallel_loop3A_1219] {strides = array<i32>} : memref<128x64xf32, #tpu.memory_space<vmem>>, vector<16xf32>,
        %parallel_loop3A_1221 = arith.constant 8.000000e+00 : f32
        %parallel_loop3A_1222 = vector.broadcast %parallel_loop3A_1221 : f32 to vector<16xf32>
        %parallel_loop3A_1223 = arith.mulf %parallel_loop3A_1220, %parallel_loop3A_1222 : vector<16xf32>
        %parallel_loop3A_1224 = arith.addf %parallel_loop3A_1223, %get3A_633 : vector<16xf32>
        tpu.vector_store_idx %arg15[%select_n3A, %select_n3A_266, %parallel_loop3A_1217], %parallel_loop3A_1224 : memref<8x8x136xf32, #tpu.memory_space<vmem>>[vector<16xi32>, vector<16xi32>, vector<16xi32>], vector<16xf32>,
        %parallel_loop3A_1225 = arith.index_cast %parallel_loop3A_1216 : i32 to index
        %parallel_loop3A_1226 = arith.constant 16 : index
        %parallel_loop3A_1227 = tpu.vector_load %arg9[%parallel_loop3A_1225, %parallel_loop3A_1226] {strides = array<i32>} : memref<128x64xf32, #tpu.memory_space<vmem>>, vector<16xf32>,
        %parallel_loop3A_1228 = arith.constant 8.000000e+00 : f32
        %parallel_loop3A_1229 = vector.broadcast %parallel_loop3A_1228 : f32 to vector<16xf32>
        %parallel_loop3A_1230 = arith.mulf %parallel_loop3A_1227, %parallel_loop3A_1229 : vector<16xf32>
        %parallel_loop3A_1231 = arith.addf %parallel_loop3A_1230, %get3A_636 : vector<16xf32>
        tpu.vector_store_idx %arg15[%select_n3A_178, %select_n3A_288, %parallel_loop3A_1217], %parallel_loop3A_1231 : memref<8x8x136xf32, #tpu.memory_space<vmem>>[vector<16xi32>, vector<16xi32>, vector<16xi32>], vector<16xf32>,
        %parallel_loop3A_1232 = arith.index_cast %parallel_loop3A_1216 : i32 to index
        %parallel_loop3A_1233 = arith.constant 32 : index
        %parallel_loop3A_1234 = tpu.vector_load %arg9[%parallel_loop3A_1232, %parallel_loop3A_1233] {strides = array<i32>} : memref<128x64xf32, #tpu.memory_space<vmem>>, vector<16xf32>,
        %parallel_loop3A_1235 = arith.constant 8.000000e+00 : f32
        %parallel_loop3A_1236 = vector.broadcast %parallel_loop3A_1235 : f32 to vector<16xf32>
        %parallel_loop3A_1237 = arith.mulf %parallel_loop3A_1234, %parallel_loop3A_1236 : vector<16xf32>
        %parallel_loop3A_1238 = arith.addf %parallel_loop3A_1237, %get3A_639 : vector<16xf32>
        tpu.vector_store_idx %arg15[%select_n3A_212, %select_n3A_310, %parallel_loop3A_1217], %parallel_loop3A_1238 : memref<8x8x136xf32, #tpu.memory_space<vmem>>[vector<16xi32>, vector<16xi32>, vector<16xi32>], vector<16xf32>,
        %parallel_loop3A_1239 = arith.index_cast %parallel_loop3A_1216 : i32 to index
        %parallel_loop3A_1240 = arith.constant 48 : index
        %parallel_loop3A_1241 = tpu.vector_load %arg9[%parallel_loop3A_1239, %parallel_loop3A_1240] {strides = array<i32>} : memref<128x64xf32, #tpu.memory_space<vmem>>, vector<16xf32>,
        %parallel_loop3A_1242 = arith.constant 8.000000e+00 : f32
        %parallel_loop3A_1243 = vector.broadcast %parallel_loop3A_1242 : f32 to vector<16xf32>
        %parallel_loop3A_1244 = arith.mulf %parallel_loop3A_1241, %parallel_loop3A_1243 : vector<16xf32>
        %parallel_loop3A_1245 = arith.addf %parallel_loop3A_1244, %get3A_642 : vector<16xf32>
        tpu.vector_store_idx %arg15[%select_n3A_246, %select_n3A_332, %parallel_loop3A_1217], %parallel_loop3A_1245 : memref<8x8x136xf32, #tpu.memory_space<vmem>>[vector<16xi32>, vector<16xi32>, vector<16xi32>], vector<16xf32>,
      } {sc.loop_unroll_factor = 8 : i64, sc.parallel_access}
      %dma_start3A_646 = arith.constant 0 : i32
      %dma_start3A_647 = arith.constant 0 : i32
      %dma_start3A_648 = arith.constant 0 : i32
      %dma_start3A_649 = tpu.memref_slice %arg15[%dma_start3A_646, %dma_start3A_647, %dma_start3A_648] : memref<8x8x136xf32, #tpu.memory_space<vmem>> -> memref<8x8x128xf32, #tpu.memory_space<vmem>>
      %dma_start3A_650 = arith.constant 0 : i32
      %dma_start3A_651 = arith.constant 0 : i32
      %dma_start3A_652 = arith.constant 0 : i32
      %dma_start3A_653 = tpu.memref_slice %arg5[%add3A_565, %dma_start3A_650, %add3A, %dma_start3A_651, %dma_start3A_652] : memref<200x8x32x8x128xf32, #tpu.memory_space<hbm>> -> memref<1x8x1x8x128xf32, #tpu.memory_space<hbm>>
      %dma_start3A_654 = tpu.memref_squeeze %dma_start3A_653 : memref<1x8x1x8x128xf32, #tpu.memory_space<hbm>> -> memref<8x8x128xf32, #tpu.memory_space<hbm>>
      %dma_start3A_655 = arith.constant 0 : i32
      %dma_start3A_656 = arith.constant 0 : i32
      %dma_start3A_657 = arith.constant 0 : i32
      %dma_start3A_658 = tpu.memref_slice %arg5[%add3A_565, %dma_start3A_655, %add3A, %dma_start3A_656, %dma_start3A_657] : memref<200x8x32x8x128xf32, #tpu.memory_space<hbm>> -> memref<1x8x1x8x128xf32, #tpu.memory_space<hbm>>
      %dma_start3A_659 = tpu.memref_squeeze %dma_start3A_658 : memref<1x8x1x8x128xf32, #tpu.memory_space<hbm>> -> memref<8x8x128xf32, #tpu.memory_space<hbm>>
      %dma_start3A_660 = arith.constant 0 : i32
      %dma_start3A_661 = arith.constant 0 : i32
      %dma_start3A_662 = arith.constant 0 : i32
      %dma_start3A_663 = tpu.memref_slice %arg15[%dma_start3A_660, %dma_start3A_661, %dma_start3A_662] : memref<8x8x136xf32, #tpu.memory_space<vmem>> -> memref<8x8x128xf32, #tpu.memory_space<vmem>>
      tpu.enqueue_dma source(%dma_start3A_663 : memref<8x8x128xf32, #tpu.memory_space<vmem>>) target(%dma_start3A_659 : memref<8x8x128xf32, #tpu.memory_space<hbm>>) target_semaphore(%arg27 : memref<!tpu.dma_semaphore, #tpu.memory_space<semaphore_mem>>)
      %add3A_664 = arith.constant 6 : i32
      %add3A_665 = arith.addi %add3A_565, %add3A_664 : i32
      %lt3A_666 = arith.constant 200 : i32
      %lt3A_667 = arith.cmpi slt, %add3A_665, %lt3A_666 : i32
      %convert_element_type3A_668 = arith.extui %lt3A_667 : i1 to i32
      %cond3A_669 = arith.constant 0 : i32
      %cond3A_670 = arith.cmpi ne, %convert_element_type3A_668, %cond3A_669 : i32
      scf.if %cond3A_670 {
        %add3A_1216 = arith.constant 6 : i32
        %add3A_1217 = arith.addi %add3A_565, %add3A_1216 : i32
        %jit3A_1218 = arith.constant 8 : i32
        %div3A_1219 = arith.divsi %add3A_1217, %jit3A_1218 : i32
        %sign3A_1220 = arith.constant 0 : i32
        %sign3A_1221 = arith.cmpi sgt, %add3A_1217, %sign3A_1220 : i32
        %sign3A_1222 = arith.extui %sign3A_1221 : i1 to i32
        %sign3A_1223 = arith.constant 0 : i32
        %sign3A_1224 = arith.cmpi slt, %add3A_1217, %sign3A_1223 : i32
        %sign3A_1225 = arith.extui %sign3A_1224 : i1 to i32
        %sign3A_1226 = arith.subi %sign3A_1222, %sign3A_1225 : i32
        %sign3A_1227 = arith.constant 0 : i32
        %sign3A_1228 = arith.cmpi sgt, %jit3A_1218, %sign3A_1227 : i32
        %sign3A_1229 = arith.extui %sign3A_1228 : i1 to i32
        %sign3A_1230 = arith.constant 0 : i32
        %sign3A_1231 = arith.cmpi slt, %jit3A_1218, %sign3A_1230 : i32
        %sign3A_1232 = arith.extui %sign3A_1231 : i1 to i32
        %sign3A_1233 = arith.subi %sign3A_1229, %sign3A_1232 : i32
        %ne3A_1234 = arith.cmpi ne, %sign3A_1226, %sign3A_1233 : i32
        %rem3A_1235 = arith.remsi %add3A_1217, %jit3A_1218 : i32
        %ne3A_1236 = arith.constant 0 : i32
        %ne3A_1237 = arith.cmpi ne, %rem3A_1235, %ne3A_1236 : i32
        %and3A_1238 = arith.andi %ne3A_1234, %ne3A_1237 : i1
        %sub3A_1239 = arith.constant 1 : i32
        %sub3A_1240 = arith.subi %div3A_1219, %sub3A_1239 : i32
        %select_n3A_1241 = arith.select %and3A_1238, %sub3A_1240, %div3A_1219 : i32
        %jit3A_1242 = arith.constant 8 : i32
        %eq3A_1243 = arith.constant 0 : i32
        %eq3A_1244 = arith.cmpi eq, %jit3A_1242, %eq3A_1243 : i32
        %jit3A_1245 = arith.constant 1 : i32
        %select_n3A_1246 = arith.select %eq3A_1244, %jit3A_1245, %jit3A_1242 : i32
        %rem3A_1247 = arith.remsi %add3A_1217, %select_n3A_1246 : i32
        %ne3A_1248 = arith.constant 0 : i32
        %ne3A_1249 = arith.cmpi ne, %rem3A_1247, %ne3A_1248 : i32
        %lt3A_1250 = arith.constant 0 : i32
        %lt3A_1251 = arith.cmpi slt, %rem3A_1247, %lt3A_1250 : i32
        %lt3A_1252 = arith.constant 0 : i32
        %lt3A_1253 = arith.cmpi slt, %select_n3A_1246, %lt3A_1252 : i32
        %ne3A_1254 = arith.xori %lt3A_1251, %lt3A_1253 : i1
        %and3A_1255 = arith.andi %ne3A_1254, %ne3A_1249 : i1
        %add3A_1256 = arith.addi %rem3A_1247, %select_n3A_1246 : i32
        %select_n3A_1257 = arith.select %and3A_1255, %add3A_1256, %rem3A_1247 : i32
        %dma_start3A_1258 = arith.constant 0 : i32
        %dma_start3A_1259 = tpu.memref_slice %arg6[%select_n3A_1241, %select_n3A_1257, %dma_start3A_1258] : memref<25x8x128xi32, #tpu.memory_space<vmem>> -> memref<1x1x128xi32, #tpu.memory_space<vmem>>
        %dma_start3A_1260 = tpu.memref_squeeze %dma_start3A_1259 : memref<1x1x128xi32, #tpu.memory_space<vmem>> -> memref<128xi32, #tpu.memory_space<vmem>>
        %dma_start3A_1261 = arith.constant 0 : i32
        %dma_start3A_1262 = arith.constant 0 : i32
        %dma_start3A_1263 = tpu.memref_slice %arg3[%dma_start3A_1261, %dma_start3A_1262] : memref<100000x64xf32, #tpu.memory_space<hbm>> -> memref<100000x64xf32, #tpu.memory_space<hbm>>
        tpu.enqueue_indirect_dma source(%dma_start3A_1263 : memref<100000x64xf32, #tpu.memory_space<hbm>>) target(%arg7 : memref<128x64xf32, #tpu.memory_space<vmem>>) offsets(%dma_start3A_1260 : memref<128xi32, #tpu.memory_space<vmem>>) semaphore(%arg19 : memref<!tpu.dma_semaphore, #tpu.memory_space<semaphore_mem>>)
      } else {
      }
      %mul3A_671 = arith.constant 8 : i32
      %mul3A_672 = arith.muli %mul3A_671, %scan3A_376 : i32
      %add3A_673 = arith.constant 3 : i32
      %add3A_674 = arith.addi %mul3A_672, %add3A_673 : i32
      %jit3A_675 = arith.constant 8 : i32
      %div3A_676 = arith.divsi %add3A_674, %jit3A_675 : i32
      %sign3A_677 = arith.constant 0 : i32
      %sign3A_678 = arith.cmpi sgt, %add3A_674, %sign3A_677 : i32
      %sign3A_679 = arith.extui %sign3A_678 : i1 to i32
      %sign3A_680 = arith.constant 0 : i32
      %sign3A_681 = arith.cmpi slt, %add3A_674, %sign3A_680 : i32
      %sign3A_682 = arith.extui %sign3A_681 : i1 to i32
      %sign3A_683 = arith.subi %sign3A_679, %sign3A_682 : i32
      %sign3A_684 = arith.constant 0 : i32
      %sign3A_685 = arith.cmpi sgt, %jit3A_675, %sign3A_684 : i32
      %sign3A_686 = arith.extui %sign3A_685 : i1 to i32
      %sign3A_687 = arith.constant 0 : i32
      %sign3A_688 = arith.cmpi slt, %jit3A_675, %sign3A_687 : i32
      %sign3A_689 = arith.extui %sign3A_688 : i1 to i32
      %sign3A_690 = arith.subi %sign3A_686, %sign3A_689 : i32
      %ne3A_691 = arith.cmpi ne, %sign3A_683, %sign3A_690 : i32
      %rem3A_692 = arith.remsi %add3A_674, %jit3A_675 : i32
      %ne3A_693 = arith.constant 0 : i32
      %ne3A_694 = arith.cmpi ne, %rem3A_692, %ne3A_693 : i32
      %and3A_695 = arith.andi %ne3A_691, %ne3A_694 : i1
      %sub3A_696 = arith.constant 1 : i32
      %sub3A_697 = arith.subi %div3A_676, %sub3A_696 : i32
      %select_n3A_698 = arith.select %and3A_695, %sub3A_697, %div3A_676 : i32
      %jit3A_699 = arith.constant 8 : i32
      %eq3A_700 = arith.constant 0 : i32
      %eq3A_701 = arith.cmpi eq, %jit3A_699, %eq3A_700 : i32
      %jit3A_702 = arith.constant 1 : i32
      %select_n3A_703 = arith.select %eq3A_701, %jit3A_702, %jit3A_699 : i32
      %rem3A_704 = arith.remsi %add3A_674, %select_n3A_703 : i32
      %ne3A_705 = arith.constant 0 : i32
      %ne3A_706 = arith.cmpi ne, %rem3A_704, %ne3A_705 : i32
      %lt3A_707 = arith.constant 0 : i32
      %lt3A_708 = arith.cmpi slt, %rem3A_704, %lt3A_707 : i32
      %lt3A_709 = arith.constant 0 : i32
      %lt3A_710 = arith.cmpi slt, %select_n3A_703, %lt3A_709 : i32
      %ne3A_711 = arith.xori %lt3A_708, %lt3A_710 : i1
      %and3A_712 = arith.andi %ne3A_711, %ne3A_706 : i1
      %add3A_713 = arith.addi %rem3A_704, %select_n3A_703 : i32
      %select_n3A_714 = arith.select %and3A_712, %add3A_713, %rem3A_704 : i32
      %dma_wait3A_715 = arith.constant 0 : i32
      %dma_wait3A_716 = tpu.memref_slice %arg6[%select_n3A_698, %select_n3A_714, %dma_wait3A_715] : memref<25x8x128xi32, #tpu.memory_space<vmem>> -> memref<1x1x128xi32, #tpu.memory_space<vmem>>
      %dma_wait3A_717 = tpu.memref_squeeze %dma_wait3A_716 : memref<1x1x128xi32, #tpu.memory_space<vmem>> -> memref<128xi32, #tpu.memory_space<vmem>>
      %dma_wait3A_718 = arith.constant 0 : i32
      %dma_wait3A_719 = arith.constant 0 : i32
      %dma_wait3A_720 = tpu.memref_slice %arg3[%dma_wait3A_718, %dma_wait3A_719] : memref<100000x64xf32, #tpu.memory_space<hbm>> -> memref<100000x64xf32, #tpu.memory_space<hbm>>
      tpu.wait_indirect_dma semaphore(%arg22 : memref<!tpu.dma_semaphore, #tpu.memory_space<semaphore_mem>>) src(%dma_wait3A_720 : memref<100000x64xf32, #tpu.memory_space<hbm>>) dst(%arg10 : memref<128x64xf32, #tpu.memory_space<vmem>>)
      %dma_wait3A_721 = arith.constant 0 : i32
      %dma_wait3A_722 = arith.constant 0 : i32
      %dma_wait3A_723 = arith.constant 0 : i32
      %dma_wait3A_724 = arith.constant 0 : i32
      %dma_wait3A_725 = tpu.memref_slice %arg16[%dma_wait3A_722, %dma_wait3A_723, %dma_wait3A_724] : memref<8x8x136xf32, #tpu.memory_space<vmem>> -> memref<8x8x128xf32, #tpu.memory_space<vmem>>
      %dma_wait3A_726 = arith.constant 0 : i32
      %dma_wait3A_727 = arith.constant 0 : i32
      %dma_wait3A_728 = arith.constant 0 : i32
      %dma_wait3A_729 = tpu.memref_slice %arg5[%dma_wait3A_721, %dma_wait3A_726, %add3A, %dma_wait3A_727, %dma_wait3A_728] : memref<200x8x32x8x128xf32, #tpu.memory_space<hbm>> -> memref<1x8x1x8x128xf32, #tpu.memory_space<hbm>>
      %dma_wait3A_730 = tpu.memref_squeeze %dma_wait3A_729 : memref<1x8x1x8x128xf32, #tpu.memory_space<hbm>> -> memref<8x8x128xf32, #tpu.memory_space<hbm>>
      %dma_wait3A_731 = arith.constant 0 : i32
      %dma_wait3A_732 = arith.constant 0 : i32
      %dma_wait3A_733 = arith.constant 0 : i32
      %dma_wait3A_734 = tpu.memref_slice %arg5[%dma_wait3A_721, %dma_wait3A_731, %add3A, %dma_wait3A_732, %dma_wait3A_733] : memref<200x8x32x8x128xf32, #tpu.memory_space<hbm>> -> memref<1x8x1x8x128xf32, #tpu.memory_space<hbm>>
      %dma_wait3A_735 = tpu.memref_squeeze %dma_wait3A_734 : memref<1x8x1x8x128xf32, #tpu.memory_space<hbm>> -> memref<8x8x128xf32, #tpu.memory_space<hbm>>
      %dma_wait3A_736 = arith.constant 0 : i32
      %dma_wait3A_737 = arith.constant 0 : i32
      %dma_wait3A_738 = arith.constant 0 : i32
      %dma_wait3A_739 = tpu.memref_slice %arg16[%dma_wait3A_736, %dma_wait3A_737, %dma_wait3A_738] : memref<8x8x136xf32, #tpu.memory_space<vmem>> -> memref<8x8x128xf32, #tpu.memory_space<vmem>>
      tpu.wait_dma2 semaphore(%arg28 : memref<!tpu.dma_semaphore, #tpu.memory_space<semaphore_mem>>) src(%dma_wait3A_739 : memref<8x8x128xf32, #tpu.memory_space<vmem>>) dst(%dma_wait3A_735 : memref<8x8x128xf32, #tpu.memory_space<hbm>>)
      %get3A_740 = arith.index_cast %add3A_674 : i32 to index
      %get3A_741 = arith.constant 0 : index
      %get3A_742 = tpu.vector_load %arg17[%get3A_740, %get3A_741] {strides = array<i32>} : memref<200x64xf32, #tpu.memory_space<vmem>>, vector<16xf32>,
      %get3A_743 = arith.index_cast %add3A_674 : i32 to index
      %get3A_744 = arith.constant 16 : index
      %get3A_745 = tpu.vector_load %arg17[%get3A_743, %get3A_744] {strides = array<i32>} : memref<200x64xf32, #tpu.memory_space<vmem>>, vector<16xf32>,
      %get3A_746 = arith.index_cast %add3A_674 : i32 to index
      %get3A_747 = arith.constant 32 : index
      %get3A_748 = tpu.vector_load %arg17[%get3A_746, %get3A_747] {strides = array<i32>} : memref<200x64xf32, #tpu.memory_space<vmem>>, vector<16xf32>,
      %get3A_749 = arith.index_cast %add3A_674 : i32 to index
      %get3A_750 = arith.constant 48 : index
      %get3A_751 = tpu.vector_load %arg17[%get3A_749, %get3A_750] {strides = array<i32>} : memref<200x64xf32, #tpu.memory_space<vmem>>, vector<16xf32>,
      %parallel_loop3A_752 = arith.constant 0 : i32
      %parallel_loop3A_753 = arith.constant 128 : i32
      %parallel_loop3A_754 = arith.constant 1 : i32
      scf.for %parallel_loop3A_1216 = %parallel_loop3A_752 to %parallel_loop3A_753 step %parallel_loop3A_754  : i32 {
        %parallel_loop3A_1217 = vector.broadcast %parallel_loop3A_1216 : i32 to vector<16xi32>
        %parallel_loop3A_1218 = arith.index_cast %parallel_loop3A_1216 : i32 to index
        %parallel_loop3A_1219 = arith.constant 0 : index
        %parallel_loop3A_1220 = tpu.vector_load %arg10[%parallel_loop3A_1218, %parallel_loop3A_1219] {strides = array<i32>} : memref<128x64xf32, #tpu.memory_space<vmem>>, vector<16xf32>,
        %parallel_loop3A_1221 = arith.constant 8.000000e+00 : f32
        %parallel_loop3A_1222 = vector.broadcast %parallel_loop3A_1221 : f32 to vector<16xf32>
        %parallel_loop3A_1223 = arith.mulf %parallel_loop3A_1220, %parallel_loop3A_1222 : vector<16xf32>
        %parallel_loop3A_1224 = arith.addf %parallel_loop3A_1223, %get3A_742 : vector<16xf32>
        tpu.vector_store_idx %arg16[%select_n3A, %select_n3A_266, %parallel_loop3A_1217], %parallel_loop3A_1224 : memref<8x8x136xf32, #tpu.memory_space<vmem>>[vector<16xi32>, vector<16xi32>, vector<16xi32>], vector<16xf32>,
        %parallel_loop3A_1225 = arith.index_cast %parallel_loop3A_1216 : i32 to index
        %parallel_loop3A_1226 = arith.constant 16 : index
        %parallel_loop3A_1227 = tpu.vector_load %arg10[%parallel_loop3A_1225, %parallel_loop3A_1226] {strides = array<i32>} : memref<128x64xf32, #tpu.memory_space<vmem>>, vector<16xf32>,
        %parallel_loop3A_1228 = arith.constant 8.000000e+00 : f32
        %parallel_loop3A_1229 = vector.broadcast %parallel_loop3A_1228 : f32 to vector<16xf32>
        %parallel_loop3A_1230 = arith.mulf %parallel_loop3A_1227, %parallel_loop3A_1229 : vector<16xf32>
        %parallel_loop3A_1231 = arith.addf %parallel_loop3A_1230, %get3A_745 : vector<16xf32>
        tpu.vector_store_idx %arg16[%select_n3A_178, %select_n3A_288, %parallel_loop3A_1217], %parallel_loop3A_1231 : memref<8x8x136xf32, #tpu.memory_space<vmem>>[vector<16xi32>, vector<16xi32>, vector<16xi32>], vector<16xf32>,
        %parallel_loop3A_1232 = arith.index_cast %parallel_loop3A_1216 : i32 to index
        %parallel_loop3A_1233 = arith.constant 32 : index
        %parallel_loop3A_1234 = tpu.vector_load %arg10[%parallel_loop3A_1232, %parallel_loop3A_1233] {strides = array<i32>} : memref<128x64xf32, #tpu.memory_space<vmem>>, vector<16xf32>,
        %parallel_loop3A_1235 = arith.constant 8.000000e+00 : f32
        %parallel_loop3A_1236 = vector.broadcast %parallel_loop3A_1235 : f32 to vector<16xf32>
        %parallel_loop3A_1237 = arith.mulf %parallel_loop3A_1234, %parallel_loop3A_1236 : vector<16xf32>
        %parallel_loop3A_1238 = arith.addf %parallel_loop3A_1237, %get3A_748 : vector<16xf32>
        tpu.vector_store_idx %arg16[%select_n3A_212, %select_n3A_310, %parallel_loop3A_1217], %parallel_loop3A_1238 : memref<8x8x136xf32, #tpu.memory_space<vmem>>[vector<16xi32>, vector<16xi32>, vector<16xi32>], vector<16xf32>,
        %parallel_loop3A_1239 = arith.index_cast %parallel_loop3A_1216 : i32 to index
        %parallel_loop3A_1240 = arith.constant 48 : index
        %parallel_loop3A_1241 = tpu.vector_load %arg10[%parallel_loop3A_1239, %parallel_loop3A_1240] {strides = array<i32>} : memref<128x64xf32, #tpu.memory_space<vmem>>, vector<16xf32>,
        %parallel_loop3A_1242 = arith.constant 8.000000e+00 : f32
        %parallel_loop3A_1243 = vector.broadcast %parallel_loop3A_1242 : f32 to vector<16xf32>
        %parallel_loop3A_1244 = arith.mulf %parallel_loop3A_1241, %parallel_loop3A_1243 : vector<16xf32>
        %parallel_loop3A_1245 = arith.addf %parallel_loop3A_1244, %get3A_751 : vector<16xf32>
        tpu.vector_store_idx %arg16[%select_n3A_246, %select_n3A_332, %parallel_loop3A_1217], %parallel_loop3A_1245 : memref<8x8x136xf32, #tpu.memory_space<vmem>>[vector<16xi32>, vector<16xi32>, vector<16xi32>], vector<16xf32>,
      } {sc.loop_unroll_factor = 8 : i64, sc.parallel_access}
      %dma_start3A_755 = arith.constant 0 : i32
      %dma_start3A_756 = arith.constant 0 : i32
      %dma_start3A_757 = arith.constant 0 : i32
      %dma_start3A_758 = tpu.memref_slice %arg16[%dma_start3A_755, %dma_start3A_756, %dma_start3A_757] : memref<8x8x136xf32, #tpu.memory_space<vmem>> -> memref<8x8x128xf32, #tpu.memory_space<vmem>>
      %dma_start3A_759 = arith.constant 0 : i32
      %dma_start3A_760 = arith.constant 0 : i32
      %dma_start3A_761 = arith.constant 0 : i32
      %dma_start3A_762 = tpu.memref_slice %arg5[%add3A_674, %dma_start3A_759, %add3A, %dma_start3A_760, %dma_start3A_761] : memref<200x8x32x8x128xf32, #tpu.memory_space<hbm>> -> memref<1x8x1x8x128xf32, #tpu.memory_space<hbm>>
      %dma_start3A_763 = tpu.memref_squeeze %dma_start3A_762 : memref<1x8x1x8x128xf32, #tpu.memory_space<hbm>> -> memref<8x8x128xf32, #tpu.memory_space<hbm>>
      %dma_start3A_764 = arith.constant 0 : i32
      %dma_start3A_765 = arith.constant 0 : i32
      %dma_start3A_766 = arith.constant 0 : i32
      %dma_start3A_767 = tpu.memref_slice %arg5[%add3A_674, %dma_start3A_764, %add3A, %dma_start3A_765, %dma_start3A_766] : memref<200x8x32x8x128xf32, #tpu.memory_space<hbm>> -> memref<1x8x1x8x128xf32, #tpu.memory_space<hbm>>
      %dma_start3A_768 = tpu.memref_squeeze %dma_start3A_767 : memref<1x8x1x8x128xf32, #tpu.memory_space<hbm>> -> memref<8x8x128xf32, #tpu.memory_space<hbm>>
      %dma_start3A_769 = arith.constant 0 : i32
      %dma_start3A_770 = arith.constant 0 : i32
      %dma_start3A_771 = arith.constant 0 : i32
      %dma_start3A_772 = tpu.memref_slice %arg16[%dma_start3A_769, %dma_start3A_770, %dma_start3A_771] : memref<8x8x136xf32, #tpu.memory_space<vmem>> -> memref<8x8x128xf32, #tpu.memory_space<vmem>>
      tpu.enqueue_dma source(%dma_start3A_772 : memref<8x8x128xf32, #tpu.memory_space<vmem>>) target(%dma_start3A_768 : memref<8x8x128xf32, #tpu.memory_space<hbm>>) target_semaphore(%arg28 : memref<!tpu.dma_semaphore, #tpu.memory_space<semaphore_mem>>)
      %add3A_773 = arith.constant 6 : i32
      %add3A_774 = arith.addi %add3A_674, %add3A_773 : i32
      %lt3A_775 = arith.constant 200 : i32
      %lt3A_776 = arith.cmpi slt, %add3A_774, %lt3A_775 : i32
      %convert_element_type3A_777 = arith.extui %lt3A_776 : i1 to i32
      %cond3A_778 = arith.constant 0 : i32
      %cond3A_779 = arith.cmpi ne, %convert_element_type3A_777, %cond3A_778 : i32
      scf.if %cond3A_779 {
        %add3A_1216 = arith.constant 6 : i32
        %add3A_1217 = arith.addi %add3A_674, %add3A_1216 : i32
        %jit3A_1218 = arith.constant 8 : i32
        %div3A_1219 = arith.divsi %add3A_1217, %jit3A_1218 : i32
        %sign3A_1220 = arith.constant 0 : i32
        %sign3A_1221 = arith.cmpi sgt, %add3A_1217, %sign3A_1220 : i32
        %sign3A_1222 = arith.extui %sign3A_1221 : i1 to i32
        %sign3A_1223 = arith.constant 0 : i32
        %sign3A_1224 = arith.cmpi slt, %add3A_1217, %sign3A_1223 : i32
        %sign3A_1225 = arith.extui %sign3A_1224 : i1 to i32
        %sign3A_1226 = arith.subi %sign3A_1222, %sign3A_1225 : i32
        %sign3A_1227 = arith.constant 0 : i32
        %sign3A_1228 = arith.cmpi sgt, %jit3A_1218, %sign3A_1227 : i32
        %sign3A_1229 = arith.extui %sign3A_1228 : i1 to i32
        %sign3A_1230 = arith.constant 0 : i32
        %sign3A_1231 = arith.cmpi slt, %jit3A_1218, %sign3A_1230 : i32
        %sign3A_1232 = arith.extui %sign3A_1231 : i1 to i32
        %sign3A_1233 = arith.subi %sign3A_1229, %sign3A_1232 : i32
        %ne3A_1234 = arith.cmpi ne, %sign3A_1226, %sign3A_1233 : i32
        %rem3A_1235 = arith.remsi %add3A_1217, %jit3A_1218 : i32
        %ne3A_1236 = arith.constant 0 : i32
        %ne3A_1237 = arith.cmpi ne, %rem3A_1235, %ne3A_1236 : i32
        %and3A_1238 = arith.andi %ne3A_1234, %ne3A_1237 : i1
        %sub3A_1239 = arith.constant 1 : i32
        %sub3A_1240 = arith.subi %div3A_1219, %sub3A_1239 : i32
        %select_n3A_1241 = arith.select %and3A_1238, %sub3A_1240, %div3A_1219 : i32
        %jit3A_1242 = arith.constant 8 : i32
        %eq3A_1243 = arith.constant 0 : i32
        %eq3A_1244 = arith.cmpi eq, %jit3A_1242, %eq3A_1243 : i32
        %jit3A_1245 = arith.constant 1 : i32
        %select_n3A_1246 = arith.select %eq3A_1244, %jit3A_1245, %jit3A_1242 : i32
        %rem3A_1247 = arith.remsi %add3A_1217, %select_n3A_1246 : i32
        %ne3A_1248 = arith.constant 0 : i32
        %ne3A_1249 = arith.cmpi ne, %rem3A_1247, %ne3A_1248 : i32
        %lt3A_1250 = arith.constant 0 : i32
        %lt3A_1251 = arith.cmpi slt, %rem3A_1247, %lt3A_1250 : i32
        %lt3A_1252 = arith.constant 0 : i32
        %lt3A_1253 = arith.cmpi slt, %select_n3A_1246, %lt3A_1252 : i32
        %ne3A_1254 = arith.xori %lt3A_1251, %lt3A_1253 : i1
        %and3A_1255 = arith.andi %ne3A_1254, %ne3A_1249 : i1
        %add3A_1256 = arith.addi %rem3A_1247, %select_n3A_1246 : i32
        %select_n3A_1257 = arith.select %and3A_1255, %add3A_1256, %rem3A_1247 : i32
        %dma_start3A_1258 = arith.constant 0 : i32
        %dma_start3A_1259 = tpu.memref_slice %arg6[%select_n3A_1241, %select_n3A_1257, %dma_start3A_1258] : memref<25x8x128xi32, #tpu.memory_space<vmem>> -> memref<1x1x128xi32, #tpu.memory_space<vmem>>
        %dma_start3A_1260 = tpu.memref_squeeze %dma_start3A_1259 : memref<1x1x128xi32, #tpu.memory_space<vmem>> -> memref<128xi32, #tpu.memory_space<vmem>>
        %dma_start3A_1261 = arith.constant 0 : i32
        %dma_start3A_1262 = arith.constant 0 : i32
        %dma_start3A_1263 = tpu.memref_slice %arg3[%dma_start3A_1261, %dma_start3A_1262] : memref<100000x64xf32, #tpu.memory_space<hbm>> -> memref<100000x64xf32, #tpu.memory_space<hbm>>
        tpu.enqueue_indirect_dma source(%dma_start3A_1263 : memref<100000x64xf32, #tpu.memory_space<hbm>>) target(%arg8 : memref<128x64xf32, #tpu.memory_space<vmem>>) offsets(%dma_start3A_1260 : memref<128xi32, #tpu.memory_space<vmem>>) semaphore(%arg20 : memref<!tpu.dma_semaphore, #tpu.memory_space<semaphore_mem>>)
      } else {
      }
      %mul3A_780 = arith.constant 8 : i32
      %mul3A_781 = arith.muli %mul3A_780, %scan3A_376 : i32
      %add3A_782 = arith.constant 4 : i32
      %add3A_783 = arith.addi %mul3A_781, %add3A_782 : i32
      %jit3A_784 = arith.constant 8 : i32
      %div3A_785 = arith.divsi %add3A_783, %jit3A_784 : i32
      %sign3A_786 = arith.constant 0 : i32
      %sign3A_787 = arith.cmpi sgt, %add3A_783, %sign3A_786 : i32
      %sign3A_788 = arith.extui %sign3A_787 : i1 to i32
      %sign3A_789 = arith.constant 0 : i32
      %sign3A_790 = arith.cmpi slt, %add3A_783, %sign3A_789 : i32
      %sign3A_791 = arith.extui %sign3A_790 : i1 to i32
      %sign3A_792 = arith.subi %sign3A_788, %sign3A_791 : i32
      %sign3A_793 = arith.constant 0 : i32
      %sign3A_794 = arith.cmpi sgt, %jit3A_784, %sign3A_793 : i32
      %sign3A_795 = arith.extui %sign3A_794 : i1 to i32
      %sign3A_796 = arith.constant 0 : i32
      %sign3A_797 = arith.cmpi slt, %jit3A_784, %sign3A_796 : i32
      %sign3A_798 = arith.extui %sign3A_797 : i1 to i32
      %sign3A_799 = arith.subi %sign3A_795, %sign3A_798 : i32
      %ne3A_800 = arith.cmpi ne, %sign3A_792, %sign3A_799 : i32
      %rem3A_801 = arith.remsi %add3A_783, %jit3A_784 : i32
      %ne3A_802 = arith.constant 0 : i32
      %ne3A_803 = arith.cmpi ne, %rem3A_801, %ne3A_802 : i32
      %and3A_804 = arith.andi %ne3A_800, %ne3A_803 : i1
      %sub3A_805 = arith.constant 1 : i32
      %sub3A_806 = arith.subi %div3A_785, %sub3A_805 : i32
      %select_n3A_807 = arith.select %and3A_804, %sub3A_806, %div3A_785 : i32
      %jit3A_808 = arith.constant 8 : i32
      %eq3A_809 = arith.constant 0 : i32
      %eq3A_810 = arith.cmpi eq, %jit3A_808, %eq3A_809 : i32
      %jit3A_811 = arith.constant 1 : i32
      %select_n3A_812 = arith.select %eq3A_810, %jit3A_811, %jit3A_808 : i32
      %rem3A_813 = arith.remsi %add3A_783, %select_n3A_812 : i32
      %ne3A_814 = arith.constant 0 : i32
      %ne3A_815 = arith.cmpi ne, %rem3A_813, %ne3A_814 : i32
      %lt3A_816 = arith.constant 0 : i32
      %lt3A_817 = arith.cmpi slt, %rem3A_813, %lt3A_816 : i32
      %lt3A_818 = arith.constant 0 : i32
      %lt3A_819 = arith.cmpi slt, %select_n3A_812, %lt3A_818 : i32
      %ne3A_820 = arith.xori %lt3A_817, %lt3A_819 : i1
      %and3A_821 = arith.andi %ne3A_820, %ne3A_815 : i1
      %add3A_822 = arith.addi %rem3A_813, %select_n3A_812 : i32
      %select_n3A_823 = arith.select %and3A_821, %add3A_822, %rem3A_813 : i32
      %dma_wait3A_824 = arith.constant 0 : i32
      %dma_wait3A_825 = tpu.memref_slice %arg6[%select_n3A_807, %select_n3A_823, %dma_wait3A_824] : memref<25x8x128xi32, #tpu.memory_space<vmem>> -> memref<1x1x128xi32, #tpu.memory_space<vmem>>
      %dma_wait3A_826 = tpu.memref_squeeze %dma_wait3A_825 : memref<1x1x128xi32, #tpu.memory_space<vmem>> -> memref<128xi32, #tpu.memory_space<vmem>>
      %dma_wait3A_827 = arith.constant 0 : i32
      %dma_wait3A_828 = arith.constant 0 : i32
      %dma_wait3A_829 = tpu.memref_slice %arg3[%dma_wait3A_827, %dma_wait3A_828] : memref<100000x64xf32, #tpu.memory_space<hbm>> -> memref<100000x64xf32, #tpu.memory_space<hbm>>
      tpu.wait_indirect_dma semaphore(%arg23 : memref<!tpu.dma_semaphore, #tpu.memory_space<semaphore_mem>>) src(%dma_wait3A_829 : memref<100000x64xf32, #tpu.memory_space<hbm>>) dst(%arg11 : memref<128x64xf32, #tpu.memory_space<vmem>>)
      %dma_wait3A_830 = arith.constant 0 : i32
      %dma_wait3A_831 = arith.constant 0 : i32
      %dma_wait3A_832 = arith.constant 0 : i32
      %dma_wait3A_833 = arith.constant 0 : i32
      %dma_wait3A_834 = tpu.memref_slice %arg15[%dma_wait3A_831, %dma_wait3A_832, %dma_wait3A_833] : memref<8x8x136xf32, #tpu.memory_space<vmem>> -> memref<8x8x128xf32, #tpu.memory_space<vmem>>
      %dma_wait3A_835 = arith.constant 0 : i32
      %dma_wait3A_836 = arith.constant 0 : i32
      %dma_wait3A_837 = arith.constant 0 : i32
      %dma_wait3A_838 = tpu.memref_slice %arg5[%dma_wait3A_830, %dma_wait3A_835, %add3A, %dma_wait3A_836, %dma_wait3A_837] : memref<200x8x32x8x128xf32, #tpu.memory_space<hbm>> -> memref<1x8x1x8x128xf32, #tpu.memory_space<hbm>>
      %dma_wait3A_839 = tpu.memref_squeeze %dma_wait3A_838 : memref<1x8x1x8x128xf32, #tpu.memory_space<hbm>> -> memref<8x8x128xf32, #tpu.memory_space<hbm>>
      %dma_wait3A_840 = arith.constant 0 : i32
      %dma_wait3A_841 = arith.constant 0 : i32
      %dma_wait3A_842 = arith.constant 0 : i32
      %dma_wait3A_843 = tpu.memref_slice %arg5[%dma_wait3A_830, %dma_wait3A_840, %add3A, %dma_wait3A_841, %dma_wait3A_842] : memref<200x8x32x8x128xf32, #tpu.memory_space<hbm>> -> memref<1x8x1x8x128xf32, #tpu.memory_space<hbm>>
      %dma_wait3A_844 = tpu.memref_squeeze %dma_wait3A_843 : memref<1x8x1x8x128xf32, #tpu.memory_space<hbm>> -> memref<8x8x128xf32, #tpu.memory_space<hbm>>
      %dma_wait3A_845 = arith.constant 0 : i32
      %dma_wait3A_846 = arith.constant 0 : i32
      %dma_wait3A_847 = arith.constant 0 : i32
      %dma_wait3A_848 = tpu.memref_slice %arg15[%dma_wait3A_845, %dma_wait3A_846, %dma_wait3A_847] : memref<8x8x136xf32, #tpu.memory_space<vmem>> -> memref<8x8x128xf32, #tpu.memory_space<vmem>>
      tpu.wait_dma2 semaphore(%arg27 : memref<!tpu.dma_semaphore, #tpu.memory_space<semaphore_mem>>) src(%dma_wait3A_848 : memref<8x8x128xf32, #tpu.memory_space<vmem>>) dst(%dma_wait3A_844 : memref<8x8x128xf32, #tpu.memory_space<hbm>>)
      %get3A_849 = arith.index_cast %add3A_783 : i32 to index
      %get3A_850 = arith.constant 0 : index
      %get3A_851 = tpu.vector_load %arg17[%get3A_849, %get3A_850] {strides = array<i32>} : memref<200x64xf32, #tpu.memory_space<vmem>>, vector<16xf32>,
      %get3A_852 = arith.index_cast %add3A_783 : i32 to index
      %get3A_853 = arith.constant 16 : index
      %get3A_854 = tpu.vector_load %arg17[%get3A_852, %get3A_853] {strides = array<i32>} : memref<200x64xf32, #tpu.memory_space<vmem>>, vector<16xf32>,
      %get3A_855 = arith.index_cast %add3A_783 : i32 to index
      %get3A_856 = arith.constant 32 : index
      %get3A_857 = tpu.vector_load %arg17[%get3A_855, %get3A_856] {strides = array<i32>} : memref<200x64xf32, #tpu.memory_space<vmem>>, vector<16xf32>,
      %get3A_858 = arith.index_cast %add3A_783 : i32 to index
      %get3A_859 = arith.constant 48 : index
      %get3A_860 = tpu.vector_load %arg17[%get3A_858, %get3A_859] {strides = array<i32>} : memref<200x64xf32, #tpu.memory_space<vmem>>, vector<16xf32>,
      %parallel_loop3A_861 = arith.constant 0 : i32
      %parallel_loop3A_862 = arith.constant 128 : i32
      %parallel_loop3A_863 = arith.constant 1 : i32
      scf.for %parallel_loop3A_1216 = %parallel_loop3A_861 to %parallel_loop3A_862 step %parallel_loop3A_863  : i32 {
        %parallel_loop3A_1217 = vector.broadcast %parallel_loop3A_1216 : i32 to vector<16xi32>
        %parallel_loop3A_1218 = arith.index_cast %parallel_loop3A_1216 : i32 to index
        %parallel_loop3A_1219 = arith.constant 0 : index
        %parallel_loop3A_1220 = tpu.vector_load %arg11[%parallel_loop3A_1218, %parallel_loop3A_1219] {strides = array<i32>} : memref<128x64xf32, #tpu.memory_space<vmem>>, vector<16xf32>,
        %parallel_loop3A_1221 = arith.constant 8.000000e+00 : f32
        %parallel_loop3A_1222 = vector.broadcast %parallel_loop3A_1221 : f32 to vector<16xf32>
        %parallel_loop3A_1223 = arith.mulf %parallel_loop3A_1220, %parallel_loop3A_1222 : vector<16xf32>
        %parallel_loop3A_1224 = arith.addf %parallel_loop3A_1223, %get3A_851 : vector<16xf32>
        tpu.vector_store_idx %arg15[%select_n3A, %select_n3A_266, %parallel_loop3A_1217], %parallel_loop3A_1224 : memref<8x8x136xf32, #tpu.memory_space<vmem>>[vector<16xi32>, vector<16xi32>, vector<16xi32>], vector<16xf32>,
        %parallel_loop3A_1225 = arith.index_cast %parallel_loop3A_1216 : i32 to index
        %parallel_loop3A_1226 = arith.constant 16 : index
        %parallel_loop3A_1227 = tpu.vector_load %arg11[%parallel_loop3A_1225, %parallel_loop3A_1226] {strides = array<i32>} : memref<128x64xf32, #tpu.memory_space<vmem>>, vector<16xf32>,
        %parallel_loop3A_1228 = arith.constant 8.000000e+00 : f32
        %parallel_loop3A_1229 = vector.broadcast %parallel_loop3A_1228 : f32 to vector<16xf32>
        %parallel_loop3A_1230 = arith.mulf %parallel_loop3A_1227, %parallel_loop3A_1229 : vector<16xf32>
        %parallel_loop3A_1231 = arith.addf %parallel_loop3A_1230, %get3A_854 : vector<16xf32>
        tpu.vector_store_idx %arg15[%select_n3A_178, %select_n3A_288, %parallel_loop3A_1217], %parallel_loop3A_1231 : memref<8x8x136xf32, #tpu.memory_space<vmem>>[vector<16xi32>, vector<16xi32>, vector<16xi32>], vector<16xf32>,
        %parallel_loop3A_1232 = arith.index_cast %parallel_loop3A_1216 : i32 to index
        %parallel_loop3A_1233 = arith.constant 32 : index
        %parallel_loop3A_1234 = tpu.vector_load %arg11[%parallel_loop3A_1232, %parallel_loop3A_1233] {strides = array<i32>} : memref<128x64xf32, #tpu.memory_space<vmem>>, vector<16xf32>,
        %parallel_loop3A_1235 = arith.constant 8.000000e+00 : f32
        %parallel_loop3A_1236 = vector.broadcast %parallel_loop3A_1235 : f32 to vector<16xf32>
        %parallel_loop3A_1237 = arith.mulf %parallel_loop3A_1234, %parallel_loop3A_1236 : vector<16xf32>
        %parallel_loop3A_1238 = arith.addf %parallel_loop3A_1237, %get3A_857 : vector<16xf32>
        tpu.vector_store_idx %arg15[%select_n3A_212, %select_n3A_310, %parallel_loop3A_1217], %parallel_loop3A_1238 : memref<8x8x136xf32, #tpu.memory_space<vmem>>[vector<16xi32>, vector<16xi32>, vector<16xi32>], vector<16xf32>,
        %parallel_loop3A_1239 = arith.index_cast %parallel_loop3A_1216 : i32 to index
        %parallel_loop3A_1240 = arith.constant 48 : index
        %parallel_loop3A_1241 = tpu.vector_load %arg11[%parallel_loop3A_1239, %parallel_loop3A_1240] {strides = array<i32>} : memref<128x64xf32, #tpu.memory_space<vmem>>, vector<16xf32>,
        %parallel_loop3A_1242 = arith.constant 8.000000e+00 : f32
        %parallel_loop3A_1243 = vector.broadcast %parallel_loop3A_1242 : f32 to vector<16xf32>
        %parallel_loop3A_1244 = arith.mulf %parallel_loop3A_1241, %parallel_loop3A_1243 : vector<16xf32>
        %parallel_loop3A_1245 = arith.addf %parallel_loop3A_1244, %get3A_860 : vector<16xf32>
        tpu.vector_store_idx %arg15[%select_n3A_246, %select_n3A_332, %parallel_loop3A_1217], %parallel_loop3A_1245 : memref<8x8x136xf32, #tpu.memory_space<vmem>>[vector<16xi32>, vector<16xi32>, vector<16xi32>], vector<16xf32>,
      } {sc.loop_unroll_factor = 8 : i64, sc.parallel_access}
      %dma_start3A_864 = arith.constant 0 : i32
      %dma_start3A_865 = arith.constant 0 : i32
      %dma_start3A_866 = arith.constant 0 : i32
      %dma_start3A_867 = tpu.memref_slice %arg15[%dma_start3A_864, %dma_start3A_865, %dma_start3A_866] : memref<8x8x136xf32, #tpu.memory_space<vmem>> -> memref<8x8x128xf32, #tpu.memory_space<vmem>>
      %dma_start3A_868 = arith.constant 0 : i32
      %dma_start3A_869 = arith.constant 0 : i32
      %dma_start3A_870 = arith.constant 0 : i32
      %dma_start3A_871 = tpu.memref_slice %arg5[%add3A_783, %dma_start3A_868, %add3A, %dma_start3A_869, %dma_start3A_870] : memref<200x8x32x8x128xf32, #tpu.memory_space<hbm>> -> memref<1x8x1x8x128xf32, #tpu.memory_space<hbm>>
      %dma_start3A_872 = tpu.memref_squeeze %dma_start3A_871 : memref<1x8x1x8x128xf32, #tpu.memory_space<hbm>> -> memref<8x8x128xf32, #tpu.memory_space<hbm>>
      %dma_start3A_873 = arith.constant 0 : i32
      %dma_start3A_874 = arith.constant 0 : i32
      %dma_start3A_875 = arith.constant 0 : i32
      %dma_start3A_876 = tpu.memref_slice %arg5[%add3A_783, %dma_start3A_873, %add3A, %dma_start3A_874, %dma_start3A_875] : memref<200x8x32x8x128xf32, #tpu.memory_space<hbm>> -> memref<1x8x1x8x128xf32, #tpu.memory_space<hbm>>
      %dma_start3A_877 = tpu.memref_squeeze %dma_start3A_876 : memref<1x8x1x8x128xf32, #tpu.memory_space<hbm>> -> memref<8x8x128xf32, #tpu.memory_space<hbm>>
      %dma_start3A_878 = arith.constant 0 : i32
      %dma_start3A_879 = arith.constant 0 : i32
      %dma_start3A_880 = arith.constant 0 : i32
      %dma_start3A_881 = tpu.memref_slice %arg15[%dma_start3A_878, %dma_start3A_879, %dma_start3A_880] : memref<8x8x136xf32, #tpu.memory_space<vmem>> -> memref<8x8x128xf32, #tpu.memory_space<vmem>>
      tpu.enqueue_dma source(%dma_start3A_881 : memref<8x8x128xf32, #tpu.memory_space<vmem>>) target(%dma_start3A_877 : memref<8x8x128xf32, #tpu.memory_space<hbm>>) target_semaphore(%arg27 : memref<!tpu.dma_semaphore, #tpu.memory_space<semaphore_mem>>)
      %add3A_882 = arith.constant 6 : i32
      %add3A_883 = arith.addi %add3A_783, %add3A_882 : i32
      %lt3A_884 = arith.constant 200 : i32
      %lt3A_885 = arith.cmpi slt, %add3A_883, %lt3A_884 : i32
      %convert_element_type3A_886 = arith.extui %lt3A_885 : i1 to i32
      %cond3A_887 = arith.constant 0 : i32
      %cond3A_888 = arith.cmpi ne, %convert_element_type3A_886, %cond3A_887 : i32
      scf.if %cond3A_888 {
        %add3A_1216 = arith.constant 6 : i32
        %add3A_1217 = arith.addi %add3A_783, %add3A_1216 : i32
        %jit3A_1218 = arith.constant 8 : i32
        %div3A_1219 = arith.divsi %add3A_1217, %jit3A_1218 : i32
        %sign3A_1220 = arith.constant 0 : i32
        %sign3A_1221 = arith.cmpi sgt, %add3A_1217, %sign3A_1220 : i32
        %sign3A_1222 = arith.extui %sign3A_1221 : i1 to i32
        %sign3A_1223 = arith.constant 0 : i32
        %sign3A_1224 = arith.cmpi slt, %add3A_1217, %sign3A_1223 : i32
        %sign3A_1225 = arith.extui %sign3A_1224 : i1 to i32
        %sign3A_1226 = arith.subi %sign3A_1222, %sign3A_1225 : i32
        %sign3A_1227 = arith.constant 0 : i32
        %sign3A_1228 = arith.cmpi sgt, %jit3A_1218, %sign3A_1227 : i32
        %sign3A_1229 = arith.extui %sign3A_1228 : i1 to i32
        %sign3A_1230 = arith.constant 0 : i32
        %sign3A_1231 = arith.cmpi slt, %jit3A_1218, %sign3A_1230 : i32
        %sign3A_1232 = arith.extui %sign3A_1231 : i1 to i32
        %sign3A_1233 = arith.subi %sign3A_1229, %sign3A_1232 : i32
        %ne3A_1234 = arith.cmpi ne, %sign3A_1226, %sign3A_1233 : i32
        %rem3A_1235 = arith.remsi %add3A_1217, %jit3A_1218 : i32
        %ne3A_1236 = arith.constant 0 : i32
        %ne3A_1237 = arith.cmpi ne, %rem3A_1235, %ne3A_1236 : i32
        %and3A_1238 = arith.andi %ne3A_1234, %ne3A_1237 : i1
        %sub3A_1239 = arith.constant 1 : i32
        %sub3A_1240 = arith.subi %div3A_1219, %sub3A_1239 : i32
        %select_n3A_1241 = arith.select %and3A_1238, %sub3A_1240, %div3A_1219 : i32
        %jit3A_1242 = arith.constant 8 : i32
        %eq3A_1243 = arith.constant 0 : i32
        %eq3A_1244 = arith.cmpi eq, %jit3A_1242, %eq3A_1243 : i32
        %jit3A_1245 = arith.constant 1 : i32
        %select_n3A_1246 = arith.select %eq3A_1244, %jit3A_1245, %jit3A_1242 : i32
        %rem3A_1247 = arith.remsi %add3A_1217, %select_n3A_1246 : i32
        %ne3A_1248 = arith.constant 0 : i32
        %ne3A_1249 = arith.cmpi ne, %rem3A_1247, %ne3A_1248 : i32
        %lt3A_1250 = arith.constant 0 : i32
        %lt3A_1251 = arith.cmpi slt, %rem3A_1247, %lt3A_1250 : i32
        %lt3A_1252 = arith.constant 0 : i32
        %lt3A_1253 = arith.cmpi slt, %select_n3A_1246, %lt3A_1252 : i32
        %ne3A_1254 = arith.xori %lt3A_1251, %lt3A_1253 : i1
        %and3A_1255 = arith.andi %ne3A_1254, %ne3A_1249 : i1
        %add3A_1256 = arith.addi %rem3A_1247, %select_n3A_1246 : i32
        %select_n3A_1257 = arith.select %and3A_1255, %add3A_1256, %rem3A_1247 : i32
        %dma_start3A_1258 = arith.constant 0 : i32
        %dma_start3A_1259 = tpu.memref_slice %arg6[%select_n3A_1241, %select_n3A_1257, %dma_start3A_1258] : memref<25x8x128xi32, #tpu.memory_space<vmem>> -> memref<1x1x128xi32, #tpu.memory_space<vmem>>
        %dma_start3A_1260 = tpu.memref_squeeze %dma_start3A_1259 : memref<1x1x128xi32, #tpu.memory_space<vmem>> -> memref<128xi32, #tpu.memory_space<vmem>>
        %dma_start3A_1261 = arith.constant 0 : i32
        %dma_start3A_1262 = arith.constant 0 : i32
        %dma_start3A_1263 = tpu.memref_slice %arg3[%dma_start3A_1261, %dma_start3A_1262] : memref<100000x64xf32, #tpu.memory_space<hbm>> -> memref<100000x64xf32, #tpu.memory_space<hbm>>
        tpu.enqueue_indirect_dma source(%dma_start3A_1263 : memref<100000x64xf32, #tpu.memory_space<hbm>>) target(%arg9 : memref<128x64xf32, #tpu.memory_space<vmem>>) offsets(%dma_start3A_1260 : memref<128xi32, #tpu.memory_space<vmem>>) semaphore(%arg21 : memref<!tpu.dma_semaphore, #tpu.memory_space<semaphore_mem>>)
      } else {
      }
      %mul3A_889 = arith.constant 8 : i32
      %mul3A_890 = arith.muli %mul3A_889, %scan3A_376 : i32
      %add3A_891 = arith.constant 5 : i32
      %add3A_892 = arith.addi %mul3A_890, %add3A_891 : i32
      %jit3A_893 = arith.constant 8 : i32
      %div3A_894 = arith.divsi %add3A_892, %jit3A_893 : i32
      %sign3A_895 = arith.constant 0 : i32
      %sign3A_896 = arith.cmpi sgt, %add3A_892, %sign3A_895 : i32
      %sign3A_897 = arith.extui %sign3A_896 : i1 to i32
      %sign3A_898 = arith.constant 0 : i32
      %sign3A_899 = arith.cmpi slt, %add3A_892, %sign3A_898 : i32
      %sign3A_900 = arith.extui %sign3A_899 : i1 to i32
      %sign3A_901 = arith.subi %sign3A_897, %sign3A_900 : i32
      %sign3A_902 = arith.constant 0 : i32
      %sign3A_903 = arith.cmpi sgt, %jit3A_893, %sign3A_902 : i32
      %sign3A_904 = arith.extui %sign3A_903 : i1 to i32
      %sign3A_905 = arith.constant 0 : i32
      %sign3A_906 = arith.cmpi slt, %jit3A_893, %sign3A_905 : i32
      %sign3A_907 = arith.extui %sign3A_906 : i1 to i32
      %sign3A_908 = arith.subi %sign3A_904, %sign3A_907 : i32
      %ne3A_909 = arith.cmpi ne, %sign3A_901, %sign3A_908 : i32
      %rem3A_910 = arith.remsi %add3A_892, %jit3A_893 : i32
      %ne3A_911 = arith.constant 0 : i32
      %ne3A_912 = arith.cmpi ne, %rem3A_910, %ne3A_911 : i32
      %and3A_913 = arith.andi %ne3A_909, %ne3A_912 : i1
      %sub3A_914 = arith.constant 1 : i32
      %sub3A_915 = arith.subi %div3A_894, %sub3A_914 : i32
      %select_n3A_916 = arith.select %and3A_913, %sub3A_915, %div3A_894 : i32
      %jit3A_917 = arith.constant 8 : i32
      %eq3A_918 = arith.constant 0 : i32
      %eq3A_919 = arith.cmpi eq, %jit3A_917, %eq3A_918 : i32
      %jit3A_920 = arith.constant 1 : i32
      %select_n3A_921 = arith.select %eq3A_919, %jit3A_920, %jit3A_917 : i32
      %rem3A_922 = arith.remsi %add3A_892, %select_n3A_921 : i32
      %ne3A_923 = arith.constant 0 : i32
      %ne3A_924 = arith.cmpi ne, %rem3A_922, %ne3A_923 : i32
      %lt3A_925 = arith.constant 0 : i32
      %lt3A_926 = arith.cmpi slt, %rem3A_922, %lt3A_925 : i32
      %lt3A_927 = arith.constant 0 : i32
      %lt3A_928 = arith.cmpi slt, %select_n3A_921, %lt3A_927 : i32
      %ne3A_929 = arith.xori %lt3A_926, %lt3A_928 : i1
      %and3A_930 = arith.andi %ne3A_929, %ne3A_924 : i1
      %add3A_931 = arith.addi %rem3A_922, %select_n3A_921 : i32
      %select_n3A_932 = arith.select %and3A_930, %add3A_931, %rem3A_922 : i32
      %dma_wait3A_933 = arith.constant 0 : i32
      %dma_wait3A_934 = tpu.memref_slice %arg6[%select_n3A_916, %select_n3A_932, %dma_wait3A_933] : memref<25x8x128xi32, #tpu.memory_space<vmem>> -> memref<1x1x128xi32, #tpu.memory_space<vmem>>
      %dma_wait3A_935 = tpu.memref_squeeze %dma_wait3A_934 : memref<1x1x128xi32, #tpu.memory_space<vmem>> -> memref<128xi32, #tpu.memory_space<vmem>>
      %dma_wait3A_936 = arith.constant 0 : i32
      %dma_wait3A_937 = arith.constant 0 : i32
      %dma_wait3A_938 = tpu.memref_slice %arg3[%dma_wait3A_936, %dma_wait3A_937] : memref<100000x64xf32, #tpu.memory_space<hbm>> -> memref<100000x64xf32, #tpu.memory_space<hbm>>
      tpu.wait_indirect_dma semaphore(%arg24 : memref<!tpu.dma_semaphore, #tpu.memory_space<semaphore_mem>>) src(%dma_wait3A_938 : memref<100000x64xf32, #tpu.memory_space<hbm>>) dst(%arg12 : memref<128x64xf32, #tpu.memory_space<vmem>>)
      %dma_wait3A_939 = arith.constant 0 : i32
      %dma_wait3A_940 = arith.constant 0 : i32
      %dma_wait3A_941 = arith.constant 0 : i32
      %dma_wait3A_942 = arith.constant 0 : i32
      %dma_wait3A_943 = tpu.memref_slice %arg16[%dma_wait3A_940, %dma_wait3A_941, %dma_wait3A_942] : memref<8x8x136xf32, #tpu.memory_space<vmem>> -> memref<8x8x128xf32, #tpu.memory_space<vmem>>
      %dma_wait3A_944 = arith.constant 0 : i32
      %dma_wait3A_945 = arith.constant 0 : i32
      %dma_wait3A_946 = arith.constant 0 : i32
      %dma_wait3A_947 = tpu.memref_slice %arg5[%dma_wait3A_939, %dma_wait3A_944, %add3A, %dma_wait3A_945, %dma_wait3A_946] : memref<200x8x32x8x128xf32, #tpu.memory_space<hbm>> -> memref<1x8x1x8x128xf32, #tpu.memory_space<hbm>>
      %dma_wait3A_948 = tpu.memref_squeeze %dma_wait3A_947 : memref<1x8x1x8x128xf32, #tpu.memory_space<hbm>> -> memref<8x8x128xf32, #tpu.memory_space<hbm>>
      %dma_wait3A_949 = arith.constant 0 : i32
      %dma_wait3A_950 = arith.constant 0 : i32
      %dma_wait3A_951 = arith.constant 0 : i32
      %dma_wait3A_952 = tpu.memref_slice %arg5[%dma_wait3A_939, %dma_wait3A_949, %add3A, %dma_wait3A_950, %dma_wait3A_951] : memref<200x8x32x8x128xf32, #tpu.memory_space<hbm>> -> memref<1x8x1x8x128xf32, #tpu.memory_space<hbm>>
      %dma_wait3A_953 = tpu.memref_squeeze %dma_wait3A_952 : memref<1x8x1x8x128xf32, #tpu.memory_space<hbm>> -> memref<8x8x128xf32, #tpu.memory_space<hbm>>
      %dma_wait3A_954 = arith.constant 0 : i32
      %dma_wait3A_955 = arith.constant 0 : i32
      %dma_wait3A_956 = arith.constant 0 : i32
      %dma_wait3A_957 = tpu.memref_slice %arg16[%dma_wait3A_954, %dma_wait3A_955, %dma_wait3A_956] : memref<8x8x136xf32, #tpu.memory_space<vmem>> -> memref<8x8x128xf32, #tpu.memory_space<vmem>>
      tpu.wait_dma2 semaphore(%arg28 : memref<!tpu.dma_semaphore, #tpu.memory_space<semaphore_mem>>) src(%dma_wait3A_957 : memref<8x8x128xf32, #tpu.memory_space<vmem>>) dst(%dma_wait3A_953 : memref<8x8x128xf32, #tpu.memory_space<hbm>>)
      %get3A_958 = arith.index_cast %add3A_892 : i32 to index
      %get3A_959 = arith.constant 0 : index
      %get3A_960 = tpu.vector_load %arg17[%get3A_958, %get3A_959] {strides = array<i32>} : memref<200x64xf32, #tpu.memory_space<vmem>>, vector<16xf32>,
      %get3A_961 = arith.index_cast %add3A_892 : i32 to index
      %get3A_962 = arith.constant 16 : index
      %get3A_963 = tpu.vector_load %arg17[%get3A_961, %get3A_962] {strides = array<i32>} : memref<200x64xf32, #tpu.memory_space<vmem>>, vector<16xf32>,
      %get3A_964 = arith.index_cast %add3A_892 : i32 to index
      %get3A_965 = arith.constant 32 : index
      %get3A_966 = tpu.vector_load %arg17[%get3A_964, %get3A_965] {strides = array<i32>} : memref<200x64xf32, #tpu.memory_space<vmem>>, vector<16xf32>,
      %get3A_967 = arith.index_cast %add3A_892 : i32 to index
      %get3A_968 = arith.constant 48 : index
      %get3A_969 = tpu.vector_load %arg17[%get3A_967, %get3A_968] {strides = array<i32>} : memref<200x64xf32, #tpu.memory_space<vmem>>, vector<16xf32>,
      %parallel_loop3A_970 = arith.constant 0 : i32
      %parallel_loop3A_971 = arith.constant 128 : i32
      %parallel_loop3A_972 = arith.constant 1 : i32
      scf.for %parallel_loop3A_1216 = %parallel_loop3A_970 to %parallel_loop3A_971 step %parallel_loop3A_972  : i32 {
        %parallel_loop3A_1217 = vector.broadcast %parallel_loop3A_1216 : i32 to vector<16xi32>
        %parallel_loop3A_1218 = arith.index_cast %parallel_loop3A_1216 : i32 to index
        %parallel_loop3A_1219 = arith.constant 0 : index
        %parallel_loop3A_1220 = tpu.vector_load %arg12[%parallel_loop3A_1218, %parallel_loop3A_1219] {strides = array<i32>} : memref<128x64xf32, #tpu.memory_space<vmem>>, vector<16xf32>,
        %parallel_loop3A_1221 = arith.constant 8.000000e+00 : f32
        %parallel_loop3A_1222 = vector.broadcast %parallel_loop3A_1221 : f32 to vector<16xf32>
        %parallel_loop3A_1223 = arith.mulf %parallel_loop3A_1220, %parallel_loop3A_1222 : vector<16xf32>
        %parallel_loop3A_1224 = arith.addf %parallel_loop3A_1223, %get3A_960 : vector<16xf32>
        tpu.vector_store_idx %arg16[%select_n3A, %select_n3A_266, %parallel_loop3A_1217], %parallel_loop3A_1224 : memref<8x8x136xf32, #tpu.memory_space<vmem>>[vector<16xi32>, vector<16xi32>, vector<16xi32>], vector<16xf32>,
        %parallel_loop3A_1225 = arith.index_cast %parallel_loop3A_1216 : i32 to index
        %parallel_loop3A_1226 = arith.constant 16 : index
        %parallel_loop3A_1227 = tpu.vector_load %arg12[%parallel_loop3A_1225, %parallel_loop3A_1226] {strides = array<i32>} : memref<128x64xf32, #tpu.memory_space<vmem>>, vector<16xf32>,
        %parallel_loop3A_1228 = arith.constant 8.000000e+00 : f32
        %parallel_loop3A_1229 = vector.broadcast %parallel_loop3A_1228 : f32 to vector<16xf32>
        %parallel_loop3A_1230 = arith.mulf %parallel_loop3A_1227, %parallel_loop3A_1229 : vector<16xf32>
        %parallel_loop3A_1231 = arith.addf %parallel_loop3A_1230, %get3A_963 : vector<16xf32>
        tpu.vector_store_idx %arg16[%select_n3A_178, %select_n3A_288, %parallel_loop3A_1217], %parallel_loop3A_1231 : memref<8x8x136xf32, #tpu.memory_space<vmem>>[vector<16xi32>, vector<16xi32>, vector<16xi32>], vector<16xf32>,
        %parallel_loop3A_1232 = arith.index_cast %parallel_loop3A_1216 : i32 to index
        %parallel_loop3A_1233 = arith.constant 32 : index
        %parallel_loop3A_1234 = tpu.vector_load %arg12[%parallel_loop3A_1232, %parallel_loop3A_1233] {strides = array<i32>} : memref<128x64xf32, #tpu.memory_space<vmem>>, vector<16xf32>,
        %parallel_loop3A_1235 = arith.constant 8.000000e+00 : f32
        %parallel_loop3A_1236 = vector.broadcast %parallel_loop3A_1235 : f32 to vector<16xf32>
        %parallel_loop3A_1237 = arith.mulf %parallel_loop3A_1234, %parallel_loop3A_1236 : vector<16xf32>
        %parallel_loop3A_1238 = arith.addf %parallel_loop3A_1237, %get3A_966 : vector<16xf32>
        tpu.vector_store_idx %arg16[%select_n3A_212, %select_n3A_310, %parallel_loop3A_1217], %parallel_loop3A_1238 : memref<8x8x136xf32, #tpu.memory_space<vmem>>[vector<16xi32>, vector<16xi32>, vector<16xi32>], vector<16xf32>,
        %parallel_loop3A_1239 = arith.index_cast %parallel_loop3A_1216 : i32 to index
        %parallel_loop3A_1240 = arith.constant 48 : index
        %parallel_loop3A_1241 = tpu.vector_load %arg12[%parallel_loop3A_1239, %parallel_loop3A_1240] {strides = array<i32>} : memref<128x64xf32, #tpu.memory_space<vmem>>, vector<16xf32>,
        %parallel_loop3A_1242 = arith.constant 8.000000e+00 : f32
        %parallel_loop3A_1243 = vector.broadcast %parallel_loop3A_1242 : f32 to vector<16xf32>
        %parallel_loop3A_1244 = arith.mulf %parallel_loop3A_1241, %parallel_loop3A_1243 : vector<16xf32>
        %parallel_loop3A_1245 = arith.addf %parallel_loop3A_1244, %get3A_969 : vector<16xf32>
        tpu.vector_store_idx %arg16[%select_n3A_246, %select_n3A_332, %parallel_loop3A_1217], %parallel_loop3A_1245 : memref<8x8x136xf32, #tpu.memory_space<vmem>>[vector<16xi32>, vector<16xi32>, vector<16xi32>], vector<16xf32>,
      } {sc.loop_unroll_factor = 8 : i64, sc.parallel_access}
      %dma_start3A_973 = arith.constant 0 : i32
      %dma_start3A_974 = arith.constant 0 : i32
      %dma_start3A_975 = arith.constant 0 : i32
      %dma_start3A_976 = tpu.memref_slice %arg16[%dma_start3A_973, %dma_start3A_974, %dma_start3A_975] : memref<8x8x136xf32, #tpu.memory_space<vmem>> -> memref<8x8x128xf32, #tpu.memory_space<vmem>>
      %dma_start3A_977 = arith.constant 0 : i32
      %dma_start3A_978 = arith.constant 0 : i32
      %dma_start3A_979 = arith.constant 0 : i32
      %dma_start3A_980 = tpu.memref_slice %arg5[%add3A_892, %dma_start3A_977, %add3A, %dma_start3A_978, %dma_start3A_979] : memref<200x8x32x8x128xf32, #tpu.memory_space<hbm>> -> memref<1x8x1x8x128xf32, #tpu.memory_space<hbm>>
      %dma_start3A_981 = tpu.memref_squeeze %dma_start3A_980 : memref<1x8x1x8x128xf32, #tpu.memory_space<hbm>> -> memref<8x8x128xf32, #tpu.memory_space<hbm>>
      %dma_start3A_982 = arith.constant 0 : i32
      %dma_start3A_983 = arith.constant 0 : i32
      %dma_start3A_984 = arith.constant 0 : i32
      %dma_start3A_985 = tpu.memref_slice %arg5[%add3A_892, %dma_start3A_982, %add3A, %dma_start3A_983, %dma_start3A_984] : memref<200x8x32x8x128xf32, #tpu.memory_space<hbm>> -> memref<1x8x1x8x128xf32, #tpu.memory_space<hbm>>
      %dma_start3A_986 = tpu.memref_squeeze %dma_start3A_985 : memref<1x8x1x8x128xf32, #tpu.memory_space<hbm>> -> memref<8x8x128xf32, #tpu.memory_space<hbm>>
      %dma_start3A_987 = arith.constant 0 : i32
      %dma_start3A_988 = arith.constant 0 : i32
      %dma_start3A_989 = arith.constant 0 : i32
      %dma_start3A_990 = tpu.memref_slice %arg16[%dma_start3A_987, %dma_start3A_988, %dma_start3A_989] : memref<8x8x136xf32, #tpu.memory_space<vmem>> -> memref<8x8x128xf32, #tpu.memory_space<vmem>>
      tpu.enqueue_dma source(%dma_start3A_990 : memref<8x8x128xf32, #tpu.memory_space<vmem>>) target(%dma_start3A_986 : memref<8x8x128xf32, #tpu.memory_space<hbm>>) target_semaphore(%arg28 : memref<!tpu.dma_semaphore, #tpu.memory_space<semaphore_mem>>)
      %add3A_991 = arith.constant 6 : i32
      %add3A_992 = arith.addi %add3A_892, %add3A_991 : i32
      %lt3A_993 = arith.constant 200 : i32
      %lt3A_994 = arith.cmpi slt, %add3A_992, %lt3A_993 : i32
      %convert_element_type3A_995 = arith.extui %lt3A_994 : i1 to i32
      %cond3A_996 = arith.constant 0 : i32
      %cond3A_997 = arith.cmpi ne, %convert_element_type3A_995, %cond3A_996 : i32
      scf.if %cond3A_997 {
        %add3A_1216 = arith.constant 6 : i32
        %add3A_1217 = arith.addi %add3A_892, %add3A_1216 : i32
        %jit3A_1218 = arith.constant 8 : i32
        %div3A_1219 = arith.divsi %add3A_1217, %jit3A_1218 : i32
        %sign3A_1220 = arith.constant 0 : i32
        %sign3A_1221 = arith.cmpi sgt, %add3A_1217, %sign3A_1220 : i32
        %sign3A_1222 = arith.extui %sign3A_1221 : i1 to i32
        %sign3A_1223 = arith.constant 0 : i32
        %sign3A_1224 = arith.cmpi slt, %add3A_1217, %sign3A_1223 : i32
        %sign3A_1225 = arith.extui %sign3A_1224 : i1 to i32
        %sign3A_1226 = arith.subi %sign3A_1222, %sign3A_1225 : i32
        %sign3A_1227 = arith.constant 0 : i32
        %sign3A_1228 = arith.cmpi sgt, %jit3A_1218, %sign3A_1227 : i32
        %sign3A_1229 = arith.extui %sign3A_1228 : i1 to i32
        %sign3A_1230 = arith.constant 0 : i32
        %sign3A_1231 = arith.cmpi slt, %jit3A_1218, %sign3A_1230 : i32
        %sign3A_1232 = arith.extui %sign3A_1231 : i1 to i32
        %sign3A_1233 = arith.subi %sign3A_1229, %sign3A_1232 : i32
        %ne3A_1234 = arith.cmpi ne, %sign3A_1226, %sign3A_1233 : i32
        %rem3A_1235 = arith.remsi %add3A_1217, %jit3A_1218 : i32
        %ne3A_1236 = arith.constant 0 : i32
        %ne3A_1237 = arith.cmpi ne, %rem3A_1235, %ne3A_1236 : i32
        %and3A_1238 = arith.andi %ne3A_1234, %ne3A_1237 : i1
        %sub3A_1239 = arith.constant 1 : i32
        %sub3A_1240 = arith.subi %div3A_1219, %sub3A_1239 : i32
        %select_n3A_1241 = arith.select %and3A_1238, %sub3A_1240, %div3A_1219 : i32
        %jit3A_1242 = arith.constant 8 : i32
        %eq3A_1243 = arith.constant 0 : i32
        %eq3A_1244 = arith.cmpi eq, %jit3A_1242, %eq3A_1243 : i32
        %jit3A_1245 = arith.constant 1 : i32
        %select_n3A_1246 = arith.select %eq3A_1244, %jit3A_1245, %jit3A_1242 : i32
        %rem3A_1247 = arith.remsi %add3A_1217, %select_n3A_1246 : i32
        %ne3A_1248 = arith.constant 0 : i32
        %ne3A_1249 = arith.cmpi ne, %rem3A_1247, %ne3A_1248 : i32
        %lt3A_1250 = arith.constant 0 : i32
        %lt3A_1251 = arith.cmpi slt, %rem3A_1247, %lt3A_1250 : i32
        %lt3A_1252 = arith.constant 0 : i32
        %lt3A_1253 = arith.cmpi slt, %select_n3A_1246, %lt3A_1252 : i32
        %ne3A_1254 = arith.xori %lt3A_1251, %lt3A_1253 : i1
        %and3A_1255 = arith.andi %ne3A_1254, %ne3A_1249 : i1
        %add3A_1256 = arith.addi %rem3A_1247, %select_n3A_1246 : i32
        %select_n3A_1257 = arith.select %and3A_1255, %add3A_1256, %rem3A_1247 : i32
        %dma_start3A_1258 = arith.constant 0 : i32
        %dma_start3A_1259 = tpu.memref_slice %arg6[%select_n3A_1241, %select_n3A_1257, %dma_start3A_1258] : memref<25x8x128xi32, #tpu.memory_space<vmem>> -> memref<1x1x128xi32, #tpu.memory_space<vmem>>
        %dma_start3A_1260 = tpu.memref_squeeze %dma_start3A_1259 : memref<1x1x128xi32, #tpu.memory_space<vmem>> -> memref<128xi32, #tpu.memory_space<vmem>>
        %dma_start3A_1261 = arith.constant 0 : i32
        %dma_start3A_1262 = arith.constant 0 : i32
        %dma_start3A_1263 = tpu.memref_slice %arg3[%dma_start3A_1261, %dma_start3A_1262] : memref<100000x64xf32, #tpu.memory_space<hbm>> -> memref<100000x64xf32, #tpu.memory_space<hbm>>
        tpu.enqueue_indirect_dma source(%dma_start3A_1263 : memref<100000x64xf32, #tpu.memory_space<hbm>>) target(%arg10 : memref<128x64xf32, #tpu.memory_space<vmem>>) offsets(%dma_start3A_1260 : memref<128xi32, #tpu.memory_space<vmem>>) semaphore(%arg22 : memref<!tpu.dma_semaphore, #tpu.memory_space<semaphore_mem>>)
      } else {
      }
      %mul3A_998 = arith.constant 8 : i32
      %mul3A_999 = arith.muli %mul3A_998, %scan3A_376 : i32
      %add3A_1000 = arith.constant 6 : i32
      %add3A_1001 = arith.addi %mul3A_999, %add3A_1000 : i32
      %jit3A_1002 = arith.constant 8 : i32
      %div3A_1003 = arith.divsi %add3A_1001, %jit3A_1002 : i32
      %sign3A_1004 = arith.constant 0 : i32
      %sign3A_1005 = arith.cmpi sgt, %add3A_1001, %sign3A_1004 : i32
      %sign3A_1006 = arith.extui %sign3A_1005 : i1 to i32
      %sign3A_1007 = arith.constant 0 : i32
      %sign3A_1008 = arith.cmpi slt, %add3A_1001, %sign3A_1007 : i32
      %sign3A_1009 = arith.extui %sign3A_1008 : i1 to i32
      %sign3A_1010 = arith.subi %sign3A_1006, %sign3A_1009 : i32
      %sign3A_1011 = arith.constant 0 : i32
      %sign3A_1012 = arith.cmpi sgt, %jit3A_1002, %sign3A_1011 : i32
      %sign3A_1013 = arith.extui %sign3A_1012 : i1 to i32
      %sign3A_1014 = arith.constant 0 : i32
      %sign3A_1015 = arith.cmpi slt, %jit3A_1002, %sign3A_1014 : i32
      %sign3A_1016 = arith.extui %sign3A_1015 : i1 to i32
      %sign3A_1017 = arith.subi %sign3A_1013, %sign3A_1016 : i32
      %ne3A_1018 = arith.cmpi ne, %sign3A_1010, %sign3A_1017 : i32
      %rem3A_1019 = arith.remsi %add3A_1001, %jit3A_1002 : i32
      %ne3A_1020 = arith.constant 0 : i32
      %ne3A_1021 = arith.cmpi ne, %rem3A_1019, %ne3A_1020 : i32
      %and3A_1022 = arith.andi %ne3A_1018, %ne3A_1021 : i1
      %sub3A_1023 = arith.constant 1 : i32
      %sub3A_1024 = arith.subi %div3A_1003, %sub3A_1023 : i32
      %select_n3A_1025 = arith.select %and3A_1022, %sub3A_1024, %div3A_1003 : i32
      %jit3A_1026 = arith.constant 8 : i32
      %eq3A_1027 = arith.constant 0 : i32
      %eq3A_1028 = arith.cmpi eq, %jit3A_1026, %eq3A_1027 : i32
      %jit3A_1029 = arith.constant 1 : i32
      %select_n3A_1030 = arith.select %eq3A_1028, %jit3A_1029, %jit3A_1026 : i32
      %rem3A_1031 = arith.remsi %add3A_1001, %select_n3A_1030 : i32
      %ne3A_1032 = arith.constant 0 : i32
      %ne3A_1033 = arith.cmpi ne, %rem3A_1031, %ne3A_1032 : i32
      %lt3A_1034 = arith.constant 0 : i32
      %lt3A_1035 = arith.cmpi slt, %rem3A_1031, %lt3A_1034 : i32
      %lt3A_1036 = arith.constant 0 : i32
      %lt3A_1037 = arith.cmpi slt, %select_n3A_1030, %lt3A_1036 : i32
      %ne3A_1038 = arith.xori %lt3A_1035, %lt3A_1037 : i1
      %and3A_1039 = arith.andi %ne3A_1038, %ne3A_1033 : i1
      %add3A_1040 = arith.addi %rem3A_1031, %select_n3A_1030 : i32
      %select_n3A_1041 = arith.select %and3A_1039, %add3A_1040, %rem3A_1031 : i32
      %dma_wait3A_1042 = arith.constant 0 : i32
      %dma_wait3A_1043 = tpu.memref_slice %arg6[%select_n3A_1025, %select_n3A_1041, %dma_wait3A_1042] : memref<25x8x128xi32, #tpu.memory_space<vmem>> -> memref<1x1x128xi32, #tpu.memory_space<vmem>>
      %dma_wait3A_1044 = tpu.memref_squeeze %dma_wait3A_1043 : memref<1x1x128xi32, #tpu.memory_space<vmem>> -> memref<128xi32, #tpu.memory_space<vmem>>
      %dma_wait3A_1045 = arith.constant 0 : i32
      %dma_wait3A_1046 = arith.constant 0 : i32
      %dma_wait3A_1047 = tpu.memref_slice %arg3[%dma_wait3A_1045, %dma_wait3A_1046] : memref<100000x64xf32, #tpu.memory_space<hbm>> -> memref<100000x64xf32, #tpu.memory_space<hbm>>
      tpu.wait_indirect_dma semaphore(%arg25 : memref<!tpu.dma_semaphore, #tpu.memory_space<semaphore_mem>>) src(%dma_wait3A_1047 : memref<100000x64xf32, #tpu.memory_space<hbm>>) dst(%arg13 : memref<128x64xf32, #tpu.memory_space<vmem>>)
      %dma_wait3A_1048 = arith.constant 0 : i32
      %dma_wait3A_1049 = arith.constant 0 : i32
      %dma_wait3A_1050 = arith.constant 0 : i32
      %dma_wait3A_1051 = arith.constant 0 : i32
      %dma_wait3A_1052 = tpu.memref_slice %arg15[%dma_wait3A_1049, %dma_wait3A_1050, %dma_wait3A_1051] : memref<8x8x136xf32, #tpu.memory_space<vmem>> -> memref<8x8x128xf32, #tpu.memory_space<vmem>>
      %dma_wait3A_1053 = arith.constant 0 : i32
      %dma_wait3A_1054 = arith.constant 0 : i32
      %dma_wait3A_1055 = arith.constant 0 : i32
      %dma_wait3A_1056 = tpu.memref_slice %arg5[%dma_wait3A_1048, %dma_wait3A_1053, %add3A, %dma_wait3A_1054, %dma_wait3A_1055] : memref<200x8x32x8x128xf32, #tpu.memory_space<hbm>> -> memref<1x8x1x8x128xf32, #tpu.memory_space<hbm>>
      %dma_wait3A_1057 = tpu.memref_squeeze %dma_wait3A_1056 : memref<1x8x1x8x128xf32, #tpu.memory_space<hbm>> -> memref<8x8x128xf32, #tpu.memory_space<hbm>>
      %dma_wait3A_1058 = arith.constant 0 : i32
      %dma_wait3A_1059 = arith.constant 0 : i32
      %dma_wait3A_1060 = arith.constant 0 : i32
      %dma_wait3A_1061 = tpu.memref_slice %arg5[%dma_wait3A_1048, %dma_wait3A_1058, %add3A, %dma_wait3A_1059, %dma_wait3A_1060] : memref<200x8x32x8x128xf32, #tpu.memory_space<hbm>> -> memref<1x8x1x8x128xf32, #tpu.memory_space<hbm>>
      %dma_wait3A_1062 = tpu.memref_squeeze %dma_wait3A_1061 : memref<1x8x1x8x128xf32, #tpu.memory_space<hbm>> -> memref<8x8x128xf32, #tpu.memory_space<hbm>>
      %dma_wait3A_1063 = arith.constant 0 : i32
      %dma_wait3A_1064 = arith.constant 0 : i32
      %dma_wait3A_1065 = arith.constant 0 : i32
      %dma_wait3A_1066 = tpu.memref_slice %arg15[%dma_wait3A_1063, %dma_wait3A_1064, %dma_wait3A_1065] : memref<8x8x136xf32, #tpu.memory_space<vmem>> -> memref<8x8x128xf32, #tpu.memory_space<vmem>>
      tpu.wait_dma2 semaphore(%arg27 : memref<!tpu.dma_semaphore, #tpu.memory_space<semaphore_mem>>) src(%dma_wait3A_1066 : memref<8x8x128xf32, #tpu.memory_space<vmem>>) dst(%dma_wait3A_1062 : memref<8x8x128xf32, #tpu.memory_space<hbm>>)
      %get3A_1067 = arith.index_cast %add3A_1001 : i32 to index
      %get3A_1068 = arith.constant 0 : index
      %get3A_1069 = tpu.vector_load %arg17[%get3A_1067, %get3A_1068] {strides = array<i32>} : memref<200x64xf32, #tpu.memory_space<vmem>>, vector<16xf32>,
      %get3A_1070 = arith.index_cast %add3A_1001 : i32 to index
      %get3A_1071 = arith.constant 16 : index
      %get3A_1072 = tpu.vector_load %arg17[%get3A_1070, %get3A_1071] {strides = array<i32>} : memref<200x64xf32, #tpu.memory_space<vmem>>, vector<16xf32>,
      %get3A_1073 = arith.index_cast %add3A_1001 : i32 to index
      %get3A_1074 = arith.constant 32 : index
      %get3A_1075 = tpu.vector_load %arg17[%get3A_1073, %get3A_1074] {strides = array<i32>} : memref<200x64xf32, #tpu.memory_space<vmem>>, vector<16xf32>,
      %get3A_1076 = arith.index_cast %add3A_1001 : i32 to index
      %get3A_1077 = arith.constant 48 : index
      %get3A_1078 = tpu.vector_load %arg17[%get3A_1076, %get3A_1077] {strides = array<i32>} : memref<200x64xf32, #tpu.memory_space<vmem>>, vector<16xf32>,
      %parallel_loop3A_1079 = arith.constant 0 : i32
      %parallel_loop3A_1080 = arith.constant 128 : i32
      %parallel_loop3A_1081 = arith.constant 1 : i32
      scf.for %parallel_loop3A_1216 = %parallel_loop3A_1079 to %parallel_loop3A_1080 step %parallel_loop3A_1081  : i32 {
        %parallel_loop3A_1217 = vector.broadcast %parallel_loop3A_1216 : i32 to vector<16xi32>
        %parallel_loop3A_1218 = arith.index_cast %parallel_loop3A_1216 : i32 to index
        %parallel_loop3A_1219 = arith.constant 0 : index
        %parallel_loop3A_1220 = tpu.vector_load %arg13[%parallel_loop3A_1218, %parallel_loop3A_1219] {strides = array<i32>} : memref<128x64xf32, #tpu.memory_space<vmem>>, vector<16xf32>,
        %parallel_loop3A_1221 = arith.constant 8.000000e+00 : f32
        %parallel_loop3A_1222 = vector.broadcast %parallel_loop3A_1221 : f32 to vector<16xf32>
        %parallel_loop3A_1223 = arith.mulf %parallel_loop3A_1220, %parallel_loop3A_1222 : vector<16xf32>
        %parallel_loop3A_1224 = arith.addf %parallel_loop3A_1223, %get3A_1069 : vector<16xf32>
        tpu.vector_store_idx %arg15[%select_n3A, %select_n3A_266, %parallel_loop3A_1217], %parallel_loop3A_1224 : memref<8x8x136xf32, #tpu.memory_space<vmem>>[vector<16xi32>, vector<16xi32>, vector<16xi32>], vector<16xf32>,
        %parallel_loop3A_1225 = arith.index_cast %parallel_loop3A_1216 : i32 to index
        %parallel_loop3A_1226 = arith.constant 16 : index
        %parallel_loop3A_1227 = tpu.vector_load %arg13[%parallel_loop3A_1225, %parallel_loop3A_1226] {strides = array<i32>} : memref<128x64xf32, #tpu.memory_space<vmem>>, vector<16xf32>,
        %parallel_loop3A_1228 = arith.constant 8.000000e+00 : f32
        %parallel_loop3A_1229 = vector.broadcast %parallel_loop3A_1228 : f32 to vector<16xf32>
        %parallel_loop3A_1230 = arith.mulf %parallel_loop3A_1227, %parallel_loop3A_1229 : vector<16xf32>
        %parallel_loop3A_1231 = arith.addf %parallel_loop3A_1230, %get3A_1072 : vector<16xf32>
        tpu.vector_store_idx %arg15[%select_n3A_178, %select_n3A_288, %parallel_loop3A_1217], %parallel_loop3A_1231 : memref<8x8x136xf32, #tpu.memory_space<vmem>>[vector<16xi32>, vector<16xi32>, vector<16xi32>], vector<16xf32>,
        %parallel_loop3A_1232 = arith.index_cast %parallel_loop3A_1216 : i32 to index
        %parallel_loop3A_1233 = arith.constant 32 : index
        %parallel_loop3A_1234 = tpu.vector_load %arg13[%parallel_loop3A_1232, %parallel_loop3A_1233] {strides = array<i32>} : memref<128x64xf32, #tpu.memory_space<vmem>>, vector<16xf32>,
        %parallel_loop3A_1235 = arith.constant 8.000000e+00 : f32
        %parallel_loop3A_1236 = vector.broadcast %parallel_loop3A_1235 : f32 to vector<16xf32>
        %parallel_loop3A_1237 = arith.mulf %parallel_loop3A_1234, %parallel_loop3A_1236 : vector<16xf32>
        %parallel_loop3A_1238 = arith.addf %parallel_loop3A_1237, %get3A_1075 : vector<16xf32>
        tpu.vector_store_idx %arg15[%select_n3A_212, %select_n3A_310, %parallel_loop3A_1217], %parallel_loop3A_1238 : memref<8x8x136xf32, #tpu.memory_space<vmem>>[vector<16xi32>, vector<16xi32>, vector<16xi32>], vector<16xf32>,
        %parallel_loop3A_1239 = arith.index_cast %parallel_loop3A_1216 : i32 to index
        %parallel_loop3A_1240 = arith.constant 48 : index
        %parallel_loop3A_1241 = tpu.vector_load %arg13[%parallel_loop3A_1239, %parallel_loop3A_1240] {strides = array<i32>} : memref<128x64xf32, #tpu.memory_space<vmem>>, vector<16xf32>,
        %parallel_loop3A_1242 = arith.constant 8.000000e+00 : f32
        %parallel_loop3A_1243 = vector.broadcast %parallel_loop3A_1242 : f32 to vector<16xf32>
        %parallel_loop3A_1244 = arith.mulf %parallel_loop3A_1241, %parallel_loop3A_1243 : vector<16xf32>
        %parallel_loop3A_1245 = arith.addf %parallel_loop3A_1244, %get3A_1078 : vector<16xf32>
        tpu.vector_store_idx %arg15[%select_n3A_246, %select_n3A_332, %parallel_loop3A_1217], %parallel_loop3A_1245 : memref<8x8x136xf32, #tpu.memory_space<vmem>>[vector<16xi32>, vector<16xi32>, vector<16xi32>], vector<16xf32>,
      } {sc.loop_unroll_factor = 8 : i64, sc.parallel_access}
      %dma_start3A_1082 = arith.constant 0 : i32
      %dma_start3A_1083 = arith.constant 0 : i32
      %dma_start3A_1084 = arith.constant 0 : i32
      %dma_start3A_1085 = tpu.memref_slice %arg15[%dma_start3A_1082, %dma_start3A_1083, %dma_start3A_1084] : memref<8x8x136xf32, #tpu.memory_space<vmem>> -> memref<8x8x128xf32, #tpu.memory_space<vmem>>
      %dma_start3A_1086 = arith.constant 0 : i32
      %dma_start3A_1087 = arith.constant 0 : i32
      %dma_start3A_1088 = arith.constant 0 : i32
      %dma_start3A_1089 = tpu.memref_slice %arg5[%add3A_1001, %dma_start3A_1086, %add3A, %dma_start3A_1087, %dma_start3A_1088] : memref<200x8x32x8x128xf32, #tpu.memory_space<hbm>> -> memref<1x8x1x8x128xf32, #tpu.memory_space<hbm>>
      %dma_start3A_1090 = tpu.memref_squeeze %dma_start3A_1089 : memref<1x8x1x8x128xf32, #tpu.memory_space<hbm>> -> memref<8x8x128xf32, #tpu.memory_space<hbm>>
      %dma_start3A_1091 = arith.constant 0 : i32
      %dma_start3A_1092 = arith.constant 0 : i32
      %dma_start3A_1093 = arith.constant 0 : i32
      %dma_start3A_1094 = tpu.memref_slice %arg5[%add3A_1001, %dma_start3A_1091, %add3A, %dma_start3A_1092, %dma_start3A_1093] : memref<200x8x32x8x128xf32, #tpu.memory_space<hbm>> -> memref<1x8x1x8x128xf32, #tpu.memory_space<hbm>>
      %dma_start3A_1095 = tpu.memref_squeeze %dma_start3A_1094 : memref<1x8x1x8x128xf32, #tpu.memory_space<hbm>> -> memref<8x8x128xf32, #tpu.memory_space<hbm>>
      %dma_start3A_1096 = arith.constant 0 : i32
      %dma_start3A_1097 = arith.constant 0 : i32
      %dma_start3A_1098 = arith.constant 0 : i32
      %dma_start3A_1099 = tpu.memref_slice %arg15[%dma_start3A_1096, %dma_start3A_1097, %dma_start3A_1098] : memref<8x8x136xf32, #tpu.memory_space<vmem>> -> memref<8x8x128xf32, #tpu.memory_space<vmem>>
      tpu.enqueue_dma source(%dma_start3A_1099 : memref<8x8x128xf32, #tpu.memory_space<vmem>>) target(%dma_start3A_1095 : memref<8x8x128xf32, #tpu.memory_space<hbm>>) target_semaphore(%arg27 : memref<!tpu.dma_semaphore, #tpu.memory_space<semaphore_mem>>)
      %add3A_1100 = arith.constant 6 : i32
      %add3A_1101 = arith.addi %add3A_1001, %add3A_1100 : i32
      %lt3A_1102 = arith.constant 200 : i32
      %lt3A_1103 = arith.cmpi slt, %add3A_1101, %lt3A_1102 : i32
      %convert_element_type3A_1104 = arith.extui %lt3A_1103 : i1 to i32
      %cond3A_1105 = arith.constant 0 : i32
      %cond3A_1106 = arith.cmpi ne, %convert_element_type3A_1104, %cond3A_1105 : i32
      scf.if %cond3A_1106 {
        %add3A_1216 = arith.constant 6 : i32
        %add3A_1217 = arith.addi %add3A_1001, %add3A_1216 : i32
        %jit3A_1218 = arith.constant 8 : i32
        %div3A_1219 = arith.divsi %add3A_1217, %jit3A_1218 : i32
        %sign3A_1220 = arith.constant 0 : i32
        %sign3A_1221 = arith.cmpi sgt, %add3A_1217, %sign3A_1220 : i32
        %sign3A_1222 = arith.extui %sign3A_1221 : i1 to i32
        %sign3A_1223 = arith.constant 0 : i32
        %sign3A_1224 = arith.cmpi slt, %add3A_1217, %sign3A_1223 : i32
        %sign3A_1225 = arith.extui %sign3A_1224 : i1 to i32
        %sign3A_1226 = arith.subi %sign3A_1222, %sign3A_1225 : i32
        %sign3A_1227 = arith.constant 0 : i32
        %sign3A_1228 = arith.cmpi sgt, %jit3A_1218, %sign3A_1227 : i32
        %sign3A_1229 = arith.extui %sign3A_1228 : i1 to i32
        %sign3A_1230 = arith.constant 0 : i32
        %sign3A_1231 = arith.cmpi slt, %jit3A_1218, %sign3A_1230 : i32
        %sign3A_1232 = arith.extui %sign3A_1231 : i1 to i32
        %sign3A_1233 = arith.subi %sign3A_1229, %sign3A_1232 : i32
        %ne3A_1234 = arith.cmpi ne, %sign3A_1226, %sign3A_1233 : i32
        %rem3A_1235 = arith.remsi %add3A_1217, %jit3A_1218 : i32
        %ne3A_1236 = arith.constant 0 : i32
        %ne3A_1237 = arith.cmpi ne, %rem3A_1235, %ne3A_1236 : i32
        %and3A_1238 = arith.andi %ne3A_1234, %ne3A_1237 : i1
        %sub3A_1239 = arith.constant 1 : i32
        %sub3A_1240 = arith.subi %div3A_1219, %sub3A_1239 : i32
        %select_n3A_1241 = arith.select %and3A_1238, %sub3A_1240, %div3A_1219 : i32
        %jit3A_1242 = arith.constant 8 : i32
        %eq3A_1243 = arith.constant 0 : i32
        %eq3A_1244 = arith.cmpi eq, %jit3A_1242, %eq3A_1243 : i32
        %jit3A_1245 = arith.constant 1 : i32
        %select_n3A_1246 = arith.select %eq3A_1244, %jit3A_1245, %jit3A_1242 : i32
        %rem3A_1247 = arith.remsi %add3A_1217, %select_n3A_1246 : i32
        %ne3A_1248 = arith.constant 0 : i32
        %ne3A_1249 = arith.cmpi ne, %rem3A_1247, %ne3A_1248 : i32
        %lt3A_1250 = arith.constant 0 : i32
        %lt3A_1251 = arith.cmpi slt, %rem3A_1247, %lt3A_1250 : i32
        %lt3A_1252 = arith.constant 0 : i32
        %lt3A_1253 = arith.cmpi slt, %select_n3A_1246, %lt3A_1252 : i32
        %ne3A_1254 = arith.xori %lt3A_1251, %lt3A_1253 : i1
        %and3A_1255 = arith.andi %ne3A_1254, %ne3A_1249 : i1
        %add3A_1256 = arith.addi %rem3A_1247, %select_n3A_1246 : i32
        %select_n3A_1257 = arith.select %and3A_1255, %add3A_1256, %rem3A_1247 : i32
        %dma_start3A_1258 = arith.constant 0 : i32
        %dma_start3A_1259 = tpu.memref_slice %arg6[%select_n3A_1241, %select_n3A_1257, %dma_start3A_1258] : memref<25x8x128xi32, #tpu.memory_space<vmem>> -> memref<1x1x128xi32, #tpu.memory_space<vmem>>
        %dma_start3A_1260 = tpu.memref_squeeze %dma_start3A_1259 : memref<1x1x128xi32, #tpu.memory_space<vmem>> -> memref<128xi32, #tpu.memory_space<vmem>>
        %dma_start3A_1261 = arith.constant 0 : i32
        %dma_start3A_1262 = arith.constant 0 : i32
        %dma_start3A_1263 = tpu.memref_slice %arg3[%dma_start3A_1261, %dma_start3A_1262] : memref<100000x64xf32, #tpu.memory_space<hbm>> -> memref<100000x64xf32, #tpu.memory_space<hbm>>
        tpu.enqueue_indirect_dma source(%dma_start3A_1263 : memref<100000x64xf32, #tpu.memory_space<hbm>>) target(%arg11 : memref<128x64xf32, #tpu.memory_space<vmem>>) offsets(%dma_start3A_1260 : memref<128xi32, #tpu.memory_space<vmem>>) semaphore(%arg23 : memref<!tpu.dma_semaphore, #tpu.memory_space<semaphore_mem>>)
      } else {
      }
      %mul3A_1107 = arith.constant 8 : i32
      %mul3A_1108 = arith.muli %mul3A_1107, %scan3A_376 : i32
      %add3A_1109 = arith.constant 7 : i32
      %add3A_1110 = arith.addi %mul3A_1108, %add3A_1109 : i32
      %jit3A_1111 = arith.constant 8 : i32
      %div3A_1112 = arith.divsi %add3A_1110, %jit3A_1111 : i32
      %sign3A_1113 = arith.constant 0 : i32
      %sign3A_1114 = arith.cmpi sgt, %add3A_1110, %sign3A_1113 : i32
      %sign3A_1115 = arith.extui %sign3A_1114 : i1 to i32
      %sign3A_1116 = arith.constant 0 : i32
      %sign3A_1117 = arith.cmpi slt, %add3A_1110, %sign3A_1116 : i32
      %sign3A_1118 = arith.extui %sign3A_1117 : i1 to i32
      %sign3A_1119 = arith.subi %sign3A_1115, %sign3A_1118 : i32
      %sign3A_1120 = arith.constant 0 : i32
      %sign3A_1121 = arith.cmpi sgt, %jit3A_1111, %sign3A_1120 : i32
      %sign3A_1122 = arith.extui %sign3A_1121 : i1 to i32
      %sign3A_1123 = arith.constant 0 : i32
      %sign3A_1124 = arith.cmpi slt, %jit3A_1111, %sign3A_1123 : i32
      %sign3A_1125 = arith.extui %sign3A_1124 : i1 to i32
      %sign3A_1126 = arith.subi %sign3A_1122, %sign3A_1125 : i32
      %ne3A_1127 = arith.cmpi ne, %sign3A_1119, %sign3A_1126 : i32
      %rem3A_1128 = arith.remsi %add3A_1110, %jit3A_1111 : i32
      %ne3A_1129 = arith.constant 0 : i32
      %ne3A_1130 = arith.cmpi ne, %rem3A_1128, %ne3A_1129 : i32
      %and3A_1131 = arith.andi %ne3A_1127, %ne3A_1130 : i1
      %sub3A_1132 = arith.constant 1 : i32
      %sub3A_1133 = arith.subi %div3A_1112, %sub3A_1132 : i32
      %select_n3A_1134 = arith.select %and3A_1131, %sub3A_1133, %div3A_1112 : i32
      %jit3A_1135 = arith.constant 8 : i32
      %eq3A_1136 = arith.constant 0 : i32
      %eq3A_1137 = arith.cmpi eq, %jit3A_1135, %eq3A_1136 : i32
      %jit3A_1138 = arith.constant 1 : i32
      %select_n3A_1139 = arith.select %eq3A_1137, %jit3A_1138, %jit3A_1135 : i32
      %rem3A_1140 = arith.remsi %add3A_1110, %select_n3A_1139 : i32
      %ne3A_1141 = arith.constant 0 : i32
      %ne3A_1142 = arith.cmpi ne, %rem3A_1140, %ne3A_1141 : i32
      %lt3A_1143 = arith.constant 0 : i32
      %lt3A_1144 = arith.cmpi slt, %rem3A_1140, %lt3A_1143 : i32
      %lt3A_1145 = arith.constant 0 : i32
      %lt3A_1146 = arith.cmpi slt, %select_n3A_1139, %lt3A_1145 : i32
      %ne3A_1147 = arith.xori %lt3A_1144, %lt3A_1146 : i1
      %and3A_1148 = arith.andi %ne3A_1147, %ne3A_1142 : i1
      %add3A_1149 = arith.addi %rem3A_1140, %select_n3A_1139 : i32
      %select_n3A_1150 = arith.select %and3A_1148, %add3A_1149, %rem3A_1140 : i32
      %dma_wait3A_1151 = arith.constant 0 : i32
      %dma_wait3A_1152 = tpu.memref_slice %arg6[%select_n3A_1134, %select_n3A_1150, %dma_wait3A_1151] : memref<25x8x128xi32, #tpu.memory_space<vmem>> -> memref<1x1x128xi32, #tpu.memory_space<vmem>>
      %dma_wait3A_1153 = tpu.memref_squeeze %dma_wait3A_1152 : memref<1x1x128xi32, #tpu.memory_space<vmem>> -> memref<128xi32, #tpu.memory_space<vmem>>
      %dma_wait3A_1154 = arith.constant 0 : i32
      %dma_wait3A_1155 = arith.constant 0 : i32
      %dma_wait3A_1156 = tpu.memref_slice %arg3[%dma_wait3A_1154, %dma_wait3A_1155] : memref<100000x64xf32, #tpu.memory_space<hbm>> -> memref<100000x64xf32, #tpu.memory_space<hbm>>
      tpu.wait_indirect_dma semaphore(%arg26 : memref<!tpu.dma_semaphore, #tpu.memory_space<semaphore_mem>>) src(%dma_wait3A_1156 : memref<100000x64xf32, #tpu.memory_space<hbm>>) dst(%arg14 : memref<128x64xf32, #tpu.memory_space<vmem>>)
      %dma_wait3A_1157 = arith.constant 0 : i32
      %dma_wait3A_1158 = arith.constant 0 : i32
      %dma_wait3A_1159 = arith.constant 0 : i32
      %dma_wait3A_1160 = arith.constant 0 : i32
      %dma_wait3A_1161 = tpu.memref_slice %arg16[%dma_wait3A_1158, %dma_wait3A_1159, %dma_wait3A_1160] : memref<8x8x136xf32, #tpu.memory_space<vmem>> -> memref<8x8x128xf32, #tpu.memory_space<vmem>>
      %dma_wait3A_1162 = arith.constant 0 : i32
      %dma_wait3A_1163 = arith.constant 0 : i32
      %dma_wait3A_1164 = arith.constant 0 : i32
      %dma_wait3A_1165 = tpu.memref_slice %arg5[%dma_wait3A_1157, %dma_wait3A_1162, %add3A, %dma_wait3A_1163, %dma_wait3A_1164] : memref<200x8x32x8x128xf32, #tpu.memory_space<hbm>> -> memref<1x8x1x8x128xf32, #tpu.memory_space<hbm>>
      %dma_wait3A_1166 = tpu.memref_squeeze %dma_wait3A_1165 : memref<1x8x1x8x128xf32, #tpu.memory_space<hbm>> -> memref<8x8x128xf32, #tpu.memory_space<hbm>>
      %dma_wait3A_1167 = arith.constant 0 : i32
      %dma_wait3A_1168 = arith.constant 0 : i32
      %dma_wait3A_1169 = arith.constant 0 : i32
      %dma_wait3A_1170 = tpu.memref_slice %arg5[%dma_wait3A_1157, %dma_wait3A_1167, %add3A, %dma_wait3A_1168, %dma_wait3A_1169] : memref<200x8x32x8x128xf32, #tpu.memory_space<hbm>> -> memref<1x8x1x8x128xf32, #tpu.memory_space<hbm>>
      %dma_wait3A_1171 = tpu.memref_squeeze %dma_wait3A_1170 : memref<1x8x1x8x128xf32, #tpu.memory_space<hbm>> -> memref<8x8x128xf32, #tpu.memory_space<hbm>>
      %dma_wait3A_1172 = arith.constant 0 : i32
      %dma_wait3A_1173 = arith.constant 0 : i32
      %dma_wait3A_1174 = arith.constant 0 : i32
      %dma_wait3A_1175 = tpu.memref_slice %arg16[%dma_wait3A_1172, %dma_wait3A_1173, %dma_wait3A_1174] : memref<8x8x136xf32, #tpu.memory_space<vmem>> -> memref<8x8x128xf32, #tpu.memory_space<vmem>>
      tpu.wait_dma2 semaphore(%arg28 : memref<!tpu.dma_semaphore, #tpu.memory_space<semaphore_mem>>) src(%dma_wait3A_1175 : memref<8x8x128xf32, #tpu.memory_space<vmem>>) dst(%dma_wait3A_1171 : memref<8x8x128xf32, #tpu.memory_space<hbm>>)
      %get3A_1176 = arith.index_cast %add3A_1110 : i32 to index
      %get3A_1177 = arith.constant 0 : index
      %get3A_1178 = tpu.vector_load %arg17[%get3A_1176, %get3A_1177] {strides = array<i32>} : memref<200x64xf32, #tpu.memory_space<vmem>>, vector<16xf32>,
      %get3A_1179 = arith.index_cast %add3A_1110 : i32 to index
      %get3A_1180 = arith.constant 16 : index
      %get3A_1181 = tpu.vector_load %arg17[%get3A_1179, %get3A_1180] {strides = array<i32>} : memref<200x64xf32, #tpu.memory_space<vmem>>, vector<16xf32>,
      %get3A_1182 = arith.index_cast %add3A_1110 : i32 to index
      %get3A_1183 = arith.constant 32 : index
      %get3A_1184 = tpu.vector_load %arg17[%get3A_1182, %get3A_1183] {strides = array<i32>} : memref<200x64xf32, #tpu.memory_space<vmem>>, vector<16xf32>,
      %get3A_1185 = arith.index_cast %add3A_1110 : i32 to index
      %get3A_1186 = arith.constant 48 : index
      %get3A_1187 = tpu.vector_load %arg17[%get3A_1185, %get3A_1186] {strides = array<i32>} : memref<200x64xf32, #tpu.memory_space<vmem>>, vector<16xf32>,
      %parallel_loop3A_1188 = arith.constant 0 : i32
      %parallel_loop3A_1189 = arith.constant 128 : i32
      %parallel_loop3A_1190 = arith.constant 1 : i32
      scf.for %parallel_loop3A_1216 = %parallel_loop3A_1188 to %parallel_loop3A_1189 step %parallel_loop3A_1190  : i32 {
        %parallel_loop3A_1217 = vector.broadcast %parallel_loop3A_1216 : i32 to vector<16xi32>
        %parallel_loop3A_1218 = arith.index_cast %parallel_loop3A_1216 : i32 to index
        %parallel_loop3A_1219 = arith.constant 0 : index
        %parallel_loop3A_1220 = tpu.vector_load %arg14[%parallel_loop3A_1218, %parallel_loop3A_1219] {strides = array<i32>} : memref<128x64xf32, #tpu.memory_space<vmem>>, vector<16xf32>,
        %parallel_loop3A_1221 = arith.constant 8.000000e+00 : f32
        %parallel_loop3A_1222 = vector.broadcast %parallel_loop3A_1221 : f32 to vector<16xf32>
        %parallel_loop3A_1223 = arith.mulf %parallel_loop3A_1220, %parallel_loop3A_1222 : vector<16xf32>
        %parallel_loop3A_1224 = arith.addf %parallel_loop3A_1223, %get3A_1178 : vector<16xf32>
        tpu.vector_store_idx %arg16[%select_n3A, %select_n3A_266, %parallel_loop3A_1217], %parallel_loop3A_1224 : memref<8x8x136xf32, #tpu.memory_space<vmem>>[vector<16xi32>, vector<16xi32>, vector<16xi32>], vector<16xf32>,
        %parallel_loop3A_1225 = arith.index_cast %parallel_loop3A_1216 : i32 to index
        %parallel_loop3A_1226 = arith.constant 16 : index
        %parallel_loop3A_1227 = tpu.vector_load %arg14[%parallel_loop3A_1225, %parallel_loop3A_1226] {strides = array<i32>} : memref<128x64xf32, #tpu.memory_space<vmem>>, vector<16xf32>,
        %parallel_loop3A_1228 = arith.constant 8.000000e+00 : f32
        %parallel_loop3A_1229 = vector.broadcast %parallel_loop3A_1228 : f32 to vector<16xf32>
        %parallel_loop3A_1230 = arith.mulf %parallel_loop3A_1227, %parallel_loop3A_1229 : vector<16xf32>
        %parallel_loop3A_1231 = arith.addf %parallel_loop3A_1230, %get3A_1181 : vector<16xf32>
        tpu.vector_store_idx %arg16[%select_n3A_178, %select_n3A_288, %parallel_loop3A_1217], %parallel_loop3A_1231 : memref<8x8x136xf32, #tpu.memory_space<vmem>>[vector<16xi32>, vector<16xi32>, vector<16xi32>], vector<16xf32>,
        %parallel_loop3A_1232 = arith.index_cast %parallel_loop3A_1216 : i32 to index
        %parallel_loop3A_1233 = arith.constant 32 : index
        %parallel_loop3A_1234 = tpu.vector_load %arg14[%parallel_loop3A_1232, %parallel_loop3A_1233] {strides = array<i32>} : memref<128x64xf32, #tpu.memory_space<vmem>>, vector<16xf32>,
        %parallel_loop3A_1235 = arith.constant 8.000000e+00 : f32
        %parallel_loop3A_1236 = vector.broadcast %parallel_loop3A_1235 : f32 to vector<16xf32>
        %parallel_loop3A_1237 = arith.mulf %parallel_loop3A_1234, %parallel_loop3A_1236 : vector<16xf32>
        %parallel_loop3A_1238 = arith.addf %parallel_loop3A_1237, %get3A_1184 : vector<16xf32>
        tpu.vector_store_idx %arg16[%select_n3A_212, %select_n3A_310, %parallel_loop3A_1217], %parallel_loop3A_1238 : memref<8x8x136xf32, #tpu.memory_space<vmem>>[vector<16xi32>, vector<16xi32>, vector<16xi32>], vector<16xf32>,
        %parallel_loop3A_1239 = arith.index_cast %parallel_loop3A_1216 : i32 to index
        %parallel_loop3A_1240 = arith.constant 48 : index
        %parallel_loop3A_1241 = tpu.vector_load %arg14[%parallel_loop3A_1239, %parallel_loop3A_1240] {strides = array<i32>} : memref<128x64xf32, #tpu.memory_space<vmem>>, vector<16xf32>,
        %parallel_loop3A_1242 = arith.constant 8.000000e+00 : f32
        %parallel_loop3A_1243 = vector.broadcast %parallel_loop3A_1242 : f32 to vector<16xf32>
        %parallel_loop3A_1244 = arith.mulf %parallel_loop3A_1241, %parallel_loop3A_1243 : vector<16xf32>
        %parallel_loop3A_1245 = arith.addf %parallel_loop3A_1244, %get3A_1187 : vector<16xf32>
        tpu.vector_store_idx %arg16[%select_n3A_246, %select_n3A_332, %parallel_loop3A_1217], %parallel_loop3A_1245 : memref<8x8x136xf32, #tpu.memory_space<vmem>>[vector<16xi32>, vector<16xi32>, vector<16xi32>], vector<16xf32>,
      } {sc.loop_unroll_factor = 8 : i64, sc.parallel_access}
      %dma_start3A_1191 = arith.constant 0 : i32
      %dma_start3A_1192 = arith.constant 0 : i32
      %dma_start3A_1193 = arith.constant 0 : i32
      %dma_start3A_1194 = tpu.memref_slice %arg16[%dma_start3A_1191, %dma_start3A_1192, %dma_start3A_1193] : memref<8x8x136xf32, #tpu.memory_space<vmem>> -> memref<8x8x128xf32, #tpu.memory_space<vmem>>
      %dma_start3A_1195 = arith.constant 0 : i32
      %dma_start3A_1196 = arith.constant 0 : i32
      %dma_start3A_1197 = arith.constant 0 : i32
      %dma_start3A_1198 = tpu.memref_slice %arg5[%add3A_1110, %dma_start3A_1195, %add3A, %dma_start3A_1196, %dma_start3A_1197] : memref<200x8x32x8x128xf32, #tpu.memory_space<hbm>> -> memref<1x8x1x8x128xf32, #tpu.memory_space<hbm>>
      %dma_start3A_1199 = tpu.memref_squeeze %dma_start3A_1198 : memref<1x8x1x8x128xf32, #tpu.memory_space<hbm>> -> memref<8x8x128xf32, #tpu.memory_space<hbm>>
      %dma_start3A_1200 = arith.constant 0 : i32
      %dma_start3A_1201 = arith.constant 0 : i32
      %dma_start3A_1202 = arith.constant 0 : i32
      %dma_start3A_1203 = tpu.memref_slice %arg5[%add3A_1110, %dma_start3A_1200, %add3A, %dma_start3A_1201, %dma_start3A_1202] : memref<200x8x32x8x128xf32, #tpu.memory_space<hbm>> -> memref<1x8x1x8x128xf32, #tpu.memory_space<hbm>>
      %dma_start3A_1204 = tpu.memref_squeeze %dma_start3A_1203 : memref<1x8x1x8x128xf32, #tpu.memory_space<hbm>> -> memref<8x8x128xf32, #tpu.memory_space<hbm>>
      %dma_start3A_1205 = arith.constant 0 : i32
      %dma_start3A_1206 = arith.constant 0 : i32
      %dma_start3A_1207 = arith.constant 0 : i32
      %dma_start3A_1208 = tpu.memref_slice %arg16[%dma_start3A_1205, %dma_start3A_1206, %dma_start3A_1207] : memref<8x8x136xf32, #tpu.memory_space<vmem>> -> memref<8x8x128xf32, #tpu.memory_space<vmem>>
      tpu.enqueue_dma source(%dma_start3A_1208 : memref<8x8x128xf32, #tpu.memory_space<vmem>>) target(%dma_start3A_1204 : memref<8x8x128xf32, #tpu.memory_space<hbm>>) target_semaphore(%arg28 : memref<!tpu.dma_semaphore, #tpu.memory_space<semaphore_mem>>)
      %add3A_1209 = arith.constant 6 : i32
      %add3A_1210 = arith.addi %add3A_1110, %add3A_1209 : i32
      %lt3A_1211 = arith.constant 200 : i32
      %lt3A_1212 = arith.cmpi slt, %add3A_1210, %lt3A_1211 : i32
      %convert_element_type3A_1213 = arith.extui %lt3A_1212 : i1 to i32
      %cond3A_1214 = arith.constant 0 : i32
      %cond3A_1215 = arith.cmpi ne, %convert_element_type3A_1213, %cond3A_1214 : i32
      scf.if %cond3A_1215 {
        %add3A_1216 = arith.constant 6 : i32
        %add3A_1217 = arith.addi %add3A_1110, %add3A_1216 : i32
        %jit3A_1218 = arith.constant 8 : i32
        %div3A_1219 = arith.divsi %add3A_1217, %jit3A_1218 : i32
        %sign3A_1220 = arith.constant 0 : i32
        %sign3A_1221 = arith.cmpi sgt, %add3A_1217, %sign3A_1220 : i32
        %sign3A_1222 = arith.extui %sign3A_1221 : i1 to i32
        %sign3A_1223 = arith.constant 0 : i32
        %sign3A_1224 = arith.cmpi slt, %add3A_1217, %sign3A_1223 : i32
        %sign3A_1225 = arith.extui %sign3A_1224 : i1 to i32
        %sign3A_1226 = arith.subi %sign3A_1222, %sign3A_1225 : i32
        %sign3A_1227 = arith.constant 0 : i32
        %sign3A_1228 = arith.cmpi sgt, %jit3A_1218, %sign3A_1227 : i32
        %sign3A_1229 = arith.extui %sign3A_1228 : i1 to i32
        %sign3A_1230 = arith.constant 0 : i32
        %sign3A_1231 = arith.cmpi slt, %jit3A_1218, %sign3A_1230 : i32
        %sign3A_1232 = arith.extui %sign3A_1231 : i1 to i32
        %sign3A_1233 = arith.subi %sign3A_1229, %sign3A_1232 : i32
        %ne3A_1234 = arith.cmpi ne, %sign3A_1226, %sign3A_1233 : i32
        %rem3A_1235 = arith.remsi %add3A_1217, %jit3A_1218 : i32
        %ne3A_1236 = arith.constant 0 : i32
        %ne3A_1237 = arith.cmpi ne, %rem3A_1235, %ne3A_1236 : i32
        %and3A_1238 = arith.andi %ne3A_1234, %ne3A_1237 : i1
        %sub3A_1239 = arith.constant 1 : i32
        %sub3A_1240 = arith.subi %div3A_1219, %sub3A_1239 : i32
        %select_n3A_1241 = arith.select %and3A_1238, %sub3A_1240, %div3A_1219 : i32
        %jit3A_1242 = arith.constant 8 : i32
        %eq3A_1243 = arith.constant 0 : i32
        %eq3A_1244 = arith.cmpi eq, %jit3A_1242, %eq3A_1243 : i32
        %jit3A_1245 = arith.constant 1 : i32
        %select_n3A_1246 = arith.select %eq3A_1244, %jit3A_1245, %jit3A_1242 : i32
        %rem3A_1247 = arith.remsi %add3A_1217, %select_n3A_1246 : i32
        %ne3A_1248 = arith.constant 0 : i32
        %ne3A_1249 = arith.cmpi ne, %rem3A_1247, %ne3A_1248 : i32
        %lt3A_1250 = arith.constant 0 : i32
        %lt3A_1251 = arith.cmpi slt, %rem3A_1247, %lt3A_1250 : i32
        %lt3A_1252 = arith.constant 0 : i32
        %lt3A_1253 = arith.cmpi slt, %select_n3A_1246, %lt3A_1252 : i32
        %ne3A_1254 = arith.xori %lt3A_1251, %lt3A_1253 : i1
        %and3A_1255 = arith.andi %ne3A_1254, %ne3A_1249 : i1
        %add3A_1256 = arith.addi %rem3A_1247, %select_n3A_1246 : i32
        %select_n3A_1257 = arith.select %and3A_1255, %add3A_1256, %rem3A_1247 : i32
        %dma_start3A_1258 = arith.constant 0 : i32
        %dma_start3A_1259 = tpu.memref_slice %arg6[%select_n3A_1241, %select_n3A_1257, %dma_start3A_1258] : memref<25x8x128xi32, #tpu.memory_space<vmem>> -> memref<1x1x128xi32, #tpu.memory_space<vmem>>
        %dma_start3A_1260 = tpu.memref_squeeze %dma_start3A_1259 : memref<1x1x128xi32, #tpu.memory_space<vmem>> -> memref<128xi32, #tpu.memory_space<vmem>>
        %dma_start3A_1261 = arith.constant 0 : i32
        %dma_start3A_1262 = arith.constant 0 : i32
        %dma_start3A_1263 = tpu.memref_slice %arg3[%dma_start3A_1261, %dma_start3A_1262] : memref<100000x64xf32, #tpu.memory_space<hbm>> -> memref<100000x64xf32, #tpu.memory_space<hbm>>
        tpu.enqueue_indirect_dma source(%dma_start3A_1263 : memref<100000x64xf32, #tpu.memory_space<hbm>>) target(%arg12 : memref<128x64xf32, #tpu.memory_space<vmem>>) offsets(%dma_start3A_1260 : memref<128xi32, #tpu.memory_space<vmem>>) semaphore(%arg24 : memref<!tpu.dma_semaphore, #tpu.memory_space<semaphore_mem>>)
      } else {
      }
    }
    %scan3A_337 = arith.constant 25 : i32
    %dma_wait3A_338 = arith.constant 0 : i32
    %dma_wait3A_339 = arith.constant 0 : i32
    %dma_wait3A_340 = arith.constant 0 : i32
    %dma_wait3A_341 = arith.constant 0 : i32
    %dma_wait3A_342 = tpu.memref_slice %arg15[%dma_wait3A_339, %dma_wait3A_340, %dma_wait3A_341] : memref<8x8x136xf32, #tpu.memory_space<vmem>> -> memref<8x8x128xf32, #tpu.memory_space<vmem>>
    %dma_wait3A_343 = arith.constant 0 : i32
    %dma_wait3A_344 = arith.constant 0 : i32
    %dma_wait3A_345 = arith.constant 0 : i32
    %dma_wait3A_346 = tpu.memref_slice %arg5[%dma_wait3A_338, %dma_wait3A_343, %add3A, %dma_wait3A_344, %dma_wait3A_345] : memref<200x8x32x8x128xf32, #tpu.memory_space<hbm>> -> memref<1x8x1x8x128xf32, #tpu.memory_space<hbm>>
    %dma_wait3A_347 = tpu.memref_squeeze %dma_wait3A_346 : memref<1x8x1x8x128xf32, #tpu.memory_space<hbm>> -> memref<8x8x128xf32, #tpu.memory_space<hbm>>
    %dma_wait3A_348 = arith.constant 0 : i32
    %dma_wait3A_349 = arith.constant 0 : i32
    %dma_wait3A_350 = arith.constant 0 : i32
    %dma_wait3A_351 = tpu.memref_slice %arg5[%dma_wait3A_338, %dma_wait3A_348, %add3A, %dma_wait3A_349, %dma_wait3A_350] : memref<200x8x32x8x128xf32, #tpu.memory_space<hbm>> -> memref<1x8x1x8x128xf32, #tpu.memory_space<hbm>>
    %dma_wait3A_352 = tpu.memref_squeeze %dma_wait3A_351 : memref<1x8x1x8x128xf32, #tpu.memory_space<hbm>> -> memref<8x8x128xf32, #tpu.memory_space<hbm>>
    %dma_wait3A_353 = arith.constant 0 : i32
    %dma_wait3A_354 = arith.constant 0 : i32
    %dma_wait3A_355 = arith.constant 0 : i32
    %dma_wait3A_356 = tpu.memref_slice %arg15[%dma_wait3A_353, %dma_wait3A_354, %dma_wait3A_355] : memref<8x8x136xf32, #tpu.memory_space<vmem>> -> memref<8x8x128xf32, #tpu.memory_space<vmem>>
    tpu.wait_dma2 semaphore(%arg27 : memref<!tpu.dma_semaphore, #tpu.memory_space<semaphore_mem>>) src(%dma_wait3A_356 : memref<8x8x128xf32, #tpu.memory_space<vmem>>) dst(%dma_wait3A_352 : memref<8x8x128xf32, #tpu.memory_space<hbm>>)
    %dma_wait3A_357 = arith.constant 0 : i32
    %dma_wait3A_358 = arith.constant 0 : i32
    %dma_wait3A_359 = arith.constant 0 : i32
    %dma_wait3A_360 = arith.constant 0 : i32
    %dma_wait3A_361 = tpu.memref_slice %arg16[%dma_wait3A_358, %dma_wait3A_359, %dma_wait3A_360] : memref<8x8x136xf32, #tpu.memory_space<vmem>> -> memref<8x8x128xf32, #tpu.memory_space<vmem>>
    %dma_wait3A_362 = arith.constant 0 : i32
    %dma_wait3A_363 = arith.constant 0 : i32
    %dma_wait3A_364 = arith.constant 0 : i32
    %dma_wait3A_365 = tpu.memref_slice %arg5[%dma_wait3A_357, %dma_wait3A_362, %add3A, %dma_wait3A_363, %dma_wait3A_364] : memref<200x8x32x8x128xf32, #tpu.memory_space<hbm>> -> memref<1x8x1x8x128xf32, #tpu.memory_space<hbm>>
    %dma_wait3A_366 = tpu.memref_squeeze %dma_wait3A_365 : memref<1x8x1x8x128xf32, #tpu.memory_space<hbm>> -> memref<8x8x128xf32, #tpu.memory_space<hbm>>
    %dma_wait3A_367 = arith.constant 0 : i32
    %dma_wait3A_368 = arith.constant 0 : i32
    %dma_wait3A_369 = arith.constant 0 : i32
    %dma_wait3A_370 = tpu.memref_slice %arg5[%dma_wait3A_357, %dma_wait3A_367, %add3A, %dma_wait3A_368, %dma_wait3A_369] : memref<200x8x32x8x128xf32, #tpu.memory_space<hbm>> -> memref<1x8x1x8x128xf32, #tpu.memory_space<hbm>>
    %dma_wait3A_371 = tpu.memref_squeeze %dma_wait3A_370 : memref<1x8x1x8x128xf32, #tpu.memory_space<hbm>> -> memref<8x8x128xf32, #tpu.memory_space<hbm>>
    %dma_wait3A_372 = arith.constant 0 : i32
    %dma_wait3A_373 = arith.constant 0 : i32
    %dma_wait3A_374 = arith.constant 0 : i32
    %dma_wait3A_375 = tpu.memref_slice %arg16[%dma_wait3A_372, %dma_wait3A_373, %dma_wait3A_374] : memref<8x8x136xf32, #tpu.memory_space<vmem>> -> memref<8x8x128xf32, #tpu.memory_space<vmem>>
    tpu.wait_dma2 semaphore(%arg28 : memref<!tpu.dma_semaphore, #tpu.memory_space<semaphore_mem>>) src(%dma_wait3A_375 : memref<8x8x128xf32, #tpu.memory_space<vmem>>) dst(%dma_wait3A_371 : memref<8x8x128xf32, #tpu.memory_space<hbm>>)
    return
  }
}

</mosaic_0001>

<sc_bundles>
// kernel: _run.3.cloned.1.call-start
scs
__scs_entry_jumppad:
0x0: {  	(pc) =	sbr.rel $0x88, $3  }
0x1: {  	(tag) =	ssettag $0x0;
	lr =	simm.s32 $0x1  }
0x2: {  	[smem:$0x3F9E] =	sst lr;
	_ =	strace $0xD0000000  }
0x3: {  	_ = 	snop  }
0x4: {  	_ = 	snop  }
0x5: {  	_ = 	snop  }
0x6: {  	_ = 	snop  }
0x7: {  	_ = 	snop  }
__scs_overlays_trampoline_lowered:
0x8: {  	[smem:$0x3FAD] =	sst s0  }
0x9: {  	[smem:$0x3FAE] =	sst s1  }
0xa: {  	[smem:$0x3FAF] =	sst s2  }
0xb: {  	[smem:$0x3FB0] =	sst s3  }
0xc: {  	[smem:$0x3FB1] =	sst s4  }
0xd: {  	[smem:$0x3FB2] =	sst s5  }
0xe: {  	[smem:$0x3FB3] =	sst s6  }
0xf: {  	[smem:$0x3FB4] =	sst s7  }
0x10: {  	[smem:$0x3FB5] =	sst s8  }
0x11: {  	[smem:$0x3FB6] =	sst s9;
	s0 =	simm.s32 @!p0 $0x0  }
0x12: {  	s1 =	sld [smem:$0x3F9C];
	s0 =	simm.s32 @p0 $0x1  }
0x13: {  	[smem:$0x3FB7] =	sst s0;
	s0 =	simm.s32 @!p1 $0x0  }
0x14: {  	s2 =	sld [smem:$0x3F9B];
	s0 =	simm.s32 @p1 $0x1  }
0x15: {  	[smem:$0x3FB8] =	sst s0;
	s0 =	simm.s32 @!p2 $0x0  }
0x16: {  	s3 =	sld [smem:$0x3FDB];
	s0 =	simm.s32 @p2 $0x1  }
0x17: {  	s4 =	simm.s32 $0x1BF5;
	[smem:$0x3FBA] =	sst s0  }
0x18: {  	s0 =	sld [smem:$0x3F9D];
	_ =	swait.ge [sflag:s4], $0x0  }
0x19: {  	s7 =	sld [smem:$0x3F9E]  }
0x1a: {  	s8 =	sadd.s32 $0xFFFFE003, lr  }
0x1b: {  	s9 =	sadd.s32 $0xFFFFFEF7, lr;
	s5 =	simm.s32 $0xFFFFFFFF;
	p2 =	slt.u32 s8, $0xFFFFF086  }
0x1c: {  	p1 =	slt.u32 s9, $0xF7A;
	s5 =	simm.s32 @!p2 $0x0  }
0x1d: {  	s5 =	simm.s32 @p1 $0x1;
	p0 =	seq.s32 s7, s2  }
0x1e: {  	s7 =	smul.u32 @!p0 $0xF7A, s2;
	p2 =	seq.s32 @!p0 s5, $0x0  }
0x1f: {  	s9 =	smul.u32 $0xF7A, s1;
	s8 =	simm.s32 @!p0 $0x1BF5;
	p2 =	por !p2, p0  }
0x20: {  	[sflag:s8] =	ssyncset.s32 @!p0 $0xFFFFF086;
	s6 =	sadd.s32 @!p0 s3, s7;
	s7 =	simm.s32 @!p0 $0x108  }
0x21: {  	s3 =	sadd.s32 s3, s9;
	s6 =	sadd.s32 @!p0 $0x88, s6;
	s7 =	simm.s32 @p2 $0x1082  }
0x22: {  	[simem:s7], [sflag:s8] =	dma.local @!p0 [hbm:s6], $0xF7A  }
0x23: {  	s9 =	sor.u32 $0xD0000000, s2;
	s6 =	simm.s32 $0x108;
	_ =	swait.ge @!p0 [sflag:s8], $0x0  }
0x24: {  	s3 =	sadd.s32 $0x88, s3;
	s6 =	simm.s32 @!p1 $0x1082;
	[sflag:s4] =	ssyncset.s32 $0xFFFFF086  }
0x25: {  	[simem:s6], [sflag:s4] =	dma.local [hbm:s3], $0xF7A  }
0x26: {  	[smem:$0x3F9E] =	sst s1;
	(tag) =	ssettag s2;
	_ =	strace s9  }
0x27: {  	s1 =	sld [smem:$0x3FAE]  }
0x28: {  	s2 =	sld [smem:$0x3FAF]  }
0x29: {  	s4 =	sld [smem:$0x3FB1]  }
0x2a: {  	p0 =	seq.s32 s5, $0x0;
	s5 =	sld [smem:$0x3FB2]  }
0x2b: {  	s6 =	sld [smem:$0x3FB3]  }
0x2c: {  	s7 =	sld [smem:$0x3FB4]  }
0x2d: {  	s3 =	simm.s32 $0x108;
	s8 =	sld [smem:$0x3FB5]  }
0x2e: {  	s3 =	simm.s32 @!p0 $0x1082;
	s9 =	sld [smem:$0x3FB6]  }
0x2f: {  	lr =	sadd.s32 s0, s3;
	s0 =	sld [smem:$0x3FAD]  }
0x30: {  	s3 =	sld [smem:$0x3FB0]  }
0x31: {  	[smem:$0x3FB9] =	sst s10  }
0x32: {  	s10 =	sld [smem:$0x3FB7];
	_ =	sdelay $0x3  }
0x33: {  	p0 =	seq.s32 s10, $0x1;
	s10 =	sld [smem:$0x3FB9];
	_ =	sdelay $0x3  }
0x34: {  	[smem:$0x3FB9] =	sst s10  }
0x35: {  	s10 =	sld [smem:$0x3FB8];
	_ =	sdelay $0x3  }
0x36: {  	p1 =	seq.s32 s10, $0x1;
	s10 =	sld [smem:$0x3FB9];
	_ =	sdelay $0x3  }
0x37: {  	[smem:$0x3FB9] =	sst s10  }
0x38: {  	s10 =	sld [smem:$0x3FBA]  }
0x39: {  	_ = 	snop;
	(pc) =	sbr.ind lr, $3  }
0x3a: {  	_ = 	snop  }
0x3b: {  	_ = 	snop  }
0x3c: {  	p2 =	seq.s32 s10, $0x1;
	s10 =	sld [smem:$0x3FB9]  }
0x3d: {  	_ =	shalt  }
0x3e: {  	_ =	shalt  }
0x3f: {  	_ =	shalt  }
0x40: {  	_ =	shalt  }
0x41: {  	_ =	shalt  }
0x42: {  	_ =	shalt  }
0x43: {  	_ =	shalt  }
0x44: {  	_ =	shalt  }
0x45: {  	_ =	shalt  }
0x46: {  	_ =	shalt  }
0x47: {  	_ =	shalt  }
0x48: {  	_ =	shalt  }
0x49: {  	_ =	shalt  }
0x4a: {  	_ =	shalt  }
0x4b: {  	_ =	shalt  }
0x4c: {  	_ =	shalt  }
0x4d: {  	_ =	shalt  }
0x4e: {  	_ =	shalt  }
0x4f: {  	_ =	shalt  }
0x50: {  	_ =	shalt  }
0x51: {  	_ =	shalt  }
0x52: {  	_ =	shalt  }
0x53: {  	_ =	shalt  }
0x54: {  	_ =	shalt  }
0x55: {  	_ =	shalt  }
0x56: {  	_ =	shalt  }
0x57: {  	_ =	shalt  }
0x58: {  	_ =	shalt  }
0x59: {  	_ =	shalt  }
0x5a: {  	_ =	shalt  }
0x5b: {  	_ =	shalt  }
0x5c: {  	_ =	shalt  }
0x5d: {  	_ =	shalt  }
0x5e: {  	_ =	shalt  }
0x5f: {  	_ =	shalt  }
0x60: {  	_ =	shalt  }
0x61: {  	_ =	shalt  }
0x62: {  	_ =	shalt  }
0x63: {  	_ =	shalt  }
0x64: {  	_ =	shalt  }
0x65: {  	_ =	shalt  }
0x66: {  	_ =	shalt  }
0x67: {  	_ =	shalt  }
0x68: {  	_ =	shalt  }
0x69: {  	_ =	shalt  }
0x6a: {  	_ =	shalt  }
0x6b: {  	_ =	shalt  }
0x6c: {  	_ =	shalt  }
0x6d: {  	_ =	shalt  }
0x6e: {  	_ =	shalt  }
0x6f: {  	_ =	shalt  }
0x70: {  	_ =	shalt  }
0x71: {  	_ =	shalt  }
0x72: {  	_ =	shalt  }
0x73: {  	_ =	shalt  }
0x74: {  	_ =	shalt  }
0x75: {  	_ =	shalt  }
0x76: {  	_ =	shalt  }
0x77: {  	_ =	shalt  }
0x78: {  	_ =	shalt  }
0x79: {  	_ =	shalt  }
0x7a: {  	_ =	shalt  }
0x7b: {  	_ =	shalt  }
0x7c: {  	_ =	shalt  }
0x7d: {  	_ =	shalt  }
0x7e: {  	_ =	shalt  }
0x7f: {  	_ =	shalt  }
0x80: {  	_ =	shalt  }
0x81: {  	_ =	shalt  }
0x82: {  	_ =	shalt  }
0x83: {  	_ =	shalt  }
0x84: {  	_ =	shalt  }
0x85: {  	_ =	shalt  }
0x86: {  	_ =	shalt  }
0x87: {  	_ =	shalt  }
.Lfunc_end0:
.L_simem_size_0:
called_computation_lowered:
.L_overlay_start_0:
0x88: {  	s2 =	sld [smem:$0x3FD9]  }
0x89: {  	s3 =	sld [smem:$0x3FFE];
	_ =	sdelay $0x1  }
0x8a: {  	s1 =	srdreg.scid  }
0x8b: {  	s0 =	sand.u32 $0x1, s1  }
0x8c: {  	s17 =	sshll.u32 s0, $0xA;
	s2 =	sadd.s32 s3, s2  }
0x8d: {  	s2 =	sadd.s32 s2, s17  }
0x8e: {  	[smem:$0x3FC5] =	sst s2  }
0x8f: {  	_ = 	snop  }
0x90: {  	s2 =	sld [smem:$0x3FC9]  }
0x91: {  	s18 =	sld [smem:$0x3FD0];
	(tm) =	ssettm $0x1  }
0x92: {  	s4 =	sld [smem:$0x3FFB];
	_ =	sdelay $0x3  }
0x93: {  	_ =	strace s4  }
0x94: {  	s4 =	sld [smem:$0x3FFC];
	_ =	sdelay $0x3  }
0x95: {  	_ =	strace s4  }
0x96: {  	s4 =	sld [smem:$0x3FFD];
	_ =	sdelay $0x3  }
0x97: {  	_ =	strace s4  }
0x98: {  	_ =	strace $0x8FFFFFFF  }
0x99: {  	s19 =	sld [smem:$0x3FDB];
	_ =	sdelay $0x1  }
0x9a: {  	s5 =	simm.s32 $_scs_section_size  }
0x9b: {  	s6 =	simm.s32 $_size__tile_overlayer_lowered;
	s7 =	simm.s32 $_tile_overlayer_lowered  }
0x9c: {  	s22 =	simm.s32 $0x1BFF;
	s21 =	sshll.u32 s7, $0x1;
	s4 =	sadd.s32 s5, s19  }
0x9d: {  	s8 =	simm.s32 $0x0;
	s20 =	sshll.u32 s6, $0x1;
	s6 =	sadd.s32 s21, s4  }
0x9e: {  	[timem:s8], [sflag:s22] =	dma.local [hbm:s6], s20  }
0x9f: {  	_ =	swait.ge [sflag:s22], s20  }
0xa0: {  	s5 =	ssub.s32 $0x0, s20;
	[sflag:s22] =	ssyncset.done $0x0  }
0xa1: {  	[sflag:s22] =	ssyncadd.s32 s5;
	_ =	sdelay $0x1  }
0xa2: {  	s23 =	simm.s32 $0x1B8B  }
0xa3: {  	_ =	swait.ge [sflag:s23], $0x1  }
0xa4: {  	[sflag:s23] =	ssyncset.done $0x0  }
0xa5: {  	s25 =	simm.s32 $0x1B8E;
	s24 =	sld [smem:$0x3FFE];
	[sflag:s23] =	ssyncadd.s32 $0xFFFFFFFF  }
0xa6: {  	s26 =	simm.s32 $execute0_lowered;
	[smem:$0x3FD2] =	sst s25  }
0xa7: {  	s6 =	sshll.u32 s26, $0x1;
	_ =	strace $0x80000046;
	[dreg:$0x1] =	wrdreg $0xFFFFFFFF  }
0xa8: {  	s28 =	simm.s32 $_size_execute0_lowered;
	s4 =	sadd.s32 s4, s6;
	[dreg:$0x0] =	wrdreg $0x0  }
0xa9: {  	s6 =	sshll.u32 s28, $0x1;
	[dreg:$0x2] =	wrdreg s4  }
0xaa: {  	[dreg:$0x3] =	wrdreg s6  }
0xab: {  	[dreg:$0x4] =	wrdreg $0xC0  }
0xac: {  	_ =	task [dreg:s8], $0x5FFFF  }
0xad: {  	[dreg:$0x1] =	wrdreg $0xFFFFFFFF  }
0xae: {  	[dreg:$0x0] =	wrdreg $0x60  }
0xaf: {  	[dreg:$0x2] =	wrdreg s2  }
0xb0: {  	[dreg:$0x3] =	wrdreg s24  }
0xb1: {  	[dreg:$0x4] =	wrdreg s18  }
0xb2: {  	[dreg:$0x5] =	wrdreg $0x9  }
0xb3: {  	_ =	task.clear_ibuf [dreg:s8], $0x6FFFF;
	_ =	strace $0x90000046  }
0xb4: {  	s29 =	simm.s32 $0x9;
	_ =	strace $0x80000048  }
0xb5: {  	_ =	swait.ge [sflag:s29], $0x1  }
0xb6: {  	[sflag:s29] =	ssyncadd.s32 $0xFFFFFFFF  }
0xb7: {  	_ =	strace $0x90000048  }
0xb8: {  	_ =	sfence  }
0xb9: {  	s30 =	sld [smem:$0x0];
	_ =	sdelay $0x2  }
0xba: {  	s31 =	sshll.u32 s1, $0xD;
	s1 =	sshrl.u32 s1, $0x2  }
0xbb: {  	s3 =	sand.u32 $0x4000, s31;
	s1 =	sadd.s32 s1, s30  }
0xbc: {  	s0 =	sor.u32 s3, s0;
	s1 =	sshll.u32 s1, $0x11  }
0xbd: {  	s0 =	sor.u32 s1, s0  }
0xbe: {  	s0 =	sadd.s32 $0x8F2B, s0  }
0xbf: {  	[sflag:s0] =	ssyncadd.remote.s32 $0x1  }
0xc0: {  	_ =	sfence.sel $0xFFFF  }
0xc1: {  	[dreg:$0x0] =	wrdreg $0xFFFFFFFF;
	(pc) =	sbr.abs _section_cstart, $3  }
0xc2: {  	[dreg:$0x1] =	wrdreg $0xFFFFFFFF  }
0xc3: {  	_ =	task.clear_ibuf [dreg:s8], $0x2FFFF;
	_ =	strace $0x9FFFFFFF  }
0xc4: {  	(tm) =	ssettm $0x7FFFFFFF  }
0xc5: {  	_ =	shalt  }
tec
execute0_lowered:
.L_overlay_start_1:
0x0: {  	(tag) =	ssettag $0x1  }
0x1: {  	s0 =	rddreg [dreg:$0x0];
	v0 =	vlaneseq.u32  }
0x2: {  	s1 =	rddreg [dreg:$0x1];
	s3 =	simm.s32 $0x0;
	v7 =	vmul.u32 $0x88, v0  }
0x3: {  	[smem:$0x7FF] =	sst s3  }
0x4: {  	s2 =	rddreg [dreg:$0x2];
	_ =	strace $0x80000047;
	v9 =	vadd.s32 $0x880, v7;
	[tilespmem:$0x1FE00] =	vst v7  }
0x5: {  	v0 =	vadd.s32 $0x1100, v7;
	[tilespmem:$0x1FE10] =	vst v9  }
0x6: {  	v8 =	vadd.s32 $0x1980, v7;
	[tilespmem:$0x1FE20] =	vst v0  }
0x7: {  	v11 =	vor.u32 $0x1, v7;
	[tilespmem:$0x1FE30] =	vst v8  }
0x8: {  	v2 =	vadd.s32 $0x881, v7;
	[tilespmem:$0x1FE40] =	vst v11  }
0x9: {  	v12 =	vadd.s32 $0x1101, v7;
	[tilespmem:$0x1FE50] =	vst v2  }
0xa: {  	v13 =	vadd.s32 $0x1981, v7;
	[tilespmem:$0x1FE60] =	vst v12  }
0xb: {  	v15 =	vor.u32 $0x2, v7;
	[tilespmem:$0x1FE70] =	vst v13  }
0xc: {  	v17 =	vadd.s32 $0x882, v7;
	[tilespmem:$0x1FE80] =	vst v15  }
0xd: {  	v16 =	vadd.s32 $0x1102, v7;
	[tilespmem:$0x1FE90] =	vst v17  }
0xe: {  	v14 =	vadd.s32 $0x1982, v7;
	[tilespmem:$0x1FEA0] =	vst v16  }
0xf: {  	v19 =	vor.u32 $0x3, v7;
	[tilespmem:$0x1FEB0] =	vst v14  }
0x10: {  	v21 =	vadd.s32 $0x883, v7;
	[tilespmem:$0x1FEC0] =	vst v19  }
0x11: {  	v31 =	vadd.s32 $0x1103, v7;
	[tilespmem:$0x1FED0] =	vst v21  }
0x12: {  	v18 =	vadd.s32 $0x1983, v7;
	[tilespmem:$0x1FEE0] =	vst v31  }
0x13: {  	v23 =	vor.u32 $0x4, v7;
	[tilespmem:$0x1FEF0] =	vst v18  }
0x14: {  	v10 =	vadd.s32 $0x884, v7;
	[tilespmem:$0x1FF00] =	vst v23  }
0x15: {  	v5 =	vadd.s32 $0x1104, v7;
	[tilespmem:$0x1FF10] =	vst v10  }
0x16: {  	v22 =	vadd.s32 $0x1984, v7;
	[tilespmem:$0x1FF20] =	vst v5  }
0x17: {  	s4 =	srdreg.scid;
	v27 =	vor.u32 $0x5, v7;
	[tilespmem:$0x1FF30] =	vst v22  }
0x18: {  	s5 =	stileid.u32;
	s11 =	simm.s32 $0x80;
	s21 =	simm.s32 $0x10400;
	v29 =	vadd.s32 $0x885, v7;
	[tilespmem:$0x1FF40] =	vst v27  }
0x19: {  	s28 =	simm.s32 $0x16400;
	s29 =	simm.s32 $0x12400;
	s30 =	simm.s32 $0x3;
	v20 =	vadd.s32 $0x1105, v7;
	[tilespmem:$0x1FF50] =	vst v29  }
0x1a: {  	s31 =	simm.s32 $0x18600;
	s12 =	simm.s32 $0xA;
	s13 =	simm.s32 $0x5;
	v26 =	vadd.s32 $0x1985, v7;
	[tilespmem:$0x1FF60] =	vst v20  }
0x1b: {  	s14 =	simm.s32 $0xB;
	s15 =	simm.s32 $0x6;
	s16 =	simm.s32 $0x7;
	v32 =	vor.u32 $0x6, v7;
	[tilespmem:$0x1FF70] =	vst v26  }
0x1c: {  	s17 =	simm.s32 $0x8;
	s18 =	simm.s32 $0x9;
	s4 =	sand.u32 $0x1, s4;
	v63 =	vadd.s32 $0x886, v7;
	[tilespmem:$0x1FF80] =	vst v32  }
0x1d: {  	s5 =	sshll.u32 s5, $0xB;
	s6 =	sshll.u32 s4, $0xA;
	s7 =	ssub.s32 $0x2, s4;
	v28 =	vor.u32 $0x7, v7;
	[tilespmem:$0x1FF90] =	vst v63  }
0x1e: {  	s4 =	sor.u32 s6, s5;
	s5 =	sadd.s32 $0xC00, s1;
	s24 =	sshrl.u32 s7, $0x1;
	v30 =	vadd.s32 $0x1106, v7;
	[tilespmem:$0x1FFA0] =	vst v28  }
.Ltmp0:
0x1f: {  	s1 =	sadd.s32 $0x400, s1;
	v3 =	vadd.s32 $0x1986, v7;
	s8 =	sshrl.u32 s4, $0x3;
	[tilespmem:$0x1FFB0] =	vst v30;
	(pc) =	sbr.rel .LBB2_1-.Ltmp0, $4  }
0x20: {  	v24 =	vadd.s32 $0x887, v7;
	[dreg:$0x4] =	wrdreg s1;
	s25 =	ssub.s32 s7, s24;
	[tilespmem:$0x1FFC0] =	vst v3;
	s0 =	sadd.s32 s0, s8  }
0x21: {  	v4 =	vadd.s32 $0x1107, v7;
	s1 =	simm.s32 $0x4;
	[tilespmem:$0x1FFD0] =	vst v24;
	s26 =	smax.u32 s25, $0x1;
	[dreg:$0x5] =	wrdreg s0  }
0x22: {  	v1 =	vimm.s32 $0x0;
	vm0 =	vcmask $0x300;
	v6 =	vadd.s32 $0x1987, v7;
	s7 =	simm.s32 $0x0;
	[tilespmem:$0x1FFE0] =	vst v4;
	s0 =	sadd.s32 $0x1000, s0;
	[dreg:$0x7] =	wrdreg s26  }
0x23: {  	v1 =	vsel vm0, $0x3, v1;
	[tilespmem:$0x1FFF0] =	vst v6;
	s26 =	simm.s32 $0x2;
	[dreg:$0x6] =	wrdreg s0;
	s0 =	simm.s32 $0x14400  }
.LBB2_36:
0x24: {  	_ =	swait.ge [sflag:s12], $0x2000  }
0x25: {  	[sflag:s12] =	ssyncset.done $0x0  }
0x26: {  	[sflag:s12] =	ssyncadd.s32 $0xFFFFE000  }
0x27: {  	_ =	swait.ge [sflag:s14], $0x2000  }
0x28: {  	v7 =	vld [tilespmem:$0x1FE00]  }
0x29: {  	v8 =	vld [tilespmem:$0x1FE30]  }
0x2a: {  	v11 =	vld [tilespmem:$0x1FE40]  }
0x2b: {  	v12 =	vld [tilespmem:$0x1FE60]  }
0x2c: {  	v15 =	vld [tilespmem:$0x1FE80]  }
0x2d: {  	v16 =	vld [tilespmem:$0x1FEA0]  }
0x2e: {  	v19 =	vld [tilespmem:$0x1FEC0]  }
0x2f: {  	s7 =	rddreg [dreg:$0x8];
	v31 =	vld [tilespmem:$0x1FEE0]  }
0x30: {  	s6 =	rddreg [dreg:$0x7];
	v23 =	vld [tilespmem:$0x1FF00];
	s7 =	sadd.s32 $0x1, s7  }
0x31: {  	v27 =	vld [tilespmem:$0x1FF40];
	p0 =	sne.s32 s7, s6  }
.Ltmp1:
0x32: {  	v32 =	vld [tilespmem:$0x1FF80];
	(pc) =	sbr.rel @!p0 .LBB2_37-.Ltmp1, $4  }
0x33: {  	v28 =	vld [tilespmem:$0x1FFA0]  }
0x34: {  	v24 =	vld [tilespmem:$0x1FFD0]  }
0x35: {  	[sflag:s14] =	ssyncset.done $0x0;
	v4 =	vld [tilespmem:$0x1FFE0]  }
0x36: {  	v6 =	vld [tilespmem:$0x1FFF0];
	[sflag:s14] =	ssyncadd.s32 $0xFFFFE000  }
.LBB2_1:
0x37: {  	[dreg:$0x8] =	wrdreg s7  }
0x38: {  	s6 =	rddreg [dreg:$0x5];
	s7 =	simm.s32 $0x1  }
0x39: {  	[tilespmem:s3], [sflag:$0x1] =	stream.linear.gather [hbm4b:s6+s3], $0x400, $0x38;
	[tilespmem:$0x1DA00] =	vst v63  }
0x3a: {  	_ =	swait.ge [sflag:s7], $0x400  }
0x3b: {  	[sflag:s7] =	ssyncset.done $0x0  }
0x3c: {  	s20 =	simm.s32 $0x6400;
	[sflag:s7] =	ssyncadd.s32 $0xFFFFFC00  }
0x3d: {  	[tilespmem:s20], [sflag:$0x2] =	stream.indirect.gather [hbm4b:s5+s11], $0x40, s3, s11, $0xb8;
	[tilespmem:$0x1DA00] =	vst v63  }
0x3e: {  	s22 =	simm.s32 $0x8400  }
0x3f: {  	[tilespmem:s22], [sflag:$0x3] =	stream.indirect.gather [hbm4b:s5+s11], $0x40, s11, s11, $0xb8;
	[tilespmem:$0x1DA00] =	vst v63  }
0x40: {  	s23 =	simm.s32 $0x100;
	s8 =	simm.s32 $0xA400  }
0x41: {  	[tilespmem:s8], [sflag:$0x4] =	stream.indirect.gather [hbm4b:s5+s11], $0x40, s23, s11, $0xb8;
	[tilespmem:$0x1DA00] =	vst v63  }
0x42: {  	s24 =	simm.s32 $0x180;
	s25 =	simm.s32 $0xC400  }
0x43: {  	[tilespmem:s25], [sflag:$0x5] =	stream.indirect.gather [hbm4b:s5+s11], $0x40, s24, s11, $0xb8;
	[tilespmem:$0x1DA00] =	vst v63  }
0x44: {  	s9 =	simm.s32 $0x200;
	s10 =	simm.s32 $0xE400  }
0x45: {  	[tilespmem:s10], [sflag:$0x6] =	stream.indirect.gather [hbm4b:s5+s11], $0x40, s9, s11, $0xb8;
	[tilespmem:$0x1DA00] =	vst v63  }
0x46: {  	s19 =	simm.s32 $0x280  }
0x47: {  	[tilespmem:s21], [sflag:$0x7] =	stream.indirect.gather [hbm4b:s5+s11], $0x40, s19, s11, $0xb8;
	[tilespmem:$0x1DA00] =	vst v63  }
0x48: {  	s20 =	rddreg [dreg:$0x6];
	s22 =	simm.s32 $0x8000;
	s9 =	simm.s32 $0x400  }
0x49: {  	[tilespmem:s9], [sflag:$0x1] =	stream.strided.gather [hbm4b:s20+s9], $0x6000, s22, s9, $0x38;
	[tilespmem:$0x1DA00] =	vst v63  }
0x4a: {  	s23 =	rddreg [dreg:$0x4];
	s24 =	simm.s32 $0x1A800;
	s25 =	simm.s32 $0xC  }
0x4b: {  	[tilespmem:s24], [sflag:$0xC] =	stream.linear.gather [hbm4b:s23+s3], $0x3200, $0x38;
	[tilespmem:$0x1DA00] =	vst v63  }
0x4c: {  	_ =	swait.ge [sflag:s25], $0x3200  }
0x4d: {  	[sflag:s25] =	ssyncset.done $0x0  }
0x4e: {  	[sflag:s25] =	ssyncadd.s32 $0xFFFFCE00  }
0x4f: {  	_ =	swait.ge [sflag:s7], $0x6000  }
0x50: {  	[sflag:s7] =	ssyncset.done $0x0  }
0x51: {  	v20 =	vmov v12;
	v5 =	vmov v16;
	s20 =	simm.s32 $0x0;
	[sflag:s7] =	ssyncadd.s32 $0xFFFFA000  }
.LBB2_2:
0x52: {  	_ =	swait.ge [sflag:s26], $0x2000  }
0x53: {  	p0 =	seq.s32 s20, $0x0;
	s7 =	simm.s32 $0x0;
	s9 =	simm.s32 $0x1  }
0x54: {  	s10 =	simm.s32 $0x2;
	s8 =	sshll.u32 s20, $0x9;
	[sflag:s26] =	ssyncset.done $0x0  }
0x55: {  	s19 =	simm.s32 $0x3;
	s6 =	simm.s32 @!p0 $0xA;
	[sflag:s26] =	ssyncadd.s32 $0xFFFFE000  }
0x56: {  	s22 =	simm.s32 $0x4;
	s23 =	simm.s32 $0x5;
	v33 =	vmov s7;
	v34 =	vmov s9;
	_ =	swait.ge @!p0 [sflag:s6], $0x2000  }
0x57: {  	s24 =	simm.s32 $0x6;
	s25 =	simm.s32 $0x7;
	v37 =	vmov s10;
	v38 =	vmov s19;
	v39 =	vmov s22;
	[sflag:s6] =	ssyncset.done @!p0 $0x0  }
0x58: {  	s8 =	sand.u32 $0x3FFFFE00, s8;
	v40 =	vmov s23;
	v41 =	vmov s24;
	v43 =	vmov s25;
	[sflag:s6] =	ssyncadd.s32 @!p0 $0xFFFFE000  }
0x59: {  	v33 =	vshrl.u32 v33, $0x3;
	v42 =	vshrl.u32 v34, $0x3;
	v37 =	vshrl.u32 v37, $0x3;
	v36 =	vld [tilespmem:s8+$0x1A800]  }
0x5a: {  	v38 =	vshrl.u32 v38, $0x3;
	v39 =	vshrl.u32 v39, $0x3;
	v40 =	vshrl.u32 v40, $0x3;
	s6 =	simm.s32 $0x6500;
	v35 =	vld [tilespmem:s8+$0x1A810]  }
0x5b: {  	v41 =	vshrl.u32 v41, $0x3;
	v44 =	vshrl.u32 v43, $0x3;
	v33 =	vshll.u32 v33, v1;
	v46 =	vld [tilespmem:s6+$0xC0]  }
0x5c: {  	v42 =	vshll.u32 v42, v1;
	v37 =	vshll.u32 v37, v1;
	v58 =	vshll.u32 v44, v1;
	v47 =	vld [tilespmem:s6+$0xFFFFFF00]  }
0x5d: {  	v38 =	vshll.u32 v38, v1;
	v39 =	vshll.u32 v39, v1;
	v45 =	vbroadcast v58, $0x0;
	v48 =	vld [tilespmem:s6+$0xFFFFFF40]  }
0x5e: {  	v40 =	vshll.u32 v40, v1;
	v59 =	vshll.u32 v41, v1;
	v43 =	vbroadcast v33, $0x0;
	v49 =	vld [tilespmem:s6+$0xFFFFFF80]  }
0x5f: {  	v44 =	vbroadcast v42, $0x0;
	v42 =	vbroadcast v37, $0x0;
	v60 =	vld [tilespmem:s6+$0xFFFFFFC0];
	v50 =	vadd.s32 v28, v45  }
0x60: {  	v41 =	vbroadcast v38, $0x0;
	v51 =	vadd.s32 v7, v43;
	v52 =	vld [tilespmem:s6+$0x0];
	v46 =	vmul.f32 $8.000000000e+00, v46  }
0x61: {  	v39 =	vbroadcast v39, $0x0;
	v53 =	vadd.s32 v11, v44;
	v54 =	vld [tilespmem:s6+$0x40];
	v47 =	vmul.f32 $8.000000000e+00, v47  }
0x62: {  	v55 =	vadd.s32 v15, v42;
	v56 =	vld [tilespmem:s6+$0x80];
	v48 =	vmul.f32 $8.000000000e+00, v48;
	v46 =	vadd.f32 v46, v36  }
0x63: {  	v40 =	vbroadcast v40, $0x0;
	v34 =	vld [tilespmem:s8+$0x1A820];
	v49 =	vmul.f32 $8.000000000e+00, v49;
	v47 =	vadd.f32 v47, v36  }
0x64: {  	v16 =	vbroadcast v59, $0x0;
	v33 =	vld [tilespmem:s8+$0x1A830];
	v58 =	vadd.s32 v23, v39;
	v48 =	vadd.f32 v48, v36;
	[tilespmem:v50+s28+$0x0] =	vst.idx.msk $0xffff, v46  }
0x65: {  	v57 =	vadd.s32 v19, v41;
	v62 =	vmul.f32 $8.000000000e+00, v52;
	v61 =	vadd.f32 v49, v36;
	[tilespmem:v51+s28+$0x0] =	vst.idx.msk $0xffff, v47;
	v50 =	vld [tilespmem:s6+$0xD0]  }
0x66: {  	v37 =	vmul.f32 $8.000000000e+00, v60;
	v38 =	vmul.f32 $8.000000000e+00, v54;
	v52 =	vadd.s32 v32, v16;
	[tilespmem:v53+s28+$0x0] =	vst.idx.msk $0xffff, v48;
	v51 =	vld [tilespmem:s6+$0xFFFFFF10]  }
0x67: {  	v49 =	vadd.s32 v27, v40;
	v60 =	vadd.f32 v62, v36;
	[tilespmem:v55+s28+$0x0] =	vst.idx.msk $0xffff, v61;
	v61 =	vmul.f32 $8.000000000e+00, v56;
	v54 =	vld [tilespmem:s6+$0xFFFFFF50]  }
0x68: {  	s9 =	simm.s32 $0x8;
	v37 =	vadd.f32 v37, v36;
	v55 =	vld [tilespmem:s6+$0xFFFFFF90]  }
0x69: {  	v59 =	vmov s9;
	[tilespmem:v58+s28+$0x0] =	vst.idx.msk $0xffff, v60;
	v47 =	vadd.s32 v24, v45;
	v46 =	vadd.f32 v61, v36  }
0x6a: {  	v62 =	vadd.f32 v38, v36;
	v53 =	vshrl.u32 v59, $0x3;
	[tilespmem:v57+s28+$0x0] =	vst.idx.msk $0xffff, v37;
	v59 =	vld [tilespmem:s6+$0x10];
	v37 =	vmul.f32 $8.000000000e+00, v50  }
0x6b: {  	v58 =	vadd.s32 v9, v43;
	v56 =	vld [tilespmem:s6+$0xFFFFFFD0];
	[tilespmem:v52+s28+$0x0] =	vst.idx.msk $0xffff, v46;
	v52 =	vadd.s32 v17, v42  }
0x6c: {  	[tilespmem:v49+s28+$0x0] =	vst.idx.msk $0xffff, v62;
	v50 =	vmul.f32 $8.000000000e+00, v51;
	v46 =	vmul.f32 $8.000000000e+00, v54;
	v54 =	vld [tilespmem:s6+$0x90];
	v37 =	vadd.f32 v37, v35  }
0x6d: {  	v60 =	vld [tilespmem:s6+$0x50];
	v51 =	vadd.s32 v2, v44;
	v55 =	vmul.f32 $8.000000000e+00, v55  }
0x6e: {  	v62 =	vadd.s32 v10, v39;
	v50 =	vadd.f32 v50, v35;
	[tilespmem:v47+s28+$0x0] =	vst.idx.msk $0xffff, v37  }
0x6f: {  	v61 =	vadd.s32 v21, v41;
	v38 =	vmul.f32 $8.000000000e+00, v59;
	v37 =	vadd.f32 v55, v35;
	v55 =	vld [tilespmem:s6+$0xE0]  }
0x70: {  	v56 =	vmul.f32 $8.000000000e+00, v56;
	v46 =	vadd.f32 v46, v35;
	[tilespmem:v58+s28+$0x0] =	vst.idx.msk $0xffff, v50  }
0x71: {  	v50 =	vadd.s32 v29, v40;
	v47 =	vadd.f32 v38, v35;
	[tilespmem:v52+s28+$0x0] =	vst.idx.msk $0xffff, v37;
	v52 =	vmul.f32 $8.000000000e+00, v54  }
0x72: {  	[tilespmem:v51+s28+$0x0] =	vst.idx.msk $0xffff, v46;
	v46 =	vadd.f32 v56, v35;
	v51 =	vmul.f32 $8.000000000e+00, v60;
	v56 =	vadd.s32 v63, v16  }
0x73: {  	[tilespmem:v62+s28+$0x0] =	vst.idx.msk $0xffff, v47;
	v47 =	vadd.f32 v52, v35;
	v52 =	vadd.s32 v4, v45  }
0x74: {  	v58 =	vld [tilespmem:s6+$0xFFFFFF20];
	[tilespmem:v61+s28+$0x0] =	vst.idx.msk $0xffff, v46;
	v38 =	vadd.f32 v51, v35;
	v46 =	vmul.f32 $8.000000000e+00, v55;
	_ =	sdelay $0x1  }
0x75: {  	s10 =	simm.s32 $0x9;
	[tilespmem:v50+s28+$0x0] =	vst.idx.msk $0xffff, v38;
	v46 =	vadd.f32 v46, v34  }
0x76: {  	v48 =	vmov s10;
	[tilespmem:v56+s28+$0x0] =	vst.idx.msk $0xffff, v47  }
0x77: {  	v60 =	vld [tilespmem:s6+$0xFFFFFF60];
	v62 =	vshrl.u32 v48, $0x3;
	v48 =	vadd.s32 v0, v43;
	[tilespmem:v52+s28+$0x0] =	vst.idx.msk $0xffff, v46  }
0x78: {  	v25 =	vmov v10;
	v38 =	vmul.f32 $8.000000000e+00, v58;
	v10 =	vld [tilespmem:$0x1FF20]  }
0x79: {  	v54 =	vld [tilespmem:s6+$0xFFFFFFA0]  }
0x7a: {  	s19 =	simm.s32 $0xA;
	v61 =	vld [tilespmem:s6+$0xFFFFFFE0];
	v55 =	vadd.f32 v38, v34  }
0x7b: {  	v12 =	vmov v4;
	v57 =	vmov s19;
	v4 =	vmov v63;
	v63 =	vld [tilespmem:s6+$0x20]  }
0x7c: {  	v50 =	vshrl.u32 v57, $0x3;
	v57 =	vadd.s32 v20, v44;
	v58 =	vld [tilespmem:s6+$0x60];
	[tilespmem:v48+s28+$0x0] =	vst.idx.msk $0xffff, v55  }
0x7d: {  	v56 =	vadd.s32 v5, v42;
	v47 =	vmul.f32 $8.000000000e+00, v60;
	v52 =	vadd.s32 v10, v39;
	v10 =	vld [tilespmem:$0x1FF60]  }
0x7e: {  	s22 =	simm.s32 $0xB;
	v60 =	vld [tilespmem:s6+$0xA0];
	v54 =	vmul.f32 $8.000000000e+00, v54;
	v38 =	vadd.s32 v31, v41  }
0x7f: {  	s24 =	simm.s32 $0xD;
	v49 =	vmov s22;
	v46 =	vadd.f32 v47, v34;
	v47 =	vmul.f32 $8.000000000e+00, v61;
	v61 =	vld [tilespmem:s6+$0xF0]  }
0x80: {  	s25 =	simm.s32 $0xE;
	v37 =	vshll.u32 v53, v1;
	v53 =	vmov s24;
	v48 =	vadd.f32 v54, v34  }
0x81: {  	v51 =	vmov s25;
	v45 =	vadd.s32 v6, v45;
	[tilespmem:v57+s28+$0x0] =	vst.idx.msk $0xffff, v46;
	v57 =	vld [tilespmem:s6+$0xFFFFFF30];
	v46 =	vadd.f32 v47, v34  }
0x82: {  	v44 =	vadd.s32 v13, v44;
	v54 =	vmul.f32 $8.000000000e+00, v63;
	[tilespmem:v56+s28+$0x0] =	vst.idx.msk $0xffff, v48;
	v56 =	vld [tilespmem:s6+$0xFFFFFF70];
	v55 =	vadd.s32 v10, v40  }
0x83: {  	v58 =	vmul.f32 $8.000000000e+00, v58;
	v63 =	vadd.s32 v30, v16;
	v60 =	vmul.f32 $8.000000000e+00, v60;
	[tilespmem:v38+s28+$0x0] =	vst.idx.msk $0xffff, v46;
	v38 =	vld [tilespmem:s6+$0xFFFFFFB0]  }
0x84: {  	v54 =	vadd.f32 v54, v34;
	v61 =	vmul.f32 $8.000000000e+00, v61;
	v46 =	vshrl.u32 v51, $0x3;
	v51 =	vld [tilespmem:s6+$0xFFFFFFF0]  }
0x85: {  	s23 =	simm.s32 $0xC;
	v48 =	vshrl.u32 v49, $0x3;
	v49 =	vshrl.u32 v53, $0x3;
	v53 =	vadd.f32 v58, v34  }
0x86: {  	v59 =	vmov s23;
	v58 =	vadd.s32 v8, v43;
	v61 =	vadd.f32 v61, v33;
	[tilespmem:v52+s28+$0x0] =	vst.idx.msk $0xffff, v54  }
0x87: {  	v47 =	vshrl.u32 v59, $0x3;
	v43 =	vadd.s32 v18, v41;
	v52 =	vadd.f32 v60, v34;
	v59 =	vld [tilespmem:s6+$0x30];
	[tilespmem:v55+s28+$0x0] =	vst.idx.msk $0xffff, v53  }
0x88: {  	[tilespmem:v45+s28+$0x0] =	vst.idx.msk $0xffff, v61;
	v54 =	vshll.u32 v62, v1;
	v62 =	vmul.f32 $8.000000000e+00, v57;
	v56 =	vmul.f32 $8.000000000e+00, v56;
	v60 =	vld [tilespmem:s6+$0x70]  }
0x89: {  	[tilespmem:v63+s28+$0x0] =	vst.idx.msk $0xffff, v52;
	v38 =	vmul.f32 $8.000000000e+00, v38;
	v63 =	vmul.f32 $8.000000000e+00, v51;
	v55 =	vshll.u32 v50, v1  }
0x8a: {  	v53 =	vadd.s32 v14, v42;
	v50 =	vadd.f32 v62, v33;
	v62 =	vadd.f32 v56, v33  }
0x8b: {  	v42 =	vadd.s32 v22, v39;
	v56 =	vadd.f32 v38, v33;
	v38 =	vadd.s32 v26, v40  }
0x8c: {  	v10 =	vmov v0;
	v52 =	vadd.f32 v63, v33;
	v39 =	vadd.s32 v3, v16;
	[tilespmem:v58+s28+$0x0] =	vst.idx.msk $0xffff, v50  }
0x8d: {  	s7 =	simm.s32 $0xF;
	s8 =	simm.s32 $0x10;
	s24 =	sshll.u32 s20, $0x3;
	v41 =	vld [tilespmem:s6+$0xB0];
	v16 =	vmovc v6;
	v6 =	vmovc v13;
	v13 =	vmov v2;
	v51 =	vmul.f32 $8.000000000e+00, v59;
	[tilespmem:v44+s28+$0x0] =	vst.idx.msk $0xffff, v62;
	v40 =	vmul.f32 $8.000000000e+00, v60  }
.LBB2_3:
0x8e: {  	v44 =	vmov s7;
	s6 =	sadd.s32 $0x200, s6;
	v48 =	vshll.u32 v48, v1;
	v47 =	vshll.u32 v47, v1  }
0x8f: {  	v49 =	vshll.u32 v49, v1;
	[tilespmem:v53+s28+$0x0] =	vst.idx.msk $0xffff, v56;
	v45 =	vadd.f32 v51, v33;
	v63 =	vld [tilespmem:s6+$0xC0];
	v44 =	vshrl.u32 v44, $0x3  }
0x90: {  	[tilespmem:v43+s28+$0x0] =	vst.idx.msk $0xffff, v52;
	v57 =	vld [tilespmem:s6+$0xFFFFFF00];
	v43 =	vbroadcast v55, $0x0;
	v58 =	vshll.u32 v44, v1;
	v44 =	vbroadcast v54, $0x0  }
0x91: {  	v40 =	vadd.f32 v40, v33;
	v60 =	vld [tilespmem:s6+$0xFFFFFF40];
	[tilespmem:v42+s28+$0x0] =	vst.idx.msk $0xffff, v45;
	v45 =	vbroadcast v58, $0x0;
	v42 =	vbroadcast v48, $0x0  }
0x92: {  	v46 =	vshll.u32 v46, v1;
	v50 =	vmul.f32 $8.000000000e+00, v41;
	v41 =	vbroadcast v37, $0x0;
	v37 =	vld [tilespmem:s6+$0xFFFFFF80]  }
0x93: {  	v53 =	vld [tilespmem:s6+$0xFFFFFFC0];
	[tilespmem:v38+s28+$0x0] =	vst.idx.msk $0xffff, v40;
	v40 =	vbroadcast v47, $0x0;
	v38 =	vbroadcast v49, $0x0;
	v47 =	vadd.s32 v28, v45  }
0x94: {  	v54 =	vld [tilespmem:s6+$0x0];
	v59 =	vadd.f32 v50, v33;
	v48 =	vadd.s32 v7, v41;
	v49 =	vmul.f32 $8.000000000e+00, v63  }
0x95: {  	v61 =	vadd.s32 v11, v44;
	v58 =	vadd.s32 v23, v40;
	v51 =	vmul.f32 $8.000000000e+00, v57  }
0x96: {  	v62 =	vld [tilespmem:s6+$0x40];
	v63 =	vmul.f32 $8.000000000e+00, v60;
	v50 =	vadd.s32 v15, v43;
	[tilespmem:v39+s28+$0x0] =	vst.idx.msk $0xffff, v59;
	v49 =	vadd.f32 v49, v36  }
0x97: {  	v57 =	vadd.s32 v19, v42;
	v51 =	vadd.f32 v51, v36;
	v60 =	vld [tilespmem:s6+$0x80];
	v37 =	vmul.f32 $8.000000000e+00, v37  }
0x98: {  	v53 =	vmul.f32 $8.000000000e+00, v53;
	v39 =	vbroadcast v46, $0x0;
	v46 =	vadd.f32 v63, v36;
	[tilespmem:v47+s28+$0x0] =	vst.idx.msk $0xffff, v49  }
0x99: {  	v63 =	vmul.f32 $8.000000000e+00, v54;
	[tilespmem:v48+s28+$0x0] =	vst.idx.msk $0xffff, v51;
	v37 =	vadd.f32 v37, v36;
	v49 =	vld [tilespmem:s6+$0xD0]  }
0x9a: {  	v59 =	vadd.f32 v53, v36;
	[tilespmem:v61+s28+$0x0] =	vst.idx.msk $0xffff, v46;
	v48 =	vadd.s32 v27, v38;
	v51 =	vld [tilespmem:s6+$0xFFFFFF10]  }
0x9b: {  	v61 =	vmul.f32 $8.000000000e+00, v62;
	v53 =	vadd.s32 v32, v39;
	v55 =	vld [tilespmem:s6+$0xFFFFFF50];
	v63 =	vadd.f32 v63, v36;
	[tilespmem:v50+s28+$0x0] =	vst.idx.msk $0xffff, v37  }
0x9c: {  	[tilespmem:v57+s28+$0x0] =	vst.idx.msk $0xffff, v59;
	v60 =	vmul.f32 $8.000000000e+00, v60;
	v54 =	vld [tilespmem:s6+$0xFFFFFF90]  }
0x9d: {  	v62 =	vmov s8;
	v47 =	vadd.s32 v24, v45;
	v61 =	vadd.f32 v61, v36;
	v56 =	vld [tilespmem:s6+$0xFFFFFFD0];
	[tilespmem:v58+s28+$0x0] =	vst.idx.msk $0xffff, v63  }
0x9e: {  	v58 =	vadd.s32 v9, v41;
	v59 =	vld [tilespmem:s6+$0x10];
	v37 =	vadd.f32 v60, v36;
	v46 =	vmul.f32 $8.000000000e+00, v49  }
0x9f: {  	v50 =	vshrl.u32 v62, $0x3;
	[tilespmem:v48+s28+$0x0] =	vst.idx.msk $0xffff, v61;
	v49 =	vmul.f32 $8.000000000e+00, v51;
	v51 =	vadd.s32 v13, v44  }
0xa0: {  	v60 =	vld [tilespmem:s6+$0x50];
	[tilespmem:v53+s28+$0x0] =	vst.idx.msk $0xffff, v37;
	v37 =	vmul.f32 $8.000000000e+00, v55;
	v53 =	vadd.s32 v17, v43;
	v46 =	vadd.f32 v46, v35  }
0xa1: {  	v61 =	vadd.s32 v21, v42;
	v55 =	vld [tilespmem:s6+$0x90];
	v49 =	vadd.f32 v49, v35;
	v54 =	vmul.f32 $8.000000000e+00, v54  }
0xa2: {  	v62 =	vadd.s32 v25, v40;
	v56 =	vmul.f32 $8.000000000e+00, v56;
	v37 =	vadd.f32 v37, v35;
	[tilespmem:v47+s28+$0x0] =	vst.idx.msk $0xffff, v46  }
0xa3: {  	v47 =	vmul.f32 $8.000000000e+00, v59;
	[tilespmem:v58+s28+$0x0] =	vst.idx.msk $0xffff, v49;
	v46 =	vadd.f32 v54, v35  }
0xa4: {  	v49 =	vadd.s32 v29, v38;
	v54 =	vld [tilespmem:s6+$0xE0];
	[tilespmem:v51+s28+$0x0] =	vst.idx.msk $0xffff, v37;
	v51 =	vadd.f32 v56, v35  }
0xa5: {  	v2 =	vld [tilespmem:$0x1FF20];
	v56 =	vmul.f32 $8.000000000e+00, v60;
	[tilespmem:v53+s28+$0x0] =	vst.idx.msk $0xffff, v46;
	v46 =	vadd.f32 v47, v35  }
0xa6: {  	v59 =	vadd.s32 v4, v39;
	v58 =	vld [tilespmem:s6+$0xFFFFFF20];
	v47 =	vmul.f32 $8.000000000e+00, v55;
	[tilespmem:v61+s28+$0x0] =	vst.idx.msk $0xffff, v51  }
0xa7: {  	v63 =	vld [tilespmem:s6+$0xFFFFFF60];
	v51 =	vadd.f32 v56, v35;
	[tilespmem:v62+s28+$0x0] =	vst.idx.msk $0xffff, v46  }
0xa8: {  	v46 =	vadd.f32 v47, v35;
	v47 =	vadd.s32 v12, v45;
	v62 =	vld [tilespmem:s6+$0x20]  }
0xa9: {  	s10 =	sadd.s32 $0x2, s8;
	v53 =	vld [tilespmem:s6+$0xFFFFFFA0];
	[tilespmem:v49+s28+$0x0] =	vst.idx.msk $0xffff, v51;
	v49 =	vmul.f32 $8.000000000e+00, v54  }
0xaa: {  	v57 =	vmov s10;
	v56 =	vld [tilespmem:s6+$0xFFFFFFE0]  }
0xab: {  	v61 =	vadd.s32 v10, v41;
	v54 =	vmul.f32 $8.000000000e+00, v58;
	v58 =	vld [tilespmem:s6+$0x60];
	[tilespmem:v59+s28+$0x0] =	vst.idx.msk $0xffff, v46;
	v49 =	vadd.f32 v49, v34  }
0xac: {  	v51 =	vshrl.u32 v57, $0x3;
	v57 =	vadd.s32 v20, v44;
	v46 =	vmul.f32 $8.000000000e+00, v63;
	v63 =	vld [tilespmem:s6+$0xA0]  }
0xad: {  	s9 =	sadd.s32 $0x1, s8;
	v59 =	vadd.s32 v5, v43;
	[tilespmem:v47+s28+$0x0] =	vst.idx.msk $0xffff, v49;
	v49 =	vmul.f32 $8.000000000e+00, v62;
	v62 =	vld [tilespmem:$0x1FF60]  }
0xae: {  	v52 =	vmov s9;
	v54 =	vadd.f32 v54, v34;
	v53 =	vmul.f32 $8.000000000e+00, v53  }
0xaf: {  	v2 =	vadd.s32 v2, v40;
	v46 =	vadd.f32 v46, v34;
	v56 =	vmul.f32 $8.000000000e+00, v56  }
0xb0: {  	v52 =	vshrl.u32 v52, $0x3;
	v0 =	vadd.s32 v31, v42;
	[tilespmem:v61+s28+$0x0] =	vst.idx.msk $0xffff, v54;
	v47 =	vadd.f32 v53, v34  }
0xb1: {  	v61 =	vld [tilespmem:s6+$0xF0];
	[tilespmem:v57+s28+$0x0] =	vst.idx.msk $0xffff, v46;
	v46 =	vadd.f32 v56, v34;
	v54 =	vmul.f32 $8.000000000e+00, v58;
	v56 =	vadd.s32 v30, v39  }
0xb2: {  	s19 =	sadd.s32 $0x3, s8;
	s22 =	sadd.s32 $0x4, s8;
	v57 =	vld [tilespmem:s6+$0xFFFFFF70];
	[tilespmem:v59+s28+$0x0] =	vst.idx.msk $0xffff, v47;
	v58 =	vadd.f32 v49, v34;
	v59 =	vmul.f32 $8.000000000e+00, v63;
	v53 =	vadd.s32 v62, v38  }
0xb3: {  	s23 =	sadd.s32 $0x5, s8;
	s25 =	sadd.s32 $0x6, s8;
	v48 =	vmov s19;
	v60 =	vmov s22;
	v37 =	vshll.u32 v50, v1;
	v62 =	vld [tilespmem:s6+$0xFFFFFF30]  }
0xb4: {  	v50 =	vmov s23;
	v55 =	vmov s25;
	[tilespmem:v2+s28+$0x0] =	vst.idx.msk $0xffff, v58;
	v2 =	vadd.f32 v59, v34  }
0xb5: {  	v45 =	vadd.s32 v16, v45;
	v49 =	vshrl.u32 v50, $0x3;
	v50 =	vld [tilespmem:s6+$0xFFFFFFB0];
	[tilespmem:v0+s28+$0x0] =	vst.idx.msk $0xffff, v46;
	v0 =	vadd.f32 v54, v34  }
0xb6: {  	v44 =	vadd.s32 v6, v44;
	v39 =	vadd.s32 v3, v39;
	v47 =	vshrl.u32 v60, $0x3;
	v60 =	vld [tilespmem:s6+$0xFFFFFFF0];
	[tilespmem:v56+s28+$0x0] =	vst.idx.msk $0xffff, v2  }
0xb7: {  	v46 =	vshrl.u32 v55, $0x3;
	v54 =	vshll.u32 v52, v1;
	v58 =	vld [tilespmem:s6+$0x30];
	v2 =	vmul.f32 $8.000000000e+00, v57;
	[tilespmem:v53+s28+$0x0] =	vst.idx.msk $0xffff, v0  }
0xb8: {  	p1 =	slt.u32 s8, $0x78;
	v52 =	vadd.s32 v8, v41;
	v0 =	vmul.f32 $8.000000000e+00, v61;
	v61 =	vmul.f32 $8.000000000e+00, v62;
	v62 =	vld [tilespmem:s6+$0x70]  }
.Ltmp2:
0xb9: {  	v55 =	vshll.u32 v51, v1;
	v38 =	vadd.s32 v26, v38;
	v2 =	vadd.f32 v2, v33;
	(pc) =	sbr.rel @p1 .LBB2_3-.Ltmp2, $4  }
0xba: {  	v50 =	vmul.f32 $8.000000000e+00, v50;
	v53 =	vadd.s32 v14, v43;
	v0 =	vadd.f32 v0, v33  }
0xbb: {  	v63 =	vmul.f32 $8.000000000e+00, v60;
	v43 =	vadd.s32 v18, v42;
	[tilespmem:v44+s28+$0x0] =	vst.idx.msk $0xffff, v2;
	v51 =	vadd.f32 v61, v33  }
0xbc: {  	v48 =	vshrl.u32 v48, $0x3;
	v42 =	vadd.s32 v22, v40;
	v56 =	vadd.f32 v50, v33;
	[tilespmem:v45+s28+$0x0] =	vst.idx.msk $0xffff, v0  }
0xbd: {  	s7 =	sadd.s32 $0x7, s8;
	s8 =	sadd.s32 $0x8, s8;
	v41 =	vld [tilespmem:s6+$0xB0];
	[tilespmem:v52+s28+$0x0] =	vst.idx.msk $0xffff, v51;
	v51 =	vmul.f32 $8.000000000e+00, v58;
	v52 =	vadd.f32 v63, v33;
	v40 =	vmul.f32 $8.000000000e+00, v62  }
0xbe: {  	v0 =	vmov s7;
	s6 =	sadd.s32 $0x200, s6  }
0xbf: {  	v2 =	vld [tilespmem:s6+$0xC0];
	v0 =	vshrl.u32 v0, $0x3  }
0xc0: {  	v44 =	vshll.u32 v48, v1;
	v48 =	vbroadcast v37, $0x0;
	v45 =	vld [tilespmem:s6+$0xFFFFFF00];
	v0 =	vshll.u32 v0, v1  }
0xc1: {  	v63 =	vshll.u32 v47, v1;
	v58 =	vshll.u32 v49, v1;
	v57 =	vld [tilespmem:s6+$0xFFFFFF40];
	v50 =	vbroadcast v0, $0x0  }
0xc2: {  	v49 =	vbroadcast v54, $0x0;
	v47 =	vbroadcast v55, $0x0;
	v54 =	vshll.u32 v46, v1;
	v0 =	vld [tilespmem:s6+$0xFFFFFF80]  }
0xc3: {  	v55 =	vld [tilespmem:s6+$0xFFFFFFC0];
	v46 =	vbroadcast v44, $0x0;
	v44 =	vbroadcast v63, $0x0;
	v59 =	vadd.s32 v28, v50  }
0xc4: {  	v61 =	vld [tilespmem:s6+$0x0];
	v60 =	vadd.s32 v7, v48;
	v28 =	vbroadcast v58, $0x0;
	v2 =	vmul.f32 $8.000000000e+00, v2  }
0xc5: {  	v63 =	vld [tilespmem:s6+$0x40];
	v62 =	vadd.s32 v11, v49;
	v37 =	vmul.f32 $8.000000000e+00, v45;
	v45 =	vbroadcast v54, $0x0  }
0xc6: {  	v54 =	vmul.f32 $8.000000000e+00, v57;
	v57 =	vadd.s32 v15, v47;
	v2 =	vadd.f32 v2, v36  }
0xc7: {  	v7 =	vmovc v11;
	v15 =	vmovc v44;
	v58 =	vadd.f32 v37, v36;
	v0 =	vmul.f32 $8.000000000e+00, v0;
	v37 =	vadd.s32 v19, v46  }
0xc8: {  	v11 =	vld [tilespmem:s6+$0x80];
	[tilespmem:v59+s28+$0x0] =	vst.idx.msk $0xffff, v2;
	v2 =	vadd.f32 v54, v36;
	v54 =	vmul.f32 $8.000000000e+00, v55;
	v55 =	vadd.s32 v23, v44  }
0xc9: {  	[tilespmem:v60+s28+$0x0] =	vst.idx.msk $0xffff, v58;
	v0 =	vadd.f32 v0, v36;
	v44 =	vmul.f32 $8.000000000e+00, v61;
	v59 =	vadd.s32 v27, v28;
	v60 =	vld [tilespmem:s6+$0xD0]  }
0xca: {  	v61 =	vmul.f32 $8.000000000e+00, v63;
	[tilespmem:v62+s28+$0x0] =	vst.idx.msk $0xffff, v2;
	v2 =	vld [tilespmem:s6+$0xFFFFFF10];
	v54 =	vadd.f32 v54, v36  }
0xcb: {  	[tilespmem:v57+s28+$0x0] =	vst.idx.msk $0xffff, v0;
	v57 =	vadd.f32 v44, v36;
	v0 =	vld [tilespmem:s6+$0xFFFFFF50]  }
0xcc: {  	v62 =	vadd.s32 v32, v45;
	v61 =	vadd.f32 v61, v36;
	[tilespmem:v37+s28+$0x0] =	vst.idx.msk $0xffff, v54;
	v37 =	vld [tilespmem:s6+$0xFFFFFF90]  }
0xcd: {  	v63 =	vmov v32;
	v32 =	vmul.f32 $8.000000000e+00, v11;
	v44 =	vadd.s32 v24, v50;
	v58 =	vld [tilespmem:s6+$0xFFFFFFD0];
	[tilespmem:v55+s28+$0x0] =	vst.idx.msk $0xffff, v57  }
0xce: {  	v55 =	vadd.s32 v9, v48;
	[tilespmem:v59+s28+$0x0] =	vst.idx.msk $0xffff, v61;
	v57 =	vld [tilespmem:s6+$0x10];
	v54 =	vmul.f32 $8.000000000e+00, v60  }
0xcf: {  	v36 =	vadd.f32 v32, v36;
	v59 =	vadd.s32 v13, v49;
	v60 =	vld [tilespmem:s6+$0x50];
	v2 =	vmul.f32 $8.000000000e+00, v2  }
0xd0: {  	[tilespmem:v53+s28+$0x0] =	vst.idx.msk $0xffff, v56;
	v0 =	vmul.f32 $8.000000000e+00, v0;
	v54 =	vadd.f32 v54, v35  }
0xd1: {  	v51 =	vadd.f32 v51, v33;
	[tilespmem:v62+s28+$0x0] =	vst.idx.msk $0xffff, v36;
	v2 =	vadd.f32 v2, v35  }
0xd2: {  	v53 =	vadd.s32 v21, v46;
	v61 =	vld [tilespmem:s6+$0x90];
	v37 =	vmul.f32 $8.000000000e+00, v37;
	[tilespmem:v44+s28+$0x0] =	vst.idx.msk $0xffff, v54;
	v0 =	vadd.f32 v0, v35  }
0xd3: {  	v36 =	vadd.s32 v17, v47;
	v44 =	vmul.f32 $8.000000000e+00, v58;
	[tilespmem:v55+s28+$0x0] =	vst.idx.msk $0xffff, v2;
	v55 =	vadd.s32 v29, v28;
	v56 =	vld [tilespmem:s6+$0xE0]  }
0xd4: {  	v2 =	vadd.f32 v37, v35;
	v37 =	vmul.f32 $8.000000000e+00, v57;
	v57 =	vmul.f32 $8.000000000e+00, v60;
	[tilespmem:v59+s28+$0x0] =	vst.idx.msk $0xffff, v0;
	v0 =	vld [tilespmem:s6+$0xFFFFFF20]  }
0xd5: {  	[tilespmem:v43+s28+$0x0] =	vst.idx.msk $0xffff, v52;
	v54 =	vadd.s32 v25, v15;
	v44 =	vadd.f32 v44, v35  }
0xd6: {  	[tilespmem:v42+s28+$0x0] =	vst.idx.msk $0xffff, v51;
	v58 =	vadd.s32 v4, v45;
	v57 =	vadd.f32 v57, v35  }
0xd7: {  	v60 =	vadd.f32 v37, v35;
	v61 =	vmul.f32 $8.000000000e+00, v61;
	v37 =	vadd.s32 v12, v50;
	[tilespmem:v53+s28+$0x0] =	vst.idx.msk $0xffff, v44  }
0xd8: {  	v53 =	vadd.s32 v10, v48;
	[tilespmem:v55+s28+$0x0] =	vst.idx.msk $0xffff, v57;
	v55 =	vmul.f32 $8.000000000e+00, v56  }
0xd9: {  	[tilespmem:v36+s28+$0x0] =	vst.idx.msk $0xffff, v2;
	v2 =	vld [tilespmem:s6+$0xFFFFFF60];
	v59 =	vadd.f32 v61, v35;
	v0 =	vmul.f32 $8.000000000e+00, v0  }
0xda: {  	v44 =	vld [tilespmem:s6+$0xFFFFFFA0];
	[tilespmem:v54+s28+$0x0] =	vst.idx.msk $0xffff, v60;
	v55 =	vadd.f32 v55, v34  }
0xdb: {  	v36 =	vld [tilespmem:s6+$0xFFFFFFE0];
	[tilespmem:v58+s28+$0x0] =	vst.idx.msk $0xffff, v59;
	v0 =	vadd.f32 v0, v34  }
0xdc: {  	v54 =	vld [tilespmem:s6+$0x20];
	[tilespmem:v37+s28+$0x0] =	vst.idx.msk $0xffff, v55  }
0xdd: {  	v23 =	vld [tilespmem:$0x1FF20];
	[tilespmem:v53+s28+$0x0] =	vst.idx.msk $0xffff, v0  }
0xde: {  	v60 =	vadd.s32 v20, v49;
	v27 =	vld [tilespmem:$0x1FF60]  }
0xdf: {  	v56 =	vld [tilespmem:s6+$0x60];
	v2 =	vmul.f32 $8.000000000e+00, v2  }
0xe0: {  	v43 =	vadd.s32 v5, v47;
	v52 =	vld [tilespmem:s6+$0xA0]  }
0xe1: {  	v58 =	vmul.f32 $8.000000000e+00, v44;
	v44 =	vadd.s32 v31, v46;
	v2 =	vadd.f32 v2, v34  }
0xe2: {  	v36 =	vmul.f32 $8.000000000e+00, v36;
	v37 =	vadd.s32 v23, v15  }
0xe3: {  	v0 =	vadd.f32 v58, v34;
	v59 =	vmul.f32 $8.000000000e+00, v54;
	[tilespmem:v60+s28+$0x0] =	vst.idx.msk $0xffff, v2;
	v2 =	vld [tilespmem:s6+$0xFFFFFF30];
	v51 =	vadd.s32 v27, v28  }
0xe4: {  	v53 =	vld [tilespmem:s6+$0xF0];
	v54 =	vadd.s32 v30, v45;
	v60 =	vadd.f32 v36, v34;
	v57 =	vmul.f32 $8.000000000e+00, v56  }
0xe5: {  	[tilespmem:v43+s28+$0x0] =	vst.idx.msk $0xffff, v0;
	v0 =	vld [tilespmem:s6+$0xFFFFFF70];
	v42 =	vadd.f32 v59, v34;
	v58 =	vmul.f32 $8.000000000e+00, v52  }
0xe6: {  	v52 =	vld [tilespmem:s6+$0xFFFFFFB0];
	[tilespmem:v44+s28+$0x0] =	vst.idx.msk $0xffff, v60;
	v59 =	vadd.f32 v57, v34  }
0xe7: {  	v56 =	vadd.s32 v8, v48;
	v60 =	vmul.f32 $8.000000000e+00, v41;
	v41 =	vld [tilespmem:s6+$0xFFFFFFF0];
	v55 =	vadd.f32 v58, v34;
	[tilespmem:v37+s28+$0x0] =	vst.idx.msk $0xffff, v42  }
0xe8: {  	v40 =	vadd.f32 v40, v33;
	v2 =	vmul.f32 $8.000000000e+00, v2;
	v37 =	vadd.s32 v16, v50;
	v57 =	vld [tilespmem:s6+$0x30];
	[tilespmem:v51+s28+$0x0] =	vst.idx.msk $0xffff, v59  }
0xe9: {  	v58 =	vmul.f32 $8.000000000e+00, v53;
	v36 =	vadd.f32 v60, v33;
	[tilespmem:v54+s28+$0x0] =	vst.idx.msk $0xffff, v55;
	v59 =	vadd.s32 v6, v49;
	v60 =	vld [tilespmem:s6+$0x70]  }
0xea: {  	[tilespmem:v38+s28+$0x0] =	vst.idx.msk $0xffff, v40;
	v0 =	vmul.f32 $8.000000000e+00, v0;
	v2 =	vadd.f32 v2, v33;
	v50 =	vadd.s32 v14, v47;
	v51 =	vld [tilespmem:s6+$0xB0]  }
0xeb: {  	v53 =	vadd.s32 v18, v46;
	v35 =	vadd.f32 v58, v33;
	[tilespmem:v39+s28+$0x0] =	vst.idx.msk $0xffff, v36;
	v52 =	vmul.f32 $8.000000000e+00, v52  }
0xec: {  	v55 =	vadd.s32 v22, v15;
	v0 =	vadd.f32 v0, v33;
	v54 =	vmul.f32 $8.000000000e+00, v41;
	[tilespmem:v56+s28+$0x0] =	vst.idx.msk $0xffff, v2  }
0xed: {  	v2 =	vadd.f32 v52, v33;
	[tilespmem:v37+s28+$0x0] =	vst.idx.msk $0xffff, v35;
	v56 =	vmul.f32 $8.000000000e+00, v57;
	v57 =	vadd.s32 v26, v28  }
0xee: {  	[tilespmem:v59+s28+$0x0] =	vst.idx.msk $0xffff, v0;
	v0 =	vadd.f32 v54, v33;
	v59 =	vadd.s32 v3, v45;
	v58 =	vmul.f32 $8.000000000e+00, v60  }
0xef: {  	[tilespmem:v50+s28+$0x0] =	vst.idx.msk $0xffff, v2;
	v60 =	vmul.f32 $8.000000000e+00, v51;
	v2 =	vadd.f32 v56, v33  }
0xf0: {  	s8 =	sshll.u32 s20, $0x15;
	[tilespmem:v53+s28+$0x0] =	vst.idx.msk $0xffff, v0;
	v0 =	vadd.f32 v58, v33  }
0xf1: {  	s6 =	sor.u32 s4, s8;
	[tilespmem:v55+s28+$0x0] =	vst.idx.msk $0xffff, v2;
	v2 =	vadd.f32 v60, v33  }
0xf2: {  	s6 =	sshrl.u32 s6, $0x3;
	[tilespmem:v57+s28+$0x0] =	vst.idx.msk $0xffff, v0  }
0xf3: {  	s9 =	simm.s32 $0x16400;
	s7 =	sadd.s32 s2, s6;
	[tilespmem:v59+s28+$0x0] =	vst.idx.msk $0xffff, v2  }
0xf4: {  	[hbm4b:s7+s3] =	stream.linear.scatter [tilespmem:s9], [sflag:$0xA], $0x80, $0x38;
	[tilespmem:$0x1DA00] =	vst v63  }
0xf5: {  	s10 =	simm.s32 $0x16488;
	s8 =	sadd.s32 $0x10, s7  }
0xf6: {  	[hbm4b:s8+s3] =	stream.linear.scatter [tilespmem:s10], [sflag:$0xA], $0x80, $0x38;
	[tilespmem:$0x1DA00] =	vst v63  }
0xf7: {  	s19 =	simm.s32 $0x16510;
	s23 =	simm.s32 $0x16598;
	s22 =	sadd.s32 $0x20, s7  }
0xf8: {  	[hbm4b:s22+s3] =	stream.linear.scatter [tilespmem:s19], [sflag:$0xA], $0x80, $0x38;
	[tilespmem:$0x1DA00] =	vst v63  }
0xf9: {  	s6 =	simm.s32 $0x440;
	s25 =	sadd.s32 $0x30, s7;
	s9 =	simm.s32 $0x16620  }
0xfa: {  	[hbm4b:s25+s3] =	stream.linear.scatter [tilespmem:s23], [sflag:$0xA], $0x80, $0x38;
	[tilespmem:$0x1DA00] =	vst v63  }
0xfb: {  	s10 =	sadd.s32 $0x40, s7;
	s8 =	simm.s32 $0x2200;
	s19 =	simm.s32 $0x166A8  }
0xfc: {  	[hbm4b:s10+s3] =	stream.linear.scatter [tilespmem:s9], [sflag:$0xA], $0x80, $0x38;
	[tilespmem:$0x1DA00] =	vst v63  }
0xfd: {  	s22 =	sadd.s32 $0x50, s7;
	s23 =	simm.s32 $0x16730;
	s25 =	sadd.s32 $0x60, s7  }
0xfe: {  	[hbm4b:s22+s3] =	stream.linear.scatter [tilespmem:s19], [sflag:$0xA], $0x80, $0x38;
	[tilespmem:$0x1DA00] =	vst v63  }
0xff: {  	v19 =	vmovc v31;
	v11 =	vmovc v20;
	v32 =	vmov v24;
	v24 =	vmov v13;
	v62 =	vmov v29;
	s9 =	simm.s32 $0x167B8;
	s22 =	sadd.s32 $0x70, s7;
	s7 =	sadd.s32 $0x1000, s7  }
0x100: {  	v29 =	vmovc v4;
	v20 =	vmovc v26;
	v61 =	vmov v10;
	v15 =	vmov v5;
	v16 =	vmov v6;
	[hbm4b:s25+s3] =	stream.linear.scatter [tilespmem:s23], [sflag:$0xA], $0x80, $0x38;
	[tilespmem:$0x1DA00] =	vst v63  }
.LBB2_5:
0x101: {  	[hbm4b:s22+s3] =	stream.linear.scatter [tilespmem:s9], [sflag:$0xA], $0x80, $0x38;
	[tilespmem:$0x1DA00] =	vst v63  }
0x102: {  	s9 =	smov.u32 s6;
	s6 =	smov.u32 s8  }
0x103: {  	s10 =	sadd.s32 $0x1100, s8;
	s6 =	sshra.s32 s6, $0x2;
	s22 =	sadd.s32 $0x16400, s9  }
0x104: {  	[hbm4b:s7+s3] =	stream.linear.scatter [tilespmem:s22], [sflag:$0xA], $0x80, $0x38;
	[tilespmem:$0x1DA00] =	vst v63  }
0x105: {  	p1 =	sne.s32 s8, $0x7700;
	s8 =	sadd.s32 $0x16488, s9;
	s22 =	sadd.s32 $0x10, s7  }
0x106: {  	[hbm4b:s22+s3] =	stream.linear.scatter [tilespmem:s8], [sflag:$0xA], $0x80, $0x38;
	[tilespmem:$0x1DA00] =	vst v63  }
0x107: {  	s8 =	sadd.s32 $0x16510, s9;
	s22 =	sadd.s32 $0x20, s7  }
0x108: {  	[hbm4b:s22+s3] =	stream.linear.scatter [tilespmem:s8], [sflag:$0xA], $0x80, $0x38;
	[tilespmem:$0x1DA00] =	vst v63  }
0x109: {  	s8 =	sadd.s32 $0x16598, s9;
	s22 =	sadd.s32 $0x30, s7  }
0x10a: {  	[hbm4b:s22+s3] =	stream.linear.scatter [tilespmem:s8], [sflag:$0xA], $0x80, $0x38;
	[tilespmem:$0x1DA00] =	vst v63  }
0x10b: {  	s8 =	sadd.s32 $0x16620, s9;
	s22 =	sadd.s32 $0x40, s7  }
0x10c: {  	[hbm4b:s22+s3] =	stream.linear.scatter [tilespmem:s8], [sflag:$0xA], $0x80, $0x38;
	[tilespmem:$0x1DA00] =	vst v63  }
.Ltmp3:
0x10d: {  	s8 =	sadd.s32 $0x166A8, s9;
	s22 =	sadd.s32 $0x50, s7;
	(pc) =	sbr.rel @p1 .LBB2_5-.Ltmp3, $4  }
0x10e: {  	[hbm4b:s22+s3] =	stream.linear.scatter [tilespmem:s8], [sflag:$0xA], $0x80, $0x38;
	[tilespmem:$0x1DA00] =	vst v63  }
0x10f: {  	s8 =	sadd.s32 $0x16730, s9;
	s22 =	sadd.s32 $0x60, s7;
	s9 =	sadd.s32 $0x167B8, s9  }
0x110: {  	[hbm4b:s22+s3] =	stream.linear.scatter [tilespmem:s8], [sflag:$0xA], $0x80, $0x38;
	[tilespmem:$0x1DA00] =	vst v63  }
0x111: {  	s22 =	sadd.s32 $0x70, s7;
	s7 =	sadd.s32 $0x1000, s7;
	s8 =	smov.u32 s10  }
0x112: {  	[hbm4b:s22+s3] =	stream.linear.scatter [tilespmem:s9], [sflag:$0xA], $0x80, $0x38;
	[tilespmem:$0x1DA00] =	vst v63  }
0x113: {  	s8 =	sadd.s32 $0x16400, s6  }
0x114: {  	[hbm4b:s7+s3] =	stream.linear.scatter [tilespmem:s8], [sflag:$0xA], $0x80, $0x38;
	[tilespmem:$0x1DA00] =	vst v63  }
0x115: {  	s19 =	sadd.s32 $0x16488, s6;
	s22 =	sadd.s32 $0x10, s7  }
0x116: {  	[hbm4b:s22+s3] =	stream.linear.scatter [tilespmem:s19], [sflag:$0xA], $0x80, $0x38;
	[tilespmem:$0x1DA00] =	vst v63  }
0x117: {  	s23 =	sadd.s32 $0x16510, s6;
	s25 =	sadd.s32 $0x20, s7  }
0x118: {  	[hbm4b:s25+s3] =	stream.linear.scatter [tilespmem:s23], [sflag:$0xA], $0x80, $0x38;
	[tilespmem:$0x1DA00] =	vst v63  }
0x119: {  	s9 =	sadd.s32 $0x16598, s6;
	s10 =	sadd.s32 $0x30, s7  }
0x11a: {  	[hbm4b:s10+s3] =	stream.linear.scatter [tilespmem:s9], [sflag:$0xA], $0x80, $0x38;
	[tilespmem:$0x1DA00] =	vst v63  }
0x11b: {  	s19 =	sadd.s32 $0x16620, s6;
	s22 =	sadd.s32 $0x40, s7  }
0x11c: {  	[hbm4b:s22+s3] =	stream.linear.scatter [tilespmem:s19], [sflag:$0xA], $0x80, $0x38;
	[tilespmem:$0x1DA00] =	vst v63  }
0x11d: {  	s23 =	sadd.s32 $0x166A8, s6;
	s25 =	sadd.s32 $0x50, s7  }
0x11e: {  	[hbm4b:s25+s3] =	stream.linear.scatter [tilespmem:s23], [sflag:$0xA], $0x80, $0x38;
	[tilespmem:$0x1DA00] =	vst v63  }
0x11f: {  	s9 =	sadd.s32 $0x16730, s6;
	s10 =	sadd.s32 $0x60, s7  }
0x120: {  	[hbm4b:s10+s3] =	stream.linear.scatter [tilespmem:s9], [sflag:$0xA], $0x80, $0x38;
	[tilespmem:$0x1DA00] =	vst v63  }
0x121: {  	s19 =	sadd.s32 $0x167B8, s6;
	s22 =	sadd.s32 $0x70, s7;
	s23 =	sshll.u32 s20, $0xA  }
0x122: {  	[hbm4b:s22+s3] =	stream.linear.scatter [tilespmem:s19], [sflag:$0xA], $0x80, $0x38;
	[tilespmem:$0x1DA00] =	vst v63  }
0x123: {  	s22 =	sand.u32 $0x3FFFFC00, s23  }
0x124: {  	s6 =	sor.u32 $0x300, s22  }
0x125: {  	[tilespmem:s29], [sflag:$0x8] =	stream.indirect.gather [hbm4b:s5+s11], $0x40, s6, s11, $0xb8;
	[tilespmem:$0x1DA00] =	vst v63  }
0x126: {  	_ =	swait.ge [sflag:s30], $0x2000  }
0x127: {  	[sflag:s30] =	ssyncset.done $0x0  }
0x128: {  	s7 =	simm.s32 @!p0 $0xB;
	[sflag:s30] =	ssyncadd.s32 $0xFFFFE000  }
0x129: {  	_ =	swait.ge @!p0 [sflag:s7], $0x2000  }
0x12a: {  	v31 =	vld [tilespmem:$0x1FFA0]  }
0x12b: {  	s8 =	simm.s32 $0x5;
	s25 =	simm.s32 $0x0;
	v3 =	vld [tilespmem:$0x1FE00]  }
0x12c: {  	v38 =	vmov s8;
	v0 =	vmov s25;
	s25 =	simm.s32 $0x4;
	s6 =	sor.u32 $0x1, s24;
	v8 =	vld [tilespmem:$0x1FE80]  }
0x12d: {  	v38 =	vshrl.u32 v38, $0x3;
	s9 =	simm.s32 $0x1;
	s19 =	sshll.u32 s6, $0x6;
	[sflag:s7] =	ssyncset.done @!p0 $0x0;
	v12 =	vld [tilespmem:$0x1FEC0]  }
0x12e: {  	v49 =	vshll.u32 v38, v1;
	v2 =	vmov s9;
	s9 =	sand.u32 $0x3FFFFFC0, s19;
	s19 =	simm.s32 $0x7;
	v13 =	vld [tilespmem:$0x1FF00];
	[sflag:s7] =	ssyncadd.s32 @!p0 $0xFFFFE000  }
0x12f: {  	s8 =	simm.s32 $0x8500;
	s10 =	simm.s32 $0x2;
	v0 =	vshrl.u32 v0, $0x3;
	v37 =	vmov s25;
	v41 =	vmov s19;
	v36 =	vld [tilespmem:s9+$0x1A800]  }
0x130: {  	v33 =	vmov s10;
	v0 =	vshll.u32 v0, v1;
	v41 =	vshrl.u32 v41, $0x3;
	v46 =	vld [tilespmem:s8+$0xC0]  }
0x131: {  	s10 =	simm.s32 $0x6;
	v37 =	vshrl.u32 v37, $0x3;
	s23 =	simm.s32 $0x3;
	v43 =	vbroadcast v0, $0x0;
	v0 =	vshll.u32 v41, v1;
	v47 =	vld [tilespmem:s8+$0xFFFFFF00]  }
0x132: {  	v39 =	vmov s10;
	v34 =	vmov s23;
	v45 =	vbroadcast v0, $0x0;
	v35 =	vld [tilespmem:s9+$0x1A810]  }
0x133: {  	v2 =	vshrl.u32 v2, $0x3;
	v37 =	vshll.u32 v37, v1;
	v40 =	vshrl.u32 v34, $0x3;
	v34 =	vld [tilespmem:s9+$0x1A820]  }
0x134: {  	v33 =	vshrl.u32 v33, $0x3;
	v38 =	vbroadcast v37, $0x0;
	v48 =	vld [tilespmem:s8+$0xFFFFFF40];
	v37 =	vadd.s32 v31, v45  }
0x135: {  	v39 =	vshrl.u32 v39, $0x3;
	v0 =	vld [tilespmem:s8+$0xFFFFFF80];
	v51 =	vadd.s32 v3, v43;
	v58 =	vmul.f32 $8.000000000e+00, v46  }
0x136: {  	v2 =	vshll.u32 v2, v1;
	v33 =	vshll.u32 v33, v1;
	v50 =	vld [tilespmem:s8+$0xFFFFFFC0];
	v59 =	vmul.f32 $8.000000000e+00, v47  }
0x137: {  	v44 =	vbroadcast v2, $0x0;
	v40 =	vshll.u32 v40, v1;
	v52 =	vld [tilespmem:s8+$0x0];
	v54 =	vadd.f32 v58, v36  }
0x138: {  	v41 =	vbroadcast v40, $0x0;
	v40 =	vbroadcast v49, $0x0;
	v49 =	vld [tilespmem:s8+$0x40];
	v46 =	vadd.f32 v59, v36  }
0x139: {  	v42 =	vbroadcast v33, $0x0;
	v2 =	vshll.u32 v39, v1;
	v33 =	vld [tilespmem:s9+$0x1A830];
	v47 =	vadd.s32 v7, v44;
	[tilespmem:v37+s31+$0x0] =	vst.idx.msk $0xffff, v54  }
0x13a: {  	v39 =	vbroadcast v2, $0x0;
	v53 =	vld [tilespmem:s8+$0x80];
	v2 =	vmul.f32 $8.000000000e+00, v48;
	[tilespmem:v51+s31+$0x0] =	vst.idx.msk $0xffff, v46  }
0x13b: {  	v60 =	vadd.s32 v8, v42;
	v5 =	vld [tilespmem:$0x1FF40]  }
0x13c: {  	v55 =	vadd.s32 v12, v41;
	v0 =	vmul.f32 $8.000000000e+00, v0;
	v2 =	vadd.f32 v2, v36  }
0x13d: {  	v56 =	vadd.s32 v13, v38;
	v50 =	vmul.f32 $8.000000000e+00, v50  }
0x13e: {  	v57 =	vmul.f32 $8.000000000e+00, v52;
	v0 =	vadd.f32 v0, v36;
	v52 =	vld [tilespmem:s8+$0xFFFFFF10];
	[tilespmem:v47+s31+$0x0] =	vst.idx.msk $0xffff, v2  }
0x13f: {  	v58 =	vmul.f32 $8.000000000e+00, v49;
	v49 =	vadd.s32 v63, v39;
	v2 =	vadd.f32 v50, v36;
	v54 =	vld [tilespmem:s8+$0xFFFFFF50]  }
0x140: {  	v51 =	vld [tilespmem:s8+$0xD0];
	[tilespmem:v60+s31+$0x0] =	vst.idx.msk $0xffff, v0;
	v0 =	vadd.f32 v57, v36;
	v60 =	vmul.f32 $8.000000000e+00, v53;
	v46 =	vadd.s32 v5, v40  }
0x141: {  	[tilespmem:v55+s31+$0x0] =	vst.idx.msk $0xffff, v2  }
0x142: {  	v50 =	vld [tilespmem:s8+$0xFFFFFF90];
	[tilespmem:v56+s31+$0x0] =	vst.idx.msk $0xffff, v0;
	v0 =	vadd.f32 v60, v36  }
0x143: {  	v4 =	vmovc v63;
	v2 =	vadd.f32 v58, v36;
	v63 =	vld [tilespmem:s8+$0xFFFFFFD0];
	v60 =	vmul.f32 $8.000000000e+00, v52;
	v52 =	vadd.s32 v24, v44  }
0x144: {  	s23 =	simm.s32 $0x8;
	v37 =	vadd.s32 v32, v45;
	v57 =	vld [tilespmem:s8+$0x10];
	[tilespmem:v49+s31+$0x0] =	vst.idx.msk $0xffff, v0;
	v0 =	vmul.f32 $8.000000000e+00, v54  }
0x145: {  	v59 =	vmov s23;
	v56 =	vadd.s32 v9, v43;
	[tilespmem:v46+s31+$0x0] =	vst.idx.msk $0xffff, v2;
	v2 =	vmul.f32 $8.000000000e+00, v51  }
0x146: {  	v48 =	vshrl.u32 v59, $0x3;
	v49 =	vadd.s32 v17, v42;
	v0 =	vadd.f32 v0, v35  }
0x147: {  	v59 =	vadd.s32 v21, v41;
	v50 =	vmul.f32 $8.000000000e+00, v50;
	v2 =	vadd.f32 v2, v35  }
0x148: {  	v53 =	vmul.f32 $8.000000000e+00, v63;
	v51 =	vadd.f32 v60, v35;
	v60 =	vadd.s32 v25, v38;
	[tilespmem:v52+s31+$0x0] =	vst.idx.msk $0xffff, v0  }
0x149: {  	v63 =	vmul.f32 $8.000000000e+00, v57;
	[tilespmem:v37+s31+$0x0] =	vst.idx.msk $0xffff, v2;
	v2 =	vadd.f32 v50, v35  }
0x14a: {  	v54 =	vld [tilespmem:s8+$0x90];
	v0 =	vadd.f32 v53, v35;
	[tilespmem:v56+s31+$0x0] =	vst.idx.msk $0xffff, v51  }
0x14b: {  	v58 =	vld [tilespmem:s8+$0x50];
	[tilespmem:v49+s31+$0x0] =	vst.idx.msk $0xffff, v2;
	v2 =	vadd.f32 v63, v35  }
0x14c: {  	[tilespmem:v59+s31+$0x0] =	vst.idx.msk $0xffff, v0  }
0x14d: {  	[tilespmem:v60+s31+$0x0] =	vst.idx.msk $0xffff, v2  }
0x14e: {  	v28 =	vld [tilespmem:$0x1FFE0]  }
0x14f: {  	v50 =	vadd.s32 v62, v40;
	v51 =	vld [tilespmem:s8+$0xE0]  }
0x150: {  	v3 =	vmovc v9;
	v9 =	vmov v62;
	v56 =	vld [tilespmem:s8+$0xFFFFFF20];
	v62 =	vmul.f32 $8.000000000e+00, v58;
	v63 =	vmul.f32 $8.000000000e+00, v54  }
0x151: {  	s25 =	simm.s32 $0x9;
	v53 =	vadd.s32 v29, v39;
	v58 =	vld [tilespmem:s8+$0xFFFFFF60]  }
0x152: {  	s9 =	simm.s32 $0xA;
	v47 =	vmov s25;
	v37 =	vshll.u32 v48, v1;
	v48 =	vld [tilespmem:s8+$0xFFFFFFA0];
	v0 =	vadd.f32 v62, v35  }
0x153: {  	v55 =	vmov s9;
	v59 =	vld [tilespmem:s8+$0xFFFFFFE0];
	v2 =	vadd.f32 v63, v35;
	v49 =	vadd.s32 v28, v45  }
0x154: {  	v60 =	vshrl.u32 v47, $0x3;
	v47 =	vadd.s32 v61, v43;
	v63 =	vmovc v61;
	v61 =	vld [tilespmem:s8+$0x20];
	[tilespmem:v50+s31+$0x0] =	vst.idx.msk $0xffff, v0;
	v0 =	vmul.f32 $8.000000000e+00, v51  }
0x155: {  	v62 =	vmul.f32 $8.000000000e+00, v56;
	v50 =	vshrl.u32 v55, $0x3;
	v55 =	vadd.s32 v11, v44  }
0x156: {  	[tilespmem:v53+s31+$0x0] =	vst.idx.msk $0xffff, v2;
	v53 =	vadd.s32 v15, v42;
	v2 =	vmul.f32 $8.000000000e+00, v58;
	v0 =	vadd.f32 v0, v34  }
0x157: {  	v51 =	vadd.f32 v62, v34;
	v62 =	vadd.s32 v19, v41;
	v48 =	vmul.f32 $8.000000000e+00, v48  }
0x158: {  	[tilespmem:v49+s31+$0x0] =	vst.idx.msk $0xffff, v0;
	v0 =	vadd.f32 v2, v34;
	v2 =	vmul.f32 $8.000000000e+00, v59;
	v59 =	vadd.s32 v23, v38  }
0x159: {  	s10 =	simm.s32 $0xB;
	[tilespmem:v47+s31+$0x0] =	vst.idx.msk $0xffff, v51;
	v47 =	vadd.f32 v48, v34;
	v49 =	vmul.f32 $8.000000000e+00, v61  }
0x15a: {  	v46 =	vmov s10;
	v56 =	vld [tilespmem:s8+$0x60];
	[tilespmem:v55+s31+$0x0] =	vst.idx.msk $0xffff, v0;
	v2 =	vadd.f32 v2, v34  }
0x15b: {  	v10 =	vmov v24;
	v48 =	vshrl.u32 v46, $0x3;
	v46 =	vadd.f32 v49, v34;
	v24 =	vld [tilespmem:$0x1FFB0];
	[tilespmem:v53+s31+$0x0] =	vst.idx.msk $0xffff, v47  }
0x15c: {  	v58 =	vld [tilespmem:s8+$0xA0];
	[tilespmem:v62+s31+$0x0] =	vst.idx.msk $0xffff, v2  }
0x15d: {  	v61 =	vld [tilespmem:s8+$0xF0];
	[tilespmem:v59+s31+$0x0] =	vst.idx.msk $0xffff, v46  }
0x15e: {  	v62 =	vld [tilespmem:$0x1FFF0]  }
0x15f: {  	s19 =	simm.s32 $0xC;
	s25 =	simm.s32 $0xE;
	v6 =	vld [tilespmem:$0x1FE30]  }
0x160: {  	s23 =	simm.s32 $0xD;
	v57 =	vmov s19;
	v52 =	vmov s25;
	v0 =	vld [tilespmem:s8+$0xFFFFFF30]  }
0x161: {  	v54 =	vmov s23;
	v51 =	vadd.s32 v27, v40;
	v58 =	vmul.f32 $8.000000000e+00, v58;
	v53 =	vld [tilespmem:s8+$0xFFFFFF70]  }
0x162: {  	v44 =	vadd.s32 v16, v44;
	v55 =	vmul.f32 $8.000000000e+00, v56;
	v56 =	vadd.s32 v24, v39  }
0x163: {  	v47 =	vshrl.u32 v57, $0x3;
	v57 =	vadd.f32 v58, v34;
	v45 =	vadd.s32 v62, v45  }
0x164: {  	v2 =	vld [tilespmem:s8+$0xFFFFFFB0];
	v55 =	vadd.f32 v55, v34;
	v61 =	vmul.f32 $8.000000000e+00, v61;
	v58 =	vadd.s32 v6, v43  }
0x165: {  	v49 =	vshrl.u32 v54, $0x3;
	v46 =	vshrl.u32 v52, $0x3;
	v52 =	vld [tilespmem:s8+$0xFFFFFFF0];
	v0 =	vmul.f32 $8.000000000e+00, v0  }
0x166: {  	v54 =	vshll.u32 v60, v1;
	[tilespmem:v51+s31+$0x0] =	vst.idx.msk $0xffff, v55;
	v51 =	vld [tilespmem:s8+$0x30];
	v60 =	vmul.f32 $8.000000000e+00, v53;
	v61 =	vadd.f32 v61, v33  }
0x167: {  	v14 =	vmov v17;
	v17 =	vld [tilespmem:$0x1FEB0];
	v0 =	vadd.f32 v0, v33;
	[tilespmem:v56+s31+$0x0] =	vst.idx.msk $0xffff, v57  }
0x168: {  	v60 =	vadd.f32 v60, v33;
	v57 =	vmov v16;
	v16 =	vld [tilespmem:$0x1FEF0];
	[tilespmem:v45+s31+$0x0] =	vst.idx.msk $0xffff, v61  }
0x169: {  	v22 =	vmov v25;
	v25 =	vld [tilespmem:$0x1FF30];
	[tilespmem:v58+s31+$0x0] =	vst.idx.msk $0xffff, v0  }
0x16a: {  	v55 =	vshll.u32 v50, v1;
	v50 =	vld [tilespmem:s8+$0x70];
	[tilespmem:v44+s31+$0x0] =	vst.idx.msk $0xffff, v60  }
0x16b: {  	v18 =	vmov v21;
	v30 =	vmov v29;
	v0 =	vld [tilespmem:$0x1FFC0]  }
0x16c: {  	v21 =	vmovc v13;
	v13 =	vmovc v8;
	v26 =	vmov v9;
	v2 =	vmul.f32 $8.000000000e+00, v2;
	v61 =	vmul.f32 $8.000000000e+00, v52  }
0x16d: {  	v9 =	vmovc v7;
	v29 =	vmovc v4;
	v7 =	vmov v63;
	v51 =	vmul.f32 $8.000000000e+00, v51;
	v8 =	vmov v6  }
0x16e: {  	v6 =	vmovc v3;
	v53 =	vadd.s32 v17, v42;
	v56 =	vadd.f32 v2, v33;
	v52 =	vadd.f32 v61, v33  }
0x16f: {  	v43 =	vadd.s32 v16, v41;
	v41 =	vld [tilespmem:s8+$0xB0];
	v16 =	vmovc v17;
	v17 =	vmovc v12;
	v12 =	vmov v57;
	v42 =	vadd.s32 v25, v38  }
0x170: {  	s7 =	simm.s32 $0xF;
	s9 =	simm.s32 $0x10;
	s23 =	sor.u32 $0x6, s24;
	v38 =	vadd.s32 v20, v40;
	v40 =	vmul.f32 $8.000000000e+00, v50;
	v20 =	vmovc v62;
	v25 =	vmovc v5;
	v5 =	vld [tilespmem:$0x1FE00];
	v39 =	vadd.s32 v0, v39  }
.LBB2_7:
0x171: {  	_ =	sdelay $0x1  }
0x172: {  	v0 =	vmov s7;
	s8 =	sadd.s32 $0x200, s8  }
0x173: {  	v48 =	vshll.u32 v48, v1;
	v47 =	vshll.u32 v47, v1;
	v49 =	vshll.u32 v49, v1;
	v50 =	vld [tilespmem:s8+$0xC0]  }
0x174: {  	[tilespmem:v53+s31+$0x0] =	vst.idx.msk $0xffff, v56;
	v2 =	vadd.f32 v51, v33;
	v0 =	vshrl.u32 v0, $0x3;
	v58 =	vld [tilespmem:s8+$0xFFFFFF00];
	v44 =	vmul.f32 $8.000000000e+00, v41  }
0x175: {  	[tilespmem:v43+s31+$0x0] =	vst.idx.msk $0xffff, v52;
	v40 =	vadd.f32 v40, v33;
	v59 =	vld [tilespmem:s8+$0xFFFFFF40];
	v0 =	vshll.u32 v0, v1  }
0x176: {  	v43 =	vbroadcast v55, $0x0;
	[tilespmem:v42+s31+$0x0] =	vst.idx.msk $0xffff, v2;
	v45 =	vbroadcast v0, $0x0;
	v2 =	vadd.f32 v44, v33  }
0x177: {  	v46 =	vshll.u32 v46, v1;
	[tilespmem:v38+s31+$0x0] =	vst.idx.msk $0xffff, v40;
	v0 =	vld [tilespmem:s8+$0xFFFFFF80];
	v42 =	vbroadcast v48, $0x0;
	v41 =	vbroadcast v37, $0x0  }
0x178: {  	v40 =	vbroadcast v47, $0x0;
	v47 =	vadd.s32 v31, v45;
	v44 =	vbroadcast v54, $0x0;
	[tilespmem:v39+s31+$0x0] =	vst.idx.msk $0xffff, v2;
	v2 =	vld [tilespmem:s8+$0xFFFFFFC0]  }
0x179: {  	v38 =	vbroadcast v49, $0x0;
	v52 =	vld [tilespmem:s8+$0x0];
	v48 =	vadd.s32 v5, v41;
	v60 =	vmul.f32 $8.000000000e+00, v50  }
0x17a: {  	v63 =	vld [tilespmem:s8+$0x40];
	v61 =	vmul.f32 $8.000000000e+00, v58;
	v37 =	vmul.f32 $8.000000000e+00, v59;
	v62 =	vadd.s32 v9, v44  }
0x17b: {  	v39 =	vbroadcast v46, $0x0;
	v46 =	vadd.s32 v13, v43;
	v49 =	vadd.f32 v60, v36  }
0x17c: {  	v55 =	vadd.s32 v17, v42;
	v50 =	vadd.f32 v61, v36;
	v0 =	vmul.f32 $8.000000000e+00, v0;
	v54 =	vld [tilespmem:s8+$0x80]  }
0x17d: {  	v56 =	vadd.s32 v21, v40;
	v37 =	vadd.f32 v37, v36;
	[tilespmem:v47+s31+$0x0] =	vst.idx.msk $0xffff, v49;
	v2 =	vmul.f32 $8.000000000e+00, v2  }
0x17e: {  	v60 =	vmul.f32 $8.000000000e+00, v52;
	v0 =	vadd.f32 v0, v36;
	[tilespmem:v48+s31+$0x0] =	vst.idx.msk $0xffff, v50;
	v48 =	vadd.s32 v25, v38;
	v49 =	vld [tilespmem:s8+$0xD0]  }
0x17f: {  	v61 =	vmul.f32 $8.000000000e+00, v63;
	v50 =	vld [tilespmem:s8+$0xFFFFFF10];
	[tilespmem:v62+s31+$0x0] =	vst.idx.msk $0xffff, v37;
	v2 =	vadd.f32 v2, v36  }
0x180: {  	v51 =	vadd.s32 v29, v39;
	[tilespmem:v46+s31+$0x0] =	vst.idx.msk $0xffff, v0;
	v0 =	vadd.f32 v60, v36;
	v63 =	vld [tilespmem:s8+$0xFFFFFF50]  }
0x181: {  	v59 =	vmul.f32 $8.000000000e+00, v54;
	v60 =	vld [tilespmem:s8+$0xFFFFFF90];
	[tilespmem:v55+s31+$0x0] =	vst.idx.msk $0xffff, v2;
	v2 =	vadd.f32 v61, v36  }
0x182: {  	v62 =	vmov s9;
	v46 =	vadd.s32 v32, v45;
	[tilespmem:v56+s31+$0x0] =	vst.idx.msk $0xffff, v0;
	v61 =	vld [tilespmem:s8+$0xFFFFFFD0]  }
0x183: {  	v56 =	vadd.s32 v6, v41;
	v0 =	vadd.f32 v59, v36;
	v57 =	vld [tilespmem:s8+$0x10];
	[tilespmem:v48+s31+$0x0] =	vst.idx.msk $0xffff, v2;
	v2 =	vmul.f32 $8.000000000e+00, v49  }
0x184: {  	v47 =	vshrl.u32 v62, $0x3;
	v62 =	vmul.f32 $8.000000000e+00, v50;
	v50 =	vadd.s32 v10, v44;
	v58 =	vld [tilespmem:s8+$0x50]  }
0x185: {  	[tilespmem:v51+s31+$0x0] =	vst.idx.msk $0xffff, v0;
	v51 =	vadd.s32 v14, v43;
	v0 =	vmul.f32 $8.000000000e+00, v63;
	v2 =	vadd.f32 v2, v35  }
0x186: {  	v59 =	vadd.s32 v18, v42;
	v53 =	vld [tilespmem:s8+$0x90];
	v49 =	vadd.f32 v62, v35;
	v52 =	vmul.f32 $8.000000000e+00, v60  }
0x187: {  	v60 =	vadd.s32 v22, v40;
	v0 =	vadd.f32 v0, v35;
	v37 =	vmul.f32 $8.000000000e+00, v61;
	[tilespmem:v46+s31+$0x0] =	vst.idx.msk $0xffff, v2  }
0x188: {  	[tilespmem:v56+s31+$0x0] =	vst.idx.msk $0xffff, v49;
	v49 =	vadd.s32 v26, v38;
	v2 =	vadd.f32 v52, v35;
	v46 =	vmul.f32 $8.000000000e+00, v57;
	v52 =	vld [tilespmem:s8+$0xE0]  }
0x189: {  	v56 =	vld [tilespmem:s8+$0xFFFFFF20];
	[tilespmem:v50+s31+$0x0] =	vst.idx.msk $0xffff, v0;
	v0 =	vadd.f32 v37, v35;
	v50 =	vmul.f32 $8.000000000e+00, v58  }
0x18a: {  	v57 =	vadd.s32 v30, v39;
	v61 =	vld [tilespmem:s8+$0xFFFFFF60];
	[tilespmem:v51+s31+$0x0] =	vst.idx.msk $0xffff, v2;
	v2 =	vadd.f32 v46, v35  }
0x18b: {  	s19 =	sadd.s32 $0x2, s9;
	v63 =	vmul.f32 $8.000000000e+00, v53;
	[tilespmem:v59+s31+$0x0] =	vst.idx.msk $0xffff, v0;
	v0 =	vadd.f32 v50, v35  }
0x18c: {  	v55 =	vmov s19;
	v37 =	vshll.u32 v47, v1;
	v46 =	vadd.s32 v28, v45;
	v47 =	vld [tilespmem:s8+$0xFFFFFFA0];
	[tilespmem:v60+s31+$0x0] =	vst.idx.msk $0xffff, v2  }
0x18d: {  	v2 =	vadd.f32 v63, v35;
	v59 =	vadd.s32 v7, v41;
	v53 =	vld [tilespmem:s8+$0xFFFFFFE0];
	[tilespmem:v49+s31+$0x0] =	vst.idx.msk $0xffff, v0;
	v0 =	vmul.f32 $8.000000000e+00, v52  }
0x18e: {  	v60 =	vld [tilespmem:s8+$0x20];
	v52 =	vshrl.u32 v55, $0x3;
	v49 =	vmul.f32 $8.000000000e+00, v56;
	v55 =	vadd.s32 v11, v44  }
0x18f: {  	[tilespmem:v57+s31+$0x0] =	vst.idx.msk $0xffff, v2;
	v2 =	vmul.f32 $8.000000000e+00, v61;
	v56 =	vld [tilespmem:s8+$0x60];
	v0 =	vadd.f32 v0, v34  }
0x190: {  	v57 =	vadd.s32 v15, v43;
	v61 =	vld [tilespmem:s8+$0xA0];
	v49 =	vadd.f32 v49, v34  }
0x191: {  	v62 =	vadd.s32 v19, v42;
	v47 =	vmul.f32 $8.000000000e+00, v47;
	v2 =	vadd.f32 v2, v34;
	[tilespmem:v46+s31+$0x0] =	vst.idx.msk $0xffff, v0  }
0x192: {  	v63 =	vadd.s32 v23, v40;
	v53 =	vmul.f32 $8.000000000e+00, v53;
	[tilespmem:v59+s31+$0x0] =	vst.idx.msk $0xffff, v49  }
0x193: {  	v0 =	vadd.f32 v47, v34;
	v46 =	vmul.f32 $8.000000000e+00, v60;
	v59 =	vadd.s32 v27, v38;
	v60 =	vld [tilespmem:s8+$0xF0];
	[tilespmem:v55+s31+$0x0] =	vst.idx.msk $0xffff, v2  }
0x194: {  	s19 =	sadd.s32 $0x5, s9;
	v2 =	vadd.f32 v53, v34;
	v53 =	vmul.f32 $8.000000000e+00, v56;
	v56 =	vadd.s32 v24, v39;
	v4 =	vld [tilespmem:s8+$0xFFFFFF70]  }
0x195: {  	v51 =	vmov s19;
	v3 =	vld [tilespmem:s8+$0xFFFFFF30];
	[tilespmem:v57+s31+$0x0] =	vst.idx.msk $0xffff, v0;
	v0 =	vadd.f32 v46, v34;
	v57 =	vmul.f32 $8.000000000e+00, v61  }
0x196: {  	s25 =	sadd.s32 $0x3, s9;
	v49 =	vshrl.u32 v51, $0x3;
	v51 =	vld [tilespmem:s8+$0xFFFFFFB0];
	[tilespmem:v62+s31+$0x0] =	vst.idx.msk $0xffff, v2;
	v2 =	vadd.f32 v53, v34  }
0x197: {  	v48 =	vmov s25;
	s25 =	sadd.s32 $0x6, s9;
	v45 =	vadd.s32 v20, v45;
	[tilespmem:v63+s31+$0x0] =	vst.idx.msk $0xffff, v0;
	v0 =	vadd.f32 v57, v34;
	v62 =	vld [tilespmem:$0x1FEF0]  }
0x198: {  	v50 =	vmov s25;
	v44 =	vadd.s32 v12, v44;
	v63 =	vld [tilespmem:$0x1FF30];
	[tilespmem:v59+s31+$0x0] =	vst.idx.msk $0xffff, v2;
	v2 =	vmul.f32 $8.000000000e+00, v60  }
0x199: {  	s10 =	sadd.s32 $0x1, s9;
	v46 =	vshrl.u32 v50, $0x3;
	v50 =	vld [tilespmem:s8+$0xFFFFFFF0];
	[tilespmem:v56+s31+$0x0] =	vst.idx.msk $0xffff, v0;
	v0 =	vmul.f32 $8.000000000e+00, v4  }
0x19a: {  	v54 =	vmov s10;
	v61 =	vld [tilespmem:s8+$0x30];
	v2 =	vadd.f32 v2, v33  }
0x19b: {  	v54 =	vshrl.u32 v54, $0x3;
	v59 =	vld [tilespmem:s8+$0x70];
	v0 =	vadd.f32 v0, v33  }
0x19c: {  	s10 =	sadd.s32 $0x4, s9;
	v54 =	vshll.u32 v54, v1;
	[tilespmem:v45+s31+$0x0] =	vst.idx.msk $0xffff, v2;
	v2 =	vld [tilespmem:$0x1FF70]  }
0x19d: {  	p0 =	slt.u32 s9, $0x78;
	v48 =	vshrl.u32 v48, $0x3;
	v58 =	vmov s10;
	v57 =	vadd.s32 v8, v41;
	[tilespmem:v44+s31+$0x0] =	vst.idx.msk $0xffff, v0;
	v0 =	vld [tilespmem:$0x1FFC0]  }
.Ltmp4:
0x19e: {  	v47 =	vshrl.u32 v58, $0x3;
	v55 =	vshll.u32 v52, v1;
	v3 =	vmul.f32 $8.000000000e+00, v3;
	(pc) =	sbr.rel @p0 .LBB2_7-.Ltmp4, $4  }
0x19f: {  	v53 =	vadd.s32 v16, v43;
	v4 =	vmul.f32 $8.000000000e+00, v51;
	v50 =	vmul.f32 $8.000000000e+00, v50  }
0x1a0: {  	v3 =	vadd.f32 v3, v33;
	v43 =	vadd.s32 v62, v42;
	v42 =	vadd.s32 v63, v40  }
0x1a1: {  	v56 =	vadd.f32 v4, v33;
	v51 =	vmul.f32 $8.000000000e+00, v61;
	v52 =	vadd.f32 v50, v33  }
0x1a2: {  	s7 =	sadd.s32 $0x7, s9;
	s9 =	sadd.s32 $0x8, s9;
	v41 =	vld [tilespmem:s8+$0xB0];
	[tilespmem:v57+s31+$0x0] =	vst.idx.msk $0xffff, v3;
	v40 =	vmul.f32 $8.000000000e+00, v59;
	v38 =	vadd.s32 v2, v38;
	v39 =	vadd.s32 v0, v39  }
0x1a3: {  	v0 =	vmov s7;
	s25 =	sadd.s32 $0x200, s8  }
0x1a4: {  	v2 =	vld [tilespmem:s25+$0xC0];
	v0 =	vshrl.u32 v0, $0x3  }
0x1a5: {  	v3 =	vshll.u32 v48, v1;
	v48 =	vbroadcast v37, $0x0;
	v4 =	vld [tilespmem:s25+$0xFFFFFF00];
	v0 =	vshll.u32 v0, v1  }
0x1a6: {  	v63 =	vshll.u32 v47, v1;
	v45 =	vshll.u32 v49, v1;
	v57 =	vld [tilespmem:s25+$0xFFFFFF40];
	v50 =	vbroadcast v0, $0x0  }
0x1a7: {  	v49 =	vbroadcast v54, $0x0;
	v47 =	vbroadcast v55, $0x0;
	v54 =	vshll.u32 v46, v1;
	v0 =	vld [tilespmem:s25+$0xFFFFFF80]  }
0x1a8: {  	v55 =	vld [tilespmem:s25+$0xFFFFFFC0];
	v46 =	vbroadcast v3, $0x0;
	v44 =	vbroadcast v63, $0x0;
	v3 =	vadd.s32 v31, v50  }
0x1a9: {  	v59 =	vld [tilespmem:s25+$0x0];
	v37 =	vbroadcast v45, $0x0;
	v58 =	vadd.s32 v5, v48;
	v2 =	vmul.f32 $8.000000000e+00, v2  }
0x1aa: {  	v61 =	vld [tilespmem:s25+$0x40];
	v45 =	vbroadcast v54, $0x0;
	v60 =	vadd.s32 v9, v49;
	v4 =	vmul.f32 $8.000000000e+00, v4  }
0x1ab: {  	v9 =	vadd.s32 v13, v47;
	v31 =	vmul.f32 $8.000000000e+00, v57;
	v2 =	vadd.f32 v2, v36  }
0x1ac: {  	v62 =	vld [tilespmem:s25+$0x80];
	v63 =	vadd.s32 v17, v46;
	v4 =	vadd.f32 v4, v36;
	v0 =	vmul.f32 $8.000000000e+00, v0  }
0x1ad: {  	v13 =	vadd.s32 v21, v44;
	[tilespmem:v3+s31+$0x0] =	vst.idx.msk $0xffff, v2;
	v2 =	vadd.f32 v31, v36;
	v3 =	vmul.f32 $8.000000000e+00, v55  }
0x1ae: {  	v17 =	vmul.f32 $8.000000000e+00, v59;
	[tilespmem:v58+s31+$0x0] =	vst.idx.msk $0xffff, v4;
	v0 =	vadd.f32 v0, v36;
	v55 =	vadd.s32 v25, v37;
	v58 =	vld [tilespmem:s25+$0xD0]  }
0x1af: {  	v25 =	vmul.f32 $8.000000000e+00, v61;
	[tilespmem:v60+s31+$0x0] =	vst.idx.msk $0xffff, v2;
	v2 =	vld [tilespmem:s25+$0xFFFFFF10];
	v3 =	vadd.f32 v3, v36  }
0x1b0: {  	v4 =	vadd.f32 v17, v36;
	v60 =	vadd.s32 v29, v45;
	[tilespmem:v9+s31+$0x0] =	vst.idx.msk $0xffff, v0;
	v0 =	vld [tilespmem:s25+$0xFFFFFF50]  }
0x1b1: {  	v31 =	vmul.f32 $8.000000000e+00, v62;
	v59 =	vadd.f32 v25, v36;
	[tilespmem:v63+s31+$0x0] =	vst.idx.msk $0xffff, v3;
	v3 =	vld [tilespmem:s25+$0xFFFFFF90]  }
0x1b2: {  	[tilespmem:v13+s31+$0x0] =	vst.idx.msk $0xffff, v4;
	v9 =	vadd.s32 v32, v50;
	v61 =	vld [tilespmem:s25+$0xFFFFFFD0]  }
0x1b3: {  	v13 =	vadd.s32 v6, v48;
	v17 =	vld [tilespmem:s25+$0x10];
	v63 =	vadd.f32 v31, v36;
	[tilespmem:v55+s31+$0x0] =	vst.idx.msk $0xffff, v59;
	v25 =	vmul.f32 $8.000000000e+00, v58  }
0x1b4: {  	[tilespmem:v53+s31+$0x0] =	vst.idx.msk $0xffff, v56;
	v29 =	vadd.s32 v10, v49;
	v59 =	vld [tilespmem:s25+$0x50];
	v2 =	vmul.f32 $8.000000000e+00, v2  }
0x1b5: {  	v31 =	vadd.s32 v14, v47;
	[tilespmem:v60+s31+$0x0] =	vst.idx.msk $0xffff, v63;
	v0 =	vmul.f32 $8.000000000e+00, v0;
	v55 =	vadd.f32 v25, v35  }
0x1b6: {  	[tilespmem:v43+s31+$0x0] =	vst.idx.msk $0xffff, v52;
	v32 =	vadd.s32 v18, v46;
	v60 =	vld [tilespmem:s25+$0x90];
	v2 =	vadd.f32 v2, v35;
	v3 =	vmul.f32 $8.000000000e+00, v3  }
0x1b7: {  	v63 =	vadd.s32 v22, v44;
	[tilespmem:v9+s31+$0x0] =	vst.idx.msk $0xffff, v55;
	v0 =	vadd.f32 v0, v35;
	v62 =	vmul.f32 $8.000000000e+00, v61  }
0x1b8: {  	v9 =	vadd.s32 v26, v37;
	[tilespmem:v13+s31+$0x0] =	vst.idx.msk $0xffff, v2;
	v2 =	vadd.f32 v3, v35;
	v3 =	vmul.f32 $8.000000000e+00, v17;
	v10 =	vld [tilespmem:s25+$0xE0]  }
0x1b9: {  	v13 =	vmul.f32 $8.000000000e+00, v59;
	[tilespmem:v29+s31+$0x0] =	vst.idx.msk $0xffff, v0;
	v0 =	vld [tilespmem:s25+$0xFFFFFF20];
	v36 =	vadd.f32 v62, v35  }
0x1ba: {  	v14 =	vadd.s32 v30, v45;
	[tilespmem:v31+s31+$0x0] =	vst.idx.msk $0xffff, v2;
	v2 =	vld [tilespmem:s25+$0xFFFFFF60];
	v3 =	vadd.f32 v3, v35  }
0x1bb: {  	v51 =	vadd.f32 v51, v33;
	v17 =	vmul.f32 $8.000000000e+00, v60;
	v25 =	vadd.f32 v13, v35;
	[tilespmem:v32+s31+$0x0] =	vst.idx.msk $0xffff, v36;
	v18 =	vld [tilespmem:s25+$0xFFFFFFA0]  }
0x1bc: {  	v26 =	vadd.s32 v28, v50;
	v28 =	vadd.s32 v7, v48;
	[tilespmem:v63+s31+$0x0] =	vst.idx.msk $0xffff, v3;
	v3 =	vld [tilespmem:s25+$0xFFFFFFE0]  }
0x1bd: {  	v31 =	vadd.s32 v11, v49;
	v4 =	vadd.f32 v17, v35;
	[tilespmem:v9+s31+$0x0] =	vst.idx.msk $0xffff, v25;
	v30 =	vmul.f32 $8.000000000e+00, v10  }
0x1be: {  	[tilespmem:v42+s31+$0x0] =	vst.idx.msk $0xffff, v51;
	v11 =	vadd.s32 v27, v37;
	v27 =	vadd.f32 v40, v33;
	v60 =	vld [tilespmem:s25+$0x60];
	v0 =	vmul.f32 $8.000000000e+00, v0  }
0x1bf: {  	v61 =	vadd.s32 v15, v47;
	v29 =	vld [tilespmem:s25+$0x20];
	[tilespmem:v14+s31+$0x0] =	vst.idx.msk $0xffff, v4;
	v2 =	vmul.f32 $8.000000000e+00, v2;
	v55 =	vadd.f32 v30, v34  }
0x1c0: {  	v63 =	vadd.s32 v19, v46;
	[tilespmem:v38+s31+$0x0] =	vst.idx.msk $0xffff, v27;
	v62 =	vld [tilespmem:s25+$0xA0];
	v0 =	vadd.f32 v0, v34;
	v36 =	vmul.f32 $8.000000000e+00, v18  }
0x1c1: {  	[tilespmem:v26+s31+$0x0] =	vst.idx.msk $0xffff, v55;
	v2 =	vadd.f32 v2, v34;
	v3 =	vmul.f32 $8.000000000e+00, v3  }
0x1c2: {  	v19 =	vmul.f32 $8.000000000e+00, v41;
	[tilespmem:v28+s31+$0x0] =	vst.idx.msk $0xffff, v0;
	v0 =	vadd.f32 v36, v34;
	v13 =	vld [tilespmem:s25+$0xF0]  }
0x1c3: {  	v9 =	vadd.s32 v23, v44;
	v14 =	vmul.f32 $8.000000000e+00, v60;
	[tilespmem:v31+s31+$0x0] =	vst.idx.msk $0xffff, v2;
	v2 =	vld [tilespmem:s25+$0xFFFFFF30];
	v3 =	vadd.f32 v3, v34  }
0x1c4: {  	v15 =	vadd.s32 v24, v45;
	v4 =	vadd.f32 v19, v33;
	v10 =	vmul.f32 $8.000000000e+00, v29;
	[tilespmem:v61+s31+$0x0] =	vst.idx.msk $0xffff, v0;
	v0 =	vld [tilespmem:s25+$0xFFFFFF70]  }
0x1c5: {  	v17 =	vmul.f32 $8.000000000e+00, v62;
	[tilespmem:v63+s31+$0x0] =	vst.idx.msk $0xffff, v3;
	v3 =	vadd.f32 v14, v34  }
0x1c6: {  	[tilespmem:v39+s31+$0x0] =	vst.idx.msk $0xffff, v4;
	v26 =	vadd.s32 v20, v50;
	v36 =	vadd.f32 v10, v34  }
0x1c7: {  	v28 =	vadd.s32 v8, v48;
	v18 =	vld [tilespmem:s25+$0xFFFFFFB0];
	v25 =	vadd.f32 v17, v34;
	[tilespmem:v11+s31+$0x0] =	vst.idx.msk $0xffff, v3;
	v3 =	vmul.f32 $8.000000000e+00, v13  }
0x1c8: {  	v30 =	vadd.s32 v12, v49;
	v24 =	vld [tilespmem:s25+$0xFFFFFFF0];
	[tilespmem:v9+s31+$0x0] =	vst.idx.msk $0xffff, v36;
	v2 =	vmul.f32 $8.000000000e+00, v2  }
0x1c9: {  	v29 =	vld [tilespmem:s25+$0x30];
	[tilespmem:v15+s31+$0x0] =	vst.idx.msk $0xffff, v25;
	v0 =	vmul.f32 $8.000000000e+00, v0;
	v3 =	vadd.f32 v3, v33  }
0x1ca: {  	v55 =	vld [tilespmem:$0x1FEF0];
	v2 =	vadd.f32 v2, v33  }
0x1cb: {  	v58 =	vld [tilespmem:$0x1FF30];
	v0 =	vadd.f32 v0, v33;
	[tilespmem:v26+s31+$0x0] =	vst.idx.msk $0xffff, v3  }
0x1cc: {  	v31 =	vld [tilespmem:s25+$0x70];
	[tilespmem:v28+s31+$0x0] =	vst.idx.msk $0xffff, v2  }
0x1cd: {  	v60 =	vld [tilespmem:$0x1FF70];
	[tilespmem:v30+s31+$0x0] =	vst.idx.msk $0xffff, v0  }
0x1ce: {  	v62 =	vld [tilespmem:$0x1FFC0]  }
0x1cf: {  	v51 =	vadd.s32 v16, v47;
	v53 =	vld [tilespmem:s25+$0xB0]  }
0x1d0: {  	v54 =	vmul.f32 $8.000000000e+00, v18;
	v56 =	vadd.s32 v55, v46  }
0x1d1: {  	v57 =	vmul.f32 $8.000000000e+00, v24;
	v59 =	vadd.s32 v58, v44  }
0x1d2: {  	v2 =	vadd.f32 v54, v33;
	v3 =	vmul.f32 $8.000000000e+00, v29;
	v4 =	vadd.s32 v60, v37  }
0x1d3: {  	v0 =	vadd.f32 v57, v33;
	v61 =	vmul.f32 $8.000000000e+00, v31;
	v63 =	vadd.s32 v62, v45  }
0x1d4: {  	[tilespmem:v51+s31+$0x0] =	vst.idx.msk $0xffff, v2;
	v2 =	vadd.f32 v3, v33;
	v3 =	vmul.f32 $8.000000000e+00, v53  }
0x1d5: {  	s6 =	sshll.u32 s6, $0x12;
	[tilespmem:v56+s31+$0x0] =	vst.idx.msk $0xffff, v0;
	v0 =	vadd.f32 v61, v33  }
0x1d6: {  	s6 =	sor.u32 s4, s6;
	[tilespmem:v59+s31+$0x0] =	vst.idx.msk $0xffff, v2;
	v2 =	vadd.f32 v3, v33  }
0x1d7: {  	s6 =	sshrl.u32 s6, $0x3;
	[tilespmem:v4+s31+$0x0] =	vst.idx.msk $0xffff, v0  }
0x1d8: {  	s8 =	simm.s32 $0x18600;
	s7 =	sadd.s32 s2, s6;
	[tilespmem:v63+s31+$0x0] =	vst.idx.msk $0xffff, v2  }
0x1d9: {  	[hbm4b:s7+s3] =	stream.linear.scatter [tilespmem:s8], [sflag:$0xB], $0x80, $0x38;
	[tilespmem:$0x1DA00] =	vst v63  }
0x1da: {  	s9 =	simm.s32 $0x18688;
	s10 =	sadd.s32 $0x10, s7  }
0x1db: {  	[hbm4b:s10+s3] =	stream.linear.scatter [tilespmem:s9], [sflag:$0xB], $0x80, $0x38;
	[tilespmem:$0x1DA00] =	vst v63  }
0x1dc: {  	s19 =	simm.s32 $0x18710;
	s25 =	sadd.s32 $0x20, s7  }
0x1dd: {  	[hbm4b:s25+s3] =	stream.linear.scatter [tilespmem:s19], [sflag:$0xB], $0x80, $0x38;
	[tilespmem:$0x1DA00] =	vst v63  }
0x1de: {  	s9 =	simm.s32 $0x18798;
	s10 =	sadd.s32 $0x30, s7  }
0x1df: {  	[hbm4b:s10+s3] =	stream.linear.scatter [tilespmem:s9], [sflag:$0xB], $0x80, $0x38;
	[tilespmem:$0x1DA00] =	vst v63  }
0x1e0: {  	s19 =	simm.s32 $0x18820;
	s25 =	sadd.s32 $0x40, s7  }
0x1e1: {  	[hbm4b:s25+s3] =	stream.linear.scatter [tilespmem:s19], [sflag:$0xB], $0x80, $0x38;
	[tilespmem:$0x1DA00] =	vst v63  }
0x1e2: {  	s6 =	simm.s32 $0x440;
	s9 =	simm.s32 $0x188A8;
	s10 =	sadd.s32 $0x50, s7  }
0x1e3: {  	[hbm4b:s10+s3] =	stream.linear.scatter [tilespmem:s9], [sflag:$0xB], $0x80, $0x38;
	[tilespmem:$0x1DA00] =	vst v63  }
0x1e4: {  	s8 =	simm.s32 $0x2200;
	s19 =	simm.s32 $0x18930;
	s25 =	sadd.s32 $0x60, s7  }
0x1e5: {  	[hbm4b:s25+s3] =	stream.linear.scatter [tilespmem:s19], [sflag:$0xB], $0x80, $0x38;
	[tilespmem:$0x1DA00] =	vst v63  }
0x1e6: {  	v21 =	vmov v20;
	s9 =	simm.s32 $0x189B8;
	s25 =	sadd.s32 $0x70, s7;
	s7 =	sadd.s32 $0x1000, s7  }
.LBB2_9:
0x1e7: {  	[hbm4b:s25+s3] =	stream.linear.scatter [tilespmem:s9], [sflag:$0xB], $0x80, $0x38;
	[tilespmem:$0x1DA00] =	vst v63  }
0x1e8: {  	s9 =	smov.u32 s6;
	s6 =	smov.u32 s8  }
0x1e9: {  	s10 =	sadd.s32 $0x1100, s8;
	s6 =	sshra.s32 s6, $0x2;
	s25 =	sadd.s32 $0x18600, s9  }
0x1ea: {  	[hbm4b:s7+s3] =	stream.linear.scatter [tilespmem:s25], [sflag:$0xB], $0x80, $0x38;
	[tilespmem:$0x1DA00] =	vst v63  }
0x1eb: {  	p0 =	sne.s32 s8, $0x7700;
	s8 =	sadd.s32 $0x18688, s9;
	s25 =	sadd.s32 $0x10, s7  }
0x1ec: {  	[hbm4b:s25+s3] =	stream.linear.scatter [tilespmem:s8], [sflag:$0xB], $0x80, $0x38;
	[tilespmem:$0x1DA00] =	vst v63  }
0x1ed: {  	s8 =	sadd.s32 $0x18710, s9;
	s25 =	sadd.s32 $0x20, s7  }
0x1ee: {  	[hbm4b:s25+s3] =	stream.linear.scatter [tilespmem:s8], [sflag:$0xB], $0x80, $0x38;
	[tilespmem:$0x1DA00] =	vst v63  }
0x1ef: {  	s8 =	sadd.s32 $0x18798, s9;
	s25 =	sadd.s32 $0x30, s7  }
0x1f0: {  	[hbm4b:s25+s3] =	stream.linear.scatter [tilespmem:s8], [sflag:$0xB], $0x80, $0x38;
	[tilespmem:$0x1DA00] =	vst v63  }
0x1f1: {  	s8 =	sadd.s32 $0x18820, s9;
	s25 =	sadd.s32 $0x40, s7  }
0x1f2: {  	[hbm4b:s25+s3] =	stream.linear.scatter [tilespmem:s8], [sflag:$0xB], $0x80, $0x38;
	[tilespmem:$0x1DA00] =	vst v63  }
.Ltmp5:
0x1f3: {  	s8 =	sadd.s32 $0x188A8, s9;
	s25 =	sadd.s32 $0x50, s7;
	(pc) =	sbr.rel @p0 .LBB2_9-.Ltmp5, $4  }
0x1f4: {  	[hbm4b:s25+s3] =	stream.linear.scatter [tilespmem:s8], [sflag:$0xB], $0x80, $0x38;
	[tilespmem:$0x1DA00] =	vst v63  }
0x1f5: {  	s8 =	sadd.s32 $0x18930, s9;
	s25 =	sadd.s32 $0x60, s7;
	s9 =	sadd.s32 $0x189B8, s9  }
0x1f6: {  	[hbm4b:s25+s3] =	stream.linear.scatter [tilespmem:s8], [sflag:$0xB], $0x80, $0x38;
	[tilespmem:$0x1DA00] =	vst v63  }
0x1f7: {  	s25 =	sadd.s32 $0x70, s7;
	s7 =	sadd.s32 $0x1000, s7;
	s8 =	smov.u32 s10  }
0x1f8: {  	[hbm4b:s25+s3] =	stream.linear.scatter [tilespmem:s9], [sflag:$0xB], $0x80, $0x38;
	[tilespmem:$0x1DA00] =	vst v63  }
0x1f9: {  	s8 =	sadd.s32 $0x18600, s6  }
0x1fa: {  	[hbm4b:s7+s3] =	stream.linear.scatter [tilespmem:s8], [sflag:$0xB], $0x80, $0x38;
	[tilespmem:$0x1DA00] =	vst v63  }
0x1fb: {  	s9 =	sadd.s32 $0x18688, s6;
	s10 =	sadd.s32 $0x10, s7  }
0x1fc: {  	[hbm4b:s10+s3] =	stream.linear.scatter [tilespmem:s9], [sflag:$0xB], $0x80, $0x38;
	[tilespmem:$0x1DA00] =	vst v63  }
0x1fd: {  	s19 =	sadd.s32 $0x18710, s6;
	s25 =	sadd.s32 $0x20, s7  }
0x1fe: {  	[hbm4b:s25+s3] =	stream.linear.scatter [tilespmem:s19], [sflag:$0xB], $0x80, $0x38;
	[tilespmem:$0x1DA00] =	vst v63  }
0x1ff: {  	s9 =	sadd.s32 $0x18798, s6;
	s10 =	sadd.s32 $0x30, s7  }
0x200: {  	[hbm4b:s10+s3] =	stream.linear.scatter [tilespmem:s9], [sflag:$0xB], $0x80, $0x38;
	[tilespmem:$0x1DA00] =	vst v63  }
0x201: {  	s19 =	sadd.s32 $0x18820, s6;
	s25 =	sadd.s32 $0x40, s7  }
0x202: {  	[hbm4b:s25+s3] =	stream.linear.scatter [tilespmem:s19], [sflag:$0xB], $0x80, $0x38;
	[tilespmem:$0x1DA00] =	vst v63  }
0x203: {  	s9 =	sadd.s32 $0x188A8, s6;
	s10 =	sadd.s32 $0x50, s7  }
0x204: {  	[hbm4b:s10+s3] =	stream.linear.scatter [tilespmem:s9], [sflag:$0xB], $0x80, $0x38;
	[tilespmem:$0x1DA00] =	vst v63  }
0x205: {  	s19 =	sadd.s32 $0x18930, s6;
	s25 =	sadd.s32 $0x60, s7  }
0x206: {  	[hbm4b:s25+s3] =	stream.linear.scatter [tilespmem:s19], [sflag:$0xB], $0x80, $0x38;
	[tilespmem:$0x1DA00] =	vst v63  }
0x207: {  	s9 =	sadd.s32 $0x189B8, s6;
	s10 =	sadd.s32 $0x70, s7  }
0x208: {  	[hbm4b:s10+s3] =	stream.linear.scatter [tilespmem:s9], [sflag:$0xB], $0x80, $0x38;
	[tilespmem:$0x1DA00] =	vst v63  }
0x209: {  	s19 =	sadd.s32 $0x380, s22  }
0x20a: {  	[tilespmem:s0], [sflag:$0x9] =	stream.indirect.gather [hbm4b:s5+s11], $0x40, s19, s11, $0xb8;
	[tilespmem:$0x1DA00] =	vst v63  }
0x20b: {  	_ =	swait.ge [sflag:s1], $0x2000  }
0x20c: {  	[sflag:s1] =	ssyncset.done $0x0  }
0x20d: {  	[sflag:s1] =	ssyncadd.s32 $0xFFFFE000  }
0x20e: {  	s25 =	simm.s32 $0x0;
	_ =	swait.ge [sflag:s12], $0x2000  }
0x20f: {  	s8 =	simm.s32 $0x1;
	s6 =	sor.u32 $0x2, s24;
	v0 =	vmov s25;
	v5 =	vld [tilespmem:$0x1FE00]  }
0x210: {  	v2 =	vmov s8;
	s9 =	simm.s32 $0x2;
	s10 =	sshll.u32 s6, $0x6;
	v0 =	vshrl.u32 v0, $0x3;
	[sflag:s12] =	ssyncset.done $0x0;
	v31 =	vld [tilespmem:$0x1FFA0]  }
0x211: {  	v2 =	vshrl.u32 v2, $0x3;
	v3 =	vmov s9;
	s9 =	sand.u32 $0x3FFFFFC0, s10;
	v0 =	vshll.u32 v0, v1;
	v17 =	vld [tilespmem:$0x1FEC0];
	[sflag:s12] =	ssyncadd.s32 $0xFFFFE000  }
0x212: {  	v2 =	vshll.u32 v2, v1;
	s25 =	simm.s32 $0x4;
	v43 =	vbroadcast v0, $0x0;
	v36 =	vld [tilespmem:s9+$0x1A800]  }
0x213: {  	v44 =	vbroadcast v2, $0x0;
	v33 =	vmov s25;
	s25 =	simm.s32 $0x7;
	v35 =	vld [tilespmem:s9+$0x1A810]  }
0x214: {  	s8 =	simm.s32 $0xA500;
	s10 =	simm.s32 $0x5;
	v33 =	vshrl.u32 v33, $0x3;
	v39 =	vmov s25;
	v49 =	vadd.s32 v5, v43;
	v5 =	vld [tilespmem:$0x1FE40]  }
0x215: {  	s19 =	simm.s32 $0x3;
	v37 =	vmov s10;
	v3 =	vshrl.u32 v3, $0x3;
	v39 =	vshrl.u32 v39, $0x3;
	v46 =	vld [tilespmem:s8+$0xC0]  }
0x216: {  	v33 =	vshll.u32 v33, v1;
	v4 =	vmov s19;
	v0 =	vshll.u32 v39, v1;
	v47 =	vld [tilespmem:s8+$0xFFFFFF00]  }
0x217: {  	s19 =	simm.s32 $0x6;
	v37 =	vshrl.u32 v37, $0x3;
	v4 =	vshrl.u32 v4, $0x3;
	v45 =	vbroadcast v0, $0x0;
	v48 =	vld [tilespmem:s8+$0xFFFFFF40]  }
0x218: {  	v3 =	vshll.u32 v3, v1;
	v38 =	vmov s19;
	v4 =	vshll.u32 v4, v1;
	v34 =	vld [tilespmem:s9+$0x1A820]  }
0x219: {  	v41 =	vbroadcast v4, $0x0;
	v4 =	vadd.s32 v31, v45;
	v62 =	vadd.s32 v5, v44;
	v5 =	vld [tilespmem:$0x1FE80]  }
0x21a: {  	v37 =	vshll.u32 v37, v1;
	v38 =	vshrl.u32 v38, $0x3;
	v0 =	vld [tilespmem:s8+$0xFFFFFF80];
	v60 =	vmul.f32 $8.000000000e+00, v46  }
0x21b: {  	v42 =	vbroadcast v3, $0x0;
	v2 =	vshll.u32 v38, v1;
	v3 =	vld [tilespmem:s8+$0xFFFFFFC0];
	v61 =	vmul.f32 $8.000000000e+00, v47  }
0x21c: {  	v38 =	vbroadcast v2, $0x0;
	v50 =	vld [tilespmem:s8+$0x0];
	v2 =	vmul.f32 $8.000000000e+00, v48;
	v52 =	vadd.f32 v60, v36  }
0x21d: {  	v39 =	vbroadcast v33, $0x0;
	v40 =	vbroadcast v37, $0x0;
	v33 =	vld [tilespmem:s9+$0x1A830];
	v37 =	vadd.f32 v61, v36  }
0x21e: {  	v2 =	vadd.f32 v2, v36;
	v57 =	vadd.s32 v5, v42;
	v5 =	vld [tilespmem:$0x1FF00];
	[tilespmem:v4+s28+$0x0] =	vst.idx.msk $0xffff, v52  }
0x21f: {  	v63 =	vld [tilespmem:s8+$0x40];
	[tilespmem:v49+s28+$0x0] =	vst.idx.msk $0xffff, v37  }
0x220: {  	v53 =	vadd.s32 v17, v41;
	v25 =	vld [tilespmem:$0x1FF40];
	[tilespmem:v62+s28+$0x0] =	vst.idx.msk $0xffff, v2  }
0x221: {  	v3 =	vmul.f32 $8.000000000e+00, v3;
	v29 =	vld [tilespmem:$0x1FF80]  }
0x222: {  	v51 =	vld [tilespmem:s8+$0x80];
	v0 =	vmul.f32 $8.000000000e+00, v0  }
0x223: {  	v2 =	vadd.f32 v3, v36;
	v54 =	vadd.s32 v5, v39  }
0x224: {  	v0 =	vadd.f32 v0, v36;
	v4 =	vmul.f32 $8.000000000e+00, v50;
	v59 =	vld [tilespmem:s8+$0xD0]  }
0x225: {  	v60 =	vld [tilespmem:s8+$0xFFFFFF10];
	[tilespmem:v53+s28+$0x0] =	vst.idx.msk $0xffff, v2;
	v58 =	vadd.s32 v25, v40  }
0x226: {  	v3 =	vmul.f32 $8.000000000e+00, v63;
	v62 =	vld [tilespmem:s8+$0xFFFFFF50];
	[tilespmem:v57+s28+$0x0] =	vst.idx.msk $0xffff, v0;
	v0 =	vadd.f32 v4, v36;
	v46 =	vadd.s32 v29, v38  }
0x227: {  	v63 =	vld [tilespmem:s8+$0xFFFFFFD0];
	v4 =	vmul.f32 $8.000000000e+00, v51  }
0x228: {  	v2 =	vadd.f32 v3, v36;
	v48 =	vld [tilespmem:s8+$0xFFFFFF90];
	[tilespmem:v54+s28+$0x0] =	vst.idx.msk $0xffff, v0  }
0x229: {  	v0 =	vadd.f32 v4, v36;
	v9 =	vld [tilespmem:$0x1FFD0]  }
0x22a: {  	v6 =	vld [tilespmem:$0x1FE10];
	[tilespmem:v58+s28+$0x0] =	vst.idx.msk $0xffff, v2  }
0x22b: {  	v10 =	vld [tilespmem:$0x1FE50];
	[tilespmem:v46+s28+$0x0] =	vst.idx.msk $0xffff, v0  }
0x22c: {  	v14 =	vld [tilespmem:$0x1FE90]  }
0x22d: {  	v18 =	vld [tilespmem:$0x1FED0]  }
0x22e: {  	s10 =	simm.s32 $0x8;
	v22 =	vld [tilespmem:$0x1FF10];
	v4 =	vadd.s32 v9, v45  }
0x22f: {  	v61 =	vmov s10;
	v55 =	vld [tilespmem:s8+$0x10];
	v2 =	vmul.f32 $8.000000000e+00, v59;
	v32 =	vadd.s32 v6, v43  }
0x230: {  	v47 =	vshrl.u32 v61, $0x3;
	v60 =	vmul.f32 $8.000000000e+00, v60;
	v61 =	vadd.s32 v10, v44  }
0x231: {  	v0 =	vmul.f32 $8.000000000e+00, v62;
	v2 =	vadd.f32 v2, v35;
	v46 =	vadd.s32 v14, v42  }
0x232: {  	v37 =	vadd.f32 v60, v35;
	v48 =	vmul.f32 $8.000000000e+00, v48;
	v57 =	vadd.s32 v18, v41  }
0x233: {  	v51 =	vmul.f32 $8.000000000e+00, v63;
	v0 =	vadd.f32 v0, v35;
	v58 =	vadd.s32 v22, v39;
	[tilespmem:v4+s28+$0x0] =	vst.idx.msk $0xffff, v2  }
0x234: {  	v56 =	vld [tilespmem:s8+$0x50];
	[tilespmem:v32+s28+$0x0] =	vst.idx.msk $0xffff, v37;
	v2 =	vadd.f32 v48, v35;
	v4 =	vmul.f32 $8.000000000e+00, v55  }
0x235: {  	v26 =	vld [tilespmem:$0x1FF50];
	[tilespmem:v61+s28+$0x0] =	vst.idx.msk $0xffff, v0;
	v0 =	vadd.f32 v51, v35  }
0x236: {  	v30 =	vld [tilespmem:$0x1FF90];
	[tilespmem:v46+s28+$0x0] =	vst.idx.msk $0xffff, v2;
	v2 =	vadd.f32 v4, v35  }
0x237: {  	v62 =	vld [tilespmem:s8+$0x90];
	[tilespmem:v57+s28+$0x0] =	vst.idx.msk $0xffff, v0  }
0x238: {  	v54 =	vld [tilespmem:s8+$0xE0];
	[tilespmem:v58+s28+$0x0] =	vst.idx.msk $0xffff, v2  }
0x239: {  	v13 =	vld [tilespmem:$0x1FFE0]  }
0x23a: {  	v7 =	vld [tilespmem:$0x1FE20];
	v48 =	vadd.s32 v26, v40  }
0x23b: {  	v60 =	vmul.f32 $8.000000000e+00, v56;
	v63 =	vld [tilespmem:s8+$0xFFFFFF20]  }
0x23c: {  	v4 =	vmul.f32 $8.000000000e+00, v62;
	v61 =	vadd.s32 v30, v38  }
0x23d: {  	v59 =	vld [tilespmem:s8+$0xFFFFFF60];
	v0 =	vadd.f32 v60, v35  }
0x23e: {  	v62 =	vld [tilespmem:s8+$0xFFFFFFA0];
	v2 =	vadd.f32 v4, v35;
	v4 =	vadd.s32 v13, v45  }
0x23f: {  	v52 =	vld [tilespmem:s8+$0xFFFFFFE0];
	v57 =	vadd.s32 v7, v43;
	[tilespmem:v48+s28+$0x0] =	vst.idx.msk $0xffff, v0;
	v0 =	vmul.f32 $8.000000000e+00, v54  }
0x240: {  	v58 =	vld [tilespmem:s8+$0x20];
	v63 =	vmul.f32 $8.000000000e+00, v63  }
0x241: {  	v11 =	vld [tilespmem:$0x1FE60];
	[tilespmem:v61+s28+$0x0] =	vst.idx.msk $0xffff, v2;
	v0 =	vadd.f32 v0, v34  }
0x242: {  	v48 =	vadd.f32 v63, v34;
	v15 =	vld [tilespmem:$0x1FEA0]  }
0x243: {  	v19 =	vld [tilespmem:$0x1FEE0];
	[tilespmem:v4+s28+$0x0] =	vst.idx.msk $0xffff, v0  }
0x244: {  	v23 =	vld [tilespmem:$0x1FF20];
	[tilespmem:v57+s28+$0x0] =	vst.idx.msk $0xffff, v48  }
0x245: {  	v27 =	vld [tilespmem:$0x1FF60]  }
0x246: {  	v32 =	vld [tilespmem:s8+$0x60];
	v54 =	vadd.s32 v11, v44  }
0x247: {  	v2 =	vmul.f32 $8.000000000e+00, v59;
	v51 =	vadd.s32 v15, v42  }
0x248: {  	v37 =	vshll.u32 v47, v1;
	v47 =	vmul.f32 $8.000000000e+00, v62;
	v60 =	vadd.s32 v19, v41  }
0x249: {  	v0 =	vadd.f32 v2, v34;
	v2 =	vmul.f32 $8.000000000e+00, v52;
	v4 =	vadd.s32 v23, v39  }
0x24a: {  	v47 =	vadd.f32 v47, v34;
	v52 =	vmul.f32 $8.000000000e+00, v58;
	v57 =	vadd.s32 v27, v40  }
0x24b: {  	v59 =	vld [tilespmem:s8+$0xA0];
	v2 =	vadd.f32 v2, v34;
	[tilespmem:v54+s28+$0x0] =	vst.idx.msk $0xffff, v0;
	v54 =	vmul.f32 $8.000000000e+00, v32  }
0x24c: {  	v52 =	vadd.f32 v52, v34;
	v32 =	vld [tilespmem:$0x1FFB0];
	[tilespmem:v51+s28+$0x0] =	vst.idx.msk $0xffff, v47  }
0x24d: {  	v58 =	vld [tilespmem:s8+$0xF0];
	[tilespmem:v60+s28+$0x0] =	vst.idx.msk $0xffff, v2;
	v62 =	vadd.f32 v54, v34  }
0x24e: {  	v0 =	vld [tilespmem:s8+$0xFFFFFF30];
	[tilespmem:v4+s28+$0x0] =	vst.idx.msk $0xffff, v52  }
0x24f: {  	v8 =	vld [tilespmem:$0x1FE30];
	[tilespmem:v57+s28+$0x0] =	vst.idx.msk $0xffff, v62  }
0x250: {  	v12 =	vld [tilespmem:$0x1FE70]  }
0x251: {  	s19 =	simm.s32 $0x9;
	v51 =	vld [tilespmem:s8+$0xFFFFFF70]  }
0x252: {  	v3 =	vmov s19;
	v61 =	vadd.s32 v32, v38  }
0x253: {  	v3 =	vshrl.u32 v3, $0x3;
	v45 =	vadd.s32 v21, v45;
	v63 =	vmul.f32 $8.000000000e+00, v59;
	v2 =	vld [tilespmem:s8+$0xFFFFFFB0]  }
0x254: {  	v60 =	vmul.f32 $8.000000000e+00, v58;
	v54 =	vshll.u32 v3, v1;
	v4 =	vld [tilespmem:s8+$0xFFFFFFF0];
	v3 =	vadd.s32 v8, v43  }
0x255: {  	v63 =	vadd.f32 v63, v34;
	v52 =	vld [tilespmem:s8+$0x30];
	v0 =	vmul.f32 $8.000000000e+00, v0;
	v44 =	vadd.s32 v12, v44  }
0x256: {  	v62 =	vadd.f32 v60, v33;
	v57 =	vld [tilespmem:s8+$0x70];
	v51 =	vmul.f32 $8.000000000e+00, v51  }
0x257: {  	v16 =	vld [tilespmem:$0x1FEB0];
	v0 =	vadd.f32 v0, v33;
	[tilespmem:v61+s28+$0x0] =	vst.idx.msk $0xffff, v63  }
0x258: {  	s25 =	simm.s32 $0xA;
	v63 =	vadd.f32 v51, v33;
	v20 =	vld [tilespmem:$0x1FEF0];
	[tilespmem:v45+s28+$0x0] =	vst.idx.msk $0xffff, v62  }
0x259: {  	s9 =	simm.s32 $0xB;
	v53 =	vmov s25;
	s25 =	simm.s32 $0xE;
	v24 =	vld [tilespmem:$0x1FF30];
	[tilespmem:v3+s28+$0x0] =	vst.idx.msk $0xffff, v0  }
0x25a: {  	s10 =	simm.s32 $0xC;
	v49 =	vmov s9;
	s19 =	simm.s32 $0xD;
	v50 =	vmov s25;
	v53 =	vshrl.u32 v53, $0x3;
	v28 =	vld [tilespmem:$0x1FF70];
	[tilespmem:v44+s28+$0x0] =	vst.idx.msk $0xffff, v63  }
0x25b: {  	v56 =	vmov s10;
	v55 =	vshll.u32 v53, v1;
	v46 =	vmov s19;
	v5 =	vld [tilespmem:$0x1FFC0]  }
0x25c: {  	v48 =	vshrl.u32 v49, $0x3;
	v49 =	vshrl.u32 v46, $0x3;
	v2 =	vmul.f32 $8.000000000e+00, v2  }
0x25d: {  	v46 =	vshrl.u32 v50, $0x3;
	v47 =	vshrl.u32 v56, $0x3;
	v4 =	vmul.f32 $8.000000000e+00, v4  }
0x25e: {  	v56 =	vadd.f32 v2, v33;
	v53 =	vadd.s32 v16, v42;
	v51 =	vmul.f32 $8.000000000e+00, v52  }
0x25f: {  	v52 =	vadd.f32 v4, v33;
	v43 =	vadd.s32 v20, v41;
	v42 =	vadd.s32 v24, v39  }
0x260: {  	s7 =	simm.s32 $0xF;
	s9 =	simm.s32 $0x10;
	v41 =	vld [tilespmem:s8+$0xB0];
	v39 =	vadd.s32 v28, v40;
	v40 =	vmul.f32 $8.000000000e+00, v57;
	v38 =	vadd.s32 v5, v38  }
.LBB2_11:
0x261: {  	_ = 	snop  }
0x262: {  	s8 =	sadd.s32 $0x200, s8;
	v58 =	vld [tilespmem:$0x1FE00]  }
0x263: {  	v0 =	vmov s7;
	v50 =	vld [tilespmem:s8+$0xFFFFFF00]  }
0x264: {  	v61 =	vld [tilespmem:$0x1FE40];
	v2 =	vadd.f32 v51, v33;
	v0 =	vshrl.u32 v0, $0x3  }
0x265: {  	[tilespmem:v53+s28+$0x0] =	vst.idx.msk $0xffff, v56;
	v53 =	vld [tilespmem:s8+$0xC0];
	v40 =	vadd.f32 v40, v33;
	v0 =	vshll.u32 v0, v1;
	v3 =	vmul.f32 $8.000000000e+00, v41  }
0x266: {  	v57 =	vshll.u32 v49, v1;
	[tilespmem:v42+s28+$0x0] =	vst.idx.msk $0xffff, v2;
	v45 =	vbroadcast v0, $0x0;
	v0 =	vld [tilespmem:s8+$0xFFFFFF80]  }
0x267: {  	[tilespmem:v39+s28+$0x0] =	vst.idx.msk $0xffff, v40;
	v39 =	vbroadcast v57, $0x0;
	v57 =	vld [tilespmem:$0x1FE80];
	v2 =	vadd.f32 v3, v33  }
0x268: {  	v4 =	vshll.u32 v48, v1;
	v44 =	vbroadcast v54, $0x0;
	[tilespmem:v43+s28+$0x0] =	vst.idx.msk $0xffff, v52;
	v3 =	vld [tilespmem:s8+$0xFFFFFF40];
	v60 =	vmul.f32 $8.000000000e+00, v50  }
0x269: {  	v46 =	vshll.u32 v46, v1;
	v56 =	vshll.u32 v47, v1;
	v41 =	vbroadcast v37, $0x0;
	[tilespmem:v38+s28+$0x0] =	vst.idx.msk $0xffff, v2;
	v2 =	vld [tilespmem:s8+$0xFFFFFFC0]  }
0x26a: {  	v42 =	vbroadcast v4, $0x0;
	v4 =	vadd.s32 v31, v45;
	v48 =	vadd.f32 v60, v36;
	v60 =	vld [tilespmem:$0x1FF00]  }
0x26b: {  	v43 =	vbroadcast v55, $0x0;
	v49 =	vld [tilespmem:s8+$0x0];
	v37 =	vadd.s32 v58, v41;
	v59 =	vmul.f32 $8.000000000e+00, v53  }
0x26c: {  	v40 =	vbroadcast v56, $0x0;
	v63 =	vld [tilespmem:s8+$0x40];
	v62 =	vadd.s32 v61, v44;
	v38 =	vbroadcast v46, $0x0  }
0x26d: {  	v46 =	vadd.s32 v57, v43;
	v47 =	vadd.f32 v59, v36;
	v58 =	vld [tilespmem:s8+$0x80];
	v3 =	vmul.f32 $8.000000000e+00, v3  }
0x26e: {  	v0 =	vmul.f32 $8.000000000e+00, v0;
	v59 =	vadd.s32 v17, v42  }
0x26f: {  	[tilespmem:v4+s28+$0x0] =	vst.idx.msk $0xffff, v47;
	v3 =	vadd.f32 v3, v36;
	v2 =	vmul.f32 $8.000000000e+00, v2;
	v54 =	vadd.s32 v60, v40  }
0x270: {  	v61 =	vadd.s32 v25, v39;
	v0 =	vadd.f32 v0, v36;
	v4 =	vmul.f32 $8.000000000e+00, v49;
	[tilespmem:v37+s28+$0x0] =	vst.idx.msk $0xffff, v48;
	v47 =	vld [tilespmem:s8+$0xD0]  }
0x271: {  	v49 =	vadd.s32 v29, v38;
	v48 =	vld [tilespmem:s8+$0xFFFFFF10];
	[tilespmem:v62+s28+$0x0] =	vst.idx.msk $0xffff, v3;
	v2 =	vadd.f32 v2, v36;
	v3 =	vmul.f32 $8.000000000e+00, v63  }
0x272: {  	v57 =	vadd.s32 v18, v42;
	[tilespmem:v46+s28+$0x0] =	vst.idx.msk $0xffff, v0;
	v0 =	vadd.f32 v4, v36;
	v4 =	vmul.f32 $8.000000000e+00, v58;
	v51 =	vld [tilespmem:s8+$0xFFFFFF50]  }
0x273: {  	s19 =	sadd.s32 $0x2, s9;
	v50 =	vld [tilespmem:s8+$0xFFFFFF90];
	v58 =	vadd.s32 v22, v40;
	[tilespmem:v59+s28+$0x0] =	vst.idx.msk $0xffff, v2;
	v2 =	vadd.f32 v3, v36  }
0x274: {  	v53 =	vmov s19;
	v52 =	vld [tilespmem:s8+$0xFFFFFFD0];
	[tilespmem:v54+s28+$0x0] =	vst.idx.msk $0xffff, v0;
	v0 =	vadd.f32 v4, v36;
	v4 =	vadd.s32 v9, v45  }
0x275: {  	v62 =	vmov s9;
	v54 =	vadd.s32 v6, v41;
	v63 =	vld [tilespmem:s8+$0x10];
	[tilespmem:v61+s28+$0x0] =	vst.idx.msk $0xffff, v2;
	v2 =	vmul.f32 $8.000000000e+00, v47  }
0x276: {  	v46 =	vshrl.u32 v62, $0x3;
	v60 =	vmul.f32 $8.000000000e+00, v48;
	v61 =	vadd.s32 v10, v44;
	v62 =	vld [tilespmem:s8+$0x50];
	[tilespmem:v49+s28+$0x0] =	vst.idx.msk $0xffff, v0  }
0x277: {  	s10 =	sadd.s32 $0x1, s9;
	v49 =	vadd.s32 v14, v43;
	v0 =	vmul.f32 $8.000000000e+00, v51;
	v51 =	vld [tilespmem:s8+$0x90];
	v2 =	vadd.f32 v2, v35  }
0x278: {  	v3 =	vmov s10;
	s10 =	sadd.s32 $0x4, s9;
	v37 =	vadd.f32 v60, v35;
	v50 =	vmul.f32 $8.000000000e+00, v50  }
0x279: {  	v56 =	vmov s10;
	v0 =	vadd.f32 v0, v35;
	v52 =	vmul.f32 $8.000000000e+00, v52;
	[tilespmem:v4+s28+$0x0] =	vst.idx.msk $0xffff, v2  }
0x27a: {  	[tilespmem:v54+s28+$0x0] =	vst.idx.msk $0xffff, v37;
	v2 =	vadd.f32 v50, v35;
	v50 =	vadd.s32 v26, v39;
	v4 =	vmul.f32 $8.000000000e+00, v63;
	v63 =	vld [tilespmem:s8+$0xE0]  }
0x27b: {  	v60 =	vld [tilespmem:s8+$0xFFFFFF20];
	[tilespmem:v61+s28+$0x0] =	vst.idx.msk $0xffff, v0;
	v0 =	vadd.f32 v52, v35;
	v61 =	vmul.f32 $8.000000000e+00, v62;
	v62 =	vadd.s32 v30, v38  }
0x27c: {  	s25 =	sadd.s32 $0x3, s9;
	v3 =	vshrl.u32 v3, $0x3;
	[tilespmem:v49+s28+$0x0] =	vst.idx.msk $0xffff, v2;
	v59 =	vld [tilespmem:s8+$0xFFFFFF60];
	v2 =	vadd.f32 v4, v35;
	v4 =	vmul.f32 $8.000000000e+00, v51  }
0x27d: {  	s19 =	sadd.s32 $0x5, s9;
	v47 =	vmov s25;
	v37 =	vshll.u32 v46, v1;
	v49 =	vld [tilespmem:s8+$0xFFFFFFA0];
	[tilespmem:v57+s28+$0x0] =	vst.idx.msk $0xffff, v0;
	v0 =	vadd.f32 v61, v35  }
0x27e: {  	v46 =	vmov s19;
	v48 =	vld [tilespmem:s8+$0xFFFFFFE0];
	[tilespmem:v58+s28+$0x0] =	vst.idx.msk $0xffff, v2;
	v2 =	vadd.f32 v4, v35;
	v4 =	vadd.s32 v13, v45  }
0x27f: {  	v54 =	vadd.s32 v11, v44;
	v57 =	vadd.s32 v7, v41;
	v58 =	vld [tilespmem:s8+$0x20];
	[tilespmem:v50+s28+$0x0] =	vst.idx.msk $0xffff, v0;
	v0 =	vmul.f32 $8.000000000e+00, v63  }
0x280: {  	v44 =	vadd.s32 v12, v44;
	v52 =	vadd.s32 v15, v43;
	v63 =	vmul.f32 $8.000000000e+00, v60;
	v55 =	vld [tilespmem:s8+$0x60];
	[tilespmem:v62+s28+$0x0] =	vst.idx.msk $0xffff, v2  }
0x281: {  	v50 =	vshrl.u32 v53, $0x3;
	v2 =	vmul.f32 $8.000000000e+00, v59;
	v59 =	vld [tilespmem:s8+$0xA0];
	v0 =	vadd.f32 v0, v34  }
0x282: {  	v60 =	vadd.s32 v19, v42;
	v53 =	vadd.f32 v63, v34;
	v49 =	vmul.f32 $8.000000000e+00, v49  }
0x283: {  	v61 =	vadd.s32 v23, v40;
	v2 =	vadd.f32 v2, v34;
	v48 =	vmul.f32 $8.000000000e+00, v48;
	[tilespmem:v4+s28+$0x0] =	vst.idx.msk $0xffff, v0  }
0x284: {  	s25 =	sadd.s32 $0x6, s9;
	[tilespmem:v57+s28+$0x0] =	vst.idx.msk $0xffff, v53;
	v0 =	vadd.f32 v49, v34;
	v53 =	vadd.s32 v27, v39;
	v4 =	vmul.f32 $8.000000000e+00, v58;
	v57 =	vld [tilespmem:s8+$0xF0]  }
0x285: {  	v51 =	vmov s25;
	v58 =	vld [tilespmem:s8+$0xFFFFFF30];
	[tilespmem:v54+s28+$0x0] =	vst.idx.msk $0xffff, v2;
	v2 =	vadd.f32 v48, v34;
	v54 =	vmul.f32 $8.000000000e+00, v55  }
0x286: {  	v62 =	vadd.s32 v32, v38;
	[tilespmem:v52+s28+$0x0] =	vst.idx.msk $0xffff, v0;
	v63 =	vld [tilespmem:s8+$0xFFFFFF70];
	v0 =	vadd.f32 v4, v34;
	v4 =	vmul.f32 $8.000000000e+00, v59  }
0x287: {  	v38 =	vadd.s32 v5, v38;
	v49 =	vshrl.u32 v46, $0x3;
	v52 =	vld [tilespmem:s8+$0xFFFFFFB0];
	[tilespmem:v60+s28+$0x0] =	vst.idx.msk $0xffff, v2;
	v2 =	vadd.f32 v54, v34  }
0x288: {  	v46 =	vshrl.u32 v51, $0x3;
	v51 =	vld [tilespmem:s8+$0xFFFFFFF0];
	[tilespmem:v61+s28+$0x0] =	vst.idx.msk $0xffff, v0;
	v0 =	vadd.f32 v4, v34;
	v4 =	vadd.s32 v21, v45  }
0x289: {  	v54 =	vshll.u32 v3, v1;
	v3 =	vadd.s32 v8, v41;
	v45 =	vld [tilespmem:s8+$0x30];
	[tilespmem:v53+s28+$0x0] =	vst.idx.msk $0xffff, v2;
	v2 =	vmul.f32 $8.000000000e+00, v57  }
0x28a: {  	p0 =	slt.u32 s9, $0x78;
	v39 =	vadd.s32 v28, v39;
	v48 =	vshrl.u32 v47, $0x3;
	v60 =	vmul.f32 $8.000000000e+00, v58;
	v61 =	vld [tilespmem:s8+$0x70]  }
.Ltmp6:
0x28b: {  	v55 =	vshll.u32 v50, v1;
	[tilespmem:v62+s28+$0x0] =	vst.idx.msk $0xffff, v0;
	v0 =	vmul.f32 $8.000000000e+00, v63;
	v2 =	vadd.f32 v2, v33;
	(pc) =	sbr.rel @p0 .LBB2_11-.Ltmp6, $4  }
0x28c: {  	v53 =	vadd.s32 v16, v43;
	v50 =	vadd.f32 v60, v33;
	v52 =	vmul.f32 $8.000000000e+00, v52  }
0x28d: {  	v43 =	vadd.s32 v20, v42;
	v0 =	vadd.f32 v0, v33;
	v63 =	vmul.f32 $8.000000000e+00, v51;
	[tilespmem:v4+s28+$0x0] =	vst.idx.msk $0xffff, v2  }
0x28e: {  	v47 =	vshrl.u32 v56, $0x3;
	v42 =	vadd.s32 v24, v40;
	[tilespmem:v3+s28+$0x0] =	vst.idx.msk $0xffff, v50;
	v56 =	vadd.f32 v52, v33  }
0x28f: {  	s7 =	sadd.s32 $0x7, s9;
	s9 =	sadd.s32 $0x8, s9;
	v41 =	vld [tilespmem:s8+$0xB0];
	v51 =	vmul.f32 $8.000000000e+00, v45;
	[tilespmem:v44+s28+$0x0] =	vst.idx.msk $0xffff, v0;
	v52 =	vadd.f32 v63, v33;
	v40 =	vmul.f32 $8.000000000e+00, v61  }
0x290: {  	v0 =	vmov s7;
	s25 =	sadd.s32 $0x200, s8  }
0x291: {  	v2 =	vld [tilespmem:s25+$0xC0];
	v0 =	vshrl.u32 v0, $0x3  }
0x292: {  	v0 =	vshll.u32 v0, v1  }
0x293: {  	v50 =	vbroadcast v0, $0x0  }
0x294: {  	v3 =	vshll.u32 v48, v1;
	v45 =	vshll.u32 v49, v1;
	v49 =	vbroadcast v54, $0x0;
	v61 =	vld [tilespmem:$0x1FE00]  }
0x295: {  	v54 =	vshll.u32 v46, v1;
	v62 =	vld [tilespmem:$0x1FE40];
	v46 =	vbroadcast v3, $0x0;
	v3 =	vadd.s32 v31, v50  }
0x296: {  	v60 =	vshll.u32 v47, v1;
	v47 =	vbroadcast v55, $0x0;
	v55 =	vld [tilespmem:s25+$0xFFFFFFC0];
	v2 =	vmul.f32 $8.000000000e+00, v2  }
0x297: {  	v63 =	vld [tilespmem:$0x1FE80]  }
0x298: {  	v4 =	vld [tilespmem:s25+$0xFFFFFF00];
	v2 =	vadd.f32 v2, v36  }
0x299: {  	v57 =	vld [tilespmem:s25+$0xFFFFFF40]  }
0x29a: {  	v48 =	vbroadcast v37, $0x0;
	v0 =	vld [tilespmem:s25+$0xFFFFFF80];
	[tilespmem:v3+s28+$0x0] =	vst.idx.msk $0xffff, v2  }
0x29b: {  	v3 =	vmul.f32 $8.000000000e+00, v55;
	v55 =	vld [tilespmem:$0x1FF00]  }
0x29c: {  	v44 =	vbroadcast v60, $0x0;
	v59 =	vld [tilespmem:s25+$0x0];
	v58 =	vadd.s32 v61, v48  }
0x29d: {  	v37 =	vbroadcast v45, $0x0;
	v60 =	vadd.s32 v62, v49;
	v61 =	vld [tilespmem:s25+$0x40];
	v4 =	vmul.f32 $8.000000000e+00, v4  }
0x29e: {  	v45 =	vbroadcast v54, $0x0;
	v62 =	vld [tilespmem:s25+$0x80];
	v54 =	vmul.f32 $8.000000000e+00, v57;
	v57 =	vadd.s32 v63, v47  }
0x29f: {  	v63 =	vadd.s32 v17, v46;
	v4 =	vadd.f32 v4, v36;
	v0 =	vmul.f32 $8.000000000e+00, v0  }
0x2a0: {  	v2 =	vadd.f32 v54, v36;
	v54 =	vadd.s32 v55, v44  }
0x2a1: {  	v31 =	vmul.f32 $8.000000000e+00, v59;
	v0 =	vadd.f32 v0, v36;
	[tilespmem:v58+s28+$0x0] =	vst.idx.msk $0xffff, v4;
	v17 =	vld [tilespmem:s25+$0xD0];
	v55 =	vadd.s32 v25, v37  }
0x2a2: {  	v29 =	vadd.s32 v29, v45;
	[tilespmem:v60+s28+$0x0] =	vst.idx.msk $0xffff, v2;
	v2 =	vld [tilespmem:s25+$0xFFFFFF10];
	v3 =	vadd.f32 v3, v36;
	v25 =	vmul.f32 $8.000000000e+00, v61  }
0x2a3: {  	v4 =	vadd.f32 v31, v36;
	v31 =	vmul.f32 $8.000000000e+00, v62;
	[tilespmem:v57+s28+$0x0] =	vst.idx.msk $0xffff, v0;
	v0 =	vld [tilespmem:s25+$0xFFFFFF50]  }
0x2a4: {  	[tilespmem:v63+s28+$0x0] =	vst.idx.msk $0xffff, v3;
	v3 =	vld [tilespmem:s25+$0xFFFFFF90];
	v59 =	vadd.f32 v25, v36  }
0x2a5: {  	v63 =	vadd.f32 v31, v36;
	v61 =	vld [tilespmem:s25+$0xFFFFFFD0];
	v36 =	vadd.s32 v9, v50;
	[tilespmem:v54+s28+$0x0] =	vst.idx.msk $0xffff, v4  }
0x2a6: {  	v17 =	vmul.f32 $8.000000000e+00, v17;
	v54 =	vadd.s32 v6, v48;
	[tilespmem:v55+s28+$0x0] =	vst.idx.msk $0xffff, v59;
	v9 =	vld [tilespmem:s25+$0x10]  }
0x2a7: {  	[tilespmem:v29+s28+$0x0] =	vst.idx.msk $0xffff, v63;
	v2 =	vmul.f32 $8.000000000e+00, v2;
	v25 =	vadd.s32 v10, v49;
	v59 =	vld [tilespmem:s25+$0x50]  }
0x2a8: {  	v29 =	vadd.s32 v14, v47;
	v60 =	vld [tilespmem:s25+$0x90];
	v0 =	vmul.f32 $8.000000000e+00, v0;
	v55 =	vadd.f32 v17, v35  }
0x2a9: {  	[tilespmem:v53+s28+$0x0] =	vst.idx.msk $0xffff, v56;
	v31 =	vadd.s32 v18, v46;
	v2 =	vadd.f32 v2, v35;
	v3 =	vmul.f32 $8.000000000e+00, v3  }
0x2aa: {  	v63 =	vadd.s32 v22, v44;
	v0 =	vadd.f32 v0, v35;
	v62 =	vmul.f32 $8.000000000e+00, v61;
	[tilespmem:v36+s28+$0x0] =	vst.idx.msk $0xffff, v55  }
0x2ab: {  	v10 =	vld [tilespmem:s25+$0xE0];
	[tilespmem:v54+s28+$0x0] =	vst.idx.msk $0xffff, v2;
	v2 =	vadd.f32 v3, v35;
	v3 =	vmul.f32 $8.000000000e+00, v9;
	v9 =	vadd.s32 v26, v37  }
0x2ac: {  	v17 =	vadd.s32 v30, v45;
	[tilespmem:v25+s28+$0x0] =	vst.idx.msk $0xffff, v0;
	v36 =	vadd.f32 v62, v35;
	v0 =	vld [tilespmem:s25+$0xFFFFFF20];
	v14 =	vmul.f32 $8.000000000e+00, v59  }
0x2ad: {  	v18 =	vmul.f32 $8.000000000e+00, v60;
	[tilespmem:v29+s28+$0x0] =	vst.idx.msk $0xffff, v2;
	v2 =	vld [tilespmem:s25+$0xFFFFFF60];
	v3 =	vadd.f32 v3, v35  }
0x2ae: {  	[tilespmem:v31+s28+$0x0] =	vst.idx.msk $0xffff, v36;
	v22 =	vld [tilespmem:s25+$0xFFFFFFA0];
	v25 =	vadd.f32 v14, v35  }
0x2af: {  	v4 =	vadd.f32 v18, v35;
	v26 =	vadd.s32 v13, v50;
	[tilespmem:v63+s28+$0x0] =	vst.idx.msk $0xffff, v3;
	v3 =	vld [tilespmem:s25+$0xFFFFFFE0]  }
0x2b0: {  	v29 =	vadd.s32 v7, v48;
	v31 =	vmul.f32 $8.000000000e+00, v10;
	[tilespmem:v9+s28+$0x0] =	vst.idx.msk $0xffff, v25;
	v30 =	vld [tilespmem:s25+$0x20]  }
0x2b1: {  	v51 =	vadd.f32 v51, v33;
	v60 =	vadd.s32 v11, v49;
	[tilespmem:v17+s28+$0x0] =	vst.idx.msk $0xffff, v4;
	v0 =	vmul.f32 $8.000000000e+00, v0;
	v61 =	vld [tilespmem:s25+$0x60]  }
0x2b2: {  	[tilespmem:v43+s28+$0x0] =	vst.idx.msk $0xffff, v52;
	v62 =	vadd.s32 v15, v47;
	v63 =	vld [tilespmem:s25+$0xA0];
	v55 =	vadd.f32 v31, v34;
	v2 =	vmul.f32 $8.000000000e+00, v2  }
0x2b3: {  	[tilespmem:v42+s28+$0x0] =	vst.idx.msk $0xffff, v51;
	v9 =	vadd.s32 v19, v46;
	v0 =	vadd.f32 v0, v34;
	v36 =	vmul.f32 $8.000000000e+00, v22  }
0x2b4: {  	v10 =	vadd.s32 v23, v44;
	[tilespmem:v26+s28+$0x0] =	vst.idx.msk $0xffff, v55;
	v2 =	vadd.f32 v2, v34;
	v3 =	vmul.f32 $8.000000000e+00, v3  }
0x2b5: {  	v13 =	vadd.s32 v27, v37;
	v14 =	vld [tilespmem:s25+$0xF0];
	[tilespmem:v29+s28+$0x0] =	vst.idx.msk $0xffff, v0;
	v0 =	vadd.f32 v36, v34;
	v11 =	vmul.f32 $8.000000000e+00, v30  }
0x2b6: {  	v17 =	vadd.s32 v32, v45;
	[tilespmem:v60+s28+$0x0] =	vst.idx.msk $0xffff, v2;
	v2 =	vld [tilespmem:s25+$0xFFFFFF30];
	v3 =	vadd.f32 v3, v34;
	v15 =	vmul.f32 $8.000000000e+00, v61  }
0x2b7: {  	v18 =	vmul.f32 $8.000000000e+00, v63;
	[tilespmem:v62+s28+$0x0] =	vst.idx.msk $0xffff, v0;
	v0 =	vld [tilespmem:s25+$0xFFFFFF70];
	v36 =	vadd.f32 v11, v34  }
0x2b8: {  	v19 =	vld [tilespmem:s25+$0xFFFFFFB0];
	[tilespmem:v9+s28+$0x0] =	vst.idx.msk $0xffff, v3;
	v3 =	vadd.f32 v15, v34  }
0x2b9: {  	v26 =	vadd.s32 v21, v50;
	v22 =	vmul.f32 $8.000000000e+00, v41;
	v25 =	vadd.f32 v18, v34;
	v23 =	vld [tilespmem:s25+$0xFFFFFFF0];
	[tilespmem:v10+s28+$0x0] =	vst.idx.msk $0xffff, v36  }
0x2ba: {  	v27 =	vadd.f32 v40, v33;
	v29 =	vadd.s32 v8, v48;
	v30 =	vld [tilespmem:s25+$0x30];
	[tilespmem:v13+s28+$0x0] =	vst.idx.msk $0xffff, v3;
	v3 =	vmul.f32 $8.000000000e+00, v14  }
0x2bb: {  	v31 =	vadd.s32 v12, v49;
	v4 =	vadd.f32 v22, v33;
	[tilespmem:v17+s28+$0x0] =	vst.idx.msk $0xffff, v25;
	v2 =	vmul.f32 $8.000000000e+00, v2;
	v53 =	vld [tilespmem:s25+$0x70]  }
0x2bc: {  	[tilespmem:v39+s28+$0x0] =	vst.idx.msk $0xffff, v27;
	v55 =	vadd.s32 v16, v47;
	v56 =	vld [tilespmem:s25+$0xB0];
	v0 =	vmul.f32 $8.000000000e+00, v0;
	v3 =	vadd.f32 v3, v33  }
0x2bd: {  	v58 =	vadd.s32 v20, v46;
	[tilespmem:v38+s28+$0x0] =	vst.idx.msk $0xffff, v4;
	v2 =	vadd.f32 v2, v33;
	v57 =	vmul.f32 $8.000000000e+00, v19  }
0x2be: {  	v60 =	vadd.s32 v24, v44;
	v0 =	vadd.f32 v0, v33;
	v59 =	vmul.f32 $8.000000000e+00, v23;
	[tilespmem:v26+s28+$0x0] =	vst.idx.msk $0xffff, v3  }
0x2bf: {  	v61 =	vadd.s32 v28, v37;
	[tilespmem:v29+s28+$0x0] =	vst.idx.msk $0xffff, v2;
	v2 =	vadd.f32 v57, v33;
	v3 =	vmul.f32 $8.000000000e+00, v30  }
0x2c0: {  	v63 =	vadd.s32 v5, v45;
	[tilespmem:v31+s28+$0x0] =	vst.idx.msk $0xffff, v0;
	v0 =	vadd.f32 v59, v33;
	v62 =	vmul.f32 $8.000000000e+00, v53  }
0x2c1: {  	[tilespmem:v55+s28+$0x0] =	vst.idx.msk $0xffff, v2;
	v2 =	vadd.f32 v3, v33;
	v3 =	vmul.f32 $8.000000000e+00, v56  }
0x2c2: {  	s6 =	sshll.u32 s6, $0x12;
	[tilespmem:v58+s28+$0x0] =	vst.idx.msk $0xffff, v0;
	v0 =	vadd.f32 v62, v33  }
0x2c3: {  	s6 =	sor.u32 s4, s6;
	[tilespmem:v60+s28+$0x0] =	vst.idx.msk $0xffff, v2;
	v2 =	vadd.f32 v3, v33  }
0x2c4: {  	s6 =	sshrl.u32 s6, $0x3;
	[tilespmem:v61+s28+$0x0] =	vst.idx.msk $0xffff, v0  }
0x2c5: {  	s8 =	simm.s32 $0x16400;
	s7 =	sadd.s32 s2, s6;
	[tilespmem:v63+s28+$0x0] =	vst.idx.msk $0xffff, v2  }
0x2c6: {  	[hbm4b:s7+s3] =	stream.linear.scatter [tilespmem:s8], [sflag:$0xA], $0x80, $0x38;
	[tilespmem:$0x1DA00] =	vst v63  }
0x2c7: {  	s9 =	simm.s32 $0x16488;
	s10 =	sadd.s32 $0x10, s7  }
0x2c8: {  	[hbm4b:s10+s3] =	stream.linear.scatter [tilespmem:s9], [sflag:$0xA], $0x80, $0x38;
	[tilespmem:$0x1DA00] =	vst v63  }
0x2c9: {  	s19 =	simm.s32 $0x16510;
	s25 =	sadd.s32 $0x20, s7  }
0x2ca: {  	[hbm4b:s25+s3] =	stream.linear.scatter [tilespmem:s19], [sflag:$0xA], $0x80, $0x38;
	[tilespmem:$0x1DA00] =	vst v63  }
0x2cb: {  	s9 =	simm.s32 $0x16598;
	s10 =	sadd.s32 $0x30, s7  }
0x2cc: {  	[hbm4b:s10+s3] =	stream.linear.scatter [tilespmem:s9], [sflag:$0xA], $0x80, $0x38;
	[tilespmem:$0x1DA00] =	vst v63  }
0x2cd: {  	s19 =	simm.s32 $0x16620;
	s25 =	sadd.s32 $0x40, s7  }
0x2ce: {  	[hbm4b:s25+s3] =	stream.linear.scatter [tilespmem:s19], [sflag:$0xA], $0x80, $0x38;
	[tilespmem:$0x1DA00] =	vst v63  }
0x2cf: {  	s6 =	simm.s32 $0x440;
	s9 =	simm.s32 $0x166A8;
	s10 =	sadd.s32 $0x50, s7  }
0x2d0: {  	[hbm4b:s10+s3] =	stream.linear.scatter [tilespmem:s9], [sflag:$0xA], $0x80, $0x38;
	[tilespmem:$0x1DA00] =	vst v63  }
0x2d1: {  	s8 =	simm.s32 $0x2200;
	s19 =	simm.s32 $0x16730;
	s25 =	sadd.s32 $0x60, s7  }
0x2d2: {  	[hbm4b:s25+s3] =	stream.linear.scatter [tilespmem:s19], [sflag:$0xA], $0x80, $0x38;
	[tilespmem:$0x1DA00] =	vst v63  }
0x2d3: {  	s9 =	simm.s32 $0x167B8;
	s25 =	sadd.s32 $0x70, s7;
	s7 =	sadd.s32 $0x1000, s7  }
.LBB2_13:
0x2d4: {  	[hbm4b:s25+s3] =	stream.linear.scatter [tilespmem:s9], [sflag:$0xA], $0x80, $0x38;
	[tilespmem:$0x1DA00] =	vst v63  }
0x2d5: {  	s9 =	smov.u32 s6;
	s6 =	smov.u32 s8  }
0x2d6: {  	s10 =	sadd.s32 $0x1100, s8;
	s6 =	sshra.s32 s6, $0x2;
	s25 =	sadd.s32 $0x16400, s9  }
0x2d7: {  	[hbm4b:s7+s3] =	stream.linear.scatter [tilespmem:s25], [sflag:$0xA], $0x80, $0x38;
	[tilespmem:$0x1DA00] =	vst v63  }
0x2d8: {  	p0 =	sne.s32 s8, $0x7700;
	s8 =	sadd.s32 $0x16488, s9;
	s25 =	sadd.s32 $0x10, s7  }
0x2d9: {  	[hbm4b:s25+s3] =	stream.linear.scatter [tilespmem:s8], [sflag:$0xA], $0x80, $0x38;
	[tilespmem:$0x1DA00] =	vst v63  }
0x2da: {  	s8 =	sadd.s32 $0x16510, s9;
	s25 =	sadd.s32 $0x20, s7  }
0x2db: {  	[hbm4b:s25+s3] =	stream.linear.scatter [tilespmem:s8], [sflag:$0xA], $0x80, $0x38;
	[tilespmem:$0x1DA00] =	vst v63  }
0x2dc: {  	s8 =	sadd.s32 $0x16598, s9;
	s25 =	sadd.s32 $0x30, s7  }
0x2dd: {  	[hbm4b:s25+s3] =	stream.linear.scatter [tilespmem:s8], [sflag:$0xA], $0x80, $0x38;
	[tilespmem:$0x1DA00] =	vst v63  }
0x2de: {  	s8 =	sadd.s32 $0x16620, s9;
	s25 =	sadd.s32 $0x40, s7  }
0x2df: {  	[hbm4b:s25+s3] =	stream.linear.scatter [tilespmem:s8], [sflag:$0xA], $0x80, $0x38;
	[tilespmem:$0x1DA00] =	vst v63  }
.Ltmp7:
0x2e0: {  	s8 =	sadd.s32 $0x166A8, s9;
	s25 =	sadd.s32 $0x50, s7;
	(pc) =	sbr.rel @p0 .LBB2_13-.Ltmp7, $4  }
0x2e1: {  	[hbm4b:s25+s3] =	stream.linear.scatter [tilespmem:s8], [sflag:$0xA], $0x80, $0x38;
	[tilespmem:$0x1DA00] =	vst v63  }
0x2e2: {  	s8 =	sadd.s32 $0x16730, s9;
	s25 =	sadd.s32 $0x60, s7;
	s9 =	sadd.s32 $0x167B8, s9  }
0x2e3: {  	[hbm4b:s25+s3] =	stream.linear.scatter [tilespmem:s8], [sflag:$0xA], $0x80, $0x38;
	[tilespmem:$0x1DA00] =	vst v63  }
0x2e4: {  	s25 =	sadd.s32 $0x70, s7;
	s7 =	sadd.s32 $0x1000, s7;
	s8 =	smov.u32 s10  }
0x2e5: {  	[hbm4b:s25+s3] =	stream.linear.scatter [tilespmem:s9], [sflag:$0xA], $0x80, $0x38;
	[tilespmem:$0x1DA00] =	vst v63  }
0x2e6: {  	s8 =	sadd.s32 $0x16400, s6  }
0x2e7: {  	[hbm4b:s7+s3] =	stream.linear.scatter [tilespmem:s8], [sflag:$0xA], $0x80, $0x38;
	[tilespmem:$0x1DA00] =	vst v63  }
0x2e8: {  	s9 =	sadd.s32 $0x16488, s6;
	s10 =	sadd.s32 $0x10, s7  }
0x2e9: {  	[hbm4b:s10+s3] =	stream.linear.scatter [tilespmem:s9], [sflag:$0xA], $0x80, $0x38;
	[tilespmem:$0x1DA00] =	vst v63  }
0x2ea: {  	s19 =	sadd.s32 $0x16510, s6;
	s25 =	sadd.s32 $0x20, s7  }
0x2eb: {  	[hbm4b:s25+s3] =	stream.linear.scatter [tilespmem:s19], [sflag:$0xA], $0x80, $0x38;
	[tilespmem:$0x1DA00] =	vst v63  }
0x2ec: {  	s9 =	sadd.s32 $0x16598, s6;
	s10 =	sadd.s32 $0x30, s7  }
0x2ed: {  	[hbm4b:s10+s3] =	stream.linear.scatter [tilespmem:s9], [sflag:$0xA], $0x80, $0x38;
	[tilespmem:$0x1DA00] =	vst v63  }
0x2ee: {  	s19 =	sadd.s32 $0x16620, s6;
	s25 =	sadd.s32 $0x40, s7  }
0x2ef: {  	[hbm4b:s25+s3] =	stream.linear.scatter [tilespmem:s19], [sflag:$0xA], $0x80, $0x38;
	[tilespmem:$0x1DA00] =	vst v63  }
0x2f0: {  	s9 =	sadd.s32 $0x166A8, s6;
	s10 =	sadd.s32 $0x50, s7  }
0x2f1: {  	[hbm4b:s10+s3] =	stream.linear.scatter [tilespmem:s9], [sflag:$0xA], $0x80, $0x38;
	[tilespmem:$0x1DA00] =	vst v63  }
0x2f2: {  	s19 =	sadd.s32 $0x16730, s6;
	s25 =	sadd.s32 $0x60, s7  }
0x2f3: {  	[hbm4b:s25+s3] =	stream.linear.scatter [tilespmem:s19], [sflag:$0xA], $0x80, $0x38;
	[tilespmem:$0x1DA00] =	vst v63  }
0x2f4: {  	p0 =	seq.s32 s20, $0x18;
	s10 =	sadd.s32 $0x167B8, s6;
	s19 =	sadd.s32 $0x70, s7  }
0x2f5: {  	[hbm4b:s19+s3] =	stream.linear.scatter [tilespmem:s10], [sflag:$0xA], $0x80, $0x38;
	[tilespmem:$0x1DA00] =	vst v63  }
0x2f6: {  	s8 =	simm.s32 @!p0 $0x6400;
	s6 =	sadd.s32 @!p0 $0x400, s22;
	s7 =	simm.s32 @!p0 $0x80  }
0x2f7: {  	[tilespmem:s8], [sflag:$0x2] =	stream.indirect.gather @!p0 [hbm4b:s5+s7], $0x40, s6, s7, $0xb8;
	[tilespmem:$0x1DA00] =	vst v63  }
0x2f8: {  	_ =	swait.ge [sflag:s13], $0x2000  }
0x2f9: {  	[sflag:s13] =	ssyncset.done $0x0  }
0x2fa: {  	[sflag:s13] =	ssyncadd.s32 $0xFFFFE000  }
0x2fb: {  	s25 =	simm.s32 $0x0;
	_ =	swait.ge [sflag:s14], $0x2000  }
0x2fc: {  	s9 =	simm.s32 $0x2;
	v0 =	vmov s25;
	s8 =	sor.u32 $0x3, s24;
	v5 =	vld [tilespmem:$0x1FE00]  }
0x2fd: {  	v3 =	vmov s9;
	v0 =	vshrl.u32 v0, $0x3;
	s10 =	sshll.u32 s8, $0x6;
	[sflag:s14] =	ssyncset.done $0x0;
	v31 =	vld [tilespmem:$0x1FFA0]  }
0x2fe: {  	v3 =	vshrl.u32 v3, $0x3;
	v0 =	vshll.u32 v0, v1;
	s10 =	sand.u32 $0x3FFFFFC0, s10;
	v17 =	vld [tilespmem:$0x1FEC0];
	[sflag:s14] =	ssyncadd.s32 $0xFFFFE000  }
0x2ff: {  	s25 =	simm.s32 $0x4;
	v3 =	vshll.u32 v3, v1;
	s7 =	simm.s32 $0x1;
	v43 =	vbroadcast v0, $0x0;
	v36 =	vld [tilespmem:s10+$0x1A800]  }
0x300: {  	s19 =	simm.s32 $0x3;
	v33 =	vmov s25;
	v42 =	vbroadcast v3, $0x0;
	v2 =	vmov s7;
	s7 =	simm.s32 $0x7;
	v35 =	vld [tilespmem:s10+$0x1A810]  }
0x301: {  	s9 =	simm.s32 $0xC500;
	s25 =	simm.s32 $0x6;
	v4 =	vmov s19;
	v39 =	vmov s7;
	v49 =	vadd.s32 v5, v43;
	v5 =	vld [tilespmem:$0x1FE40]  }
0x302: {  	v38 =	vmov s25;
	v2 =	vshrl.u32 v2, $0x3;
	v39 =	vshrl.u32 v39, $0x3;
	v46 =	vld [tilespmem:s9+$0xC0]  }
0x303: {  	v33 =	vshrl.u32 v33, $0x3;
	v2 =	vshll.u32 v2, v1;
	v0 =	vshll.u32 v39, v1;
	v47 =	vld [tilespmem:s9+$0xFFFFFF00]  }
0x304: {  	s19 =	simm.s32 $0x5;
	v4 =	vshrl.u32 v4, $0x3;
	v44 =	vbroadcast v2, $0x0;
	v45 =	vbroadcast v0, $0x0;
	v48 =	vld [tilespmem:s9+$0xFFFFFF40]  }
0x305: {  	v37 =	vmov s19;
	v38 =	vshrl.u32 v38, $0x3;
	v4 =	vshll.u32 v4, v1;
	v34 =	vld [tilespmem:s10+$0x1A820]  }
0x306: {  	v41 =	vbroadcast v4, $0x0;
	v4 =	vadd.s32 v31, v45;
	v62 =	vadd.s32 v5, v44;
	v5 =	vld [tilespmem:$0x1FE80]  }
0x307: {  	v33 =	vshll.u32 v33, v1;
	v37 =	vshrl.u32 v37, $0x3;
	v0 =	vld [tilespmem:s9+$0xFFFFFF80];
	v60 =	vmul.f32 $8.000000000e+00, v46  }
0x308: {  	v37 =	vshll.u32 v37, v1;
	v2 =	vshll.u32 v38, v1;
	v3 =	vld [tilespmem:s9+$0xFFFFFFC0];
	v61 =	vmul.f32 $8.000000000e+00, v47  }
0x309: {  	v39 =	vbroadcast v2, $0x0;
	v50 =	vld [tilespmem:s9+$0x0];
	v2 =	vmul.f32 $8.000000000e+00, v48;
	v52 =	vadd.f32 v60, v36  }
0x30a: {  	v40 =	vbroadcast v37, $0x0;
	v38 =	vbroadcast v33, $0x0;
	v33 =	vld [tilespmem:s10+$0x1A830];
	v37 =	vadd.f32 v61, v36  }
0x30b: {  	v2 =	vadd.f32 v2, v36;
	v57 =	vadd.s32 v5, v42;
	v5 =	vld [tilespmem:$0x1FF00];
	[tilespmem:v4+s31+$0x0] =	vst.idx.msk $0xffff, v52  }
0x30c: {  	v63 =	vld [tilespmem:s9+$0x40];
	[tilespmem:v49+s31+$0x0] =	vst.idx.msk $0xffff, v37  }
0x30d: {  	v53 =	vadd.s32 v17, v41;
	v25 =	vld [tilespmem:$0x1FF40];
	[tilespmem:v62+s31+$0x0] =	vst.idx.msk $0xffff, v2  }
0x30e: {  	v3 =	vmul.f32 $8.000000000e+00, v3;
	v29 =	vld [tilespmem:$0x1FF80]  }
0x30f: {  	v51 =	vld [tilespmem:s9+$0x80];
	v0 =	vmul.f32 $8.000000000e+00, v0  }
0x310: {  	v2 =	vadd.f32 v3, v36;
	v54 =	vadd.s32 v5, v38  }
0x311: {  	v0 =	vadd.f32 v0, v36;
	v4 =	vmul.f32 $8.000000000e+00, v50;
	v59 =	vld [tilespmem:s9+$0xD0]  }
0x312: {  	v60 =	vld [tilespmem:s9+$0xFFFFFF10];
	[tilespmem:v53+s31+$0x0] =	vst.idx.msk $0xffff, v2;
	v58 =	vadd.s32 v25, v40  }
0x313: {  	v3 =	vmul.f32 $8.000000000e+00, v63;
	v62 =	vld [tilespmem:s9+$0xFFFFFF50];
	[tilespmem:v57+s31+$0x0] =	vst.idx.msk $0xffff, v0;
	v0 =	vadd.f32 v4, v36;
	v46 =	vadd.s32 v29, v39  }
0x314: {  	v63 =	vld [tilespmem:s9+$0xFFFFFFD0];
	v4 =	vmul.f32 $8.000000000e+00, v51  }
0x315: {  	v2 =	vadd.f32 v3, v36;
	v48 =	vld [tilespmem:s9+$0xFFFFFF90];
	[tilespmem:v54+s31+$0x0] =	vst.idx.msk $0xffff, v0  }
0x316: {  	v0 =	vadd.f32 v4, v36;
	v9 =	vld [tilespmem:$0x1FFD0]  }
0x317: {  	v6 =	vld [tilespmem:$0x1FE10];
	[tilespmem:v58+s31+$0x0] =	vst.idx.msk $0xffff, v2  }
0x318: {  	v10 =	vld [tilespmem:$0x1FE50];
	[tilespmem:v46+s31+$0x0] =	vst.idx.msk $0xffff, v0  }
0x319: {  	v14 =	vld [tilespmem:$0x1FE90]  }
0x31a: {  	v18 =	vld [tilespmem:$0x1FED0]  }
0x31b: {  	s10 =	simm.s32 $0x8;
	v22 =	vld [tilespmem:$0x1FF10];
	v4 =	vadd.s32 v9, v45  }
0x31c: {  	v61 =	vmov s10;
	v55 =	vld [tilespmem:s9+$0x10];
	v2 =	vmul.f32 $8.000000000e+00, v59;
	v32 =	vadd.s32 v6, v43  }
0x31d: {  	v47 =	vshrl.u32 v61, $0x3;
	v60 =	vmul.f32 $8.000000000e+00, v60;
	v61 =	vadd.s32 v10, v44  }
0x31e: {  	v0 =	vmul.f32 $8.000000000e+00, v62;
	v2 =	vadd.f32 v2, v35;
	v46 =	vadd.s32 v14, v42  }
0x31f: {  	v37 =	vadd.f32 v60, v35;
	v48 =	vmul.f32 $8.000000000e+00, v48;
	v57 =	vadd.s32 v18, v41  }
0x320: {  	v51 =	vmul.f32 $8.000000000e+00, v63;
	v0 =	vadd.f32 v0, v35;
	v58 =	vadd.s32 v22, v38;
	[tilespmem:v4+s31+$0x0] =	vst.idx.msk $0xffff, v2  }
0x321: {  	v56 =	vld [tilespmem:s9+$0x50];
	[tilespmem:v32+s31+$0x0] =	vst.idx.msk $0xffff, v37;
	v2 =	vadd.f32 v48, v35;
	v4 =	vmul.f32 $8.000000000e+00, v55  }
0x322: {  	v26 =	vld [tilespmem:$0x1FF50];
	[tilespmem:v61+s31+$0x0] =	vst.idx.msk $0xffff, v0;
	v0 =	vadd.f32 v51, v35  }
0x323: {  	v30 =	vld [tilespmem:$0x1FF90];
	[tilespmem:v46+s31+$0x0] =	vst.idx.msk $0xffff, v2;
	v2 =	vadd.f32 v4, v35  }
0x324: {  	v62 =	vld [tilespmem:s9+$0x90];
	[tilespmem:v57+s31+$0x0] =	vst.idx.msk $0xffff, v0  }
0x325: {  	[tilespmem:v58+s31+$0x0] =	vst.idx.msk $0xffff, v2  }
0x326: {  	v13 =	vld [tilespmem:$0x1FFE0]  }
0x327: {  	v54 =	vld [tilespmem:s9+$0xE0];
	v48 =	vadd.s32 v26, v40  }
0x328: {  	v60 =	vmul.f32 $8.000000000e+00, v56;
	v7 =	vld [tilespmem:$0x1FE20]  }
0x329: {  	v63 =	vld [tilespmem:s9+$0xFFFFFF20];
	v4 =	vmul.f32 $8.000000000e+00, v62;
	v61 =	vadd.s32 v30, v39  }
0x32a: {  	v0 =	vadd.f32 v60, v35  }
0x32b: {  	v59 =	vld [tilespmem:s9+$0xFFFFFF60];
	v2 =	vadd.f32 v4, v35;
	v4 =	vadd.s32 v13, v45  }
0x32c: {  	v62 =	vld [tilespmem:s9+$0xFFFFFFA0];
	[tilespmem:v48+s31+$0x0] =	vst.idx.msk $0xffff, v0;
	v0 =	vmul.f32 $8.000000000e+00, v54  }
0x32d: {  	v52 =	vld [tilespmem:s9+$0xFFFFFFE0];
	v57 =	vadd.s32 v7, v43  }
0x32e: {  	v63 =	vmul.f32 $8.000000000e+00, v63;
	v11 =	vld [tilespmem:$0x1FE60];
	[tilespmem:v61+s31+$0x0] =	vst.idx.msk $0xffff, v2;
	v0 =	vadd.f32 v0, v34  }
0x32f: {  	v15 =	vld [tilespmem:$0x1FEA0]  }
0x330: {  	v48 =	vadd.f32 v63, v34;
	v19 =	vld [tilespmem:$0x1FEE0];
	[tilespmem:v4+s31+$0x0] =	vst.idx.msk $0xffff, v0  }
0x331: {  	v23 =	vld [tilespmem:$0x1FF20]  }
0x332: {  	v58 =	vld [tilespmem:s9+$0x20];
	[tilespmem:v57+s31+$0x0] =	vst.idx.msk $0xffff, v48  }
0x333: {  	v54 =	vadd.s32 v11, v44;
	v27 =	vld [tilespmem:$0x1FF60]  }
0x334: {  	v32 =	vld [tilespmem:s9+$0x60];
	v2 =	vmul.f32 $8.000000000e+00, v59;
	v51 =	vadd.s32 v15, v42  }
0x335: {  	v37 =	vshll.u32 v47, v1;
	v47 =	vmul.f32 $8.000000000e+00, v62;
	v60 =	vadd.s32 v19, v41  }
0x336: {  	v0 =	vadd.f32 v2, v34;
	v2 =	vmul.f32 $8.000000000e+00, v52;
	v4 =	vadd.s32 v23, v38  }
0x337: {  	v47 =	vadd.f32 v47, v34;
	v52 =	vmul.f32 $8.000000000e+00, v58  }
0x338: {  	v59 =	vld [tilespmem:s9+$0xA0];
	v2 =	vadd.f32 v2, v34;
	v57 =	vadd.s32 v27, v40;
	[tilespmem:v54+s31+$0x0] =	vst.idx.msk $0xffff, v0  }
0x339: {  	v52 =	vadd.f32 v52, v34;
	v54 =	vmul.f32 $8.000000000e+00, v32;
	v32 =	vld [tilespmem:$0x1FFB0];
	[tilespmem:v51+s31+$0x0] =	vst.idx.msk $0xffff, v47  }
0x33a: {  	v58 =	vld [tilespmem:s9+$0xF0];
	[tilespmem:v60+s31+$0x0] =	vst.idx.msk $0xffff, v2  }
0x33b: {  	v0 =	vld [tilespmem:s9+$0xFFFFFF30];
	v62 =	vadd.f32 v54, v34;
	[tilespmem:v4+s31+$0x0] =	vst.idx.msk $0xffff, v52  }
0x33c: {  	v21 =	vld [tilespmem:$0x1FFF0]  }
0x33d: {  	v8 =	vld [tilespmem:$0x1FE30];
	[tilespmem:v57+s31+$0x0] =	vst.idx.msk $0xffff, v62  }
0x33e: {  	v12 =	vld [tilespmem:$0x1FE70]  }
0x33f: {  	s19 =	simm.s32 $0x9;
	v51 =	vld [tilespmem:s9+$0xFFFFFF70]  }
0x340: {  	v3 =	vmov s19;
	v61 =	vadd.s32 v32, v39  }
0x341: {  	v3 =	vshrl.u32 v3, $0x3;
	v63 =	vmul.f32 $8.000000000e+00, v59;
	v2 =	vld [tilespmem:s9+$0xFFFFFFB0];
	v45 =	vadd.s32 v21, v45  }
0x342: {  	v60 =	vmul.f32 $8.000000000e+00, v58;
	v54 =	vshll.u32 v3, v1;
	v4 =	vld [tilespmem:s9+$0xFFFFFFF0];
	v3 =	vadd.s32 v8, v43  }
0x343: {  	v63 =	vadd.f32 v63, v34;
	v52 =	vld [tilespmem:s9+$0x30];
	v0 =	vmul.f32 $8.000000000e+00, v0;
	v44 =	vadd.s32 v12, v44  }
0x344: {  	v62 =	vadd.f32 v60, v33;
	v57 =	vld [tilespmem:s9+$0x70];
	v51 =	vmul.f32 $8.000000000e+00, v51  }
0x345: {  	v16 =	vld [tilespmem:$0x1FEB0];
	v0 =	vadd.f32 v0, v33;
	[tilespmem:v61+s31+$0x0] =	vst.idx.msk $0xffff, v63  }
0x346: {  	s25 =	simm.s32 $0xA;
	v63 =	vadd.f32 v51, v33;
	v20 =	vld [tilespmem:$0x1FEF0];
	[tilespmem:v45+s31+$0x0] =	vst.idx.msk $0xffff, v62  }
0x347: {  	s7 =	simm.s32 $0xB;
	v53 =	vmov s25;
	s25 =	simm.s32 $0xE;
	v24 =	vld [tilespmem:$0x1FF30];
	[tilespmem:v3+s31+$0x0] =	vst.idx.msk $0xffff, v0  }
0x348: {  	s10 =	simm.s32 $0xC;
	v49 =	vmov s7;
	s19 =	simm.s32 $0xD;
	v50 =	vmov s25;
	v53 =	vshrl.u32 v53, $0x3;
	v28 =	vld [tilespmem:$0x1FF70];
	[tilespmem:v44+s31+$0x0] =	vst.idx.msk $0xffff, v63  }
0x349: {  	v56 =	vmov s10;
	v55 =	vshll.u32 v53, v1;
	v46 =	vmov s19;
	v5 =	vld [tilespmem:$0x1FFC0]  }
0x34a: {  	v48 =	vshrl.u32 v49, $0x3;
	v49 =	vshrl.u32 v46, $0x3;
	v2 =	vmul.f32 $8.000000000e+00, v2  }
0x34b: {  	v46 =	vshrl.u32 v50, $0x3;
	v47 =	vshrl.u32 v56, $0x3;
	v4 =	vmul.f32 $8.000000000e+00, v4  }
0x34c: {  	v56 =	vadd.f32 v2, v33;
	v53 =	vadd.s32 v16, v42;
	v51 =	vmul.f32 $8.000000000e+00, v52  }
0x34d: {  	v52 =	vadd.f32 v4, v33;
	v43 =	vadd.s32 v20, v41;
	v42 =	vadd.s32 v24, v38  }
0x34e: {  	s6 =	sor.u32 $0x7, s24;
	s7 =	simm.s32 $0x10;
	s25 =	simm.s32 $0xF;
	v41 =	vld [tilespmem:s9+$0xB0];
	v38 =	vadd.s32 v28, v40;
	v40 =	vmul.f32 $8.000000000e+00, v57;
	v39 =	vadd.s32 v5, v39  }
.LBB2_15:
0x34f: {  	_ = 	snop  }
0x350: {  	s9 =	sadd.s32 $0x200, s9;
	v58 =	vld [tilespmem:$0x1FE00]  }
0x351: {  	v0 =	vmov s25;
	v50 =	vld [tilespmem:s9+$0xFFFFFF00]  }
0x352: {  	v61 =	vld [tilespmem:$0x1FE40];
	v2 =	vadd.f32 v51, v33;
	v0 =	vshrl.u32 v0, $0x3  }
0x353: {  	[tilespmem:v53+s31+$0x0] =	vst.idx.msk $0xffff, v56;
	v53 =	vld [tilespmem:s9+$0xC0];
	v40 =	vadd.f32 v40, v33;
	v0 =	vshll.u32 v0, v1;
	v3 =	vmul.f32 $8.000000000e+00, v41  }
0x354: {  	v57 =	vshll.u32 v49, v1;
	[tilespmem:v42+s31+$0x0] =	vst.idx.msk $0xffff, v2;
	v45 =	vbroadcast v0, $0x0;
	v0 =	vld [tilespmem:s9+$0xFFFFFF80]  }
0x355: {  	[tilespmem:v38+s31+$0x0] =	vst.idx.msk $0xffff, v40;
	v38 =	vbroadcast v57, $0x0;
	v57 =	vld [tilespmem:$0x1FE80];
	v2 =	vadd.f32 v3, v33  }
0x356: {  	v4 =	vshll.u32 v48, v1;
	v44 =	vbroadcast v54, $0x0;
	[tilespmem:v43+s31+$0x0] =	vst.idx.msk $0xffff, v52;
	v3 =	vld [tilespmem:s9+$0xFFFFFF40];
	v60 =	vmul.f32 $8.000000000e+00, v50  }
0x357: {  	v46 =	vshll.u32 v46, v1;
	v56 =	vshll.u32 v47, v1;
	v41 =	vbroadcast v37, $0x0;
	[tilespmem:v39+s31+$0x0] =	vst.idx.msk $0xffff, v2;
	v2 =	vld [tilespmem:s9+$0xFFFFFFC0]  }
0x358: {  	v42 =	vbroadcast v4, $0x0;
	v4 =	vadd.s32 v31, v45;
	v48 =	vadd.f32 v60, v36;
	v60 =	vld [tilespmem:$0x1FF00]  }
0x359: {  	v43 =	vbroadcast v55, $0x0;
	v49 =	vld [tilespmem:s9+$0x0];
	v37 =	vadd.s32 v58, v41;
	v59 =	vmul.f32 $8.000000000e+00, v53  }
0x35a: {  	v40 =	vbroadcast v56, $0x0;
	v63 =	vld [tilespmem:s9+$0x40];
	v62 =	vadd.s32 v61, v44;
	v39 =	vbroadcast v46, $0x0  }
0x35b: {  	v46 =	vadd.s32 v57, v43;
	v47 =	vadd.f32 v59, v36;
	v58 =	vld [tilespmem:s9+$0x80];
	v3 =	vmul.f32 $8.000000000e+00, v3  }
0x35c: {  	v0 =	vmul.f32 $8.000000000e+00, v0;
	v59 =	vadd.s32 v17, v42  }
0x35d: {  	[tilespmem:v4+s31+$0x0] =	vst.idx.msk $0xffff, v47;
	v3 =	vadd.f32 v3, v36;
	v2 =	vmul.f32 $8.000000000e+00, v2;
	v54 =	vadd.s32 v60, v40  }
0x35e: {  	v61 =	vadd.s32 v25, v38;
	v0 =	vadd.f32 v0, v36;
	v4 =	vmul.f32 $8.000000000e+00, v49;
	[tilespmem:v37+s31+$0x0] =	vst.idx.msk $0xffff, v48;
	v47 =	vld [tilespmem:s9+$0xD0]  }
0x35f: {  	v49 =	vadd.s32 v29, v39;
	v48 =	vld [tilespmem:s9+$0xFFFFFF10];
	[tilespmem:v62+s31+$0x0] =	vst.idx.msk $0xffff, v3;
	v2 =	vadd.f32 v2, v36;
	v3 =	vmul.f32 $8.000000000e+00, v63  }
0x360: {  	s25 =	sadd.s32 $0x2, s7;
	[tilespmem:v46+s31+$0x0] =	vst.idx.msk $0xffff, v0;
	v0 =	vadd.f32 v4, v36;
	v4 =	vmul.f32 $8.000000000e+00, v58;
	v51 =	vld [tilespmem:s9+$0xFFFFFF50]  }
0x361: {  	v53 =	vmov s25;
	s25 =	sadd.s32 $0x4, s7;
	v57 =	vadd.s32 v18, v42;
	v50 =	vld [tilespmem:s9+$0xFFFFFF90];
	[tilespmem:v59+s31+$0x0] =	vst.idx.msk $0xffff, v2;
	v2 =	vadd.f32 v3, v36  }
0x362: {  	v56 =	vmov s25;
	v52 =	vld [tilespmem:s9+$0xFFFFFFD0];
	[tilespmem:v54+s31+$0x0] =	vst.idx.msk $0xffff, v0;
	v0 =	vadd.f32 v4, v36;
	v4 =	vadd.s32 v9, v45  }
0x363: {  	v62 =	vmov s7;
	v54 =	vadd.s32 v6, v41;
	v63 =	vld [tilespmem:s9+$0x10];
	[tilespmem:v61+s31+$0x0] =	vst.idx.msk $0xffff, v2;
	v2 =	vmul.f32 $8.000000000e+00, v47  }
0x364: {  	v46 =	vshrl.u32 v62, $0x3;
	v60 =	vmul.f32 $8.000000000e+00, v48;
	v61 =	vadd.s32 v10, v44;
	v62 =	vld [tilespmem:s9+$0x50];
	[tilespmem:v49+s31+$0x0] =	vst.idx.msk $0xffff, v0  }
0x365: {  	v49 =	vadd.s32 v14, v43;
	v0 =	vmul.f32 $8.000000000e+00, v51;
	v51 =	vld [tilespmem:s9+$0x90];
	v2 =	vadd.f32 v2, v35  }
0x366: {  	s10 =	sadd.s32 $0x1, s7;
	v58 =	vadd.s32 v22, v40;
	v37 =	vadd.f32 v60, v35;
	v50 =	vmul.f32 $8.000000000e+00, v50  }
0x367: {  	v3 =	vmov s10;
	v0 =	vadd.f32 v0, v35;
	v52 =	vmul.f32 $8.000000000e+00, v52;
	[tilespmem:v4+s31+$0x0] =	vst.idx.msk $0xffff, v2  }
0x368: {  	[tilespmem:v54+s31+$0x0] =	vst.idx.msk $0xffff, v37;
	v2 =	vadd.f32 v50, v35;
	v50 =	vadd.s32 v26, v38;
	v4 =	vmul.f32 $8.000000000e+00, v63;
	v63 =	vld [tilespmem:s9+$0xE0]  }
0x369: {  	v60 =	vld [tilespmem:s9+$0xFFFFFF20];
	[tilespmem:v61+s31+$0x0] =	vst.idx.msk $0xffff, v0;
	v0 =	vadd.f32 v52, v35;
	v61 =	vmul.f32 $8.000000000e+00, v62;
	v62 =	vadd.s32 v30, v39  }
0x36a: {  	s19 =	sadd.s32 $0x3, s7;
	v3 =	vshrl.u32 v3, $0x3;
	[tilespmem:v49+s31+$0x0] =	vst.idx.msk $0xffff, v2;
	v59 =	vld [tilespmem:s9+$0xFFFFFF60];
	v2 =	vadd.f32 v4, v35;
	v4 =	vmul.f32 $8.000000000e+00, v51  }
0x36b: {  	v47 =	vmov s19;
	s19 =	sadd.s32 $0x5, s7;
	v37 =	vshll.u32 v46, v1;
	v49 =	vld [tilespmem:s9+$0xFFFFFFA0];
	[tilespmem:v57+s31+$0x0] =	vst.idx.msk $0xffff, v0;
	v0 =	vadd.f32 v61, v35  }
0x36c: {  	v46 =	vmov s19;
	v48 =	vld [tilespmem:s9+$0xFFFFFFE0];
	[tilespmem:v58+s31+$0x0] =	vst.idx.msk $0xffff, v2;
	v2 =	vadd.f32 v4, v35;
	v4 =	vadd.s32 v13, v45  }
0x36d: {  	v54 =	vadd.s32 v11, v44;
	v57 =	vadd.s32 v7, v41;
	v58 =	vld [tilespmem:s9+$0x20];
	[tilespmem:v50+s31+$0x0] =	vst.idx.msk $0xffff, v0;
	v0 =	vmul.f32 $8.000000000e+00, v63  }
0x36e: {  	v44 =	vadd.s32 v12, v44;
	v52 =	vadd.s32 v15, v43;
	v63 =	vmul.f32 $8.000000000e+00, v60;
	v55 =	vld [tilespmem:s9+$0x60];
	[tilespmem:v62+s31+$0x0] =	vst.idx.msk $0xffff, v2  }
0x36f: {  	v50 =	vshrl.u32 v53, $0x3;
	v2 =	vmul.f32 $8.000000000e+00, v59;
	v59 =	vld [tilespmem:s9+$0xA0];
	v0 =	vadd.f32 v0, v34  }
0x370: {  	v60 =	vadd.s32 v19, v42;
	v53 =	vadd.f32 v63, v34;
	v49 =	vmul.f32 $8.000000000e+00, v49  }
0x371: {  	v61 =	vadd.s32 v23, v40;
	v2 =	vadd.f32 v2, v34;
	v48 =	vmul.f32 $8.000000000e+00, v48;
	[tilespmem:v4+s31+$0x0] =	vst.idx.msk $0xffff, v0  }
0x372: {  	s25 =	sadd.s32 $0x6, s7;
	[tilespmem:v57+s31+$0x0] =	vst.idx.msk $0xffff, v53;
	v0 =	vadd.f32 v49, v34;
	v53 =	vadd.s32 v27, v38;
	v4 =	vmul.f32 $8.000000000e+00, v58;
	v57 =	vld [tilespmem:s9+$0xF0]  }
0x373: {  	v51 =	vmov s25;
	v58 =	vld [tilespmem:s9+$0xFFFFFF30];
	[tilespmem:v54+s31+$0x0] =	vst.idx.msk $0xffff, v2;
	v2 =	vadd.f32 v48, v34;
	v54 =	vmul.f32 $8.000000000e+00, v55  }
0x374: {  	v62 =	vadd.s32 v32, v39;
	[tilespmem:v52+s31+$0x0] =	vst.idx.msk $0xffff, v0;
	v63 =	vld [tilespmem:s9+$0xFFFFFF70];
	v0 =	vadd.f32 v4, v34;
	v4 =	vmul.f32 $8.000000000e+00, v59  }
0x375: {  	v39 =	vadd.s32 v5, v39;
	v49 =	vshrl.u32 v46, $0x3;
	v52 =	vld [tilespmem:s9+$0xFFFFFFB0];
	[tilespmem:v60+s31+$0x0] =	vst.idx.msk $0xffff, v2;
	v2 =	vadd.f32 v54, v34  }
0x376: {  	v46 =	vshrl.u32 v51, $0x3;
	v51 =	vld [tilespmem:s9+$0xFFFFFFF0];
	[tilespmem:v61+s31+$0x0] =	vst.idx.msk $0xffff, v0;
	v0 =	vadd.f32 v4, v34;
	v4 =	vadd.s32 v21, v45  }
0x377: {  	v54 =	vshll.u32 v3, v1;
	v3 =	vadd.s32 v8, v41;
	v45 =	vld [tilespmem:s9+$0x30];
	[tilespmem:v53+s31+$0x0] =	vst.idx.msk $0xffff, v2;
	v2 =	vmul.f32 $8.000000000e+00, v57  }
0x378: {  	p1 =	slt.u32 s7, $0x78;
	v38 =	vadd.s32 v28, v38;
	v48 =	vshrl.u32 v47, $0x3;
	v60 =	vmul.f32 $8.000000000e+00, v58;
	v61 =	vld [tilespmem:s9+$0x70]  }
.Ltmp8:
0x379: {  	v55 =	vshll.u32 v50, v1;
	[tilespmem:v62+s31+$0x0] =	vst.idx.msk $0xffff, v0;
	v0 =	vmul.f32 $8.000000000e+00, v63;
	v2 =	vadd.f32 v2, v33;
	(pc) =	sbr.rel @p1 .LBB2_15-.Ltmp8, $4  }
0x37a: {  	v53 =	vadd.s32 v16, v43;
	v50 =	vadd.f32 v60, v33;
	v52 =	vmul.f32 $8.000000000e+00, v52  }
0x37b: {  	v43 =	vadd.s32 v20, v42;
	v0 =	vadd.f32 v0, v33;
	v63 =	vmul.f32 $8.000000000e+00, v51;
	[tilespmem:v4+s31+$0x0] =	vst.idx.msk $0xffff, v2  }
0x37c: {  	v47 =	vshrl.u32 v56, $0x3;
	v42 =	vadd.s32 v24, v40;
	[tilespmem:v3+s31+$0x0] =	vst.idx.msk $0xffff, v50;
	v56 =	vadd.f32 v52, v33  }
0x37d: {  	s25 =	sadd.s32 $0x7, s7;
	s7 =	sadd.s32 $0x8, s7;
	v41 =	vld [tilespmem:s9+$0xB0];
	v51 =	vmul.f32 $8.000000000e+00, v45;
	[tilespmem:v44+s31+$0x0] =	vst.idx.msk $0xffff, v0;
	v52 =	vadd.f32 v63, v33;
	v40 =	vmul.f32 $8.000000000e+00, v61  }
0x37e: {  	v0 =	vmov s25;
	s7 =	sadd.s32 $0x200, s9  }
0x37f: {  	v2 =	vld [tilespmem:s7+$0xC0];
	v0 =	vshrl.u32 v0, $0x3  }
0x380: {  	v0 =	vshll.u32 v0, v1  }
0x381: {  	v50 =	vbroadcast v0, $0x0  }
0x382: {  	v3 =	vshll.u32 v48, v1;
	v45 =	vshll.u32 v49, v1;
	v49 =	vbroadcast v54, $0x0;
	v61 =	vld [tilespmem:$0x1FE00]  }
0x383: {  	v54 =	vshll.u32 v46, v1;
	v62 =	vld [tilespmem:$0x1FE40];
	v46 =	vbroadcast v3, $0x0;
	v3 =	vadd.s32 v31, v50  }
0x384: {  	v60 =	vshll.u32 v47, v1;
	v47 =	vbroadcast v55, $0x0;
	v55 =	vld [tilespmem:s7+$0xFFFFFFC0];
	v2 =	vmul.f32 $8.000000000e+00, v2  }
0x385: {  	v63 =	vld [tilespmem:$0x1FE80]  }
0x386: {  	v4 =	vld [tilespmem:s7+$0xFFFFFF00];
	v2 =	vadd.f32 v2, v36  }
0x387: {  	v57 =	vld [tilespmem:s7+$0xFFFFFF40]  }
0x388: {  	v48 =	vbroadcast v37, $0x0;
	v0 =	vld [tilespmem:s7+$0xFFFFFF80];
	[tilespmem:v3+s31+$0x0] =	vst.idx.msk $0xffff, v2  }
0x389: {  	v3 =	vmul.f32 $8.000000000e+00, v55;
	v55 =	vld [tilespmem:$0x1FF00]  }
0x38a: {  	v44 =	vbroadcast v60, $0x0;
	v59 =	vld [tilespmem:s7+$0x0];
	v58 =	vadd.s32 v61, v48  }
0x38b: {  	v37 =	vbroadcast v45, $0x0;
	v60 =	vadd.s32 v62, v49;
	v61 =	vld [tilespmem:s7+$0x40];
	v4 =	vmul.f32 $8.000000000e+00, v4  }
0x38c: {  	v45 =	vbroadcast v54, $0x0;
	v62 =	vld [tilespmem:s7+$0x80];
	v54 =	vmul.f32 $8.000000000e+00, v57;
	v57 =	vadd.s32 v63, v47  }
0x38d: {  	v63 =	vadd.s32 v17, v46;
	v4 =	vadd.f32 v4, v36;
	v0 =	vmul.f32 $8.000000000e+00, v0  }
0x38e: {  	v2 =	vadd.f32 v54, v36;
	v54 =	vadd.s32 v55, v44  }
0x38f: {  	v31 =	vmul.f32 $8.000000000e+00, v59;
	v0 =	vadd.f32 v0, v36;
	[tilespmem:v58+s31+$0x0] =	vst.idx.msk $0xffff, v4;
	v17 =	vld [tilespmem:s7+$0xD0];
	v55 =	vadd.s32 v25, v37  }
0x390: {  	v29 =	vadd.s32 v29, v45;
	[tilespmem:v60+s31+$0x0] =	vst.idx.msk $0xffff, v2;
	v2 =	vld [tilespmem:s7+$0xFFFFFF10];
	v3 =	vadd.f32 v3, v36;
	v25 =	vmul.f32 $8.000000000e+00, v61  }
0x391: {  	v4 =	vadd.f32 v31, v36;
	v31 =	vmul.f32 $8.000000000e+00, v62;
	[tilespmem:v57+s31+$0x0] =	vst.idx.msk $0xffff, v0;
	v0 =	vld [tilespmem:s7+$0xFFFFFF50]  }
0x392: {  	[tilespmem:v63+s31+$0x0] =	vst.idx.msk $0xffff, v3;
	v3 =	vld [tilespmem:s7+$0xFFFFFF90];
	v59 =	vadd.f32 v25, v36  }
0x393: {  	v63 =	vadd.f32 v31, v36;
	v61 =	vld [tilespmem:s7+$0xFFFFFFD0];
	v36 =	vadd.s32 v9, v50;
	[tilespmem:v54+s31+$0x0] =	vst.idx.msk $0xffff, v4  }
0x394: {  	v17 =	vmul.f32 $8.000000000e+00, v17;
	v54 =	vadd.s32 v6, v48;
	[tilespmem:v55+s31+$0x0] =	vst.idx.msk $0xffff, v59;
	v9 =	vld [tilespmem:s7+$0x10]  }
0x395: {  	[tilespmem:v29+s31+$0x0] =	vst.idx.msk $0xffff, v63;
	v2 =	vmul.f32 $8.000000000e+00, v2;
	v25 =	vadd.s32 v10, v49;
	v59 =	vld [tilespmem:s7+$0x50]  }
0x396: {  	v29 =	vadd.s32 v14, v47;
	v60 =	vld [tilespmem:s7+$0x90];
	v0 =	vmul.f32 $8.000000000e+00, v0;
	v55 =	vadd.f32 v17, v35  }
0x397: {  	[tilespmem:v53+s31+$0x0] =	vst.idx.msk $0xffff, v56;
	v31 =	vadd.s32 v18, v46;
	v2 =	vadd.f32 v2, v35;
	v3 =	vmul.f32 $8.000000000e+00, v3  }
0x398: {  	v63 =	vadd.s32 v22, v44;
	v0 =	vadd.f32 v0, v35;
	v62 =	vmul.f32 $8.000000000e+00, v61;
	[tilespmem:v36+s31+$0x0] =	vst.idx.msk $0xffff, v55  }
0x399: {  	v10 =	vld [tilespmem:s7+$0xE0];
	[tilespmem:v54+s31+$0x0] =	vst.idx.msk $0xffff, v2;
	v2 =	vadd.f32 v3, v35;
	v3 =	vmul.f32 $8.000000000e+00, v9;
	v9 =	vadd.s32 v26, v37  }
0x39a: {  	v17 =	vadd.s32 v30, v45;
	[tilespmem:v25+s31+$0x0] =	vst.idx.msk $0xffff, v0;
	v36 =	vadd.f32 v62, v35;
	v0 =	vld [tilespmem:s7+$0xFFFFFF20];
	v14 =	vmul.f32 $8.000000000e+00, v59  }
0x39b: {  	v18 =	vmul.f32 $8.000000000e+00, v60;
	[tilespmem:v29+s31+$0x0] =	vst.idx.msk $0xffff, v2;
	v2 =	vld [tilespmem:s7+$0xFFFFFF60];
	v3 =	vadd.f32 v3, v35  }
0x39c: {  	[tilespmem:v31+s31+$0x0] =	vst.idx.msk $0xffff, v36;
	v22 =	vld [tilespmem:s7+$0xFFFFFFA0];
	v25 =	vadd.f32 v14, v35  }
0x39d: {  	v4 =	vadd.f32 v18, v35;
	v26 =	vadd.s32 v13, v50;
	[tilespmem:v63+s31+$0x0] =	vst.idx.msk $0xffff, v3;
	v3 =	vld [tilespmem:s7+$0xFFFFFFE0]  }
0x39e: {  	v29 =	vadd.s32 v7, v48;
	v31 =	vmul.f32 $8.000000000e+00, v10;
	[tilespmem:v9+s31+$0x0] =	vst.idx.msk $0xffff, v25;
	v30 =	vld [tilespmem:s7+$0x20]  }
0x39f: {  	v51 =	vadd.f32 v51, v33;
	v60 =	vadd.s32 v11, v49;
	[tilespmem:v17+s31+$0x0] =	vst.idx.msk $0xffff, v4;
	v0 =	vmul.f32 $8.000000000e+00, v0;
	v61 =	vld [tilespmem:s7+$0x60]  }
0x3a0: {  	[tilespmem:v43+s31+$0x0] =	vst.idx.msk $0xffff, v52;
	v62 =	vadd.s32 v15, v47;
	v63 =	vld [tilespmem:s7+$0xA0];
	v55 =	vadd.f32 v31, v34;
	v2 =	vmul.f32 $8.000000000e+00, v2  }
0x3a1: {  	[tilespmem:v42+s31+$0x0] =	vst.idx.msk $0xffff, v51;
	v9 =	vadd.s32 v19, v46;
	v0 =	vadd.f32 v0, v34;
	v36 =	vmul.f32 $8.000000000e+00, v22  }
0x3a2: {  	v10 =	vadd.s32 v23, v44;
	[tilespmem:v26+s31+$0x0] =	vst.idx.msk $0xffff, v55;
	v2 =	vadd.f32 v2, v34;
	v3 =	vmul.f32 $8.000000000e+00, v3  }
0x3a3: {  	v13 =	vadd.s32 v27, v37;
	v14 =	vld [tilespmem:s7+$0xF0];
	[tilespmem:v29+s31+$0x0] =	vst.idx.msk $0xffff, v0;
	v0 =	vadd.f32 v36, v34;
	v11 =	vmul.f32 $8.000000000e+00, v30  }
0x3a4: {  	v17 =	vadd.s32 v32, v45;
	[tilespmem:v60+s31+$0x0] =	vst.idx.msk $0xffff, v2;
	v2 =	vld [tilespmem:s7+$0xFFFFFF30];
	v3 =	vadd.f32 v3, v34;
	v15 =	vmul.f32 $8.000000000e+00, v61  }
0x3a5: {  	v18 =	vmul.f32 $8.000000000e+00, v63;
	[tilespmem:v62+s31+$0x0] =	vst.idx.msk $0xffff, v0;
	v0 =	vld [tilespmem:s7+$0xFFFFFF70];
	v36 =	vadd.f32 v11, v34  }
0x3a6: {  	v19 =	vld [tilespmem:s7+$0xFFFFFFB0];
	[tilespmem:v9+s31+$0x0] =	vst.idx.msk $0xffff, v3;
	v3 =	vadd.f32 v15, v34  }
0x3a7: {  	v26 =	vadd.s32 v21, v50;
	v22 =	vmul.f32 $8.000000000e+00, v41;
	v25 =	vadd.f32 v18, v34;
	v23 =	vld [tilespmem:s7+$0xFFFFFFF0];
	[tilespmem:v10+s31+$0x0] =	vst.idx.msk $0xffff, v36  }
0x3a8: {  	v27 =	vadd.f32 v40, v33;
	v29 =	vadd.s32 v8, v48;
	v30 =	vld [tilespmem:s7+$0x30];
	[tilespmem:v13+s31+$0x0] =	vst.idx.msk $0xffff, v3;
	v3 =	vmul.f32 $8.000000000e+00, v14  }
0x3a9: {  	v31 =	vadd.s32 v12, v49;
	v4 =	vadd.f32 v22, v33;
	[tilespmem:v17+s31+$0x0] =	vst.idx.msk $0xffff, v25;
	v2 =	vmul.f32 $8.000000000e+00, v2;
	v53 =	vld [tilespmem:s7+$0x70]  }
0x3aa: {  	[tilespmem:v38+s31+$0x0] =	vst.idx.msk $0xffff, v27;
	v55 =	vadd.s32 v16, v47;
	v56 =	vld [tilespmem:s7+$0xB0];
	v0 =	vmul.f32 $8.000000000e+00, v0;
	v3 =	vadd.f32 v3, v33  }
0x3ab: {  	v58 =	vadd.s32 v20, v46;
	[tilespmem:v39+s31+$0x0] =	vst.idx.msk $0xffff, v4;
	v2 =	vadd.f32 v2, v33;
	v57 =	vmul.f32 $8.000000000e+00, v19  }
0x3ac: {  	v60 =	vadd.s32 v24, v44;
	v0 =	vadd.f32 v0, v33;
	v59 =	vmul.f32 $8.000000000e+00, v23;
	[tilespmem:v26+s31+$0x0] =	vst.idx.msk $0xffff, v3  }
0x3ad: {  	v61 =	vadd.s32 v28, v37;
	[tilespmem:v29+s31+$0x0] =	vst.idx.msk $0xffff, v2;
	v2 =	vadd.f32 v57, v33;
	v3 =	vmul.f32 $8.000000000e+00, v30  }
0x3ae: {  	v63 =	vadd.s32 v5, v45;
	[tilespmem:v31+s31+$0x0] =	vst.idx.msk $0xffff, v0;
	v0 =	vadd.f32 v59, v33;
	v62 =	vmul.f32 $8.000000000e+00, v53  }
0x3af: {  	[tilespmem:v55+s31+$0x0] =	vst.idx.msk $0xffff, v2;
	v2 =	vadd.f32 v3, v33;
	v3 =	vmul.f32 $8.000000000e+00, v56  }
0x3b0: {  	s19 =	sshll.u32 s8, $0x12;
	[tilespmem:v58+s31+$0x0] =	vst.idx.msk $0xffff, v0;
	v0 =	vadd.f32 v62, v33  }
0x3b1: {  	s7 =	sor.u32 s4, s19;
	[tilespmem:v60+s31+$0x0] =	vst.idx.msk $0xffff, v2;
	v2 =	vadd.f32 v3, v33  }
0x3b2: {  	s7 =	sshrl.u32 s7, $0x3;
	[tilespmem:v61+s31+$0x0] =	vst.idx.msk $0xffff, v0  }
0x3b3: {  	s25 =	simm.s32 $0x18600;
	s8 =	sadd.s32 s2, s7;
	[tilespmem:v63+s31+$0x0] =	vst.idx.msk $0xffff, v2  }
0x3b4: {  	[hbm4b:s8+s3] =	stream.linear.scatter [tilespmem:s25], [sflag:$0xB], $0x80, $0x38;
	[tilespmem:$0x1DA00] =	vst v63  }
0x3b5: {  	s9 =	simm.s32 $0x18688;
	s10 =	sadd.s32 $0x10, s8  }
0x3b6: {  	[hbm4b:s10+s3] =	stream.linear.scatter [tilespmem:s9], [sflag:$0xB], $0x80, $0x38;
	[tilespmem:$0x1DA00] =	vst v63  }
0x3b7: {  	s19 =	simm.s32 $0x18710;
	s25 =	sadd.s32 $0x20, s8  }
0x3b8: {  	[hbm4b:s25+s3] =	stream.linear.scatter [tilespmem:s19], [sflag:$0xB], $0x80, $0x38;
	[tilespmem:$0x1DA00] =	vst v63  }
0x3b9: {  	s9 =	simm.s32 $0x18798;
	s10 =	sadd.s32 $0x30, s8  }
0x3ba: {  	[hbm4b:s10+s3] =	stream.linear.scatter [tilespmem:s9], [sflag:$0xB], $0x80, $0x38;
	[tilespmem:$0x1DA00] =	vst v63  }
0x3bb: {  	s19 =	simm.s32 $0x18820;
	s25 =	sadd.s32 $0x40, s8  }
0x3bc: {  	[hbm4b:s25+s3] =	stream.linear.scatter [tilespmem:s19], [sflag:$0xB], $0x80, $0x38;
	[tilespmem:$0x1DA00] =	vst v63  }
0x3bd: {  	s7 =	simm.s32 $0x440;
	s9 =	simm.s32 $0x188A8;
	s10 =	sadd.s32 $0x50, s8  }
0x3be: {  	[hbm4b:s10+s3] =	stream.linear.scatter [tilespmem:s9], [sflag:$0xB], $0x80, $0x38;
	[tilespmem:$0x1DA00] =	vst v63  }
0x3bf: {  	s19 =	simm.s32 $0x18930;
	s25 =	sadd.s32 $0x60, s8;
	s9 =	simm.s32 $0x2200  }
0x3c0: {  	[hbm4b:s25+s3] =	stream.linear.scatter [tilespmem:s19], [sflag:$0xB], $0x80, $0x38;
	[tilespmem:$0x1DA00] =	vst v63  }
0x3c1: {  	s10 =	sadd.s32 $0x70, s8;
	s8 =	sadd.s32 $0x1000, s8;
	s25 =	simm.s32 $0x189B8  }
.LBB2_17:
0x3c2: {  	[hbm4b:s10+s3] =	stream.linear.scatter [tilespmem:s25], [sflag:$0xB], $0x80, $0x38;
	[tilespmem:$0x1DA00] =	vst v63  }
0x3c3: {  	s10 =	smov.u32 s7;
	s7 =	smov.u32 s9  }
0x3c4: {  	s19 =	sadd.s32 $0x1100, s9;
	s7 =	sshra.s32 s7, $0x2;
	s25 =	sadd.s32 $0x18600, s10  }
0x3c5: {  	[hbm4b:s8+s3] =	stream.linear.scatter [tilespmem:s25], [sflag:$0xB], $0x80, $0x38;
	[tilespmem:$0x1DA00] =	vst v63  }
0x3c6: {  	p1 =	sne.s32 s9, $0x7700;
	s9 =	sadd.s32 $0x18688, s10;
	s25 =	sadd.s32 $0x10, s8  }
0x3c7: {  	[hbm4b:s25+s3] =	stream.linear.scatter [tilespmem:s9], [sflag:$0xB], $0x80, $0x38;
	[tilespmem:$0x1DA00] =	vst v63  }
0x3c8: {  	s9 =	sadd.s32 $0x18710, s10;
	s25 =	sadd.s32 $0x20, s8  }
0x3c9: {  	[hbm4b:s25+s3] =	stream.linear.scatter [tilespmem:s9], [sflag:$0xB], $0x80, $0x38;
	[tilespmem:$0x1DA00] =	vst v63  }
0x3ca: {  	s9 =	sadd.s32 $0x18798, s10;
	s25 =	sadd.s32 $0x30, s8  }
0x3cb: {  	[hbm4b:s25+s3] =	stream.linear.scatter [tilespmem:s9], [sflag:$0xB], $0x80, $0x38;
	[tilespmem:$0x1DA00] =	vst v63  }
0x3cc: {  	s9 =	sadd.s32 $0x18820, s10;
	s25 =	sadd.s32 $0x40, s8  }
0x3cd: {  	[hbm4b:s25+s3] =	stream.linear.scatter [tilespmem:s9], [sflag:$0xB], $0x80, $0x38;
	[tilespmem:$0x1DA00] =	vst v63  }
0x3ce: {  	s9 =	sadd.s32 $0x188A8, s10;
	s25 =	sadd.s32 $0x50, s8  }
0x3cf: {  	[hbm4b:s25+s3] =	stream.linear.scatter [tilespmem:s9], [sflag:$0xB], $0x80, $0x38;
	[tilespmem:$0x1DA00] =	vst v63  }
.Ltmp9:
0x3d0: {  	_ = 	snop;
	(pc) =	sbr.rel @p1 .LBB2_17-.Ltmp9, $4  }
0x3d1: {  	s9 =	sadd.s32 $0x18930, s10;
	s25 =	sadd.s32 $0x60, s8  }
0x3d2: {  	[hbm4b:s25+s3] =	stream.linear.scatter [tilespmem:s9], [sflag:$0xB], $0x80, $0x38;
	[tilespmem:$0x1DA00] =	vst v63  }
0x3d3: {  	s25 =	sadd.s32 $0x189B8, s10  }
0x3d4: {  	s10 =	sadd.s32 $0x70, s8;
	s8 =	sadd.s32 $0x1000, s8;
	s9 =	smov.u32 s19  }
0x3d5: {  	[hbm4b:s10+s3] =	stream.linear.scatter [tilespmem:s25], [sflag:$0xB], $0x80, $0x38;
	[tilespmem:$0x1DA00] =	vst v63  }
0x3d6: {  	s9 =	sadd.s32 $0x18600, s7  }
0x3d7: {  	[hbm4b:s8+s3] =	stream.linear.scatter [tilespmem:s9], [sflag:$0xB], $0x80, $0x38;
	[tilespmem:$0x1DA00] =	vst v63  }
0x3d8: {  	s19 =	sadd.s32 $0x18688, s7;
	s25 =	sadd.s32 $0x10, s8  }
0x3d9: {  	[hbm4b:s25+s3] =	stream.linear.scatter [tilespmem:s19], [sflag:$0xB], $0x80, $0x38;
	[tilespmem:$0x1DA00] =	vst v63  }
0x3da: {  	s19 =	sadd.s32 $0x18710, s7;
	s25 =	sadd.s32 $0x20, s8  }
0x3db: {  	[hbm4b:s25+s3] =	stream.linear.scatter [tilespmem:s19], [sflag:$0xB], $0x80, $0x38;
	[tilespmem:$0x1DA00] =	vst v63  }
0x3dc: {  	s19 =	sadd.s32 $0x18798, s7;
	s25 =	sadd.s32 $0x30, s8  }
0x3dd: {  	[hbm4b:s25+s3] =	stream.linear.scatter [tilespmem:s19], [sflag:$0xB], $0x80, $0x38;
	[tilespmem:$0x1DA00] =	vst v63  }
0x3de: {  	s19 =	sadd.s32 $0x18820, s7;
	s25 =	sadd.s32 $0x40, s8  }
0x3df: {  	[hbm4b:s25+s3] =	stream.linear.scatter [tilespmem:s19], [sflag:$0xB], $0x80, $0x38;
	[tilespmem:$0x1DA00] =	vst v63  }
0x3e0: {  	s19 =	sadd.s32 $0x188A8, s7;
	s25 =	sadd.s32 $0x50, s8  }
0x3e1: {  	[hbm4b:s25+s3] =	stream.linear.scatter [tilespmem:s19], [sflag:$0xB], $0x80, $0x38;
	[tilespmem:$0x1DA00] =	vst v63  }
0x3e2: {  	s10 =	sadd.s32 $0x18930, s7;
	s19 =	sadd.s32 $0x60, s8  }
0x3e3: {  	[hbm4b:s19+s3] =	stream.linear.scatter [tilespmem:s10], [sflag:$0xB], $0x80, $0x38;
	[tilespmem:$0x1DA00] =	vst v63  }
0x3e4: {  	s9 =	sadd.s32 $0x70, s8;
	s25 =	sadd.s32 $0x189B8, s7  }
0x3e5: {  	[hbm4b:s9+s3] =	stream.linear.scatter [tilespmem:s25], [sflag:$0xB], $0x80, $0x38;
	[tilespmem:$0x1DA00] =	vst v63  }
0x3e6: {  	s7 =	sadd.s32 @!p0 $0x480, s22;
	s8 =	simm.s32 @!p0 $0x80;
	s9 =	simm.s32 @!p0 $0x8400  }
0x3e7: {  	[tilespmem:s9], [sflag:$0x3] =	stream.indirect.gather @!p0 [hbm4b:s5+s8], $0x40, s7, s8, $0xb8;
	[tilespmem:$0x1DA00] =	vst v63  }
0x3e8: {  	_ =	swait.ge [sflag:s15], $0x2000  }
0x3e9: {  	[sflag:s15] =	ssyncset.done $0x0  }
0x3ea: {  	[sflag:s15] =	ssyncadd.s32 $0xFFFFE000  }
0x3eb: {  	s10 =	simm.s32 $0x0;
	_ =	swait.ge [sflag:s12], $0x2000  }
0x3ec: {  	v0 =	vmov s10;
	s8 =	sor.u32 $0x4, s24;
	v5 =	vld [tilespmem:$0x1FE00]  }
0x3ed: {  	s19 =	simm.s32 $0x1;
	v0 =	vshrl.u32 v0, $0x3;
	s10 =	sshll.u32 s8, $0x6;
	[sflag:s12] =	ssyncset.done $0x0;
	v31 =	vld [tilespmem:$0x1FFA0]  }
0x3ee: {  	v2 =	vmov s19;
	s19 =	simm.s32 $0x3;
	v0 =	vshll.u32 v0, v1;
	s10 =	sand.u32 $0x3FFFFFC0, s10;
	v17 =	vld [tilespmem:$0x1FEC0];
	[sflag:s12] =	ssyncadd.s32 $0xFFFFE000  }
0x3ef: {  	s25 =	simm.s32 $0x2;
	v4 =	vmov s19;
	s19 =	simm.s32 $0x5;
	v2 =	vshrl.u32 v2, $0x3;
	v43 =	vbroadcast v0, $0x0;
	v36 =	vld [tilespmem:s10+$0x1A800]  }
0x3f0: {  	v3 =	vmov s25;
	v37 =	vmov s19;
	v4 =	vshrl.u32 v4, $0x3;
	s19 =	simm.s32 $0x7;
	v35 =	vld [tilespmem:s10+$0x1A810]  }
0x3f1: {  	s25 =	simm.s32 $0x4;
	v2 =	vshll.u32 v2, v1;
	s9 =	simm.s32 $0xE500;
	v39 =	vmov s19;
	v49 =	vadd.s32 v5, v43;
	v5 =	vld [tilespmem:$0x1FE40]  }
0x3f2: {  	v33 =	vmov s25;
	v3 =	vshrl.u32 v3, $0x3;
	v39 =	vshrl.u32 v39, $0x3;
	v46 =	vld [tilespmem:s9+$0xC0]  }
0x3f3: {  	s25 =	simm.s32 $0x6;
	v37 =	vshrl.u32 v37, $0x3;
	v4 =	vshll.u32 v4, v1;
	v0 =	vshll.u32 v39, v1;
	v47 =	vld [tilespmem:s9+$0xFFFFFF00]  }
0x3f4: {  	v44 =	vbroadcast v2, $0x0;
	v38 =	vmov s25;
	v45 =	vbroadcast v0, $0x0;
	v48 =	vld [tilespmem:s9+$0xFFFFFF40]  }
0x3f5: {  	v33 =	vshrl.u32 v33, $0x3;
	v3 =	vshll.u32 v3, v1;
	v37 =	vshll.u32 v37, v1;
	v34 =	vld [tilespmem:s10+$0x1A820]  }
0x3f6: {  	v41 =	vbroadcast v4, $0x0;
	v4 =	vadd.s32 v31, v45;
	v62 =	vadd.s32 v5, v44;
	v5 =	vld [tilespmem:$0x1FE80]  }
0x3f7: {  	v38 =	vshrl.u32 v38, $0x3;
	v33 =	vshll.u32 v33, v1;
	v0 =	vld [tilespmem:s9+$0xFFFFFF80];
	v60 =	vmul.f32 $8.000000000e+00, v46  }
0x3f8: {  	v42 =	vbroadcast v3, $0x0;
	v2 =	vshll.u32 v38, v1;
	v3 =	vld [tilespmem:s9+$0xFFFFFFC0];
	v61 =	vmul.f32 $8.000000000e+00, v47  }
0x3f9: {  	v38 =	vbroadcast v2, $0x0;
	v50 =	vld [tilespmem:s9+$0x0];
	v2 =	vmul.f32 $8.000000000e+00, v48;
	v52 =	vadd.f32 v60, v36  }
0x3fa: {  	v40 =	vbroadcast v37, $0x0;
	v39 =	vbroadcast v33, $0x0;
	v33 =	vld [tilespmem:s10+$0x1A830];
	v37 =	vadd.f32 v61, v36  }
0x3fb: {  	v2 =	vadd.f32 v2, v36;
	v57 =	vadd.s32 v5, v42;
	v5 =	vld [tilespmem:$0x1FF00];
	[tilespmem:v4+s28+$0x0] =	vst.idx.msk $0xffff, v52  }
0x3fc: {  	v63 =	vld [tilespmem:s9+$0x40];
	[tilespmem:v49+s28+$0x0] =	vst.idx.msk $0xffff, v37  }
0x3fd: {  	v53 =	vadd.s32 v17, v41;
	v25 =	vld [tilespmem:$0x1FF40];
	[tilespmem:v62+s28+$0x0] =	vst.idx.msk $0xffff, v2  }
0x3fe: {  	v3 =	vmul.f32 $8.000000000e+00, v3;
	v29 =	vld [tilespmem:$0x1FF80]  }
0x3ff: {  	v51 =	vld [tilespmem:s9+$0x80];
	v0 =	vmul.f32 $8.000000000e+00, v0  }
0x400: {  	v2 =	vadd.f32 v3, v36;
	v54 =	vadd.s32 v5, v39  }
0x401: {  	v0 =	vadd.f32 v0, v36;
	v4 =	vmul.f32 $8.000000000e+00, v50;
	v59 =	vld [tilespmem:s9+$0xD0]  }
0x402: {  	v60 =	vld [tilespmem:s9+$0xFFFFFF10];
	[tilespmem:v53+s28+$0x0] =	vst.idx.msk $0xffff, v2;
	v58 =	vadd.s32 v25, v40  }
0x403: {  	v3 =	vmul.f32 $8.000000000e+00, v63;
	v62 =	vld [tilespmem:s9+$0xFFFFFF50];
	[tilespmem:v57+s28+$0x0] =	vst.idx.msk $0xffff, v0;
	v0 =	vadd.f32 v4, v36;
	v46 =	vadd.s32 v29, v38  }
0x404: {  	v63 =	vld [tilespmem:s9+$0xFFFFFFD0];
	v4 =	vmul.f32 $8.000000000e+00, v51  }
0x405: {  	v2 =	vadd.f32 v3, v36;
	v48 =	vld [tilespmem:s9+$0xFFFFFF90];
	[tilespmem:v54+s28+$0x0] =	vst.idx.msk $0xffff, v0  }
0x406: {  	v0 =	vadd.f32 v4, v36;
	v9 =	vld [tilespmem:$0x1FFD0]  }
0x407: {  	v6 =	vld [tilespmem:$0x1FE10];
	[tilespmem:v58+s28+$0x0] =	vst.idx.msk $0xffff, v2  }
0x408: {  	v10 =	vld [tilespmem:$0x1FE50];
	[tilespmem:v46+s28+$0x0] =	vst.idx.msk $0xffff, v0  }
0x409: {  	v14 =	vld [tilespmem:$0x1FE90]  }
0x40a: {  	v18 =	vld [tilespmem:$0x1FED0]  }
0x40b: {  	s25 =	simm.s32 $0x8;
	v22 =	vld [tilespmem:$0x1FF10];
	v4 =	vadd.s32 v9, v45  }
0x40c: {  	v61 =	vmov s25;
	v55 =	vld [tilespmem:s9+$0x10];
	v2 =	vmul.f32 $8.000000000e+00, v59;
	v32 =	vadd.s32 v6, v43  }
0x40d: {  	v47 =	vshrl.u32 v61, $0x3;
	v60 =	vmul.f32 $8.000000000e+00, v60;
	v61 =	vadd.s32 v10, v44  }
0x40e: {  	v0 =	vmul.f32 $8.000000000e+00, v62;
	v2 =	vadd.f32 v2, v35;
	v46 =	vadd.s32 v14, v42  }
0x40f: {  	v37 =	vadd.f32 v60, v35;
	v48 =	vmul.f32 $8.000000000e+00, v48;
	v57 =	vadd.s32 v18, v41  }
0x410: {  	v51 =	vmul.f32 $8.000000000e+00, v63;
	v0 =	vadd.f32 v0, v35;
	v58 =	vadd.s32 v22, v39;
	[tilespmem:v4+s28+$0x0] =	vst.idx.msk $0xffff, v2  }
0x411: {  	v56 =	vld [tilespmem:s9+$0x50];
	[tilespmem:v32+s28+$0x0] =	vst.idx.msk $0xffff, v37;
	v2 =	vadd.f32 v48, v35;
	v4 =	vmul.f32 $8.000000000e+00, v55  }
0x412: {  	v26 =	vld [tilespmem:$0x1FF50];
	[tilespmem:v61+s28+$0x0] =	vst.idx.msk $0xffff, v0;
	v0 =	vadd.f32 v51, v35  }
0x413: {  	v30 =	vld [tilespmem:$0x1FF90];
	[tilespmem:v46+s28+$0x0] =	vst.idx.msk $0xffff, v2;
	v2 =	vadd.f32 v4, v35  }
0x414: {  	v62 =	vld [tilespmem:s9+$0x90];
	[tilespmem:v57+s28+$0x0] =	vst.idx.msk $0xffff, v0  }
0x415: {  	[tilespmem:v58+s28+$0x0] =	vst.idx.msk $0xffff, v2  }
0x416: {  	v13 =	vld [tilespmem:$0x1FFE0]  }
0x417: {  	v54 =	vld [tilespmem:s9+$0xE0];
	v48 =	vadd.s32 v26, v40  }
0x418: {  	v60 =	vmul.f32 $8.000000000e+00, v56;
	v7 =	vld [tilespmem:$0x1FE20]  }
0x419: {  	v63 =	vld [tilespmem:s9+$0xFFFFFF20];
	v4 =	vmul.f32 $8.000000000e+00, v62;
	v61 =	vadd.s32 v30, v38  }
0x41a: {  	v0 =	vadd.f32 v60, v35  }
0x41b: {  	v59 =	vld [tilespmem:s9+$0xFFFFFF60];
	v2 =	vadd.f32 v4, v35;
	v4 =	vadd.s32 v13, v45  }
0x41c: {  	v62 =	vld [tilespmem:s9+$0xFFFFFFA0];
	[tilespmem:v48+s28+$0x0] =	vst.idx.msk $0xffff, v0;
	v0 =	vmul.f32 $8.000000000e+00, v54  }
0x41d: {  	v52 =	vld [tilespmem:s9+$0xFFFFFFE0];
	v57 =	vadd.s32 v7, v43  }
0x41e: {  	v63 =	vmul.f32 $8.000000000e+00, v63;
	v11 =	vld [tilespmem:$0x1FE60];
	[tilespmem:v61+s28+$0x0] =	vst.idx.msk $0xffff, v2;
	v0 =	vadd.f32 v0, v34  }
0x41f: {  	v15 =	vld [tilespmem:$0x1FEA0]  }
0x420: {  	v48 =	vadd.f32 v63, v34;
	v19 =	vld [tilespmem:$0x1FEE0];
	[tilespmem:v4+s28+$0x0] =	vst.idx.msk $0xffff, v0  }
0x421: {  	v23 =	vld [tilespmem:$0x1FF20]  }
0x422: {  	v58 =	vld [tilespmem:s9+$0x20];
	[tilespmem:v57+s28+$0x0] =	vst.idx.msk $0xffff, v48  }
0x423: {  	v54 =	vadd.s32 v11, v44;
	v27 =	vld [tilespmem:$0x1FF60]  }
0x424: {  	v32 =	vld [tilespmem:s9+$0x60];
	v2 =	vmul.f32 $8.000000000e+00, v59;
	v51 =	vadd.s32 v15, v42  }
0x425: {  	v37 =	vshll.u32 v47, v1;
	v47 =	vmul.f32 $8.000000000e+00, v62;
	v60 =	vadd.s32 v19, v41  }
0x426: {  	v0 =	vadd.f32 v2, v34;
	v2 =	vmul.f32 $8.000000000e+00, v52;
	v4 =	vadd.s32 v23, v39  }
0x427: {  	v47 =	vadd.f32 v47, v34;
	v52 =	vmul.f32 $8.000000000e+00, v58  }
0x428: {  	v59 =	vld [tilespmem:s9+$0xA0];
	v2 =	vadd.f32 v2, v34;
	v57 =	vadd.s32 v27, v40;
	[tilespmem:v54+s28+$0x0] =	vst.idx.msk $0xffff, v0  }
0x429: {  	v52 =	vadd.f32 v52, v34;
	v54 =	vmul.f32 $8.000000000e+00, v32;
	v32 =	vld [tilespmem:$0x1FFB0];
	[tilespmem:v51+s28+$0x0] =	vst.idx.msk $0xffff, v47  }
0x42a: {  	v58 =	vld [tilespmem:s9+$0xF0];
	[tilespmem:v60+s28+$0x0] =	vst.idx.msk $0xffff, v2  }
0x42b: {  	v0 =	vld [tilespmem:s9+$0xFFFFFF30];
	v62 =	vadd.f32 v54, v34;
	[tilespmem:v4+s28+$0x0] =	vst.idx.msk $0xffff, v52  }
0x42c: {  	v21 =	vld [tilespmem:$0x1FFF0]  }
0x42d: {  	v8 =	vld [tilespmem:$0x1FE30];
	[tilespmem:v57+s28+$0x0] =	vst.idx.msk $0xffff, v62  }
0x42e: {  	v12 =	vld [tilespmem:$0x1FE70]  }
0x42f: {  	s10 =	simm.s32 $0x9;
	v51 =	vld [tilespmem:s9+$0xFFFFFF70]  }
0x430: {  	v3 =	vmov s10;
	v61 =	vadd.s32 v32, v38  }
0x431: {  	v3 =	vshrl.u32 v3, $0x3;
	v63 =	vmul.f32 $8.000000000e+00, v59;
	v2 =	vld [tilespmem:s9+$0xFFFFFFB0];
	v45 =	vadd.s32 v21, v45  }
0x432: {  	v60 =	vmul.f32 $8.000000000e+00, v58;
	v54 =	vshll.u32 v3, v1;
	v4 =	vld [tilespmem:s9+$0xFFFFFFF0];
	v3 =	vadd.s32 v8, v43  }
0x433: {  	v63 =	vadd.f32 v63, v34;
	v52 =	vld [tilespmem:s9+$0x30];
	v0 =	vmul.f32 $8.000000000e+00, v0;
	v44 =	vadd.s32 v12, v44  }
0x434: {  	v62 =	vadd.f32 v60, v33;
	v57 =	vld [tilespmem:s9+$0x70];
	v51 =	vmul.f32 $8.000000000e+00, v51  }
0x435: {  	v16 =	vld [tilespmem:$0x1FEB0];
	v0 =	vadd.f32 v0, v33;
	[tilespmem:v61+s28+$0x0] =	vst.idx.msk $0xffff, v63  }
0x436: {  	s19 =	simm.s32 $0xA;
	s25 =	simm.s32 $0xB;
	v63 =	vadd.f32 v51, v33;
	v20 =	vld [tilespmem:$0x1FEF0];
	[tilespmem:v45+s28+$0x0] =	vst.idx.msk $0xffff, v62  }
0x437: {  	v49 =	vmov s25;
	s25 =	simm.s32 $0xE;
	v53 =	vmov s19;
	v24 =	vld [tilespmem:$0x1FF30];
	[tilespmem:v3+s28+$0x0] =	vst.idx.msk $0xffff, v0  }
0x438: {  	v50 =	vmov s25;
	s10 =	simm.s32 $0xC;
	s19 =	simm.s32 $0xD;
	v53 =	vshrl.u32 v53, $0x3;
	v28 =	vld [tilespmem:$0x1FF70];
	[tilespmem:v44+s28+$0x0] =	vst.idx.msk $0xffff, v63  }
0x439: {  	v56 =	vmov s10;
	v55 =	vshll.u32 v53, v1;
	v46 =	vmov s19;
	v5 =	vld [tilespmem:$0x1FFC0]  }
0x43a: {  	v48 =	vshrl.u32 v49, $0x3;
	v49 =	vshrl.u32 v46, $0x3;
	v2 =	vmul.f32 $8.000000000e+00, v2  }
0x43b: {  	v46 =	vshrl.u32 v50, $0x3;
	v47 =	vshrl.u32 v56, $0x3;
	v4 =	vmul.f32 $8.000000000e+00, v4  }
0x43c: {  	v56 =	vadd.f32 v2, v33;
	v53 =	vadd.s32 v16, v42;
	v51 =	vmul.f32 $8.000000000e+00, v52  }
0x43d: {  	v52 =	vadd.f32 v4, v33;
	v43 =	vadd.s32 v20, v41;
	v42 =	vadd.s32 v24, v39  }
0x43e: {  	s7 =	simm.s32 $0x10;
	s25 =	simm.s32 $0xF;
	v41 =	vld [tilespmem:s9+$0xB0];
	v39 =	vadd.s32 v28, v40;
	v40 =	vmul.f32 $8.000000000e+00, v57;
	v38 =	vadd.s32 v5, v38  }
.LBB2_19:
0x43f: {  	_ = 	snop  }
0x440: {  	s9 =	sadd.s32 $0x200, s9;
	v58 =	vld [tilespmem:$0x1FE00]  }
0x441: {  	v0 =	vmov s25;
	v50 =	vld [tilespmem:s9+$0xFFFFFF00]  }
0x442: {  	v61 =	vld [tilespmem:$0x1FE40];
	v2 =	vadd.f32 v51, v33;
	v0 =	vshrl.u32 v0, $0x3  }
0x443: {  	[tilespmem:v53+s28+$0x0] =	vst.idx.msk $0xffff, v56;
	v53 =	vld [tilespmem:s9+$0xC0];
	v40 =	vadd.f32 v40, v33;
	v0 =	vshll.u32 v0, v1;
	v3 =	vmul.f32 $8.000000000e+00, v41  }
0x444: {  	v57 =	vshll.u32 v49, v1;
	[tilespmem:v42+s28+$0x0] =	vst.idx.msk $0xffff, v2;
	v45 =	vbroadcast v0, $0x0;
	v0 =	vld [tilespmem:s9+$0xFFFFFF80]  }
0x445: {  	[tilespmem:v39+s28+$0x0] =	vst.idx.msk $0xffff, v40;
	v39 =	vbroadcast v57, $0x0;
	v57 =	vld [tilespmem:$0x1FE80];
	v2 =	vadd.f32 v3, v33  }
0x446: {  	v4 =	vshll.u32 v48, v1;
	v44 =	vbroadcast v54, $0x0;
	[tilespmem:v43+s28+$0x0] =	vst.idx.msk $0xffff, v52;
	v3 =	vld [tilespmem:s9+$0xFFFFFF40];
	v60 =	vmul.f32 $8.000000000e+00, v50  }
0x447: {  	v46 =	vshll.u32 v46, v1;
	v56 =	vshll.u32 v47, v1;
	v41 =	vbroadcast v37, $0x0;
	[tilespmem:v38+s28+$0x0] =	vst.idx.msk $0xffff, v2;
	v2 =	vld [tilespmem:s9+$0xFFFFFFC0]  }
0x448: {  	v42 =	vbroadcast v4, $0x0;
	v4 =	vadd.s32 v31, v45;
	v48 =	vadd.f32 v60, v36;
	v60 =	vld [tilespmem:$0x1FF00]  }
0x449: {  	v43 =	vbroadcast v55, $0x0;
	v49 =	vld [tilespmem:s9+$0x0];
	v37 =	vadd.s32 v58, v41;
	v59 =	vmul.f32 $8.000000000e+00, v53  }
0x44a: {  	v40 =	vbroadcast v56, $0x0;
	v63 =	vld [tilespmem:s9+$0x40];
	v62 =	vadd.s32 v61, v44;
	v38 =	vbroadcast v46, $0x0  }
0x44b: {  	v46 =	vadd.s32 v57, v43;
	v47 =	vadd.f32 v59, v36;
	v58 =	vld [tilespmem:s9+$0x80];
	v3 =	vmul.f32 $8.000000000e+00, v3  }
0x44c: {  	v0 =	vmul.f32 $8.000000000e+00, v0;
	v59 =	vadd.s32 v17, v42  }
0x44d: {  	[tilespmem:v4+s28+$0x0] =	vst.idx.msk $0xffff, v47;
	v3 =	vadd.f32 v3, v36;
	v2 =	vmul.f32 $8.000000000e+00, v2;
	v54 =	vadd.s32 v60, v40  }
0x44e: {  	v61 =	vadd.s32 v25, v39;
	v0 =	vadd.f32 v0, v36;
	v4 =	vmul.f32 $8.000000000e+00, v49;
	[tilespmem:v37+s28+$0x0] =	vst.idx.msk $0xffff, v48;
	v47 =	vld [tilespmem:s9+$0xD0]  }
0x44f: {  	v49 =	vadd.s32 v29, v38;
	v48 =	vld [tilespmem:s9+$0xFFFFFF10];
	[tilespmem:v62+s28+$0x0] =	vst.idx.msk $0xffff, v3;
	v2 =	vadd.f32 v2, v36;
	v3 =	vmul.f32 $8.000000000e+00, v63  }
0x450: {  	s25 =	sadd.s32 $0x2, s7;
	[tilespmem:v46+s28+$0x0] =	vst.idx.msk $0xffff, v0;
	v0 =	vadd.f32 v4, v36;
	v4 =	vmul.f32 $8.000000000e+00, v58;
	v51 =	vld [tilespmem:s9+$0xFFFFFF50]  }
0x451: {  	v53 =	vmov s25;
	s25 =	sadd.s32 $0x4, s7;
	v57 =	vadd.s32 v18, v42;
	v50 =	vld [tilespmem:s9+$0xFFFFFF90];
	[tilespmem:v59+s28+$0x0] =	vst.idx.msk $0xffff, v2;
	v2 =	vadd.f32 v3, v36  }
0x452: {  	v56 =	vmov s25;
	v52 =	vld [tilespmem:s9+$0xFFFFFFD0];
	[tilespmem:v54+s28+$0x0] =	vst.idx.msk $0xffff, v0;
	v0 =	vadd.f32 v4, v36;
	v4 =	vadd.s32 v9, v45  }
0x453: {  	v62 =	vmov s7;
	v54 =	vadd.s32 v6, v41;
	v63 =	vld [tilespmem:s9+$0x10];
	[tilespmem:v61+s28+$0x0] =	vst.idx.msk $0xffff, v2;
	v2 =	vmul.f32 $8.000000000e+00, v47  }
0x454: {  	v46 =	vshrl.u32 v62, $0x3;
	v60 =	vmul.f32 $8.000000000e+00, v48;
	v61 =	vadd.s32 v10, v44;
	v62 =	vld [tilespmem:s9+$0x50];
	[tilespmem:v49+s28+$0x0] =	vst.idx.msk $0xffff, v0  }
0x455: {  	v49 =	vadd.s32 v14, v43;
	v0 =	vmul.f32 $8.000000000e+00, v51;
	v51 =	vld [tilespmem:s9+$0x90];
	v2 =	vadd.f32 v2, v35  }
0x456: {  	s10 =	sadd.s32 $0x1, s7;
	v58 =	vadd.s32 v22, v40;
	v37 =	vadd.f32 v60, v35;
	v50 =	vmul.f32 $8.000000000e+00, v50  }
0x457: {  	v3 =	vmov s10;
	v0 =	vadd.f32 v0, v35;
	v52 =	vmul.f32 $8.000000000e+00, v52;
	[tilespmem:v4+s28+$0x0] =	vst.idx.msk $0xffff, v2  }
0x458: {  	[tilespmem:v54+s28+$0x0] =	vst.idx.msk $0xffff, v37;
	v2 =	vadd.f32 v50, v35;
	v50 =	vadd.s32 v26, v39;
	v4 =	vmul.f32 $8.000000000e+00, v63;
	v63 =	vld [tilespmem:s9+$0xE0]  }
0x459: {  	v60 =	vld [tilespmem:s9+$0xFFFFFF20];
	[tilespmem:v61+s28+$0x0] =	vst.idx.msk $0xffff, v0;
	v0 =	vadd.f32 v52, v35;
	v61 =	vmul.f32 $8.000000000e+00, v62;
	v62 =	vadd.s32 v30, v38  }
0x45a: {  	s19 =	sadd.s32 $0x3, s7;
	v3 =	vshrl.u32 v3, $0x3;
	[tilespmem:v49+s28+$0x0] =	vst.idx.msk $0xffff, v2;
	v59 =	vld [tilespmem:s9+$0xFFFFFF60];
	v2 =	vadd.f32 v4, v35;
	v4 =	vmul.f32 $8.000000000e+00, v51  }
0x45b: {  	v47 =	vmov s19;
	s19 =	sadd.s32 $0x5, s7;
	v37 =	vshll.u32 v46, v1;
	v49 =	vld [tilespmem:s9+$0xFFFFFFA0];
	[tilespmem:v57+s28+$0x0] =	vst.idx.msk $0xffff, v0;
	v0 =	vadd.f32 v61, v35  }
0x45c: {  	v46 =	vmov s19;
	v48 =	vld [tilespmem:s9+$0xFFFFFFE0];
	[tilespmem:v58+s28+$0x0] =	vst.idx.msk $0xffff, v2;
	v2 =	vadd.f32 v4, v35;
	v4 =	vadd.s32 v13, v45  }
0x45d: {  	v54 =	vadd.s32 v11, v44;
	v57 =	vadd.s32 v7, v41;
	v58 =	vld [tilespmem:s9+$0x20];
	[tilespmem:v50+s28+$0x0] =	vst.idx.msk $0xffff, v0;
	v0 =	vmul.f32 $8.000000000e+00, v63  }
0x45e: {  	v44 =	vadd.s32 v12, v44;
	v52 =	vadd.s32 v15, v43;
	v63 =	vmul.f32 $8.000000000e+00, v60;
	v55 =	vld [tilespmem:s9+$0x60];
	[tilespmem:v62+s28+$0x0] =	vst.idx.msk $0xffff, v2  }
0x45f: {  	v50 =	vshrl.u32 v53, $0x3;
	v2 =	vmul.f32 $8.000000000e+00, v59;
	v59 =	vld [tilespmem:s9+$0xA0];
	v0 =	vadd.f32 v0, v34  }
0x460: {  	v60 =	vadd.s32 v19, v42;
	v53 =	vadd.f32 v63, v34;
	v49 =	vmul.f32 $8.000000000e+00, v49  }
0x461: {  	v61 =	vadd.s32 v23, v40;
	v2 =	vadd.f32 v2, v34;
	v48 =	vmul.f32 $8.000000000e+00, v48;
	[tilespmem:v4+s28+$0x0] =	vst.idx.msk $0xffff, v0  }
0x462: {  	s25 =	sadd.s32 $0x6, s7;
	[tilespmem:v57+s28+$0x0] =	vst.idx.msk $0xffff, v53;
	v0 =	vadd.f32 v49, v34;
	v53 =	vadd.s32 v27, v39;
	v4 =	vmul.f32 $8.000000000e+00, v58;
	v57 =	vld [tilespmem:s9+$0xF0]  }
0x463: {  	v51 =	vmov s25;
	v58 =	vld [tilespmem:s9+$0xFFFFFF30];
	[tilespmem:v54+s28+$0x0] =	vst.idx.msk $0xffff, v2;
	v2 =	vadd.f32 v48, v34;
	v54 =	vmul.f32 $8.000000000e+00, v55  }
0x464: {  	v62 =	vadd.s32 v32, v38;
	[tilespmem:v52+s28+$0x0] =	vst.idx.msk $0xffff, v0;
	v63 =	vld [tilespmem:s9+$0xFFFFFF70];
	v0 =	vadd.f32 v4, v34;
	v4 =	vmul.f32 $8.000000000e+00, v59  }
0x465: {  	v38 =	vadd.s32 v5, v38;
	v49 =	vshrl.u32 v46, $0x3;
	v52 =	vld [tilespmem:s9+$0xFFFFFFB0];
	[tilespmem:v60+s28+$0x0] =	vst.idx.msk $0xffff, v2;
	v2 =	vadd.f32 v54, v34  }
0x466: {  	v46 =	vshrl.u32 v51, $0x3;
	v51 =	vld [tilespmem:s9+$0xFFFFFFF0];
	[tilespmem:v61+s28+$0x0] =	vst.idx.msk $0xffff, v0;
	v0 =	vadd.f32 v4, v34;
	v4 =	vadd.s32 v21, v45  }
0x467: {  	v54 =	vshll.u32 v3, v1;
	v3 =	vadd.s32 v8, v41;
	v45 =	vld [tilespmem:s9+$0x30];
	[tilespmem:v53+s28+$0x0] =	vst.idx.msk $0xffff, v2;
	v2 =	vmul.f32 $8.000000000e+00, v57  }
0x468: {  	p1 =	slt.u32 s7, $0x78;
	v39 =	vadd.s32 v28, v39;
	v48 =	vshrl.u32 v47, $0x3;
	v60 =	vmul.f32 $8.000000000e+00, v58;
	v61 =	vld [tilespmem:s9+$0x70]  }
.Ltmp10:
0x469: {  	v55 =	vshll.u32 v50, v1;
	[tilespmem:v62+s28+$0x0] =	vst.idx.msk $0xffff, v0;
	v0 =	vmul.f32 $8.000000000e+00, v63;
	v2 =	vadd.f32 v2, v33;
	(pc) =	sbr.rel @p1 .LBB2_19-.Ltmp10, $4  }
0x46a: {  	v53 =	vadd.s32 v16, v43;
	v50 =	vadd.f32 v60, v33;
	v52 =	vmul.f32 $8.000000000e+00, v52  }
0x46b: {  	v43 =	vadd.s32 v20, v42;
	v0 =	vadd.f32 v0, v33;
	v63 =	vmul.f32 $8.000000000e+00, v51;
	[tilespmem:v4+s28+$0x0] =	vst.idx.msk $0xffff, v2  }
0x46c: {  	v47 =	vshrl.u32 v56, $0x3;
	v42 =	vadd.s32 v24, v40;
	[tilespmem:v3+s28+$0x0] =	vst.idx.msk $0xffff, v50;
	v56 =	vadd.f32 v52, v33  }
0x46d: {  	s25 =	sadd.s32 $0x7, s7;
	s7 =	sadd.s32 $0x8, s7;
	v41 =	vld [tilespmem:s9+$0xB0];
	v51 =	vmul.f32 $8.000000000e+00, v45;
	[tilespmem:v44+s28+$0x0] =	vst.idx.msk $0xffff, v0;
	v52 =	vadd.f32 v63, v33;
	v40 =	vmul.f32 $8.000000000e+00, v61  }
0x46e: {  	v0 =	vmov s25;
	s7 =	sadd.s32 $0x200, s9  }
0x46f: {  	v2 =	vld [tilespmem:s7+$0xC0];
	v0 =	vshrl.u32 v0, $0x3  }
0x470: {  	v0 =	vshll.u32 v0, v1  }
0x471: {  	v50 =	vbroadcast v0, $0x0  }
0x472: {  	v3 =	vshll.u32 v48, v1;
	v45 =	vshll.u32 v49, v1;
	v49 =	vbroadcast v54, $0x0;
	v61 =	vld [tilespmem:$0x1FE00]  }
0x473: {  	v54 =	vshll.u32 v46, v1;
	v62 =	vld [tilespmem:$0x1FE40];
	v46 =	vbroadcast v3, $0x0;
	v3 =	vadd.s32 v31, v50  }
0x474: {  	v60 =	vshll.u32 v47, v1;
	v47 =	vbroadcast v55, $0x0;
	v55 =	vld [tilespmem:s7+$0xFFFFFFC0];
	v2 =	vmul.f32 $8.000000000e+00, v2  }
0x475: {  	v63 =	vld [tilespmem:$0x1FE80]  }
0x476: {  	v4 =	vld [tilespmem:s7+$0xFFFFFF00];
	v2 =	vadd.f32 v2, v36  }
0x477: {  	v57 =	vld [tilespmem:s7+$0xFFFFFF40]  }
0x478: {  	v48 =	vbroadcast v37, $0x0;
	v0 =	vld [tilespmem:s7+$0xFFFFFF80];
	[tilespmem:v3+s28+$0x0] =	vst.idx.msk $0xffff, v2  }
0x479: {  	v3 =	vmul.f32 $8.000000000e+00, v55;
	v55 =	vld [tilespmem:$0x1FF00]  }
0x47a: {  	v44 =	vbroadcast v60, $0x0;
	v59 =	vld [tilespmem:s7+$0x0];
	v58 =	vadd.s32 v61, v48  }
0x47b: {  	v37 =	vbroadcast v45, $0x0;
	v60 =	vadd.s32 v62, v49;
	v61 =	vld [tilespmem:s7+$0x40];
	v4 =	vmul.f32 $8.000000000e+00, v4  }
0x47c: {  	v45 =	vbroadcast v54, $0x0;
	v62 =	vld [tilespmem:s7+$0x80];
	v54 =	vmul.f32 $8.000000000e+00, v57;
	v57 =	vadd.s32 v63, v47  }
0x47d: {  	v63 =	vadd.s32 v17, v46;
	v4 =	vadd.f32 v4, v36;
	v0 =	vmul.f32 $8.000000000e+00, v0  }
0x47e: {  	v2 =	vadd.f32 v54, v36;
	v54 =	vadd.s32 v55, v44  }
0x47f: {  	v31 =	vmul.f32 $8.000000000e+00, v59;
	v0 =	vadd.f32 v0, v36;
	[tilespmem:v58+s28+$0x0] =	vst.idx.msk $0xffff, v4;
	v17 =	vld [tilespmem:s7+$0xD0];
	v55 =	vadd.s32 v25, v37  }
0x480: {  	v29 =	vadd.s32 v29, v45;
	[tilespmem:v60+s28+$0x0] =	vst.idx.msk $0xffff, v2;
	v2 =	vld [tilespmem:s7+$0xFFFFFF10];
	v3 =	vadd.f32 v3, v36;
	v25 =	vmul.f32 $8.000000000e+00, v61  }
0x481: {  	v4 =	vadd.f32 v31, v36;
	v31 =	vmul.f32 $8.000000000e+00, v62;
	[tilespmem:v57+s28+$0x0] =	vst.idx.msk $0xffff, v0;
	v0 =	vld [tilespmem:s7+$0xFFFFFF50]  }
0x482: {  	[tilespmem:v63+s28+$0x0] =	vst.idx.msk $0xffff, v3;
	v3 =	vld [tilespmem:s7+$0xFFFFFF90];
	v59 =	vadd.f32 v25, v36  }
0x483: {  	v63 =	vadd.f32 v31, v36;
	v61 =	vld [tilespmem:s7+$0xFFFFFFD0];
	v36 =	vadd.s32 v9, v50;
	[tilespmem:v54+s28+$0x0] =	vst.idx.msk $0xffff, v4  }
0x484: {  	v17 =	vmul.f32 $8.000000000e+00, v17;
	v54 =	vadd.s32 v6, v48;
	[tilespmem:v55+s28+$0x0] =	vst.idx.msk $0xffff, v59;
	v9 =	vld [tilespmem:s7+$0x10]  }
0x485: {  	[tilespmem:v29+s28+$0x0] =	vst.idx.msk $0xffff, v63;
	v2 =	vmul.f32 $8.000000000e+00, v2;
	v25 =	vadd.s32 v10, v49;
	v59 =	vld [tilespmem:s7+$0x50]  }
0x486: {  	v29 =	vadd.s32 v14, v47;
	v60 =	vld [tilespmem:s7+$0x90];
	v0 =	vmul.f32 $8.000000000e+00, v0;
	v55 =	vadd.f32 v17, v35  }
0x487: {  	[tilespmem:v53+s28+$0x0] =	vst.idx.msk $0xffff, v56;
	v31 =	vadd.s32 v18, v46;
	v2 =	vadd.f32 v2, v35;
	v3 =	vmul.f32 $8.000000000e+00, v3  }
0x488: {  	v63 =	vadd.s32 v22, v44;
	v0 =	vadd.f32 v0, v35;
	v62 =	vmul.f32 $8.000000000e+00, v61;
	[tilespmem:v36+s28+$0x0] =	vst.idx.msk $0xffff, v55  }
0x489: {  	v10 =	vld [tilespmem:s7+$0xE0];
	[tilespmem:v54+s28+$0x0] =	vst.idx.msk $0xffff, v2;
	v2 =	vadd.f32 v3, v35;
	v3 =	vmul.f32 $8.000000000e+00, v9;
	v9 =	vadd.s32 v26, v37  }
0x48a: {  	v17 =	vadd.s32 v30, v45;
	[tilespmem:v25+s28+$0x0] =	vst.idx.msk $0xffff, v0;
	v36 =	vadd.f32 v62, v35;
	v0 =	vld [tilespmem:s7+$0xFFFFFF20];
	v14 =	vmul.f32 $8.000000000e+00, v59  }
0x48b: {  	v18 =	vmul.f32 $8.000000000e+00, v60;
	[tilespmem:v29+s28+$0x0] =	vst.idx.msk $0xffff, v2;
	v2 =	vld [tilespmem:s7+$0xFFFFFF60];
	v3 =	vadd.f32 v3, v35  }
0x48c: {  	[tilespmem:v31+s28+$0x0] =	vst.idx.msk $0xffff, v36;
	v22 =	vld [tilespmem:s7+$0xFFFFFFA0];
	v25 =	vadd.f32 v14, v35  }
0x48d: {  	v4 =	vadd.f32 v18, v35;
	v26 =	vadd.s32 v13, v50;
	[tilespmem:v63+s28+$0x0] =	vst.idx.msk $0xffff, v3;
	v3 =	vld [tilespmem:s7+$0xFFFFFFE0]  }
0x48e: {  	v29 =	vadd.s32 v7, v48;
	v31 =	vmul.f32 $8.000000000e+00, v10;
	[tilespmem:v9+s28+$0x0] =	vst.idx.msk $0xffff, v25;
	v30 =	vld [tilespmem:s7+$0x20]  }
0x48f: {  	v51 =	vadd.f32 v51, v33;
	v60 =	vadd.s32 v11, v49;
	[tilespmem:v17+s28+$0x0] =	vst.idx.msk $0xffff, v4;
	v0 =	vmul.f32 $8.000000000e+00, v0;
	v61 =	vld [tilespmem:s7+$0x60]  }
0x490: {  	[tilespmem:v43+s28+$0x0] =	vst.idx.msk $0xffff, v52;
	v62 =	vadd.s32 v15, v47;
	v63 =	vld [tilespmem:s7+$0xA0];
	v55 =	vadd.f32 v31, v34;
	v2 =	vmul.f32 $8.000000000e+00, v2  }
0x491: {  	[tilespmem:v42+s28+$0x0] =	vst.idx.msk $0xffff, v51;
	v9 =	vadd.s32 v19, v46;
	v0 =	vadd.f32 v0, v34;
	v36 =	vmul.f32 $8.000000000e+00, v22  }
0x492: {  	v10 =	vadd.s32 v23, v44;
	[tilespmem:v26+s28+$0x0] =	vst.idx.msk $0xffff, v55;
	v2 =	vadd.f32 v2, v34;
	v3 =	vmul.f32 $8.000000000e+00, v3  }
0x493: {  	v13 =	vadd.s32 v27, v37;
	v14 =	vld [tilespmem:s7+$0xF0];
	[tilespmem:v29+s28+$0x0] =	vst.idx.msk $0xffff, v0;
	v0 =	vadd.f32 v36, v34;
	v11 =	vmul.f32 $8.000000000e+00, v30  }
0x494: {  	v17 =	vadd.s32 v32, v45;
	[tilespmem:v60+s28+$0x0] =	vst.idx.msk $0xffff, v2;
	v2 =	vld [tilespmem:s7+$0xFFFFFF30];
	v3 =	vadd.f32 v3, v34;
	v15 =	vmul.f32 $8.000000000e+00, v61  }
0x495: {  	v18 =	vmul.f32 $8.000000000e+00, v63;
	[tilespmem:v62+s28+$0x0] =	vst.idx.msk $0xffff, v0;
	v0 =	vld [tilespmem:s7+$0xFFFFFF70];
	v36 =	vadd.f32 v11, v34  }
0x496: {  	v19 =	vld [tilespmem:s7+$0xFFFFFFB0];
	[tilespmem:v9+s28+$0x0] =	vst.idx.msk $0xffff, v3;
	v3 =	vadd.f32 v15, v34  }
0x497: {  	v26 =	vadd.s32 v21, v50;
	v22 =	vmul.f32 $8.000000000e+00, v41;
	v25 =	vadd.f32 v18, v34;
	v23 =	vld [tilespmem:s7+$0xFFFFFFF0];
	[tilespmem:v10+s28+$0x0] =	vst.idx.msk $0xffff, v36  }
0x498: {  	v27 =	vadd.f32 v40, v33;
	v29 =	vadd.s32 v8, v48;
	v30 =	vld [tilespmem:s7+$0x30];
	[tilespmem:v13+s28+$0x0] =	vst.idx.msk $0xffff, v3;
	v3 =	vmul.f32 $8.000000000e+00, v14  }
0x499: {  	v31 =	vadd.s32 v12, v49;
	v4 =	vadd.f32 v22, v33;
	[tilespmem:v17+s28+$0x0] =	vst.idx.msk $0xffff, v25;
	v2 =	vmul.f32 $8.000000000e+00, v2;
	v53 =	vld [tilespmem:s7+$0x70]  }
0x49a: {  	[tilespmem:v39+s28+$0x0] =	vst.idx.msk $0xffff, v27;
	v55 =	vadd.s32 v16, v47;
	v56 =	vld [tilespmem:s7+$0xB0];
	v0 =	vmul.f32 $8.000000000e+00, v0;
	v3 =	vadd.f32 v3, v33  }
0x49b: {  	v58 =	vadd.s32 v20, v46;
	[tilespmem:v38+s28+$0x0] =	vst.idx.msk $0xffff, v4;
	v2 =	vadd.f32 v2, v33;
	v57 =	vmul.f32 $8.000000000e+00, v19  }
0x49c: {  	v60 =	vadd.s32 v24, v44;
	v0 =	vadd.f32 v0, v33;
	v59 =	vmul.f32 $8.000000000e+00, v23;
	[tilespmem:v26+s28+$0x0] =	vst.idx.msk $0xffff, v3  }
0x49d: {  	v61 =	vadd.s32 v28, v37;
	[tilespmem:v29+s28+$0x0] =	vst.idx.msk $0xffff, v2;
	v2 =	vadd.f32 v57, v33;
	v3 =	vmul.f32 $8.000000000e+00, v30  }
0x49e: {  	v63 =	vadd.s32 v5, v45;
	[tilespmem:v31+s28+$0x0] =	vst.idx.msk $0xffff, v0;
	v0 =	vadd.f32 v59, v33;
	v62 =	vmul.f32 $8.000000000e+00, v53  }
0x49f: {  	[tilespmem:v55+s28+$0x0] =	vst.idx.msk $0xffff, v2;
	v2 =	vadd.f32 v3, v33;
	v3 =	vmul.f32 $8.000000000e+00, v56  }
0x4a0: {  	s19 =	sshll.u32 s8, $0x12;
	[tilespmem:v58+s28+$0x0] =	vst.idx.msk $0xffff, v0;
	v0 =	vadd.f32 v62, v33  }
0x4a1: {  	s7 =	sor.u32 s4, s19;
	[tilespmem:v60+s28+$0x0] =	vst.idx.msk $0xffff, v2;
	v2 =	vadd.f32 v3, v33  }
0x4a2: {  	s7 =	sshrl.u32 s7, $0x3;
	[tilespmem:v61+s28+$0x0] =	vst.idx.msk $0xffff, v0  }
0x4a3: {  	s25 =	simm.s32 $0x16400;
	s8 =	sadd.s32 s2, s7;
	[tilespmem:v63+s28+$0x0] =	vst.idx.msk $0xffff, v2  }
0x4a4: {  	[hbm4b:s8+s3] =	stream.linear.scatter [tilespmem:s25], [sflag:$0xA], $0x80, $0x38;
	[tilespmem:$0x1DA00] =	vst v63  }
0x4a5: {  	s9 =	simm.s32 $0x16488;
	s10 =	sadd.s32 $0x10, s8  }
0x4a6: {  	[hbm4b:s10+s3] =	stream.linear.scatter [tilespmem:s9], [sflag:$0xA], $0x80, $0x38;
	[tilespmem:$0x1DA00] =	vst v63  }
0x4a7: {  	s19 =	simm.s32 $0x16510;
	s25 =	sadd.s32 $0x20, s8  }
0x4a8: {  	[hbm4b:s25+s3] =	stream.linear.scatter [tilespmem:s19], [sflag:$0xA], $0x80, $0x38;
	[tilespmem:$0x1DA00] =	vst v63  }
0x4a9: {  	s9 =	simm.s32 $0x16598;
	s10 =	sadd.s32 $0x30, s8  }
0x4aa: {  	[hbm4b:s10+s3] =	stream.linear.scatter [tilespmem:s9], [sflag:$0xA], $0x80, $0x38;
	[tilespmem:$0x1DA00] =	vst v63  }
0x4ab: {  	s19 =	simm.s32 $0x16620;
	s25 =	sadd.s32 $0x40, s8  }
0x4ac: {  	[hbm4b:s25+s3] =	stream.linear.scatter [tilespmem:s19], [sflag:$0xA], $0x80, $0x38;
	[tilespmem:$0x1DA00] =	vst v63  }
0x4ad: {  	s7 =	simm.s32 $0x440;
	s9 =	simm.s32 $0x166A8;
	s10 =	sadd.s32 $0x50, s8  }
0x4ae: {  	[hbm4b:s10+s3] =	stream.linear.scatter [tilespmem:s9], [sflag:$0xA], $0x80, $0x38;
	[tilespmem:$0x1DA00] =	vst v63  }
0x4af: {  	s19 =	simm.s32 $0x16730;
	s25 =	sadd.s32 $0x60, s8;
	s9 =	simm.s32 $0x2200  }
0x4b0: {  	[hbm4b:s25+s3] =	stream.linear.scatter [tilespmem:s19], [sflag:$0xA], $0x80, $0x38;
	[tilespmem:$0x1DA00] =	vst v63  }
0x4b1: {  	s10 =	sadd.s32 $0x70, s8;
	s8 =	sadd.s32 $0x1000, s8;
	s25 =	simm.s32 $0x167B8  }
.LBB2_21:
0x4b2: {  	[hbm4b:s10+s3] =	stream.linear.scatter [tilespmem:s25], [sflag:$0xA], $0x80, $0x38;
	[tilespmem:$0x1DA00] =	vst v63  }
0x4b3: {  	s10 =	smov.u32 s7;
	s7 =	smov.u32 s9  }
0x4b4: {  	s19 =	sadd.s32 $0x1100, s9;
	s7 =	sshra.s32 s7, $0x2;
	s25 =	sadd.s32 $0x16400, s10  }
0x4b5: {  	[hbm4b:s8+s3] =	stream.linear.scatter [tilespmem:s25], [sflag:$0xA], $0x80, $0x38;
	[tilespmem:$0x1DA00] =	vst v63  }
0x4b6: {  	p1 =	sne.s32 s9, $0x7700;
	s9 =	sadd.s32 $0x16488, s10;
	s25 =	sadd.s32 $0x10, s8  }
0x4b7: {  	[hbm4b:s25+s3] =	stream.linear.scatter [tilespmem:s9], [sflag:$0xA], $0x80, $0x38;
	[tilespmem:$0x1DA00] =	vst v63  }
0x4b8: {  	s9 =	sadd.s32 $0x16510, s10;
	s25 =	sadd.s32 $0x20, s8  }
0x4b9: {  	[hbm4b:s25+s3] =	stream.linear.scatter [tilespmem:s9], [sflag:$0xA], $0x80, $0x38;
	[tilespmem:$0x1DA00] =	vst v63  }
0x4ba: {  	s9 =	sadd.s32 $0x16598, s10;
	s25 =	sadd.s32 $0x30, s8  }
0x4bb: {  	[hbm4b:s25+s3] =	stream.linear.scatter [tilespmem:s9], [sflag:$0xA], $0x80, $0x38;
	[tilespmem:$0x1DA00] =	vst v63  }
0x4bc: {  	s9 =	sadd.s32 $0x16620, s10;
	s25 =	sadd.s32 $0x40, s8  }
0x4bd: {  	[hbm4b:s25+s3] =	stream.linear.scatter [tilespmem:s9], [sflag:$0xA], $0x80, $0x38;
	[tilespmem:$0x1DA00] =	vst v63  }
0x4be: {  	s9 =	sadd.s32 $0x166A8, s10;
	s25 =	sadd.s32 $0x50, s8  }
0x4bf: {  	[hbm4b:s25+s3] =	stream.linear.scatter [tilespmem:s9], [sflag:$0xA], $0x80, $0x38;
	[tilespmem:$0x1DA00] =	vst v63  }
.Ltmp11:
0x4c0: {  	_ = 	snop;
	(pc) =	sbr.rel @p1 .LBB2_21-.Ltmp11, $4  }
0x4c1: {  	s9 =	sadd.s32 $0x16730, s10;
	s25 =	sadd.s32 $0x60, s8  }
0x4c2: {  	[hbm4b:s25+s3] =	stream.linear.scatter [tilespmem:s9], [sflag:$0xA], $0x80, $0x38;
	[tilespmem:$0x1DA00] =	vst v63  }
0x4c3: {  	s25 =	sadd.s32 $0x167B8, s10  }
0x4c4: {  	s10 =	sadd.s32 $0x70, s8;
	s8 =	sadd.s32 $0x1000, s8;
	s9 =	smov.u32 s19  }
0x4c5: {  	[hbm4b:s10+s3] =	stream.linear.scatter [tilespmem:s25], [sflag:$0xA], $0x80, $0x38;
	[tilespmem:$0x1DA00] =	vst v63  }
0x4c6: {  	s9 =	sadd.s32 $0x16400, s7  }
0x4c7: {  	[hbm4b:s8+s3] =	stream.linear.scatter [tilespmem:s9], [sflag:$0xA], $0x80, $0x38;
	[tilespmem:$0x1DA00] =	vst v63  }
0x4c8: {  	s19 =	sadd.s32 $0x16488, s7;
	s25 =	sadd.s32 $0x10, s8  }
0x4c9: {  	[hbm4b:s25+s3] =	stream.linear.scatter [tilespmem:s19], [sflag:$0xA], $0x80, $0x38;
	[tilespmem:$0x1DA00] =	vst v63  }
0x4ca: {  	s19 =	sadd.s32 $0x16510, s7;
	s25 =	sadd.s32 $0x20, s8  }
0x4cb: {  	[hbm4b:s25+s3] =	stream.linear.scatter [tilespmem:s19], [sflag:$0xA], $0x80, $0x38;
	[tilespmem:$0x1DA00] =	vst v63  }
0x4cc: {  	s19 =	sadd.s32 $0x16598, s7;
	s25 =	sadd.s32 $0x30, s8  }
0x4cd: {  	[hbm4b:s25+s3] =	stream.linear.scatter [tilespmem:s19], [sflag:$0xA], $0x80, $0x38;
	[tilespmem:$0x1DA00] =	vst v63  }
0x4ce: {  	s19 =	sadd.s32 $0x16620, s7;
	s25 =	sadd.s32 $0x40, s8  }
0x4cf: {  	[hbm4b:s25+s3] =	stream.linear.scatter [tilespmem:s19], [sflag:$0xA], $0x80, $0x38;
	[tilespmem:$0x1DA00] =	vst v63  }
0x4d0: {  	s19 =	sadd.s32 $0x166A8, s7;
	s25 =	sadd.s32 $0x50, s8  }
0x4d1: {  	[hbm4b:s25+s3] =	stream.linear.scatter [tilespmem:s19], [sflag:$0xA], $0x80, $0x38;
	[tilespmem:$0x1DA00] =	vst v63  }
0x4d2: {  	s19 =	sadd.s32 $0x16730, s7;
	s25 =	sadd.s32 $0x60, s8  }
0x4d3: {  	[hbm4b:s25+s3] =	stream.linear.scatter [tilespmem:s19], [sflag:$0xA], $0x80, $0x38;
	[tilespmem:$0x1DA00] =	vst v63  }
0x4d4: {  	s10 =	sadd.s32 $0x167B8, s7;
	s19 =	sadd.s32 $0x70, s8  }
0x4d5: {  	[hbm4b:s19+s3] =	stream.linear.scatter [tilespmem:s10], [sflag:$0xA], $0x80, $0x38;
	[tilespmem:$0x1DA00] =	vst v63  }
0x4d6: {  	s9 =	simm.s32 @!p0 $0xA400;
	s7 =	sadd.s32 @!p0 $0x500, s22;
	s8 =	simm.s32 @!p0 $0x80  }
0x4d7: {  	[tilespmem:s9], [sflag:$0x4] =	stream.indirect.gather @!p0 [hbm4b:s5+s8], $0x40, s7, s8, $0xb8;
	[tilespmem:$0x1DA00] =	vst v63  }
0x4d8: {  	_ =	swait.ge [sflag:s16], $0x2000  }
0x4d9: {  	[sflag:s16] =	ssyncset.done $0x0  }
0x4da: {  	[sflag:s16] =	ssyncadd.s32 $0xFFFFE000  }
0x4db: {  	s25 =	simm.s32 $0x0;
	_ =	swait.ge [sflag:s14], $0x2000  }
0x4dc: {  	v0 =	vmov s25;
	s25 =	simm.s32 $0x4;
	s8 =	sor.u32 $0x5, s24;
	v5 =	vld [tilespmem:$0x1FE00]  }
0x4dd: {  	s10 =	simm.s32 $0x2;
	v0 =	vshrl.u32 v0, $0x3;
	s19 =	sshll.u32 s8, $0x6;
	[sflag:s14] =	ssyncset.done $0x0;
	v31 =	vld [tilespmem:$0x1FFA0]  }
0x4de: {  	v33 =	vmov s25;
	s25 =	simm.s32 $0x7;
	v3 =	vmov s10;
	v0 =	vshll.u32 v0, v1;
	s10 =	sand.u32 $0x3FFFFFC0, s19;
	v17 =	vld [tilespmem:$0x1FEC0];
	[sflag:s14] =	ssyncadd.s32 $0xFFFFE000  }
0x4df: {  	v39 =	vmov s25;
	v43 =	vbroadcast v0, $0x0;
	v36 =	vld [tilespmem:s10+$0x1A800]  }
0x4e0: {  	v33 =	vshrl.u32 v33, $0x3;
	s9 =	simm.s32 $0x1;
	v3 =	vshrl.u32 v3, $0x3;
	v39 =	vshrl.u32 v39, $0x3;
	v35 =	vld [tilespmem:s10+$0x1A810]  }
0x4e1: {  	s24 =	simm.s32 $0x3;
	v33 =	vshll.u32 v33, v1;
	v2 =	vmov s9;
	s9 =	simm.s32 $0x10500;
	v49 =	vadd.s32 v5, v43;
	v5 =	vld [tilespmem:$0x1FE40]  }
0x4e2: {  	v4 =	vmov s24;
	s24 =	simm.s32 $0x6;
	v3 =	vshll.u32 v3, v1;
	v2 =	vshrl.u32 v2, $0x3;
	v46 =	vld [tilespmem:s9+$0xC0]  }
0x4e3: {  	v0 =	vshll.u32 v39, v1;
	v38 =	vmov s24;
	v2 =	vshll.u32 v2, v1;
	v47 =	vld [tilespmem:s9+$0xFFFFFF00]  }
0x4e4: {  	s19 =	simm.s32 $0x5;
	v4 =	vshrl.u32 v4, $0x3;
	v45 =	vbroadcast v0, $0x0;
	v44 =	vbroadcast v2, $0x0;
	v48 =	vld [tilespmem:s9+$0xFFFFFF40]  }
0x4e5: {  	v42 =	vbroadcast v3, $0x0;
	v37 =	vmov s19;
	v4 =	vshll.u32 v4, v1;
	v34 =	vld [tilespmem:s10+$0x1A820]  }
0x4e6: {  	v41 =	vbroadcast v4, $0x0;
	v4 =	vadd.s32 v31, v45;
	v62 =	vadd.s32 v5, v44;
	v5 =	vld [tilespmem:$0x1FE80]  }
0x4e7: {  	v38 =	vshrl.u32 v38, $0x3;
	v37 =	vshrl.u32 v37, $0x3;
	v0 =	vld [tilespmem:s9+$0xFFFFFF80];
	v60 =	vmul.f32 $8.000000000e+00, v46  }
0x4e8: {  	v2 =	vshll.u32 v38, v1;
	v37 =	vshll.u32 v37, v1;
	v3 =	vld [tilespmem:s9+$0xFFFFFFC0];
	v61 =	vmul.f32 $8.000000000e+00, v47  }
0x4e9: {  	v38 =	vbroadcast v2, $0x0;
	v50 =	vld [tilespmem:s9+$0x0];
	v2 =	vmul.f32 $8.000000000e+00, v48;
	v52 =	vadd.f32 v60, v36  }
0x4ea: {  	v39 =	vbroadcast v33, $0x0;
	v40 =	vbroadcast v37, $0x0;
	v33 =	vld [tilespmem:s10+$0x1A830];
	v37 =	vadd.f32 v61, v36  }
0x4eb: {  	v2 =	vadd.f32 v2, v36;
	v57 =	vadd.s32 v5, v42;
	v5 =	vld [tilespmem:$0x1FF00];
	[tilespmem:v4+s31+$0x0] =	vst.idx.msk $0xffff, v52  }
0x4ec: {  	v63 =	vld [tilespmem:s9+$0x40];
	[tilespmem:v49+s31+$0x0] =	vst.idx.msk $0xffff, v37  }
0x4ed: {  	v53 =	vadd.s32 v17, v41;
	v25 =	vld [tilespmem:$0x1FF40];
	[tilespmem:v62+s31+$0x0] =	vst.idx.msk $0xffff, v2  }
0x4ee: {  	v3 =	vmul.f32 $8.000000000e+00, v3;
	v29 =	vld [tilespmem:$0x1FF80]  }
0x4ef: {  	v51 =	vld [tilespmem:s9+$0x80];
	v0 =	vmul.f32 $8.000000000e+00, v0  }
0x4f0: {  	v2 =	vadd.f32 v3, v36;
	v54 =	vadd.s32 v5, v39  }
0x4f1: {  	v0 =	vadd.f32 v0, v36;
	v4 =	vmul.f32 $8.000000000e+00, v50;
	v59 =	vld [tilespmem:s9+$0xD0]  }
0x4f2: {  	v60 =	vld [tilespmem:s9+$0xFFFFFF10];
	[tilespmem:v53+s31+$0x0] =	vst.idx.msk $0xffff, v2;
	v58 =	vadd.s32 v25, v40  }
0x4f3: {  	v3 =	vmul.f32 $8.000000000e+00, v63;
	v62 =	vld [tilespmem:s9+$0xFFFFFF50];
	[tilespmem:v57+s31+$0x0] =	vst.idx.msk $0xffff, v0;
	v0 =	vadd.f32 v4, v36;
	v46 =	vadd.s32 v29, v38  }
0x4f4: {  	v63 =	vld [tilespmem:s9+$0xFFFFFFD0];
	v4 =	vmul.f32 $8.000000000e+00, v51  }
0x4f5: {  	v2 =	vadd.f32 v3, v36;
	v48 =	vld [tilespmem:s9+$0xFFFFFF90];
	[tilespmem:v54+s31+$0x0] =	vst.idx.msk $0xffff, v0  }
0x4f6: {  	v0 =	vadd.f32 v4, v36;
	v9 =	vld [tilespmem:$0x1FFD0]  }
0x4f7: {  	v6 =	vld [tilespmem:$0x1FE10];
	[tilespmem:v58+s31+$0x0] =	vst.idx.msk $0xffff, v2  }
0x4f8: {  	v10 =	vld [tilespmem:$0x1FE50];
	[tilespmem:v46+s31+$0x0] =	vst.idx.msk $0xffff, v0  }
0x4f9: {  	v14 =	vld [tilespmem:$0x1FE90]  }
0x4fa: {  	v18 =	vld [tilespmem:$0x1FED0]  }
0x4fb: {  	s19 =	simm.s32 $0x8;
	v22 =	vld [tilespmem:$0x1FF10];
	v4 =	vadd.s32 v9, v45  }
0x4fc: {  	v61 =	vmov s19;
	v55 =	vld [tilespmem:s9+$0x10];
	v2 =	vmul.f32 $8.000000000e+00, v59;
	v32 =	vadd.s32 v6, v43  }
0x4fd: {  	v47 =	vshrl.u32 v61, $0x3;
	v60 =	vmul.f32 $8.000000000e+00, v60;
	v61 =	vadd.s32 v10, v44  }
0x4fe: {  	v0 =	vmul.f32 $8.000000000e+00, v62;
	v2 =	vadd.f32 v2, v35;
	v46 =	vadd.s32 v14, v42  }
0x4ff: {  	v37 =	vadd.f32 v60, v35;
	v48 =	vmul.f32 $8.000000000e+00, v48;
	v57 =	vadd.s32 v18, v41  }
0x500: {  	v51 =	vmul.f32 $8.000000000e+00, v63;
	v0 =	vadd.f32 v0, v35;
	v58 =	vadd.s32 v22, v39;
	[tilespmem:v4+s31+$0x0] =	vst.idx.msk $0xffff, v2  }
0x501: {  	v56 =	vld [tilespmem:s9+$0x50];
	[tilespmem:v32+s31+$0x0] =	vst.idx.msk $0xffff, v37;
	v2 =	vadd.f32 v48, v35;
	v4 =	vmul.f32 $8.000000000e+00, v55  }
0x502: {  	v26 =	vld [tilespmem:$0x1FF50];
	[tilespmem:v61+s31+$0x0] =	vst.idx.msk $0xffff, v0;
	v0 =	vadd.f32 v51, v35  }
0x503: {  	v30 =	vld [tilespmem:$0x1FF90];
	[tilespmem:v46+s31+$0x0] =	vst.idx.msk $0xffff, v2;
	v2 =	vadd.f32 v4, v35  }
0x504: {  	v62 =	vld [tilespmem:s9+$0x90];
	[tilespmem:v57+s31+$0x0] =	vst.idx.msk $0xffff, v0  }
0x505: {  	[tilespmem:v58+s31+$0x0] =	vst.idx.msk $0xffff, v2  }
0x506: {  	v13 =	vld [tilespmem:$0x1FFE0]  }
0x507: {  	v54 =	vld [tilespmem:s9+$0xE0];
	v48 =	vadd.s32 v26, v40  }
0x508: {  	v60 =	vmul.f32 $8.000000000e+00, v56;
	v7 =	vld [tilespmem:$0x1FE20]  }
0x509: {  	v63 =	vld [tilespmem:s9+$0xFFFFFF20];
	v4 =	vmul.f32 $8.000000000e+00, v62;
	v61 =	vadd.s32 v30, v38  }
0x50a: {  	v0 =	vadd.f32 v60, v35  }
0x50b: {  	v59 =	vld [tilespmem:s9+$0xFFFFFF60];
	v2 =	vadd.f32 v4, v35;
	v4 =	vadd.s32 v13, v45  }
0x50c: {  	v62 =	vld [tilespmem:s9+$0xFFFFFFA0];
	[tilespmem:v48+s31+$0x0] =	vst.idx.msk $0xffff, v0;
	v0 =	vmul.f32 $8.000000000e+00, v54  }
0x50d: {  	v52 =	vld [tilespmem:s9+$0xFFFFFFE0];
	v57 =	vadd.s32 v7, v43  }
0x50e: {  	v63 =	vmul.f32 $8.000000000e+00, v63;
	v11 =	vld [tilespmem:$0x1FE60];
	[tilespmem:v61+s31+$0x0] =	vst.idx.msk $0xffff, v2;
	v0 =	vadd.f32 v0, v34  }
0x50f: {  	v15 =	vld [tilespmem:$0x1FEA0]  }
0x510: {  	v48 =	vadd.f32 v63, v34;
	v19 =	vld [tilespmem:$0x1FEE0];
	[tilespmem:v4+s31+$0x0] =	vst.idx.msk $0xffff, v0  }
0x511: {  	v23 =	vld [tilespmem:$0x1FF20]  }
0x512: {  	v58 =	vld [tilespmem:s9+$0x20];
	[tilespmem:v57+s31+$0x0] =	vst.idx.msk $0xffff, v48  }
0x513: {  	v54 =	vadd.s32 v11, v44;
	v27 =	vld [tilespmem:$0x1FF60]  }
0x514: {  	v32 =	vld [tilespmem:s9+$0x60];
	v2 =	vmul.f32 $8.000000000e+00, v59;
	v51 =	vadd.s32 v15, v42  }
0x515: {  	v37 =	vshll.u32 v47, v1;
	v47 =	vmul.f32 $8.000000000e+00, v62;
	v60 =	vadd.s32 v19, v41  }
0x516: {  	v0 =	vadd.f32 v2, v34;
	v2 =	vmul.f32 $8.000000000e+00, v52;
	v4 =	vadd.s32 v23, v39  }
0x517: {  	v47 =	vadd.f32 v47, v34;
	v52 =	vmul.f32 $8.000000000e+00, v58  }
0x518: {  	v59 =	vld [tilespmem:s9+$0xA0];
	v2 =	vadd.f32 v2, v34;
	v57 =	vadd.s32 v27, v40;
	[tilespmem:v54+s31+$0x0] =	vst.idx.msk $0xffff, v0  }
0x519: {  	v52 =	vadd.f32 v52, v34;
	v54 =	vmul.f32 $8.000000000e+00, v32;
	v32 =	vld [tilespmem:$0x1FFB0];
	[tilespmem:v51+s31+$0x0] =	vst.idx.msk $0xffff, v47  }
0x51a: {  	v58 =	vld [tilespmem:s9+$0xF0];
	[tilespmem:v60+s31+$0x0] =	vst.idx.msk $0xffff, v2  }
0x51b: {  	v0 =	vld [tilespmem:s9+$0xFFFFFF30];
	v62 =	vadd.f32 v54, v34;
	[tilespmem:v4+s31+$0x0] =	vst.idx.msk $0xffff, v52  }
0x51c: {  	v21 =	vld [tilespmem:$0x1FFF0]  }
0x51d: {  	v8 =	vld [tilespmem:$0x1FE30];
	[tilespmem:v57+s31+$0x0] =	vst.idx.msk $0xffff, v62  }
0x51e: {  	v12 =	vld [tilespmem:$0x1FE70]  }
0x51f: {  	s24 =	simm.s32 $0x9;
	v51 =	vld [tilespmem:s9+$0xFFFFFF70]  }
0x520: {  	v3 =	vmov s24;
	v61 =	vadd.s32 v32, v38  }
0x521: {  	v3 =	vshrl.u32 v3, $0x3;
	v63 =	vmul.f32 $8.000000000e+00, v59;
	v2 =	vld [tilespmem:s9+$0xFFFFFFB0];
	v45 =	vadd.s32 v21, v45  }
0x522: {  	v60 =	vmul.f32 $8.000000000e+00, v58;
	v54 =	vshll.u32 v3, v1;
	v4 =	vld [tilespmem:s9+$0xFFFFFFF0];
	v3 =	vadd.s32 v8, v43  }
0x523: {  	v63 =	vadd.f32 v63, v34;
	v52 =	vld [tilespmem:s9+$0x30];
	v0 =	vmul.f32 $8.000000000e+00, v0;
	v44 =	vadd.s32 v12, v44  }
0x524: {  	v62 =	vadd.f32 v60, v33;
	v57 =	vld [tilespmem:s9+$0x70];
	v51 =	vmul.f32 $8.000000000e+00, v51  }
0x525: {  	v16 =	vld [tilespmem:$0x1FEB0];
	v0 =	vadd.f32 v0, v33;
	[tilespmem:v61+s31+$0x0] =	vst.idx.msk $0xffff, v63  }
0x526: {  	s25 =	simm.s32 $0xA;
	v63 =	vadd.f32 v51, v33;
	v20 =	vld [tilespmem:$0x1FEF0];
	[tilespmem:v45+s31+$0x0] =	vst.idx.msk $0xffff, v62  }
0x527: {  	s10 =	simm.s32 $0xB;
	v53 =	vmov s25;
	s25 =	simm.s32 $0xE;
	v24 =	vld [tilespmem:$0x1FF30];
	[tilespmem:v3+s31+$0x0] =	vst.idx.msk $0xffff, v0  }
0x528: {  	s19 =	simm.s32 $0xC;
	v49 =	vmov s10;
	s24 =	simm.s32 $0xD;
	v50 =	vmov s25;
	v53 =	vshrl.u32 v53, $0x3;
	v28 =	vld [tilespmem:$0x1FF70];
	[tilespmem:v44+s31+$0x0] =	vst.idx.msk $0xffff, v63  }
0x529: {  	v56 =	vmov s19;
	v55 =	vshll.u32 v53, v1;
	v46 =	vmov s24;
	v5 =	vld [tilespmem:$0x1FFC0]  }
0x52a: {  	v48 =	vshrl.u32 v49, $0x3;
	v49 =	vshrl.u32 v46, $0x3;
	v2 =	vmul.f32 $8.000000000e+00, v2  }
0x52b: {  	v46 =	vshrl.u32 v50, $0x3;
	v47 =	vshrl.u32 v56, $0x3;
	v4 =	vmul.f32 $8.000000000e+00, v4  }
0x52c: {  	v56 =	vadd.f32 v2, v33;
	v53 =	vadd.s32 v16, v42;
	v51 =	vmul.f32 $8.000000000e+00, v52  }
0x52d: {  	v52 =	vadd.f32 v4, v33;
	v43 =	vadd.s32 v20, v41;
	v42 =	vadd.s32 v24, v39  }
0x52e: {  	s7 =	simm.s32 $0x10;
	s24 =	simm.s32 $0xF;
	v41 =	vld [tilespmem:s9+$0xB0];
	v39 =	vadd.s32 v28, v40;
	v40 =	vmul.f32 $8.000000000e+00, v57;
	v38 =	vadd.s32 v5, v38  }
.LBB2_23:
0x52f: {  	_ = 	snop  }
0x530: {  	s9 =	sadd.s32 $0x200, s9;
	v58 =	vld [tilespmem:$0x1FE00]  }
0x531: {  	v0 =	vmov s24;
	v50 =	vld [tilespmem:s9+$0xFFFFFF00]  }
0x532: {  	v61 =	vld [tilespmem:$0x1FE40];
	v2 =	vadd.f32 v51, v33;
	v0 =	vshrl.u32 v0, $0x3  }
0x533: {  	[tilespmem:v53+s31+$0x0] =	vst.idx.msk $0xffff, v56;
	v53 =	vld [tilespmem:s9+$0xC0];
	v40 =	vadd.f32 v40, v33;
	v0 =	vshll.u32 v0, v1;
	v3 =	vmul.f32 $8.000000000e+00, v41  }
0x534: {  	v57 =	vshll.u32 v49, v1;
	[tilespmem:v42+s31+$0x0] =	vst.idx.msk $0xffff, v2;
	v45 =	vbroadcast v0, $0x0;
	v0 =	vld [tilespmem:s9+$0xFFFFFF80]  }
0x535: {  	[tilespmem:v39+s31+$0x0] =	vst.idx.msk $0xffff, v40;
	v39 =	vbroadcast v57, $0x0;
	v57 =	vld [tilespmem:$0x1FE80];
	v2 =	vadd.f32 v3, v33  }
0x536: {  	v4 =	vshll.u32 v48, v1;
	v44 =	vbroadcast v54, $0x0;
	[tilespmem:v43+s31+$0x0] =	vst.idx.msk $0xffff, v52;
	v3 =	vld [tilespmem:s9+$0xFFFFFF40];
	v60 =	vmul.f32 $8.000000000e+00, v50  }
0x537: {  	v46 =	vshll.u32 v46, v1;
	v56 =	vshll.u32 v47, v1;
	v41 =	vbroadcast v37, $0x0;
	[tilespmem:v38+s31+$0x0] =	vst.idx.msk $0xffff, v2;
	v2 =	vld [tilespmem:s9+$0xFFFFFFC0]  }
0x538: {  	v42 =	vbroadcast v4, $0x0;
	v4 =	vadd.s32 v31, v45;
	v48 =	vadd.f32 v60, v36;
	v60 =	vld [tilespmem:$0x1FF00]  }
0x539: {  	v43 =	vbroadcast v55, $0x0;
	v49 =	vld [tilespmem:s9+$0x0];
	v37 =	vadd.s32 v58, v41;
	v59 =	vmul.f32 $8.000000000e+00, v53  }
0x53a: {  	v40 =	vbroadcast v56, $0x0;
	v63 =	vld [tilespmem:s9+$0x40];
	v62 =	vadd.s32 v61, v44;
	v38 =	vbroadcast v46, $0x0  }
0x53b: {  	v46 =	vadd.s32 v57, v43;
	v47 =	vadd.f32 v59, v36;
	v58 =	vld [tilespmem:s9+$0x80];
	v3 =	vmul.f32 $8.000000000e+00, v3  }
0x53c: {  	v0 =	vmul.f32 $8.000000000e+00, v0;
	v59 =	vadd.s32 v17, v42  }
0x53d: {  	[tilespmem:v4+s31+$0x0] =	vst.idx.msk $0xffff, v47;
	v3 =	vadd.f32 v3, v36;
	v2 =	vmul.f32 $8.000000000e+00, v2;
	v54 =	vadd.s32 v60, v40  }
0x53e: {  	v61 =	vadd.s32 v25, v39;
	v0 =	vadd.f32 v0, v36;
	v4 =	vmul.f32 $8.000000000e+00, v49;
	[tilespmem:v37+s31+$0x0] =	vst.idx.msk $0xffff, v48;
	v47 =	vld [tilespmem:s9+$0xD0]  }
0x53f: {  	v49 =	vadd.s32 v29, v38;
	v48 =	vld [tilespmem:s9+$0xFFFFFF10];
	[tilespmem:v62+s31+$0x0] =	vst.idx.msk $0xffff, v3;
	v2 =	vadd.f32 v2, v36;
	v3 =	vmul.f32 $8.000000000e+00, v63  }
0x540: {  	s19 =	sadd.s32 $0x4, s7;
	[tilespmem:v46+s31+$0x0] =	vst.idx.msk $0xffff, v0;
	v0 =	vadd.f32 v4, v36;
	v4 =	vmul.f32 $8.000000000e+00, v58;
	v51 =	vld [tilespmem:s9+$0xFFFFFF50]  }
0x541: {  	s24 =	sadd.s32 $0x2, s7;
	v56 =	vmov s19;
	v57 =	vadd.s32 v18, v42;
	v50 =	vld [tilespmem:s9+$0xFFFFFF90];
	[tilespmem:v59+s31+$0x0] =	vst.idx.msk $0xffff, v2;
	v2 =	vadd.f32 v3, v36  }
0x542: {  	v53 =	vmov s24;
	v52 =	vld [tilespmem:s9+$0xFFFFFFD0];
	[tilespmem:v54+s31+$0x0] =	vst.idx.msk $0xffff, v0;
	v0 =	vadd.f32 v4, v36;
	v4 =	vadd.s32 v9, v45  }
0x543: {  	v62 =	vmov s7;
	v54 =	vadd.s32 v6, v41;
	v63 =	vld [tilespmem:s9+$0x10];
	[tilespmem:v61+s31+$0x0] =	vst.idx.msk $0xffff, v2;
	v2 =	vmul.f32 $8.000000000e+00, v47  }
0x544: {  	v46 =	vshrl.u32 v62, $0x3;
	v60 =	vmul.f32 $8.000000000e+00, v48;
	v61 =	vadd.s32 v10, v44;
	v62 =	vld [tilespmem:s9+$0x50];
	[tilespmem:v49+s31+$0x0] =	vst.idx.msk $0xffff, v0  }
0x545: {  	v49 =	vadd.s32 v14, v43;
	v0 =	vmul.f32 $8.000000000e+00, v51;
	v51 =	vld [tilespmem:s9+$0x90];
	v2 =	vadd.f32 v2, v35  }
0x546: {  	s10 =	sadd.s32 $0x1, s7;
	v58 =	vadd.s32 v22, v40;
	v37 =	vadd.f32 v60, v35;
	v50 =	vmul.f32 $8.000000000e+00, v50  }
0x547: {  	v3 =	vmov s10;
	v0 =	vadd.f32 v0, v35;
	v52 =	vmul.f32 $8.000000000e+00, v52;
	[tilespmem:v4+s31+$0x0] =	vst.idx.msk $0xffff, v2  }
0x548: {  	[tilespmem:v54+s31+$0x0] =	vst.idx.msk $0xffff, v37;
	v2 =	vadd.f32 v50, v35;
	v50 =	vadd.s32 v26, v39;
	v4 =	vmul.f32 $8.000000000e+00, v63;
	v63 =	vld [tilespmem:s9+$0xE0]  }
0x549: {  	v60 =	vld [tilespmem:s9+$0xFFFFFF20];
	[tilespmem:v61+s31+$0x0] =	vst.idx.msk $0xffff, v0;
	v0 =	vadd.f32 v52, v35;
	v61 =	vmul.f32 $8.000000000e+00, v62;
	v62 =	vadd.s32 v30, v38  }
0x54a: {  	s25 =	sadd.s32 $0x3, s7;
	v3 =	vshrl.u32 v3, $0x3;
	[tilespmem:v49+s31+$0x0] =	vst.idx.msk $0xffff, v2;
	v59 =	vld [tilespmem:s9+$0xFFFFFF60];
	v2 =	vadd.f32 v4, v35;
	v4 =	vmul.f32 $8.000000000e+00, v51  }
0x54b: {  	s24 =	sadd.s32 $0x5, s7;
	v47 =	vmov s25;
	v37 =	vshll.u32 v46, v1;
	v49 =	vld [tilespmem:s9+$0xFFFFFFA0];
	[tilespmem:v57+s31+$0x0] =	vst.idx.msk $0xffff, v0;
	v0 =	vadd.f32 v61, v35  }
0x54c: {  	v46 =	vmov s24;
	v48 =	vld [tilespmem:s9+$0xFFFFFFE0];
	[tilespmem:v58+s31+$0x0] =	vst.idx.msk $0xffff, v2;
	v2 =	vadd.f32 v4, v35;
	v4 =	vadd.s32 v13, v45  }
0x54d: {  	v54 =	vadd.s32 v11, v44;
	v57 =	vadd.s32 v7, v41;
	v58 =	vld [tilespmem:s9+$0x20];
	[tilespmem:v50+s31+$0x0] =	vst.idx.msk $0xffff, v0;
	v0 =	vmul.f32 $8.000000000e+00, v63  }
0x54e: {  	v44 =	vadd.s32 v12, v44;
	v52 =	vadd.s32 v15, v43;
	v63 =	vmul.f32 $8.000000000e+00, v60;
	v55 =	vld [tilespmem:s9+$0x60];
	[tilespmem:v62+s31+$0x0] =	vst.idx.msk $0xffff, v2  }
0x54f: {  	v50 =	vshrl.u32 v53, $0x3;
	v2 =	vmul.f32 $8.000000000e+00, v59;
	v59 =	vld [tilespmem:s9+$0xA0];
	v0 =	vadd.f32 v0, v34  }
0x550: {  	v60 =	vadd.s32 v19, v42;
	v53 =	vadd.f32 v63, v34;
	v49 =	vmul.f32 $8.000000000e+00, v49  }
0x551: {  	v61 =	vadd.s32 v23, v40;
	v2 =	vadd.f32 v2, v34;
	v48 =	vmul.f32 $8.000000000e+00, v48;
	[tilespmem:v4+s31+$0x0] =	vst.idx.msk $0xffff, v0  }
0x552: {  	s25 =	sadd.s32 $0x6, s7;
	[tilespmem:v57+s31+$0x0] =	vst.idx.msk $0xffff, v53;
	v0 =	vadd.f32 v49, v34;
	v53 =	vadd.s32 v27, v39;
	v4 =	vmul.f32 $8.000000000e+00, v58;
	v57 =	vld [tilespmem:s9+$0xF0]  }
0x553: {  	v51 =	vmov s25;
	v58 =	vld [tilespmem:s9+$0xFFFFFF30];
	[tilespmem:v54+s31+$0x0] =	vst.idx.msk $0xffff, v2;
	v2 =	vadd.f32 v48, v34;
	v54 =	vmul.f32 $8.000000000e+00, v55  }
0x554: {  	v62 =	vadd.s32 v32, v38;
	[tilespmem:v52+s31+$0x0] =	vst.idx.msk $0xffff, v0;
	v63 =	vld [tilespmem:s9+$0xFFFFFF70];
	v0 =	vadd.f32 v4, v34;
	v4 =	vmul.f32 $8.000000000e+00, v59  }
0x555: {  	v38 =	vadd.s32 v5, v38;
	v49 =	vshrl.u32 v46, $0x3;
	v52 =	vld [tilespmem:s9+$0xFFFFFFB0];
	[tilespmem:v60+s31+$0x0] =	vst.idx.msk $0xffff, v2;
	v2 =	vadd.f32 v54, v34  }
0x556: {  	v46 =	vshrl.u32 v51, $0x3;
	v51 =	vld [tilespmem:s9+$0xFFFFFFF0];
	[tilespmem:v61+s31+$0x0] =	vst.idx.msk $0xffff, v0;
	v0 =	vadd.f32 v4, v34;
	v4 =	vadd.s32 v21, v45  }
0x557: {  	v54 =	vshll.u32 v3, v1;
	v3 =	vadd.s32 v8, v41;
	v45 =	vld [tilespmem:s9+$0x30];
	[tilespmem:v53+s31+$0x0] =	vst.idx.msk $0xffff, v2;
	v2 =	vmul.f32 $8.000000000e+00, v57  }
0x558: {  	p1 =	slt.u32 s7, $0x78;
	v39 =	vadd.s32 v28, v39;
	v48 =	vshrl.u32 v47, $0x3;
	v60 =	vmul.f32 $8.000000000e+00, v58;
	v61 =	vld [tilespmem:s9+$0x70]  }
.Ltmp12:
0x559: {  	v55 =	vshll.u32 v50, v1;
	[tilespmem:v62+s31+$0x0] =	vst.idx.msk $0xffff, v0;
	v0 =	vmul.f32 $8.000000000e+00, v63;
	v2 =	vadd.f32 v2, v33;
	(pc) =	sbr.rel @p1 .LBB2_23-.Ltmp12, $4  }
0x55a: {  	v53 =	vadd.s32 v16, v43;
	v50 =	vadd.f32 v60, v33;
	v52 =	vmul.f32 $8.000000000e+00, v52  }
0x55b: {  	v43 =	vadd.s32 v20, v42;
	v0 =	vadd.f32 v0, v33;
	v63 =	vmul.f32 $8.000000000e+00, v51;
	[tilespmem:v4+s31+$0x0] =	vst.idx.msk $0xffff, v2  }
0x55c: {  	v47 =	vshrl.u32 v56, $0x3;
	v42 =	vadd.s32 v24, v40;
	[tilespmem:v3+s31+$0x0] =	vst.idx.msk $0xffff, v50;
	v56 =	vadd.f32 v52, v33  }
0x55d: {  	s24 =	sadd.s32 $0x7, s7;
	s7 =	sadd.s32 $0x8, s7;
	v41 =	vld [tilespmem:s9+$0xB0];
	v51 =	vmul.f32 $8.000000000e+00, v45;
	[tilespmem:v44+s31+$0x0] =	vst.idx.msk $0xffff, v0;
	v52 =	vadd.f32 v63, v33;
	v40 =	vmul.f32 $8.000000000e+00, v61  }
0x55e: {  	v0 =	vmov s24;
	s7 =	sadd.s32 $0x200, s9  }
0x55f: {  	v2 =	vld [tilespmem:s7+$0xC0];
	v0 =	vshrl.u32 v0, $0x3  }
0x560: {  	v0 =	vshll.u32 v0, v1  }
0x561: {  	v50 =	vbroadcast v0, $0x0  }
0x562: {  	v3 =	vshll.u32 v48, v1;
	v45 =	vshll.u32 v49, v1;
	v49 =	vbroadcast v54, $0x0;
	v61 =	vld [tilespmem:$0x1FE00]  }
0x563: {  	v54 =	vshll.u32 v46, v1;
	v62 =	vld [tilespmem:$0x1FE40];
	v46 =	vbroadcast v3, $0x0;
	v3 =	vadd.s32 v31, v50  }
0x564: {  	v60 =	vshll.u32 v47, v1;
	v47 =	vbroadcast v55, $0x0;
	v55 =	vld [tilespmem:s7+$0xFFFFFFC0];
	v2 =	vmul.f32 $8.000000000e+00, v2  }
0x565: {  	v63 =	vld [tilespmem:$0x1FE80]  }
0x566: {  	v4 =	vld [tilespmem:s7+$0xFFFFFF00];
	v2 =	vadd.f32 v2, v36  }
0x567: {  	v57 =	vld [tilespmem:s7+$0xFFFFFF40]  }
0x568: {  	v48 =	vbroadcast v37, $0x0;
	v0 =	vld [tilespmem:s7+$0xFFFFFF80];
	[tilespmem:v3+s31+$0x0] =	vst.idx.msk $0xffff, v2  }
0x569: {  	v3 =	vmul.f32 $8.000000000e+00, v55;
	v55 =	vld [tilespmem:$0x1FF00]  }
0x56a: {  	v44 =	vbroadcast v60, $0x0;
	v59 =	vld [tilespmem:s7+$0x0];
	v58 =	vadd.s32 v61, v48  }
0x56b: {  	v37 =	vbroadcast v45, $0x0;
	v60 =	vadd.s32 v62, v49;
	v61 =	vld [tilespmem:s7+$0x40];
	v4 =	vmul.f32 $8.000000000e+00, v4  }
0x56c: {  	v45 =	vbroadcast v54, $0x0;
	v62 =	vld [tilespmem:s7+$0x80];
	v54 =	vmul.f32 $8.000000000e+00, v57;
	v57 =	vadd.s32 v63, v47  }
0x56d: {  	v63 =	vadd.s32 v17, v46;
	v4 =	vadd.f32 v4, v36;
	v0 =	vmul.f32 $8.000000000e+00, v0  }
0x56e: {  	v2 =	vadd.f32 v54, v36;
	v54 =	vadd.s32 v55, v44  }
0x56f: {  	v31 =	vmul.f32 $8.000000000e+00, v59;
	v0 =	vadd.f32 v0, v36;
	[tilespmem:v58+s31+$0x0] =	vst.idx.msk $0xffff, v4;
	v17 =	vld [tilespmem:s7+$0xD0];
	v55 =	vadd.s32 v25, v37  }
0x570: {  	v29 =	vadd.s32 v29, v45;
	[tilespmem:v60+s31+$0x0] =	vst.idx.msk $0xffff, v2;
	v2 =	vld [tilespmem:s7+$0xFFFFFF10];
	v3 =	vadd.f32 v3, v36;
	v25 =	vmul.f32 $8.000000000e+00, v61  }
0x571: {  	v4 =	vadd.f32 v31, v36;
	v31 =	vmul.f32 $8.000000000e+00, v62;
	[tilespmem:v57+s31+$0x0] =	vst.idx.msk $0xffff, v0;
	v0 =	vld [tilespmem:s7+$0xFFFFFF50]  }
0x572: {  	[tilespmem:v63+s31+$0x0] =	vst.idx.msk $0xffff, v3;
	v3 =	vld [tilespmem:s7+$0xFFFFFF90];
	v59 =	vadd.f32 v25, v36  }
0x573: {  	v63 =	vadd.f32 v31, v36;
	v61 =	vld [tilespmem:s7+$0xFFFFFFD0];
	v36 =	vadd.s32 v9, v50;
	[tilespmem:v54+s31+$0x0] =	vst.idx.msk $0xffff, v4  }
0x574: {  	v17 =	vmul.f32 $8.000000000e+00, v17;
	v54 =	vadd.s32 v6, v48;
	[tilespmem:v55+s31+$0x0] =	vst.idx.msk $0xffff, v59;
	v9 =	vld [tilespmem:s7+$0x10]  }
0x575: {  	[tilespmem:v29+s31+$0x0] =	vst.idx.msk $0xffff, v63;
	v2 =	vmul.f32 $8.000000000e+00, v2;
	v25 =	vadd.s32 v10, v49;
	v59 =	vld [tilespmem:s7+$0x50]  }
0x576: {  	v29 =	vadd.s32 v14, v47;
	v60 =	vld [tilespmem:s7+$0x90];
	v0 =	vmul.f32 $8.000000000e+00, v0;
	v55 =	vadd.f32 v17, v35  }
0x577: {  	[tilespmem:v53+s31+$0x0] =	vst.idx.msk $0xffff, v56;
	v31 =	vadd.s32 v18, v46;
	v2 =	vadd.f32 v2, v35;
	v3 =	vmul.f32 $8.000000000e+00, v3  }
0x578: {  	v63 =	vadd.s32 v22, v44;
	v0 =	vadd.f32 v0, v35;
	v62 =	vmul.f32 $8.000000000e+00, v61;
	[tilespmem:v36+s31+$0x0] =	vst.idx.msk $0xffff, v55  }
0x579: {  	v10 =	vld [tilespmem:s7+$0xE0];
	[tilespmem:v54+s31+$0x0] =	vst.idx.msk $0xffff, v2;
	v2 =	vadd.f32 v3, v35;
	v3 =	vmul.f32 $8.000000000e+00, v9;
	v9 =	vadd.s32 v26, v37  }
0x57a: {  	v17 =	vadd.s32 v30, v45;
	[tilespmem:v25+s31+$0x0] =	vst.idx.msk $0xffff, v0;
	v36 =	vadd.f32 v62, v35;
	v0 =	vld [tilespmem:s7+$0xFFFFFF20];
	v14 =	vmul.f32 $8.000000000e+00, v59  }
0x57b: {  	v18 =	vmul.f32 $8.000000000e+00, v60;
	[tilespmem:v29+s31+$0x0] =	vst.idx.msk $0xffff, v2;
	v2 =	vld [tilespmem:s7+$0xFFFFFF60];
	v3 =	vadd.f32 v3, v35  }
0x57c: {  	[tilespmem:v31+s31+$0x0] =	vst.idx.msk $0xffff, v36;
	v22 =	vld [tilespmem:s7+$0xFFFFFFA0];
	v25 =	vadd.f32 v14, v35  }
0x57d: {  	v4 =	vadd.f32 v18, v35;
	v26 =	vadd.s32 v13, v50;
	[tilespmem:v63+s31+$0x0] =	vst.idx.msk $0xffff, v3;
	v3 =	vld [tilespmem:s7+$0xFFFFFFE0]  }
0x57e: {  	v29 =	vadd.s32 v7, v48;
	v31 =	vmul.f32 $8.000000000e+00, v10;
	[tilespmem:v9+s31+$0x0] =	vst.idx.msk $0xffff, v25;
	v30 =	vld [tilespmem:s7+$0x20]  }
0x57f: {  	v51 =	vadd.f32 v51, v33;
	v60 =	vadd.s32 v11, v49;
	[tilespmem:v17+s31+$0x0] =	vst.idx.msk $0xffff, v4;
	v0 =	vmul.f32 $8.000000000e+00, v0;
	v61 =	vld [tilespmem:s7+$0x60]  }
0x580: {  	[tilespmem:v43+s31+$0x0] =	vst.idx.msk $0xffff, v52;
	v62 =	vadd.s32 v15, v47;
	v63 =	vld [tilespmem:s7+$0xA0];
	v55 =	vadd.f32 v31, v34;
	v2 =	vmul.f32 $8.000000000e+00, v2  }
0x581: {  	[tilespmem:v42+s31+$0x0] =	vst.idx.msk $0xffff, v51;
	v9 =	vadd.s32 v19, v46;
	v0 =	vadd.f32 v0, v34;
	v36 =	vmul.f32 $8.000000000e+00, v22  }
0x582: {  	v10 =	vadd.s32 v23, v44;
	[tilespmem:v26+s31+$0x0] =	vst.idx.msk $0xffff, v55;
	v2 =	vadd.f32 v2, v34;
	v3 =	vmul.f32 $8.000000000e+00, v3  }
0x583: {  	v13 =	vadd.s32 v27, v37;
	v14 =	vld [tilespmem:s7+$0xF0];
	[tilespmem:v29+s31+$0x0] =	vst.idx.msk $0xffff, v0;
	v0 =	vadd.f32 v36, v34;
	v11 =	vmul.f32 $8.000000000e+00, v30  }
0x584: {  	v17 =	vadd.s32 v32, v45;
	[tilespmem:v60+s31+$0x0] =	vst.idx.msk $0xffff, v2;
	v2 =	vld [tilespmem:s7+$0xFFFFFF30];
	v3 =	vadd.f32 v3, v34;
	v15 =	vmul.f32 $8.000000000e+00, v61  }
0x585: {  	v18 =	vmul.f32 $8.000000000e+00, v63;
	[tilespmem:v62+s31+$0x0] =	vst.idx.msk $0xffff, v0;
	v0 =	vld [tilespmem:s7+$0xFFFFFF70];
	v36 =	vadd.f32 v11, v34  }
0x586: {  	v19 =	vld [tilespmem:s7+$0xFFFFFFB0];
	[tilespmem:v9+s31+$0x0] =	vst.idx.msk $0xffff, v3;
	v3 =	vadd.f32 v15, v34  }
0x587: {  	v26 =	vadd.s32 v21, v50;
	v22 =	vmul.f32 $8.000000000e+00, v41;
	v25 =	vadd.f32 v18, v34;
	v23 =	vld [tilespmem:s7+$0xFFFFFFF0];
	[tilespmem:v10+s31+$0x0] =	vst.idx.msk $0xffff, v36  }
0x588: {  	v27 =	vadd.f32 v40, v33;
	v29 =	vadd.s32 v8, v48;
	v30 =	vld [tilespmem:s7+$0x30];
	[tilespmem:v13+s31+$0x0] =	vst.idx.msk $0xffff, v3;
	v3 =	vmul.f32 $8.000000000e+00, v14  }
0x589: {  	v31 =	vadd.s32 v12, v49;
	v4 =	vadd.f32 v22, v33;
	[tilespmem:v17+s31+$0x0] =	vst.idx.msk $0xffff, v25;
	v2 =	vmul.f32 $8.000000000e+00, v2;
	v53 =	vld [tilespmem:s7+$0x70]  }
0x58a: {  	[tilespmem:v39+s31+$0x0] =	vst.idx.msk $0xffff, v27;
	v55 =	vadd.s32 v16, v47;
	v56 =	vld [tilespmem:s7+$0xB0];
	v0 =	vmul.f32 $8.000000000e+00, v0;
	v3 =	vadd.f32 v3, v33  }
0x58b: {  	v58 =	vadd.s32 v20, v46;
	[tilespmem:v38+s31+$0x0] =	vst.idx.msk $0xffff, v4;
	v2 =	vadd.f32 v2, v33;
	v57 =	vmul.f32 $8.000000000e+00, v19  }
0x58c: {  	v60 =	vadd.s32 v24, v44;
	v0 =	vadd.f32 v0, v33;
	v59 =	vmul.f32 $8.000000000e+00, v23;
	[tilespmem:v26+s31+$0x0] =	vst.idx.msk $0xffff, v3  }
0x58d: {  	v61 =	vadd.s32 v28, v37;
	[tilespmem:v29+s31+$0x0] =	vst.idx.msk $0xffff, v2;
	v2 =	vadd.f32 v57, v33;
	v3 =	vmul.f32 $8.000000000e+00, v30  }
0x58e: {  	v63 =	vadd.s32 v5, v45;
	[tilespmem:v31+s31+$0x0] =	vst.idx.msk $0xffff, v0;
	v0 =	vadd.f32 v59, v33;
	v62 =	vmul.f32 $8.000000000e+00, v53  }
0x58f: {  	[tilespmem:v55+s31+$0x0] =	vst.idx.msk $0xffff, v2;
	v2 =	vadd.f32 v3, v33;
	v3 =	vmul.f32 $8.000000000e+00, v56  }
0x590: {  	s8 =	sshll.u32 s8, $0x12;
	[tilespmem:v58+s31+$0x0] =	vst.idx.msk $0xffff, v0;
	v0 =	vadd.f32 v62, v33  }
0x591: {  	s7 =	sor.u32 s4, s8;
	[tilespmem:v60+s31+$0x0] =	vst.idx.msk $0xffff, v2;
	v2 =	vadd.f32 v3, v33  }
0x592: {  	s7 =	sshrl.u32 s7, $0x3;
	[tilespmem:v61+s31+$0x0] =	vst.idx.msk $0xffff, v0  }
0x593: {  	s9 =	simm.s32 $0x18600;
	s8 =	sadd.s32 s2, s7;
	[tilespmem:v63+s31+$0x0] =	vst.idx.msk $0xffff, v2  }
0x594: {  	[hbm4b:s8+s3] =	stream.linear.scatter [tilespmem:s9], [sflag:$0xB], $0x80, $0x38;
	[tilespmem:$0x1DA00] =	vst v63  }
0x595: {  	s10 =	simm.s32 $0x18688;
	s19 =	sadd.s32 $0x10, s8  }
0x596: {  	[hbm4b:s19+s3] =	stream.linear.scatter [tilespmem:s10], [sflag:$0xB], $0x80, $0x38;
	[tilespmem:$0x1DA00] =	vst v63  }
0x597: {  	s24 =	simm.s32 $0x18710;
	s25 =	sadd.s32 $0x20, s8  }
0x598: {  	[hbm4b:s25+s3] =	stream.linear.scatter [tilespmem:s24], [sflag:$0xB], $0x80, $0x38;
	[tilespmem:$0x1DA00] =	vst v63  }
0x599: {  	s10 =	simm.s32 $0x18798;
	s19 =	sadd.s32 $0x30, s8  }
0x59a: {  	[hbm4b:s19+s3] =	stream.linear.scatter [tilespmem:s10], [sflag:$0xB], $0x80, $0x38;
	[tilespmem:$0x1DA00] =	vst v63  }
0x59b: {  	s24 =	simm.s32 $0x18820;
	s25 =	sadd.s32 $0x40, s8  }
0x59c: {  	[hbm4b:s25+s3] =	stream.linear.scatter [tilespmem:s24], [sflag:$0xB], $0x80, $0x38;
	[tilespmem:$0x1DA00] =	vst v63  }
0x59d: {  	s7 =	simm.s32 $0x440;
	s10 =	simm.s32 $0x188A8;
	s19 =	sadd.s32 $0x50, s8  }
0x59e: {  	[hbm4b:s19+s3] =	stream.linear.scatter [tilespmem:s10], [sflag:$0xB], $0x80, $0x38;
	[tilespmem:$0x1DA00] =	vst v63  }
0x59f: {  	s9 =	simm.s32 $0x2200;
	s24 =	simm.s32 $0x18930;
	s25 =	sadd.s32 $0x60, s8  }
0x5a0: {  	[hbm4b:s25+s3] =	stream.linear.scatter [tilespmem:s24], [sflag:$0xB], $0x80, $0x38;
	[tilespmem:$0x1DA00] =	vst v63  }
0x5a1: {  	s10 =	sadd.s32 $0x70, s8;
	s8 =	sadd.s32 $0x1000, s8;
	s24 =	simm.s32 $0x189B8  }
.LBB2_25:
0x5a2: {  	[hbm4b:s10+s3] =	stream.linear.scatter [tilespmem:s24], [sflag:$0xB], $0x80, $0x38;
	[tilespmem:$0x1DA00] =	vst v63  }
0x5a3: {  	s10 =	smov.u32 s7;
	s7 =	smov.u32 s9  }
0x5a4: {  	s19 =	sadd.s32 $0x1100, s9;
	s7 =	sshra.s32 s7, $0x2;
	s24 =	sadd.s32 $0x18600, s10  }
0x5a5: {  	[hbm4b:s8+s3] =	stream.linear.scatter [tilespmem:s24], [sflag:$0xB], $0x80, $0x38;
	[tilespmem:$0x1DA00] =	vst v63  }
0x5a6: {  	p1 =	sne.s32 s9, $0x7700;
	s9 =	sadd.s32 $0x18688, s10;
	s24 =	sadd.s32 $0x10, s8  }
0x5a7: {  	[hbm4b:s24+s3] =	stream.linear.scatter [tilespmem:s9], [sflag:$0xB], $0x80, $0x38;
	[tilespmem:$0x1DA00] =	vst v63  }
0x5a8: {  	s9 =	sadd.s32 $0x18710, s10;
	s24 =	sadd.s32 $0x20, s8  }
0x5a9: {  	[hbm4b:s24+s3] =	stream.linear.scatter [tilespmem:s9], [sflag:$0xB], $0x80, $0x38;
	[tilespmem:$0x1DA00] =	vst v63  }
0x5aa: {  	s9 =	sadd.s32 $0x18798, s10;
	s24 =	sadd.s32 $0x30, s8  }
0x5ab: {  	[hbm4b:s24+s3] =	stream.linear.scatter [tilespmem:s9], [sflag:$0xB], $0x80, $0x38;
	[tilespmem:$0x1DA00] =	vst v63  }
0x5ac: {  	s9 =	sadd.s32 $0x18820, s10;
	s24 =	sadd.s32 $0x40, s8  }
0x5ad: {  	[hbm4b:s24+s3] =	stream.linear.scatter [tilespmem:s9], [sflag:$0xB], $0x80, $0x38;
	[tilespmem:$0x1DA00] =	vst v63  }
0x5ae: {  	s9 =	sadd.s32 $0x188A8, s10;
	s24 =	sadd.s32 $0x50, s8  }
0x5af: {  	[hbm4b:s24+s3] =	stream.linear.scatter [tilespmem:s9], [sflag:$0xB], $0x80, $0x38;
	[tilespmem:$0x1DA00] =	vst v63  }
.Ltmp13:
0x5b0: {  	_ = 	snop;
	(pc) =	sbr.rel @p1 .LBB2_25-.Ltmp13, $4  }
0x5b1: {  	s9 =	sadd.s32 $0x18930, s10;
	s24 =	sadd.s32 $0x60, s8  }
0x5b2: {  	[hbm4b:s24+s3] =	stream.linear.scatter [tilespmem:s9], [sflag:$0xB], $0x80, $0x38;
	[tilespmem:$0x1DA00] =	vst v63  }
0x5b3: {  	s24 =	sadd.s32 $0x189B8, s10  }
0x5b4: {  	s10 =	sadd.s32 $0x70, s8;
	s8 =	sadd.s32 $0x1000, s8;
	s9 =	smov.u32 s19  }
0x5b5: {  	[hbm4b:s10+s3] =	stream.linear.scatter [tilespmem:s24], [sflag:$0xB], $0x80, $0x38;
	[tilespmem:$0x1DA00] =	vst v63  }
0x5b6: {  	s9 =	sadd.s32 $0x18600, s7  }
0x5b7: {  	[hbm4b:s8+s3] =	stream.linear.scatter [tilespmem:s9], [sflag:$0xB], $0x80, $0x38;
	[tilespmem:$0x1DA00] =	vst v63  }
0x5b8: {  	s24 =	sadd.s32 $0x18688, s7;
	s25 =	sadd.s32 $0x10, s8  }
0x5b9: {  	[hbm4b:s25+s3] =	stream.linear.scatter [tilespmem:s24], [sflag:$0xB], $0x80, $0x38;
	[tilespmem:$0x1DA00] =	vst v63  }
0x5ba: {  	s10 =	sadd.s32 $0x18710, s7;
	s19 =	sadd.s32 $0x20, s8  }
0x5bb: {  	[hbm4b:s19+s3] =	stream.linear.scatter [tilespmem:s10], [sflag:$0xB], $0x80, $0x38;
	[tilespmem:$0x1DA00] =	vst v63  }
0x5bc: {  	s24 =	sadd.s32 $0x18798, s7;
	s25 =	sadd.s32 $0x30, s8  }
0x5bd: {  	[hbm4b:s25+s3] =	stream.linear.scatter [tilespmem:s24], [sflag:$0xB], $0x80, $0x38;
	[tilespmem:$0x1DA00] =	vst v63  }
0x5be: {  	s10 =	sadd.s32 $0x18820, s7;
	s19 =	sadd.s32 $0x40, s8  }
0x5bf: {  	[hbm4b:s19+s3] =	stream.linear.scatter [tilespmem:s10], [sflag:$0xB], $0x80, $0x38;
	[tilespmem:$0x1DA00] =	vst v63  }
0x5c0: {  	s24 =	sadd.s32 $0x188A8, s7;
	s25 =	sadd.s32 $0x50, s8  }
0x5c1: {  	[hbm4b:s25+s3] =	stream.linear.scatter [tilespmem:s24], [sflag:$0xB], $0x80, $0x38;
	[tilespmem:$0x1DA00] =	vst v63  }
0x5c2: {  	s10 =	sadd.s32 $0x18930, s7;
	s19 =	sadd.s32 $0x60, s8  }
0x5c3: {  	[hbm4b:s19+s3] =	stream.linear.scatter [tilespmem:s10], [sflag:$0xB], $0x80, $0x38;
	[tilespmem:$0x1DA00] =	vst v63  }
0x5c4: {  	s24 =	sadd.s32 $0x189B8, s7;
	s25 =	sadd.s32 $0x70, s8  }
0x5c5: {  	[hbm4b:s25+s3] =	stream.linear.scatter [tilespmem:s24], [sflag:$0xB], $0x80, $0x38;
	[tilespmem:$0x1DA00] =	vst v63  }
0x5c6: {  	s9 =	simm.s32 @!p0 $0xC400;
	s7 =	sadd.s32 @!p0 $0x580, s22;
	s8 =	simm.s32 @!p0 $0x80  }
0x5c7: {  	[tilespmem:s9], [sflag:$0x5] =	stream.indirect.gather @!p0 [hbm4b:s5+s8], $0x40, s7, s8, $0xb8;
	[tilespmem:$0x1DA00] =	vst v63  }
0x5c8: {  	_ =	swait.ge [sflag:s17], $0x2000  }
0x5c9: {  	[sflag:s17] =	ssyncset.done $0x0  }
0x5ca: {  	[sflag:s17] =	ssyncadd.s32 $0xFFFFE000  }
0x5cb: {  	s8 =	simm.s32 $0x0;
	_ =	swait.ge [sflag:s12], $0x2000  }
0x5cc: {  	s10 =	simm.s32 $0x2;
	v0 =	vmov s8;
	v5 =	vld [tilespmem:$0x1FE00]  }
0x5cd: {  	s19 =	sshll.u32 s23, $0x6;
	s9 =	simm.s32 $0x1;
	v0 =	vshrl.u32 v0, $0x3;
	[sflag:s12] =	ssyncset.done $0x0;
	v31 =	vld [tilespmem:$0x1FFA0]  }
0x5ce: {  	v3 =	vmov s10;
	s10 =	simm.s32 $0x6;
	v2 =	vmov s9;
	s9 =	sand.u32 $0x3FFFFFC0, s19;
	v0 =	vshll.u32 v0, v1;
	v17 =	vld [tilespmem:$0x1FEC0];
	[sflag:s12] =	ssyncadd.s32 $0xFFFFE000  }
0x5cf: {  	s24 =	simm.s32 $0x3;
	s25 =	simm.s32 $0x4;
	v38 =	vmov s10;
	v43 =	vbroadcast v0, $0x0;
	v36 =	vld [tilespmem:s9+$0x1A800]  }
0x5d0: {  	v3 =	vshrl.u32 v3, $0x3;
	v4 =	vmov s24;
	v33 =	vmov s25;
	s8 =	simm.s32 $0x5;
	s19 =	simm.s32 $0x7;
	v35 =	vld [tilespmem:s9+$0x1A810]  }
0x5d1: {  	v37 =	vmov s8;
	s8 =	simm.s32 $0x12500;
	v39 =	vmov s19;
	v49 =	vadd.s32 v5, v43;
	v5 =	vld [tilespmem:$0x1FE40]  }
0x5d2: {  	v38 =	vshrl.u32 v38, $0x3;
	v2 =	vshrl.u32 v2, $0x3;
	v39 =	vshrl.u32 v39, $0x3;
	v46 =	vld [tilespmem:s8+$0xC0]  }
0x5d3: {  	v3 =	vshll.u32 v3, v1;
	v2 =	vshll.u32 v2, v1;
	v0 =	vshll.u32 v39, v1;
	v47 =	vld [tilespmem:s8+$0xFFFFFF00]  }
0x5d4: {  	v4 =	vshrl.u32 v4, $0x3;
	v44 =	vbroadcast v2, $0x0;
	v45 =	vbroadcast v0, $0x0;
	v48 =	vld [tilespmem:s8+$0xFFFFFF40]  }
0x5d5: {  	v33 =	vshrl.u32 v33, $0x3;
	v42 =	vbroadcast v3, $0x0;
	v4 =	vshll.u32 v4, v1;
	v34 =	vld [tilespmem:s9+$0x1A820]  }
0x5d6: {  	v41 =	vbroadcast v4, $0x0;
	v4 =	vadd.s32 v31, v45;
	v62 =	vadd.s32 v5, v44;
	v5 =	vld [tilespmem:$0x1FE80]  }
0x5d7: {  	v33 =	vshll.u32 v33, v1;
	v37 =	vshrl.u32 v37, $0x3;
	v0 =	vld [tilespmem:s8+$0xFFFFFF80];
	v60 =	vmul.f32 $8.000000000e+00, v46  }
0x5d8: {  	v37 =	vshll.u32 v37, v1;
	v2 =	vshll.u32 v38, v1;
	v3 =	vld [tilespmem:s8+$0xFFFFFFC0];
	v61 =	vmul.f32 $8.000000000e+00, v47  }
0x5d9: {  	v38 =	vbroadcast v2, $0x0;
	v50 =	vld [tilespmem:s8+$0x0];
	v2 =	vmul.f32 $8.000000000e+00, v48;
	v52 =	vadd.f32 v60, v36  }
0x5da: {  	v39 =	vbroadcast v33, $0x0;
	v40 =	vbroadcast v37, $0x0;
	v33 =	vld [tilespmem:s9+$0x1A830];
	v37 =	vadd.f32 v61, v36  }
0x5db: {  	v2 =	vadd.f32 v2, v36;
	v57 =	vadd.s32 v5, v42;
	v5 =	vld [tilespmem:$0x1FF00];
	[tilespmem:v4+s28+$0x0] =	vst.idx.msk $0xffff, v52  }
0x5dc: {  	v63 =	vld [tilespmem:s8+$0x40];
	[tilespmem:v49+s28+$0x0] =	vst.idx.msk $0xffff, v37  }
0x5dd: {  	v53 =	vadd.s32 v17, v41;
	v25 =	vld [tilespmem:$0x1FF40];
	[tilespmem:v62+s28+$0x0] =	vst.idx.msk $0xffff, v2  }
0x5de: {  	v3 =	vmul.f32 $8.000000000e+00, v3;
	v29 =	vld [tilespmem:$0x1FF80]  }
0x5df: {  	v51 =	vld [tilespmem:s8+$0x80];
	v0 =	vmul.f32 $8.000000000e+00, v0  }
0x5e0: {  	v2 =	vadd.f32 v3, v36;
	v54 =	vadd.s32 v5, v39  }
0x5e1: {  	v0 =	vadd.f32 v0, v36;
	v4 =	vmul.f32 $8.000000000e+00, v50;
	v59 =	vld [tilespmem:s8+$0xD0]  }
0x5e2: {  	v60 =	vld [tilespmem:s8+$0xFFFFFF10];
	[tilespmem:v53+s28+$0x0] =	vst.idx.msk $0xffff, v2;
	v58 =	vadd.s32 v25, v40  }
0x5e3: {  	v3 =	vmul.f32 $8.000000000e+00, v63;
	v62 =	vld [tilespmem:s8+$0xFFFFFF50];
	[tilespmem:v57+s28+$0x0] =	vst.idx.msk $0xffff, v0;
	v0 =	vadd.f32 v4, v36;
	v46 =	vadd.s32 v29, v38  }
0x5e4: {  	v63 =	vld [tilespmem:s8+$0xFFFFFFD0];
	v4 =	vmul.f32 $8.000000000e+00, v51  }
0x5e5: {  	v2 =	vadd.f32 v3, v36;
	v48 =	vld [tilespmem:s8+$0xFFFFFF90];
	[tilespmem:v54+s28+$0x0] =	vst.idx.msk $0xffff, v0  }
0x5e6: {  	v0 =	vadd.f32 v4, v36;
	v9 =	vld [tilespmem:$0x1FFD0]  }
0x5e7: {  	v6 =	vld [tilespmem:$0x1FE10];
	[tilespmem:v58+s28+$0x0] =	vst.idx.msk $0xffff, v2  }
0x5e8: {  	v10 =	vld [tilespmem:$0x1FE50];
	[tilespmem:v46+s28+$0x0] =	vst.idx.msk $0xffff, v0  }
0x5e9: {  	v14 =	vld [tilespmem:$0x1FE90]  }
0x5ea: {  	v18 =	vld [tilespmem:$0x1FED0]  }
0x5eb: {  	s24 =	simm.s32 $0x8;
	v22 =	vld [tilespmem:$0x1FF10];
	v4 =	vadd.s32 v9, v45  }
0x5ec: {  	v61 =	vmov s24;
	v55 =	vld [tilespmem:s8+$0x10];
	v2 =	vmul.f32 $8.000000000e+00, v59;
	v32 =	vadd.s32 v6, v43  }
0x5ed: {  	v47 =	vshrl.u32 v61, $0x3;
	v60 =	vmul.f32 $8.000000000e+00, v60;
	v61 =	vadd.s32 v10, v44  }
0x5ee: {  	v0 =	vmul.f32 $8.000000000e+00, v62;
	v2 =	vadd.f32 v2, v35;
	v46 =	vadd.s32 v14, v42  }
0x5ef: {  	v37 =	vadd.f32 v60, v35;
	v48 =	vmul.f32 $8.000000000e+00, v48;
	v57 =	vadd.s32 v18, v41  }
0x5f0: {  	v51 =	vmul.f32 $8.000000000e+00, v63;
	v0 =	vadd.f32 v0, v35;
	v58 =	vadd.s32 v22, v39;
	[tilespmem:v4+s28+$0x0] =	vst.idx.msk $0xffff, v2  }
0x5f1: {  	v56 =	vld [tilespmem:s8+$0x50];
	[tilespmem:v32+s28+$0x0] =	vst.idx.msk $0xffff, v37;
	v2 =	vadd.f32 v48, v35;
	v4 =	vmul.f32 $8.000000000e+00, v55  }
0x5f2: {  	v26 =	vld [tilespmem:$0x1FF50];
	[tilespmem:v61+s28+$0x0] =	vst.idx.msk $0xffff, v0;
	v0 =	vadd.f32 v51, v35  }
0x5f3: {  	v30 =	vld [tilespmem:$0x1FF90];
	[tilespmem:v46+s28+$0x0] =	vst.idx.msk $0xffff, v2;
	v2 =	vadd.f32 v4, v35  }
0x5f4: {  	v62 =	vld [tilespmem:s8+$0x90];
	[tilespmem:v57+s28+$0x0] =	vst.idx.msk $0xffff, v0  }
0x5f5: {  	[tilespmem:v58+s28+$0x0] =	vst.idx.msk $0xffff, v2  }
0x5f6: {  	v13 =	vld [tilespmem:$0x1FFE0]  }
0x5f7: {  	v54 =	vld [tilespmem:s8+$0xE0];
	v48 =	vadd.s32 v26, v40  }
0x5f8: {  	v60 =	vmul.f32 $8.000000000e+00, v56;
	v7 =	vld [tilespmem:$0x1FE20]  }
0x5f9: {  	v63 =	vld [tilespmem:s8+$0xFFFFFF20];
	v4 =	vmul.f32 $8.000000000e+00, v62;
	v61 =	vadd.s32 v30, v38  }
0x5fa: {  	v0 =	vadd.f32 v60, v35  }
0x5fb: {  	v59 =	vld [tilespmem:s8+$0xFFFFFF60];
	v2 =	vadd.f32 v4, v35;
	v4 =	vadd.s32 v13, v45  }
0x5fc: {  	v62 =	vld [tilespmem:s8+$0xFFFFFFA0];
	[tilespmem:v48+s28+$0x0] =	vst.idx.msk $0xffff, v0;
	v0 =	vmul.f32 $8.000000000e+00, v54  }
0x5fd: {  	v52 =	vld [tilespmem:s8+$0xFFFFFFE0];
	v57 =	vadd.s32 v7, v43  }
0x5fe: {  	v63 =	vmul.f32 $8.000000000e+00, v63;
	v11 =	vld [tilespmem:$0x1FE60];
	[tilespmem:v61+s28+$0x0] =	vst.idx.msk $0xffff, v2;
	v0 =	vadd.f32 v0, v34  }
0x5ff: {  	v15 =	vld [tilespmem:$0x1FEA0]  }
0x600: {  	v48 =	vadd.f32 v63, v34;
	v19 =	vld [tilespmem:$0x1FEE0];
	[tilespmem:v4+s28+$0x0] =	vst.idx.msk $0xffff, v0  }
0x601: {  	v23 =	vld [tilespmem:$0x1FF20]  }
0x602: {  	v58 =	vld [tilespmem:s8+$0x20];
	[tilespmem:v57+s28+$0x0] =	vst.idx.msk $0xffff, v48  }
0x603: {  	v54 =	vadd.s32 v11, v44;
	v27 =	vld [tilespmem:$0x1FF60]  }
0x604: {  	v32 =	vld [tilespmem:s8+$0x60];
	v2 =	vmul.f32 $8.000000000e+00, v59;
	v51 =	vadd.s32 v15, v42  }
0x605: {  	v37 =	vshll.u32 v47, v1;
	v47 =	vmul.f32 $8.000000000e+00, v62;
	v60 =	vadd.s32 v19, v41  }
0x606: {  	v0 =	vadd.f32 v2, v34;
	v2 =	vmul.f32 $8.000000000e+00, v52;
	v4 =	vadd.s32 v23, v39  }
0x607: {  	v47 =	vadd.f32 v47, v34;
	v52 =	vmul.f32 $8.000000000e+00, v58  }
0x608: {  	v59 =	vld [tilespmem:s8+$0xA0];
	v2 =	vadd.f32 v2, v34;
	v57 =	vadd.s32 v27, v40;
	[tilespmem:v54+s28+$0x0] =	vst.idx.msk $0xffff, v0  }
0x609: {  	v52 =	vadd.f32 v52, v34;
	v54 =	vmul.f32 $8.000000000e+00, v32;
	v32 =	vld [tilespmem:$0x1FFB0];
	[tilespmem:v51+s28+$0x0] =	vst.idx.msk $0xffff, v47  }
0x60a: {  	v58 =	vld [tilespmem:s8+$0xF0];
	[tilespmem:v60+s28+$0x0] =	vst.idx.msk $0xffff, v2  }
0x60b: {  	v0 =	vld [tilespmem:s8+$0xFFFFFF30];
	v62 =	vadd.f32 v54, v34;
	[tilespmem:v4+s28+$0x0] =	vst.idx.msk $0xffff, v52  }
0x60c: {  	v21 =	vld [tilespmem:$0x1FFF0]  }
0x60d: {  	v8 =	vld [tilespmem:$0x1FE30];
	[tilespmem:v57+s28+$0x0] =	vst.idx.msk $0xffff, v62  }
0x60e: {  	v12 =	vld [tilespmem:$0x1FE70]  }
0x60f: {  	s25 =	simm.s32 $0x9;
	v51 =	vld [tilespmem:s8+$0xFFFFFF70]  }
0x610: {  	v3 =	vmov s25;
	v61 =	vadd.s32 v32, v38  }
0x611: {  	v3 =	vshrl.u32 v3, $0x3;
	v63 =	vmul.f32 $8.000000000e+00, v59;
	v2 =	vld [tilespmem:s8+$0xFFFFFFB0];
	v45 =	vadd.s32 v21, v45  }
0x612: {  	v60 =	vmul.f32 $8.000000000e+00, v58;
	v54 =	vshll.u32 v3, v1;
	v4 =	vld [tilespmem:s8+$0xFFFFFFF0];
	v3 =	vadd.s32 v8, v43  }
0x613: {  	v63 =	vadd.f32 v63, v34;
	v52 =	vld [tilespmem:s8+$0x30];
	v0 =	vmul.f32 $8.000000000e+00, v0;
	v44 =	vadd.s32 v12, v44  }
0x614: {  	v62 =	vadd.f32 v60, v33;
	v57 =	vld [tilespmem:s8+$0x70];
	v51 =	vmul.f32 $8.000000000e+00, v51  }
0x615: {  	v16 =	vld [tilespmem:$0x1FEB0];
	v0 =	vadd.f32 v0, v33;
	[tilespmem:v61+s28+$0x0] =	vst.idx.msk $0xffff, v63  }
0x616: {  	s9 =	simm.s32 $0xA;
	v63 =	vadd.f32 v51, v33;
	v20 =	vld [tilespmem:$0x1FEF0];
	[tilespmem:v45+s28+$0x0] =	vst.idx.msk $0xffff, v62  }
0x617: {  	s10 =	simm.s32 $0xB;
	v53 =	vmov s9;
	s25 =	simm.s32 $0xE;
	v24 =	vld [tilespmem:$0x1FF30];
	[tilespmem:v3+s28+$0x0] =	vst.idx.msk $0xffff, v0  }
0x618: {  	s19 =	simm.s32 $0xC;
	s24 =	simm.s32 $0xD;
	v49 =	vmov s10;
	v50 =	vmov s25;
	v53 =	vshrl.u32 v53, $0x3;
	v28 =	vld [tilespmem:$0x1FF70];
	[tilespmem:v44+s28+$0x0] =	vst.idx.msk $0xffff, v63  }
0x619: {  	v56 =	vmov s19;
	v55 =	vshll.u32 v53, v1;
	v46 =	vmov s24;
	v5 =	vld [tilespmem:$0x1FFC0]  }
0x61a: {  	v48 =	vshrl.u32 v49, $0x3;
	v49 =	vshrl.u32 v46, $0x3;
	v2 =	vmul.f32 $8.000000000e+00, v2  }
0x61b: {  	v46 =	vshrl.u32 v50, $0x3;
	v47 =	vshrl.u32 v56, $0x3;
	v4 =	vmul.f32 $8.000000000e+00, v4  }
0x61c: {  	v56 =	vadd.f32 v2, v33;
	v53 =	vadd.s32 v16, v42;
	v51 =	vmul.f32 $8.000000000e+00, v52  }
0x61d: {  	v52 =	vadd.f32 v4, v33;
	v43 =	vadd.s32 v20, v41;
	v42 =	vadd.s32 v24, v39  }
0x61e: {  	s7 =	simm.s32 $0x10;
	s9 =	simm.s32 $0xF;
	v41 =	vld [tilespmem:s8+$0xB0];
	v39 =	vadd.s32 v28, v40;
	v40 =	vmul.f32 $8.000000000e+00, v57;
	v38 =	vadd.s32 v5, v38  }
.LBB2_27:
0x61f: {  	_ = 	snop  }
0x620: {  	s8 =	sadd.s32 $0x200, s8;
	v58 =	vld [tilespmem:$0x1FE00]  }
0x621: {  	v0 =	vmov s9;
	v50 =	vld [tilespmem:s8+$0xFFFFFF00]  }
0x622: {  	v61 =	vld [tilespmem:$0x1FE40];
	v2 =	vadd.f32 v51, v33;
	v0 =	vshrl.u32 v0, $0x3  }
0x623: {  	[tilespmem:v53+s28+$0x0] =	vst.idx.msk $0xffff, v56;
	v53 =	vld [tilespmem:s8+$0xC0];
	v40 =	vadd.f32 v40, v33;
	v0 =	vshll.u32 v0, v1;
	v3 =	vmul.f32 $8.000000000e+00, v41  }
0x624: {  	v57 =	vshll.u32 v49, v1;
	[tilespmem:v42+s28+$0x0] =	vst.idx.msk $0xffff, v2;
	v45 =	vbroadcast v0, $0x0;
	v0 =	vld [tilespmem:s8+$0xFFFFFF80]  }
0x625: {  	[tilespmem:v39+s28+$0x0] =	vst.idx.msk $0xffff, v40;
	v39 =	vbroadcast v57, $0x0;
	v57 =	vld [tilespmem:$0x1FE80];
	v2 =	vadd.f32 v3, v33  }
0x626: {  	v4 =	vshll.u32 v48, v1;
	v44 =	vbroadcast v54, $0x0;
	[tilespmem:v43+s28+$0x0] =	vst.idx.msk $0xffff, v52;
	v3 =	vld [tilespmem:s8+$0xFFFFFF40];
	v60 =	vmul.f32 $8.000000000e+00, v50  }
0x627: {  	v46 =	vshll.u32 v46, v1;
	v56 =	vshll.u32 v47, v1;
	v41 =	vbroadcast v37, $0x0;
	[tilespmem:v38+s28+$0x0] =	vst.idx.msk $0xffff, v2;
	v2 =	vld [tilespmem:s8+$0xFFFFFFC0]  }
0x628: {  	v42 =	vbroadcast v4, $0x0;
	v4 =	vadd.s32 v31, v45;
	v48 =	vadd.f32 v60, v36;
	v60 =	vld [tilespmem:$0x1FF00]  }
0x629: {  	v43 =	vbroadcast v55, $0x0;
	v49 =	vld [tilespmem:s8+$0x0];
	v37 =	vadd.s32 v58, v41;
	v59 =	vmul.f32 $8.000000000e+00, v53  }
0x62a: {  	v40 =	vbroadcast v56, $0x0;
	v63 =	vld [tilespmem:s8+$0x40];
	v62 =	vadd.s32 v61, v44;
	v38 =	vbroadcast v46, $0x0  }
0x62b: {  	v46 =	vadd.s32 v57, v43;
	v47 =	vadd.f32 v59, v36;
	v58 =	vld [tilespmem:s8+$0x80];
	v3 =	vmul.f32 $8.000000000e+00, v3  }
0x62c: {  	v0 =	vmul.f32 $8.000000000e+00, v0;
	v59 =	vadd.s32 v17, v42  }
0x62d: {  	[tilespmem:v4+s28+$0x0] =	vst.idx.msk $0xffff, v47;
	v3 =	vadd.f32 v3, v36;
	v2 =	vmul.f32 $8.000000000e+00, v2;
	v54 =	vadd.s32 v60, v40  }
0x62e: {  	v61 =	vadd.s32 v25, v39;
	v0 =	vadd.f32 v0, v36;
	v4 =	vmul.f32 $8.000000000e+00, v49;
	[tilespmem:v37+s28+$0x0] =	vst.idx.msk $0xffff, v48;
	v47 =	vld [tilespmem:s8+$0xD0]  }
0x62f: {  	v49 =	vadd.s32 v29, v38;
	v48 =	vld [tilespmem:s8+$0xFFFFFF10];
	[tilespmem:v62+s28+$0x0] =	vst.idx.msk $0xffff, v3;
	v2 =	vadd.f32 v2, v36;
	v3 =	vmul.f32 $8.000000000e+00, v63  }
0x630: {  	s19 =	sadd.s32 $0x4, s7;
	[tilespmem:v46+s28+$0x0] =	vst.idx.msk $0xffff, v0;
	v0 =	vadd.f32 v4, v36;
	v4 =	vmul.f32 $8.000000000e+00, v58;
	v51 =	vld [tilespmem:s8+$0xFFFFFF50]  }
0x631: {  	s25 =	sadd.s32 $0x2, s7;
	v56 =	vmov s19;
	v57 =	vadd.s32 v18, v42;
	v50 =	vld [tilespmem:s8+$0xFFFFFF90];
	[tilespmem:v59+s28+$0x0] =	vst.idx.msk $0xffff, v2;
	v2 =	vadd.f32 v3, v36  }
0x632: {  	v53 =	vmov s25;
	v52 =	vld [tilespmem:s8+$0xFFFFFFD0];
	[tilespmem:v54+s28+$0x0] =	vst.idx.msk $0xffff, v0;
	v0 =	vadd.f32 v4, v36;
	v4 =	vadd.s32 v9, v45  }
0x633: {  	v62 =	vmov s7;
	v54 =	vadd.s32 v6, v41;
	v63 =	vld [tilespmem:s8+$0x10];
	[tilespmem:v61+s28+$0x0] =	vst.idx.msk $0xffff, v2;
	v2 =	vmul.f32 $8.000000000e+00, v47  }
0x634: {  	v46 =	vshrl.u32 v62, $0x3;
	v60 =	vmul.f32 $8.000000000e+00, v48;
	v61 =	vadd.s32 v10, v44;
	v62 =	vld [tilespmem:s8+$0x50];
	[tilespmem:v49+s28+$0x0] =	vst.idx.msk $0xffff, v0  }
0x635: {  	v49 =	vadd.s32 v14, v43;
	v0 =	vmul.f32 $8.000000000e+00, v51;
	v51 =	vld [tilespmem:s8+$0x90];
	v2 =	vadd.f32 v2, v35  }
0x636: {  	s24 =	sadd.s32 $0x1, s7;
	v58 =	vadd.s32 v22, v40;
	v37 =	vadd.f32 v60, v35;
	v50 =	vmul.f32 $8.000000000e+00, v50  }
0x637: {  	v3 =	vmov s24;
	v0 =	vadd.f32 v0, v35;
	v52 =	vmul.f32 $8.000000000e+00, v52;
	[tilespmem:v4+s28+$0x0] =	vst.idx.msk $0xffff, v2  }
0x638: {  	[tilespmem:v54+s28+$0x0] =	vst.idx.msk $0xffff, v37;
	v2 =	vadd.f32 v50, v35;
	v50 =	vadd.s32 v26, v39;
	v4 =	vmul.f32 $8.000000000e+00, v63;
	v63 =	vld [tilespmem:s8+$0xE0]  }
0x639: {  	v60 =	vld [tilespmem:s8+$0xFFFFFF20];
	[tilespmem:v61+s28+$0x0] =	vst.idx.msk $0xffff, v0;
	v0 =	vadd.f32 v52, v35;
	v61 =	vmul.f32 $8.000000000e+00, v62;
	v62 =	vadd.s32 v30, v38  }
0x63a: {  	s10 =	sadd.s32 $0x3, s7;
	v3 =	vshrl.u32 v3, $0x3;
	[tilespmem:v49+s28+$0x0] =	vst.idx.msk $0xffff, v2;
	v59 =	vld [tilespmem:s8+$0xFFFFFF60];
	v2 =	vadd.f32 v4, v35;
	v4 =	vmul.f32 $8.000000000e+00, v51  }
0x63b: {  	s24 =	sadd.s32 $0x5, s7;
	v47 =	vmov s10;
	v37 =	vshll.u32 v46, v1;
	v49 =	vld [tilespmem:s8+$0xFFFFFFA0];
	[tilespmem:v57+s28+$0x0] =	vst.idx.msk $0xffff, v0;
	v0 =	vadd.f32 v61, v35  }
0x63c: {  	v46 =	vmov s24;
	v48 =	vld [tilespmem:s8+$0xFFFFFFE0];
	[tilespmem:v58+s28+$0x0] =	vst.idx.msk $0xffff, v2;
	v2 =	vadd.f32 v4, v35;
	v4 =	vadd.s32 v13, v45  }
0x63d: {  	v54 =	vadd.s32 v11, v44;
	v57 =	vadd.s32 v7, v41;
	v58 =	vld [tilespmem:s8+$0x20];
	[tilespmem:v50+s28+$0x0] =	vst.idx.msk $0xffff, v0;
	v0 =	vmul.f32 $8.000000000e+00, v63  }
0x63e: {  	v44 =	vadd.s32 v12, v44;
	v52 =	vadd.s32 v15, v43;
	v63 =	vmul.f32 $8.000000000e+00, v60;
	v55 =	vld [tilespmem:s8+$0x60];
	[tilespmem:v62+s28+$0x0] =	vst.idx.msk $0xffff, v2  }
0x63f: {  	v50 =	vshrl.u32 v53, $0x3;
	v2 =	vmul.f32 $8.000000000e+00, v59;
	v59 =	vld [tilespmem:s8+$0xA0];
	v0 =	vadd.f32 v0, v34  }
0x640: {  	v60 =	vadd.s32 v19, v42;
	v53 =	vadd.f32 v63, v34;
	v49 =	vmul.f32 $8.000000000e+00, v49  }
0x641: {  	v61 =	vadd.s32 v23, v40;
	v2 =	vadd.f32 v2, v34;
	v48 =	vmul.f32 $8.000000000e+00, v48;
	[tilespmem:v4+s28+$0x0] =	vst.idx.msk $0xffff, v0  }
0x642: {  	s25 =	sadd.s32 $0x6, s7;
	[tilespmem:v57+s28+$0x0] =	vst.idx.msk $0xffff, v53;
	v0 =	vadd.f32 v49, v34;
	v53 =	vadd.s32 v27, v39;
	v4 =	vmul.f32 $8.000000000e+00, v58;
	v57 =	vld [tilespmem:s8+$0xF0]  }
0x643: {  	v51 =	vmov s25;
	v58 =	vld [tilespmem:s8+$0xFFFFFF30];
	[tilespmem:v54+s28+$0x0] =	vst.idx.msk $0xffff, v2;
	v2 =	vadd.f32 v48, v34;
	v54 =	vmul.f32 $8.000000000e+00, v55  }
0x644: {  	v62 =	vadd.s32 v32, v38;
	[tilespmem:v52+s28+$0x0] =	vst.idx.msk $0xffff, v0;
	v63 =	vld [tilespmem:s8+$0xFFFFFF70];
	v0 =	vadd.f32 v4, v34;
	v4 =	vmul.f32 $8.000000000e+00, v59  }
0x645: {  	v38 =	vadd.s32 v5, v38;
	v49 =	vshrl.u32 v46, $0x3;
	v52 =	vld [tilespmem:s8+$0xFFFFFFB0];
	[tilespmem:v60+s28+$0x0] =	vst.idx.msk $0xffff, v2;
	v2 =	vadd.f32 v54, v34  }
0x646: {  	v46 =	vshrl.u32 v51, $0x3;
	v51 =	vld [tilespmem:s8+$0xFFFFFFF0];
	[tilespmem:v61+s28+$0x0] =	vst.idx.msk $0xffff, v0;
	v0 =	vadd.f32 v4, v34;
	v4 =	vadd.s32 v21, v45  }
0x647: {  	v54 =	vshll.u32 v3, v1;
	v3 =	vadd.s32 v8, v41;
	v45 =	vld [tilespmem:s8+$0x30];
	[tilespmem:v53+s28+$0x0] =	vst.idx.msk $0xffff, v2;
	v2 =	vmul.f32 $8.000000000e+00, v57  }
0x648: {  	p1 =	slt.u32 s7, $0x78;
	v39 =	vadd.s32 v28, v39;
	v48 =	vshrl.u32 v47, $0x3;
	v60 =	vmul.f32 $8.000000000e+00, v58;
	v61 =	vld [tilespmem:s8+$0x70]  }
.Ltmp14:
0x649: {  	v55 =	vshll.u32 v50, v1;
	[tilespmem:v62+s28+$0x0] =	vst.idx.msk $0xffff, v0;
	v0 =	vmul.f32 $8.000000000e+00, v63;
	v2 =	vadd.f32 v2, v33;
	(pc) =	sbr.rel @p1 .LBB2_27-.Ltmp14, $4  }
0x64a: {  	v53 =	vadd.s32 v16, v43;
	v50 =	vadd.f32 v60, v33;
	v52 =	vmul.f32 $8.000000000e+00, v52  }
0x64b: {  	v43 =	vadd.s32 v20, v42;
	v0 =	vadd.f32 v0, v33;
	v63 =	vmul.f32 $8.000000000e+00, v51;
	[tilespmem:v4+s28+$0x0] =	vst.idx.msk $0xffff, v2  }
0x64c: {  	v47 =	vshrl.u32 v56, $0x3;
	v42 =	vadd.s32 v24, v40;
	[tilespmem:v3+s28+$0x0] =	vst.idx.msk $0xffff, v50;
	v56 =	vadd.f32 v52, v33  }
0x64d: {  	s9 =	sadd.s32 $0x7, s7;
	s7 =	sadd.s32 $0x8, s7;
	v41 =	vld [tilespmem:s8+$0xB0];
	v51 =	vmul.f32 $8.000000000e+00, v45;
	[tilespmem:v44+s28+$0x0] =	vst.idx.msk $0xffff, v0;
	v52 =	vadd.f32 v63, v33;
	v40 =	vmul.f32 $8.000000000e+00, v61  }
0x64e: {  	v0 =	vmov s9;
	s7 =	sadd.s32 $0x200, s8  }
0x64f: {  	v2 =	vld [tilespmem:s7+$0xC0];
	v0 =	vshrl.u32 v0, $0x3  }
0x650: {  	v0 =	vshll.u32 v0, v1  }
0x651: {  	v50 =	vbroadcast v0, $0x0  }
0x652: {  	v3 =	vshll.u32 v48, v1;
	v45 =	vshll.u32 v49, v1;
	v49 =	vbroadcast v54, $0x0;
	v61 =	vld [tilespmem:$0x1FE00]  }
0x653: {  	v54 =	vshll.u32 v46, v1;
	v62 =	vld [tilespmem:$0x1FE40];
	v46 =	vbroadcast v3, $0x0;
	v3 =	vadd.s32 v31, v50  }
0x654: {  	v60 =	vshll.u32 v47, v1;
	v47 =	vbroadcast v55, $0x0;
	v55 =	vld [tilespmem:s7+$0xFFFFFFC0];
	v2 =	vmul.f32 $8.000000000e+00, v2  }
0x655: {  	v63 =	vld [tilespmem:$0x1FE80]  }
0x656: {  	v4 =	vld [tilespmem:s7+$0xFFFFFF00];
	v2 =	vadd.f32 v2, v36  }
0x657: {  	v57 =	vld [tilespmem:s7+$0xFFFFFF40]  }
0x658: {  	v48 =	vbroadcast v37, $0x0;
	v0 =	vld [tilespmem:s7+$0xFFFFFF80];
	[tilespmem:v3+s28+$0x0] =	vst.idx.msk $0xffff, v2  }
0x659: {  	v3 =	vmul.f32 $8.000000000e+00, v55;
	v55 =	vld [tilespmem:$0x1FF00]  }
0x65a: {  	v44 =	vbroadcast v60, $0x0;
	v59 =	vld [tilespmem:s7+$0x0];
	v58 =	vadd.s32 v61, v48  }
0x65b: {  	v37 =	vbroadcast v45, $0x0;
	v60 =	vadd.s32 v62, v49;
	v61 =	vld [tilespmem:s7+$0x40];
	v4 =	vmul.f32 $8.000000000e+00, v4  }
0x65c: {  	v45 =	vbroadcast v54, $0x0;
	v62 =	vld [tilespmem:s7+$0x80];
	v54 =	vmul.f32 $8.000000000e+00, v57;
	v57 =	vadd.s32 v63, v47  }
0x65d: {  	v63 =	vadd.s32 v17, v46;
	v4 =	vadd.f32 v4, v36;
	v0 =	vmul.f32 $8.000000000e+00, v0  }
0x65e: {  	v2 =	vadd.f32 v54, v36;
	v54 =	vadd.s32 v55, v44  }
0x65f: {  	v31 =	vmul.f32 $8.000000000e+00, v59;
	v0 =	vadd.f32 v0, v36;
	[tilespmem:v58+s28+$0x0] =	vst.idx.msk $0xffff, v4;
	v17 =	vld [tilespmem:s7+$0xD0];
	v55 =	vadd.s32 v25, v37  }
0x660: {  	v29 =	vadd.s32 v29, v45;
	[tilespmem:v60+s28+$0x0] =	vst.idx.msk $0xffff, v2;
	v2 =	vld [tilespmem:s7+$0xFFFFFF10];
	v3 =	vadd.f32 v3, v36;
	v25 =	vmul.f32 $8.000000000e+00, v61  }
0x661: {  	v4 =	vadd.f32 v31, v36;
	v31 =	vmul.f32 $8.000000000e+00, v62;
	[tilespmem:v57+s28+$0x0] =	vst.idx.msk $0xffff, v0;
	v0 =	vld [tilespmem:s7+$0xFFFFFF50]  }
0x662: {  	[tilespmem:v63+s28+$0x0] =	vst.idx.msk $0xffff, v3;
	v3 =	vld [tilespmem:s7+$0xFFFFFF90];
	v59 =	vadd.f32 v25, v36  }
0x663: {  	v63 =	vadd.f32 v31, v36;
	v61 =	vld [tilespmem:s7+$0xFFFFFFD0];
	v36 =	vadd.s32 v9, v50;
	[tilespmem:v54+s28+$0x0] =	vst.idx.msk $0xffff, v4  }
0x664: {  	v17 =	vmul.f32 $8.000000000e+00, v17;
	v54 =	vadd.s32 v6, v48;
	[tilespmem:v55+s28+$0x0] =	vst.idx.msk $0xffff, v59;
	v9 =	vld [tilespmem:s7+$0x10]  }
0x665: {  	[tilespmem:v29+s28+$0x0] =	vst.idx.msk $0xffff, v63;
	v2 =	vmul.f32 $8.000000000e+00, v2;
	v25 =	vadd.s32 v10, v49;
	v59 =	vld [tilespmem:s7+$0x50]  }
0x666: {  	v29 =	vadd.s32 v14, v47;
	v60 =	vld [tilespmem:s7+$0x90];
	v0 =	vmul.f32 $8.000000000e+00, v0;
	v55 =	vadd.f32 v17, v35  }
0x667: {  	[tilespmem:v53+s28+$0x0] =	vst.idx.msk $0xffff, v56;
	v31 =	vadd.s32 v18, v46;
	v2 =	vadd.f32 v2, v35;
	v3 =	vmul.f32 $8.000000000e+00, v3  }
0x668: {  	v63 =	vadd.s32 v22, v44;
	v0 =	vadd.f32 v0, v35;
	v62 =	vmul.f32 $8.000000000e+00, v61;
	[tilespmem:v36+s28+$0x0] =	vst.idx.msk $0xffff, v55  }
0x669: {  	v10 =	vld [tilespmem:s7+$0xE0];
	[tilespmem:v54+s28+$0x0] =	vst.idx.msk $0xffff, v2;
	v2 =	vadd.f32 v3, v35;
	v3 =	vmul.f32 $8.000000000e+00, v9;
	v9 =	vadd.s32 v26, v37  }
0x66a: {  	v17 =	vadd.s32 v30, v45;
	[tilespmem:v25+s28+$0x0] =	vst.idx.msk $0xffff, v0;
	v36 =	vadd.f32 v62, v35;
	v0 =	vld [tilespmem:s7+$0xFFFFFF20];
	v14 =	vmul.f32 $8.000000000e+00, v59  }
0x66b: {  	v18 =	vmul.f32 $8.000000000e+00, v60;
	[tilespmem:v29+s28+$0x0] =	vst.idx.msk $0xffff, v2;
	v2 =	vld [tilespmem:s7+$0xFFFFFF60];
	v3 =	vadd.f32 v3, v35  }
0x66c: {  	[tilespmem:v31+s28+$0x0] =	vst.idx.msk $0xffff, v36;
	v22 =	vld [tilespmem:s7+$0xFFFFFFA0];
	v25 =	vadd.f32 v14, v35  }
0x66d: {  	v4 =	vadd.f32 v18, v35;
	v26 =	vadd.s32 v13, v50;
	[tilespmem:v63+s28+$0x0] =	vst.idx.msk $0xffff, v3;
	v3 =	vld [tilespmem:s7+$0xFFFFFFE0]  }
0x66e: {  	v29 =	vadd.s32 v7, v48;
	v31 =	vmul.f32 $8.000000000e+00, v10;
	[tilespmem:v9+s28+$0x0] =	vst.idx.msk $0xffff, v25;
	v30 =	vld [tilespmem:s7+$0x20]  }
0x66f: {  	v51 =	vadd.f32 v51, v33;
	v60 =	vadd.s32 v11, v49;
	[tilespmem:v17+s28+$0x0] =	vst.idx.msk $0xffff, v4;
	v0 =	vmul.f32 $8.000000000e+00, v0;
	v61 =	vld [tilespmem:s7+$0x60]  }
0x670: {  	[tilespmem:v43+s28+$0x0] =	vst.idx.msk $0xffff, v52;
	v62 =	vadd.s32 v15, v47;
	v63 =	vld [tilespmem:s7+$0xA0];
	v55 =	vadd.f32 v31, v34;
	v2 =	vmul.f32 $8.000000000e+00, v2  }
0x671: {  	[tilespmem:v42+s28+$0x0] =	vst.idx.msk $0xffff, v51;
	v9 =	vadd.s32 v19, v46;
	v0 =	vadd.f32 v0, v34;
	v36 =	vmul.f32 $8.000000000e+00, v22  }
0x672: {  	v10 =	vadd.s32 v23, v44;
	[tilespmem:v26+s28+$0x0] =	vst.idx.msk $0xffff, v55;
	v2 =	vadd.f32 v2, v34;
	v3 =	vmul.f32 $8.000000000e+00, v3  }
0x673: {  	v13 =	vadd.s32 v27, v37;
	v14 =	vld [tilespmem:s7+$0xF0];
	[tilespmem:v29+s28+$0x0] =	vst.idx.msk $0xffff, v0;
	v0 =	vadd.f32 v36, v34;
	v11 =	vmul.f32 $8.000000000e+00, v30  }
0x674: {  	v17 =	vadd.s32 v32, v45;
	[tilespmem:v60+s28+$0x0] =	vst.idx.msk $0xffff, v2;
	v2 =	vld [tilespmem:s7+$0xFFFFFF30];
	v3 =	vadd.f32 v3, v34;
	v15 =	vmul.f32 $8.000000000e+00, v61  }
0x675: {  	v18 =	vmul.f32 $8.000000000e+00, v63;
	[tilespmem:v62+s28+$0x0] =	vst.idx.msk $0xffff, v0;
	v0 =	vld [tilespmem:s7+$0xFFFFFF70];
	v36 =	vadd.f32 v11, v34  }
0x676: {  	v19 =	vld [tilespmem:s7+$0xFFFFFFB0];
	[tilespmem:v9+s28+$0x0] =	vst.idx.msk $0xffff, v3;
	v3 =	vadd.f32 v15, v34  }
0x677: {  	v26 =	vadd.s32 v21, v50;
	v22 =	vmul.f32 $8.000000000e+00, v41;
	v25 =	vadd.f32 v18, v34;
	v23 =	vld [tilespmem:s7+$0xFFFFFFF0];
	[tilespmem:v10+s28+$0x0] =	vst.idx.msk $0xffff, v36  }
0x678: {  	v27 =	vadd.f32 v40, v33;
	v29 =	vadd.s32 v8, v48;
	v30 =	vld [tilespmem:s7+$0x30];
	[tilespmem:v13+s28+$0x0] =	vst.idx.msk $0xffff, v3;
	v3 =	vmul.f32 $8.000000000e+00, v14  }
0x679: {  	v31 =	vadd.s32 v12, v49;
	v4 =	vadd.f32 v22, v33;
	[tilespmem:v17+s28+$0x0] =	vst.idx.msk $0xffff, v25;
	v2 =	vmul.f32 $8.000000000e+00, v2;
	v53 =	vld [tilespmem:s7+$0x70]  }
0x67a: {  	[tilespmem:v39+s28+$0x0] =	vst.idx.msk $0xffff, v27;
	v55 =	vadd.s32 v16, v47;
	v56 =	vld [tilespmem:s7+$0xB0];
	v0 =	vmul.f32 $8.000000000e+00, v0;
	v3 =	vadd.f32 v3, v33  }
0x67b: {  	v58 =	vadd.s32 v20, v46;
	[tilespmem:v38+s28+$0x0] =	vst.idx.msk $0xffff, v4;
	v2 =	vadd.f32 v2, v33;
	v57 =	vmul.f32 $8.000000000e+00, v19  }
0x67c: {  	v60 =	vadd.s32 v24, v44;
	v0 =	vadd.f32 v0, v33;
	v59 =	vmul.f32 $8.000000000e+00, v23;
	[tilespmem:v26+s28+$0x0] =	vst.idx.msk $0xffff, v3  }
0x67d: {  	v61 =	vadd.s32 v28, v37;
	[tilespmem:v29+s28+$0x0] =	vst.idx.msk $0xffff, v2;
	v2 =	vadd.f32 v57, v33;
	v3 =	vmul.f32 $8.000000000e+00, v30  }
0x67e: {  	v63 =	vadd.s32 v5, v45;
	[tilespmem:v31+s28+$0x0] =	vst.idx.msk $0xffff, v0;
	v0 =	vadd.f32 v59, v33;
	v62 =	vmul.f32 $8.000000000e+00, v53  }
0x67f: {  	[tilespmem:v55+s28+$0x0] =	vst.idx.msk $0xffff, v2;
	v2 =	vadd.f32 v3, v33;
	v3 =	vmul.f32 $8.000000000e+00, v56  }
0x680: {  	s24 =	sshll.u32 s23, $0x12;
	[tilespmem:v58+s28+$0x0] =	vst.idx.msk $0xffff, v0;
	v0 =	vadd.f32 v62, v33  }
0x681: {  	s7 =	sor.u32 s4, s24;
	[tilespmem:v60+s28+$0x0] =	vst.idx.msk $0xffff, v2;
	v2 =	vadd.f32 v3, v33  }
0x682: {  	s7 =	sshrl.u32 s7, $0x3;
	[tilespmem:v61+s28+$0x0] =	vst.idx.msk $0xffff, v0  }
0x683: {  	s25 =	simm.s32 $0x16400;
	s8 =	sadd.s32 s2, s7;
	[tilespmem:v63+s28+$0x0] =	vst.idx.msk $0xffff, v2  }
0x684: {  	[hbm4b:s8+s3] =	stream.linear.scatter [tilespmem:s25], [sflag:$0xA], $0x80, $0x38;
	[tilespmem:$0x1DA00] =	vst v63  }
0x685: {  	s9 =	simm.s32 $0x16488;
	s10 =	sadd.s32 $0x10, s8  }
0x686: {  	[hbm4b:s10+s3] =	stream.linear.scatter [tilespmem:s9], [sflag:$0xA], $0x80, $0x38;
	[tilespmem:$0x1DA00] =	vst v63  }
0x687: {  	s19 =	simm.s32 $0x16510;
	s24 =	simm.s32 $0x16598;
	s23 =	sadd.s32 $0x20, s8  }
0x688: {  	[hbm4b:s23+s3] =	stream.linear.scatter [tilespmem:s19], [sflag:$0xA], $0x80, $0x38;
	[tilespmem:$0x1DA00] =	vst v63  }
0x689: {  	s7 =	simm.s32 $0x440;
	s25 =	sadd.s32 $0x30, s8;
	s9 =	simm.s32 $0x16620  }
0x68a: {  	[hbm4b:s25+s3] =	stream.linear.scatter [tilespmem:s24], [sflag:$0xA], $0x80, $0x38;
	[tilespmem:$0x1DA00] =	vst v63  }
0x68b: {  	s10 =	sadd.s32 $0x40, s8;
	s19 =	simm.s32 $0x166A8;
	s23 =	sadd.s32 $0x50, s8  }
0x68c: {  	[hbm4b:s10+s3] =	stream.linear.scatter [tilespmem:s9], [sflag:$0xA], $0x80, $0x38;
	[tilespmem:$0x1DA00] =	vst v63  }
0x68d: {  	s24 =	simm.s32 $0x16730;
	s25 =	sadd.s32 $0x60, s8;
	s9 =	simm.s32 $0x2200  }
0x68e: {  	[hbm4b:s23+s3] =	stream.linear.scatter [tilespmem:s19], [sflag:$0xA], $0x80, $0x38;
	[tilespmem:$0x1DA00] =	vst v63  }
0x68f: {  	s10 =	sadd.s32 $0x70, s8;
	s8 =	sadd.s32 $0x1000, s8;
	s23 =	simm.s32 $0x167B8  }
0x690: {  	[hbm4b:s25+s3] =	stream.linear.scatter [tilespmem:s24], [sflag:$0xA], $0x80, $0x38;
	[tilespmem:$0x1DA00] =	vst v63  }
.LBB2_29:
0x691: {  	[hbm4b:s10+s3] =	stream.linear.scatter [tilespmem:s23], [sflag:$0xA], $0x80, $0x38;
	[tilespmem:$0x1DA00] =	vst v63  }
0x692: {  	s10 =	smov.u32 s7;
	s7 =	smov.u32 s9  }
0x693: {  	s19 =	sadd.s32 $0x1100, s9;
	s7 =	sshra.s32 s7, $0x2;
	s23 =	sadd.s32 $0x16400, s10  }
0x694: {  	[hbm4b:s8+s3] =	stream.linear.scatter [tilespmem:s23], [sflag:$0xA], $0x80, $0x38;
	[tilespmem:$0x1DA00] =	vst v63  }
0x695: {  	p1 =	sne.s32 s9, $0x7700;
	s9 =	sadd.s32 $0x16488, s10;
	s23 =	sadd.s32 $0x10, s8  }
0x696: {  	[hbm4b:s23+s3] =	stream.linear.scatter [tilespmem:s9], [sflag:$0xA], $0x80, $0x38;
	[tilespmem:$0x1DA00] =	vst v63  }
0x697: {  	s9 =	sadd.s32 $0x16510, s10;
	s23 =	sadd.s32 $0x20, s8  }
0x698: {  	[hbm4b:s23+s3] =	stream.linear.scatter [tilespmem:s9], [sflag:$0xA], $0x80, $0x38;
	[tilespmem:$0x1DA00] =	vst v63  }
0x699: {  	s9 =	sadd.s32 $0x16598, s10;
	s23 =	sadd.s32 $0x30, s8  }
0x69a: {  	[hbm4b:s23+s3] =	stream.linear.scatter [tilespmem:s9], [sflag:$0xA], $0x80, $0x38;
	[tilespmem:$0x1DA00] =	vst v63  }
0x69b: {  	s9 =	sadd.s32 $0x16620, s10;
	s23 =	sadd.s32 $0x40, s8  }
0x69c: {  	[hbm4b:s23+s3] =	stream.linear.scatter [tilespmem:s9], [sflag:$0xA], $0x80, $0x38;
	[tilespmem:$0x1DA00] =	vst v63  }
0x69d: {  	s9 =	sadd.s32 $0x166A8, s10;
	s23 =	sadd.s32 $0x50, s8  }
0x69e: {  	[hbm4b:s23+s3] =	stream.linear.scatter [tilespmem:s9], [sflag:$0xA], $0x80, $0x38;
	[tilespmem:$0x1DA00] =	vst v63  }
.Ltmp15:
0x69f: {  	_ = 	snop;
	(pc) =	sbr.rel @p1 .LBB2_29-.Ltmp15, $4  }
0x6a0: {  	s9 =	sadd.s32 $0x16730, s10;
	s23 =	sadd.s32 $0x60, s8  }
0x6a1: {  	[hbm4b:s23+s3] =	stream.linear.scatter [tilespmem:s9], [sflag:$0xA], $0x80, $0x38;
	[tilespmem:$0x1DA00] =	vst v63  }
0x6a2: {  	s23 =	sadd.s32 $0x167B8, s10  }
0x6a3: {  	s10 =	sadd.s32 $0x70, s8;
	s8 =	sadd.s32 $0x1000, s8;
	s9 =	smov.u32 s19  }
0x6a4: {  	[hbm4b:s10+s3] =	stream.linear.scatter [tilespmem:s23], [sflag:$0xA], $0x80, $0x38;
	[tilespmem:$0x1DA00] =	vst v63  }
0x6a5: {  	s9 =	sadd.s32 $0x16400, s7  }
0x6a6: {  	[hbm4b:s8+s3] =	stream.linear.scatter [tilespmem:s9], [sflag:$0xA], $0x80, $0x38;
	[tilespmem:$0x1DA00] =	vst v63  }
0x6a7: {  	s19 =	sadd.s32 $0x16488, s7;
	s23 =	sadd.s32 $0x10, s8  }
0x6a8: {  	[hbm4b:s23+s3] =	stream.linear.scatter [tilespmem:s19], [sflag:$0xA], $0x80, $0x38;
	[tilespmem:$0x1DA00] =	vst v63  }
0x6a9: {  	s24 =	sadd.s32 $0x16510, s7;
	s25 =	sadd.s32 $0x20, s8  }
0x6aa: {  	[hbm4b:s25+s3] =	stream.linear.scatter [tilespmem:s24], [sflag:$0xA], $0x80, $0x38;
	[tilespmem:$0x1DA00] =	vst v63  }
0x6ab: {  	s19 =	sadd.s32 $0x16598, s7;
	s23 =	sadd.s32 $0x30, s8  }
0x6ac: {  	[hbm4b:s23+s3] =	stream.linear.scatter [tilespmem:s19], [sflag:$0xA], $0x80, $0x38;
	[tilespmem:$0x1DA00] =	vst v63  }
0x6ad: {  	s24 =	sadd.s32 $0x16620, s7;
	s25 =	sadd.s32 $0x40, s8  }
0x6ae: {  	[hbm4b:s25+s3] =	stream.linear.scatter [tilespmem:s24], [sflag:$0xA], $0x80, $0x38;
	[tilespmem:$0x1DA00] =	vst v63  }
0x6af: {  	s19 =	sadd.s32 $0x166A8, s7;
	s23 =	sadd.s32 $0x50, s8  }
0x6b0: {  	[hbm4b:s23+s3] =	stream.linear.scatter [tilespmem:s19], [sflag:$0xA], $0x80, $0x38;
	[tilespmem:$0x1DA00] =	vst v63  }
0x6b1: {  	s24 =	sadd.s32 $0x16730, s7;
	s25 =	sadd.s32 $0x60, s8  }
0x6b2: {  	[hbm4b:s25+s3] =	stream.linear.scatter [tilespmem:s24], [sflag:$0xA], $0x80, $0x38;
	[tilespmem:$0x1DA00] =	vst v63  }
0x6b3: {  	s10 =	sadd.s32 $0x70, s8;
	s9 =	sadd.s32 $0x167B8, s7  }
0x6b4: {  	[hbm4b:s10+s3] =	stream.linear.scatter [tilespmem:s9], [sflag:$0xA], $0x80, $0x38;
	[tilespmem:$0x1DA00] =	vst v63  }
0x6b5: {  	s7 =	sadd.s32 @!p0 $0x600, s22;
	s8 =	simm.s32 @!p0 $0x80;
	s9 =	simm.s32 @!p0 $0xE400  }
0x6b6: {  	[tilespmem:s9], [sflag:$0x6] =	stream.indirect.gather @!p0 [hbm4b:s5+s8], $0x40, s7, s8, $0xb8;
	[tilespmem:$0x1DA00] =	vst v63  }
0x6b7: {  	_ =	swait.ge [sflag:s18], $0x2000  }
0x6b8: {  	[sflag:s18] =	ssyncset.done $0x0  }
0x6b9: {  	[sflag:s18] =	ssyncadd.s32 $0xFFFFE000  }
0x6ba: {  	s19 =	simm.s32 $0x0;
	_ =	swait.ge [sflag:s14], $0x2000  }
0x6bb: {  	v0 =	vmov s19;
	v5 =	vld [tilespmem:$0x1FE00]  }
0x6bc: {  	v0 =	vshrl.u32 v0, $0x3  }
0x6bd: {  	v0 =	vshll.u32 v0, v1  }
0x6be: {  	v43 =	vbroadcast v0, $0x0  }
0x6bf: {  	s23 =	simm.s32 $0x1;
	v31 =	vld [tilespmem:$0x1FFA0]  }
0x6c0: {  	v2 =	vmov s23;
	s24 =	simm.s32 $0x2;
	s25 =	sshll.u32 s6, $0x6;
	[sflag:s14] =	ssyncset.done $0x0;
	v49 =	vadd.s32 v5, v43;
	v5 =	vld [tilespmem:$0x1FE40]  }
0x6c1: {  	v2 =	vshrl.u32 v2, $0x3;
	s8 =	simm.s32 $0x3;
	s9 =	sand.u32 $0x3FFFFFC0, s25;
	v32 =	vld [tilespmem:$0x1FEC0];
	[sflag:s14] =	ssyncadd.s32 $0xFFFFE000  }
0x6c2: {  	v3 =	vmov s24;
	s24 =	simm.s32 $0x7;
	v2 =	vshll.u32 v2, v1;
	v4 =	vmov s8;
	s8 =	simm.s32 $0x14500;
	v36 =	vld [tilespmem:s9+$0x1A800]  }
0x6c3: {  	s19 =	simm.s32 $0x5;
	s23 =	simm.s32 $0x6;
	v39 =	vmov s24;
	v44 =	vbroadcast v2, $0x0;
	v46 =	vld [tilespmem:s8+$0xC0]  }
0x6c4: {  	v37 =	vmov s19;
	v38 =	vmov s23;
	v39 =	vshrl.u32 v39, $0x3;
	v47 =	vld [tilespmem:s8+$0xFFFFFF00]  }
0x6c5: {  	v37 =	vshrl.u32 v37, $0x3;
	v0 =	vshll.u32 v39, v1;
	v61 =	vadd.s32 v5, v44;
	v5 =	vld [tilespmem:$0x1FE80]  }
0x6c6: {  	v3 =	vshrl.u32 v3, $0x3;
	v45 =	vbroadcast v0, $0x0;
	v4 =	vshrl.u32 v4, $0x3;
	v35 =	vld [tilespmem:s9+$0x1A810]  }
0x6c7: {  	v38 =	vshrl.u32 v38, $0x3;
	v3 =	vshll.u32 v3, v1;
	v4 =	vshll.u32 v4, v1;
	v48 =	vld [tilespmem:s8+$0xFFFFFF40]  }
0x6c8: {  	v42 =	vbroadcast v3, $0x0;
	v41 =	vbroadcast v4, $0x0;
	v0 =	vld [tilespmem:s8+$0xFFFFFF80];
	v4 =	vadd.s32 v31, v45  }
0x6c9: {  	s10 =	simm.s32 $0x4;
	v37 =	vshll.u32 v37, v1;
	v2 =	vshll.u32 v38, v1;
	v3 =	vld [tilespmem:s8+$0xFFFFFFC0];
	v59 =	vmul.f32 $8.000000000e+00, v46  }
0x6ca: {  	v33 =	vmov s10;
	v60 =	vmul.f32 $8.000000000e+00, v47;
	v63 =	vadd.s32 v5, v42;
	v5 =	vld [tilespmem:$0x1FF00]  }
0x6cb: {  	v40 =	vbroadcast v37, $0x0;
	v33 =	vshrl.u32 v33, $0x3;
	v50 =	vld [tilespmem:s8+$0x0];
	v52 =	vadd.f32 v59, v36  }
0x6cc: {  	v38 =	vbroadcast v2, $0x0;
	v33 =	vshll.u32 v33, v1;
	v34 =	vld [tilespmem:s9+$0x1A820];
	v37 =	vadd.f32 v60, v36  }
0x6cd: {  	v39 =	vbroadcast v33, $0x0;
	v33 =	vld [tilespmem:s9+$0x1A830];
	v2 =	vmul.f32 $8.000000000e+00, v48;
	[tilespmem:v4+s31+$0x0] =	vst.idx.msk $0xffff, v52  }
0x6ce: {  	v53 =	vadd.s32 v32, v41;
	v0 =	vmul.f32 $8.000000000e+00, v0;
	[tilespmem:v49+s31+$0x0] =	vst.idx.msk $0xffff, v37  }
0x6cf: {  	v3 =	vmul.f32 $8.000000000e+00, v3;
	v2 =	vadd.f32 v2, v36;
	v25 =	vld [tilespmem:$0x1FF40];
	v54 =	vadd.s32 v5, v39  }
0x6d0: {  	v62 =	vld [tilespmem:s8+$0x40];
	v0 =	vadd.f32 v0, v36;
	v4 =	vmul.f32 $8.000000000e+00, v50  }
0x6d1: {  	[tilespmem:v61+s31+$0x0] =	vst.idx.msk $0xffff, v2;
	v2 =	vadd.f32 v3, v36  }
0x6d2: {  	v24 =	vld [tilespmem:$0x1FF80];
	[tilespmem:v63+s31+$0x0] =	vst.idx.msk $0xffff, v0;
	v0 =	vadd.f32 v4, v36  }
0x6d3: {  	[tilespmem:v53+s31+$0x0] =	vst.idx.msk $0xffff, v2  }
0x6d4: {  	v51 =	vld [tilespmem:s8+$0x80];
	v57 =	vadd.s32 v25, v40;
	[tilespmem:v54+s31+$0x0] =	vst.idx.msk $0xffff, v0  }
0x6d5: {  	v3 =	vmul.f32 $8.000000000e+00, v62;
	v6 =	vld [tilespmem:$0x1FE10];
	_ =	sdelay $0x1  }
0x6d6: {  	v2 =	vadd.f32 v3, v36;
	_ =	sdelay $0x1  }
0x6d7: {  	v46 =	vadd.s32 v24, v38;
	v12 =	vld [tilespmem:$0x1FFD0];
	[tilespmem:v57+s31+$0x0] =	vst.idx.msk $0xffff, v2  }
0x6d8: {  	v4 =	vmul.f32 $8.000000000e+00, v51;
	v9 =	vmov v6;
	v62 =	vadd.s32 v6, v43;
	v6 =	vld [tilespmem:$0x1FE50];
	_ =	sdelay $0x1  }
0x6d9: {  	v0 =	vadd.f32 v4, v36  }
0x6da: {  	s25 =	simm.s32 $0x8  }
0x6db: {  	v60 =	vmov s25;
	[tilespmem:v46+s31+$0x0] =	vst.idx.msk $0xffff, v0  }
0x6dc: {  	v47 =	vshrl.u32 v60, $0x3;
	v5 =	vmov v6;
	v60 =	vadd.s32 v6, v44;
	v6 =	vld [tilespmem:$0x1FE90];
	_ =	sdelay $0x3  }
0x6dd: {  	v58 =	vld [tilespmem:s8+$0xD0]  }
0x6de: {  	v17 =	vmov v6;
	v46 =	vadd.s32 v6, v42;
	v6 =	vld [tilespmem:$0x1FED0]  }
0x6df: {  	v59 =	vld [tilespmem:s8+$0xFFFFFF10]  }
0x6e0: {  	v61 =	vld [tilespmem:s8+$0xFFFFFF50]  }
0x6e1: {  	v51 =	vld [tilespmem:s8+$0xFFFFFFD0]  }
0x6e2: {  	v48 =	vld [tilespmem:s8+$0xFFFFFF90]  }
0x6e3: {  	v4 =	vadd.s32 v12, v45;
	v21 =	vmov v6;
	v57 =	vadd.s32 v6, v41;
	v6 =	vld [tilespmem:$0x1FF10]  }
0x6e4: {  	v55 =	vld [tilespmem:s8+$0x10];
	v2 =	vmul.f32 $8.000000000e+00, v58  }
0x6e5: {  	v63 =	vmul.f32 $8.000000000e+00, v59  }
0x6e6: {  	v2 =	vadd.f32 v2, v35;
	v0 =	vmul.f32 $8.000000000e+00, v61  }
0x6e7: {  	v37 =	vadd.f32 v63, v35;
	v48 =	vmul.f32 $8.000000000e+00, v48  }
0x6e8: {  	v51 =	vmul.f32 $8.000000000e+00, v51;
	v0 =	vadd.f32 v0, v35;
	[tilespmem:v4+s31+$0x0] =	vst.idx.msk $0xffff, v2;
	v58 =	vadd.s32 v6, v39  }
0x6e9: {  	v56 =	vld [tilespmem:s8+$0x50];
	[tilespmem:v62+s31+$0x0] =	vst.idx.msk $0xffff, v37;
	v2 =	vadd.f32 v48, v35;
	v4 =	vmul.f32 $8.000000000e+00, v55  }
0x6ea: {  	v7 =	vmov v6;
	v6 =	vld [tilespmem:$0x1FF50];
	[tilespmem:v60+s31+$0x0] =	vst.idx.msk $0xffff, v0;
	v0 =	vadd.f32 v51, v35  }
0x6eb: {  	v8 =	vld [tilespmem:$0x1FF90];
	[tilespmem:v46+s31+$0x0] =	vst.idx.msk $0xffff, v2;
	v2 =	vadd.f32 v4, v35  }
0x6ec: {  	v61 =	vld [tilespmem:s8+$0x90];
	[tilespmem:v57+s31+$0x0] =	vst.idx.msk $0xffff, v0  }
0x6ed: {  	[tilespmem:v58+s31+$0x0] =	vst.idx.msk $0xffff, v2  }
0x6ee: {  	v16 =	vld [tilespmem:$0x1FFE0]  }
0x6ef: {  	v54 =	vld [tilespmem:s8+$0xE0];
	v48 =	vadd.s32 v6, v40  }
0x6f0: {  	v63 =	vmul.f32 $8.000000000e+00, v56  }
0x6f1: {  	v62 =	vld [tilespmem:s8+$0xFFFFFF20];
	v4 =	vmul.f32 $8.000000000e+00, v61;
	v60 =	vadd.s32 v8, v38  }
0x6f2: {  	v59 =	vld [tilespmem:s8+$0xFFFFFF60];
	v0 =	vadd.f32 v63, v35  }
0x6f3: {  	v2 =	vadd.f32 v4, v35;
	v28 =	vmov v8;
	v8 =	vld [tilespmem:$0x1FE20];
	v4 =	vadd.s32 v16, v45  }
0x6f4: {  	v61 =	vld [tilespmem:s8+$0xFFFFFFA0];
	[tilespmem:v48+s31+$0x0] =	vst.idx.msk $0xffff, v0;
	v0 =	vmul.f32 $8.000000000e+00, v54  }
0x6f5: {  	v11 =	vld [tilespmem:$0x1FE60]  }
0x6f6: {  	v52 =	vld [tilespmem:s8+$0xFFFFFFE0];
	[tilespmem:v60+s31+$0x0] =	vst.idx.msk $0xffff, v2;
	v0 =	vadd.f32 v0, v34  }
0x6f7: {  	v15 =	vld [tilespmem:$0x1FEA0]  }
0x6f8: {  	v57 =	vadd.s32 v8, v43;
	v19 =	vld [tilespmem:$0x1FEE0];
	[tilespmem:v4+s31+$0x0] =	vst.idx.msk $0xffff, v0  }
0x6f9: {  	v62 =	vmul.f32 $8.000000000e+00, v62;
	v23 =	vld [tilespmem:$0x1FF20]  }
0x6fa: {  	v58 =	vld [tilespmem:s8+$0x20];
	v54 =	vadd.s32 v11, v44  }
0x6fb: {  	v48 =	vadd.f32 v62, v34;
	v2 =	vmul.f32 $8.000000000e+00, v59  }
0x6fc: {  	v37 =	vshll.u32 v47, v1;
	v51 =	vadd.s32 v15, v42  }
0x6fd: {  	v47 =	vmul.f32 $8.000000000e+00, v61;
	v0 =	vadd.f32 v2, v34;
	v60 =	vadd.s32 v19, v41;
	[tilespmem:v57+s31+$0x0] =	vst.idx.msk $0xffff, v48  }
0x6fe: {  	v2 =	vmul.f32 $8.000000000e+00, v52;
	v27 =	vld [tilespmem:$0x1FF60];
	v4 =	vadd.s32 v23, v39  }
0x6ff: {  	v47 =	vadd.f32 v47, v34;
	v55 =	vld [tilespmem:s8+$0x60];
	v52 =	vmul.f32 $8.000000000e+00, v58;
	[tilespmem:v54+s31+$0x0] =	vst.idx.msk $0xffff, v0  }
0x700: {  	v10 =	vmov v8;
	v2 =	vadd.f32 v2, v34;
	v8 =	vld [tilespmem:$0x1FFB0]  }
0x701: {  	v52 =	vadd.f32 v52, v34;
	[tilespmem:v51+s31+$0x0] =	vst.idx.msk $0xffff, v47  }
0x702: {  	v59 =	vld [tilespmem:s8+$0xA0];
	[tilespmem:v60+s31+$0x0] =	vst.idx.msk $0xffff, v2  }
0x703: {  	v58 =	vld [tilespmem:s8+$0xF0];
	v57 =	vadd.s32 v27, v40;
	[tilespmem:v4+s31+$0x0] =	vst.idx.msk $0xffff, v52  }
0x704: {  	v54 =	vmul.f32 $8.000000000e+00, v55;
	v20 =	vld [tilespmem:$0x1FFF0]  }
0x705: {  	v30 =	vmov v8;
	v61 =	vadd.s32 v8, v38;
	v8 =	vld [tilespmem:$0x1FE30]  }
0x706: {  	v0 =	vld [tilespmem:s8+$0xFFFFFF30];
	v60 =	vadd.f32 v54, v34  }
0x707: {  	s9 =	simm.s32 $0x9;
	v63 =	vmul.f32 $8.000000000e+00, v59  }
0x708: {  	v3 =	vmov s9;
	[tilespmem:v57+s31+$0x0] =	vst.idx.msk $0xffff, v60  }
0x709: {  	v3 =	vshrl.u32 v3, $0x3;
	v62 =	vadd.f32 v63, v34;
	v14 =	vld [tilespmem:$0x1FE70];
	v45 =	vadd.s32 v20, v45  }
0x70a: {  	v63 =	vmul.f32 $8.000000000e+00, v58;
	v54 =	vshll.u32 v3, v1;
	v59 =	vld [tilespmem:$0x1FEB0];
	v3 =	vadd.s32 v8, v43  }
0x70b: {  	s10 =	simm.s32 $0xA;
	v51 =	vld [tilespmem:s8+$0xFFFFFF70];
	v0 =	vmul.f32 $8.000000000e+00, v0  }
0x70c: {  	v53 =	vmov s10;
	v60 =	vadd.f32 v63, v33  }
0x70d: {  	v53 =	vshrl.u32 v53, $0x3;
	v0 =	vadd.f32 v0, v33;
	[tilespmem:v61+s31+$0x0] =	vst.idx.msk $0xffff, v62  }
0x70e: {  	v55 =	vshll.u32 v53, v1;
	v62 =	vld [tilespmem:$0x1FEF0];
	[tilespmem:v45+s31+$0x0] =	vst.idx.msk $0xffff, v60  }
0x70f: {  	v44 =	vadd.s32 v14, v44;
	v53 =	vadd.s32 v59, v42;
	v42 =	vld [tilespmem:$0x1FF30];
	[tilespmem:v3+s31+$0x0] =	vst.idx.msk $0xffff, v0  }
0x710: {  	v51 =	vmul.f32 $8.000000000e+00, v51;
	v0 =	vld [tilespmem:$0x1FF70]  }
0x711: {  	v2 =	vld [tilespmem:s8+$0xFFFFFFB0]  }
0x712: {  	v4 =	vld [tilespmem:s8+$0xFFFFFFF0];
	v63 =	vadd.f32 v51, v33  }
0x713: {  	v52 =	vld [tilespmem:s8+$0x30]  }
0x714: {  	s19 =	simm.s32 $0xB;
	v57 =	vld [tilespmem:s8+$0x70];
	[tilespmem:v44+s31+$0x0] =	vst.idx.msk $0xffff, v63  }
0x715: {  	s23 =	simm.s32 $0xC;
	s24 =	simm.s32 $0xD;
	s25 =	simm.s32 $0xE;
	v49 =	vmov s19;
	v22 =	vmovc v42;
	v42 =	vadd.s32 v42, v39;
	v26 =	vmovc v0;
	v39 =	vadd.s32 v0, v40;
	v0 =	vld [tilespmem:$0x1FFC0]  }
0x716: {  	v50 =	vmov s25;
	v56 =	vmov s23;
	v46 =	vmov s24  }
0x717: {  	v48 =	vshrl.u32 v49, $0x3;
	v2 =	vmul.f32 $8.000000000e+00, v2;
	v4 =	vmul.f32 $8.000000000e+00, v4  }
0x718: {  	v29 =	vmovc v6;
	v49 =	vshrl.u32 v46, $0x3;
	v46 =	vshrl.u32 v50, $0x3;
	v47 =	vshrl.u32 v56, $0x3  }
0x719: {  	v56 =	vadd.f32 v2, v33;
	v51 =	vmul.f32 $8.000000000e+00, v52;
	v13 =	vmovc v14;
	v14 =	vmovc v59;
	v52 =	vadd.f32 v4, v33  }
0x71a: {  	s7 =	simm.s32 $0x10;
	s9 =	simm.s32 $0xF;
	v18 =	vmovc v62;
	v43 =	vadd.s32 v62, v41;
	v41 =	vld [tilespmem:s8+$0xB0];
	v40 =	vmul.f32 $8.000000000e+00, v57;
	v6 =	vmovc v0;
	v38 =	vadd.s32 v0, v38  }
.LBB2_31:
0x71b: {  	_ = 	snop  }
0x71c: {  	s8 =	sadd.s32 $0x200, s8;
	v58 =	vld [tilespmem:$0x1FE00]  }
0x71d: {  	v0 =	vmov s9;
	v50 =	vld [tilespmem:s8+$0xFFFFFF00]  }
0x71e: {  	v61 =	vld [tilespmem:$0x1FE40];
	v2 =	vadd.f32 v51, v33;
	v0 =	vshrl.u32 v0, $0x3  }
0x71f: {  	[tilespmem:v53+s31+$0x0] =	vst.idx.msk $0xffff, v56;
	v53 =	vld [tilespmem:s8+$0xC0];
	v40 =	vadd.f32 v40, v33;
	v0 =	vshll.u32 v0, v1;
	v3 =	vmul.f32 $8.000000000e+00, v41  }
0x720: {  	v57 =	vshll.u32 v49, v1;
	[tilespmem:v42+s31+$0x0] =	vst.idx.msk $0xffff, v2;
	v45 =	vbroadcast v0, $0x0;
	v0 =	vld [tilespmem:s8+$0xFFFFFF80]  }
0x721: {  	[tilespmem:v39+s31+$0x0] =	vst.idx.msk $0xffff, v40;
	v39 =	vbroadcast v57, $0x0;
	v57 =	vld [tilespmem:$0x1FE80];
	v2 =	vadd.f32 v3, v33  }
0x722: {  	v4 =	vshll.u32 v48, v1;
	v44 =	vbroadcast v54, $0x0;
	[tilespmem:v43+s31+$0x0] =	vst.idx.msk $0xffff, v52;
	v3 =	vld [tilespmem:s8+$0xFFFFFF40];
	v60 =	vmul.f32 $8.000000000e+00, v50  }
0x723: {  	v46 =	vshll.u32 v46, v1;
	v56 =	vshll.u32 v47, v1;
	v41 =	vbroadcast v37, $0x0;
	[tilespmem:v38+s31+$0x0] =	vst.idx.msk $0xffff, v2;
	v2 =	vld [tilespmem:s8+$0xFFFFFFC0]  }
0x724: {  	v42 =	vbroadcast v4, $0x0;
	v4 =	vadd.s32 v31, v45;
	v48 =	vadd.f32 v60, v36;
	v60 =	vld [tilespmem:$0x1FF00]  }
0x725: {  	v43 =	vbroadcast v55, $0x0;
	v49 =	vld [tilespmem:s8+$0x0];
	v37 =	vadd.s32 v58, v41;
	v59 =	vmul.f32 $8.000000000e+00, v53  }
0x726: {  	v40 =	vbroadcast v56, $0x0;
	v63 =	vld [tilespmem:s8+$0x40];
	v62 =	vadd.s32 v61, v44;
	v38 =	vbroadcast v46, $0x0  }
0x727: {  	v46 =	vadd.s32 v57, v43;
	v47 =	vadd.f32 v59, v36;
	v58 =	vld [tilespmem:s8+$0x80];
	v3 =	vmul.f32 $8.000000000e+00, v3  }
0x728: {  	v0 =	vmul.f32 $8.000000000e+00, v0;
	v59 =	vadd.s32 v32, v42  }
0x729: {  	[tilespmem:v4+s31+$0x0] =	vst.idx.msk $0xffff, v47;
	v3 =	vadd.f32 v3, v36;
	v2 =	vmul.f32 $8.000000000e+00, v2;
	v54 =	vadd.s32 v60, v40  }
0x72a: {  	v61 =	vadd.s32 v25, v39;
	v0 =	vadd.f32 v0, v36;
	v4 =	vmul.f32 $8.000000000e+00, v49;
	[tilespmem:v37+s31+$0x0] =	vst.idx.msk $0xffff, v48;
	v47 =	vld [tilespmem:s8+$0xD0]  }
0x72b: {  	v49 =	vadd.s32 v24, v38;
	v48 =	vld [tilespmem:s8+$0xFFFFFF10];
	[tilespmem:v62+s31+$0x0] =	vst.idx.msk $0xffff, v3;
	v2 =	vadd.f32 v2, v36;
	v3 =	vmul.f32 $8.000000000e+00, v63  }
0x72c: {  	s23 =	sadd.s32 $0x4, s7;
	[tilespmem:v46+s31+$0x0] =	vst.idx.msk $0xffff, v0;
	v0 =	vadd.f32 v4, v36;
	v4 =	vmul.f32 $8.000000000e+00, v58;
	v51 =	vld [tilespmem:s8+$0xFFFFFF50]  }
0x72d: {  	s10 =	sadd.s32 $0x2, s7;
	v56 =	vmov s23;
	v57 =	vadd.s32 v21, v42;
	v50 =	vld [tilespmem:s8+$0xFFFFFF90];
	[tilespmem:v59+s31+$0x0] =	vst.idx.msk $0xffff, v2;
	v2 =	vadd.f32 v3, v36  }
0x72e: {  	v53 =	vmov s10;
	v52 =	vld [tilespmem:s8+$0xFFFFFFD0];
	[tilespmem:v54+s31+$0x0] =	vst.idx.msk $0xffff, v0;
	v0 =	vadd.f32 v4, v36;
	v4 =	vadd.s32 v12, v45  }
0x72f: {  	v62 =	vmov s7;
	v54 =	vadd.s32 v9, v41;
	v63 =	vld [tilespmem:s8+$0x10];
	[tilespmem:v61+s31+$0x0] =	vst.idx.msk $0xffff, v2;
	v2 =	vmul.f32 $8.000000000e+00, v47  }
0x730: {  	v46 =	vshrl.u32 v62, $0x3;
	v60 =	vmul.f32 $8.000000000e+00, v48;
	v61 =	vadd.s32 v5, v44;
	v62 =	vld [tilespmem:s8+$0x50];
	[tilespmem:v49+s31+$0x0] =	vst.idx.msk $0xffff, v0  }
0x731: {  	v49 =	vadd.s32 v17, v43;
	v0 =	vmul.f32 $8.000000000e+00, v51;
	v51 =	vld [tilespmem:s8+$0x90];
	v2 =	vadd.f32 v2, v35  }
0x732: {  	s25 =	sadd.s32 $0x1, s7;
	v58 =	vadd.s32 v7, v40;
	v37 =	vadd.f32 v60, v35;
	v50 =	vmul.f32 $8.000000000e+00, v50  }
0x733: {  	v3 =	vmov s25;
	v0 =	vadd.f32 v0, v35;
	v52 =	vmul.f32 $8.000000000e+00, v52;
	[tilespmem:v4+s31+$0x0] =	vst.idx.msk $0xffff, v2  }
0x734: {  	[tilespmem:v54+s31+$0x0] =	vst.idx.msk $0xffff, v37;
	v2 =	vadd.f32 v50, v35;
	v50 =	vadd.s32 v29, v39;
	v4 =	vmul.f32 $8.000000000e+00, v63;
	v63 =	vld [tilespmem:s8+$0xE0]  }
0x735: {  	v60 =	vld [tilespmem:s8+$0xFFFFFF20];
	[tilespmem:v61+s31+$0x0] =	vst.idx.msk $0xffff, v0;
	v0 =	vadd.f32 v52, v35;
	v61 =	vmul.f32 $8.000000000e+00, v62;
	v62 =	vadd.s32 v28, v38  }
0x736: {  	s19 =	sadd.s32 $0x3, s7;
	v3 =	vshrl.u32 v3, $0x3;
	[tilespmem:v49+s31+$0x0] =	vst.idx.msk $0xffff, v2;
	v59 =	vld [tilespmem:s8+$0xFFFFFF60];
	v2 =	vadd.f32 v4, v35;
	v4 =	vmul.f32 $8.000000000e+00, v51  }
0x737: {  	s24 =	sadd.s32 $0x5, s7;
	v47 =	vmov s19;
	v37 =	vshll.u32 v46, v1;
	v49 =	vld [tilespmem:s8+$0xFFFFFFA0];
	[tilespmem:v57+s31+$0x0] =	vst.idx.msk $0xffff, v0;
	v0 =	vadd.f32 v61, v35  }
0x738: {  	v46 =	vmov s24;
	v48 =	vld [tilespmem:s8+$0xFFFFFFE0];
	[tilespmem:v58+s31+$0x0] =	vst.idx.msk $0xffff, v2;
	v2 =	vadd.f32 v4, v35;
	v4 =	vadd.s32 v16, v45  }
0x739: {  	v54 =	vadd.s32 v11, v44;
	v57 =	vadd.s32 v10, v41;
	v58 =	vld [tilespmem:s8+$0x20];
	[tilespmem:v50+s31+$0x0] =	vst.idx.msk $0xffff, v0;
	v0 =	vmul.f32 $8.000000000e+00, v63  }
0x73a: {  	v44 =	vadd.s32 v13, v44;
	v52 =	vadd.s32 v15, v43;
	v63 =	vmul.f32 $8.000000000e+00, v60;
	v55 =	vld [tilespmem:s8+$0x60];
	[tilespmem:v62+s31+$0x0] =	vst.idx.msk $0xffff, v2  }
0x73b: {  	v50 =	vshrl.u32 v53, $0x3;
	v2 =	vmul.f32 $8.000000000e+00, v59;
	v59 =	vld [tilespmem:s8+$0xA0];
	v0 =	vadd.f32 v0, v34  }
0x73c: {  	v60 =	vadd.s32 v19, v42;
	v53 =	vadd.f32 v63, v34;
	v49 =	vmul.f32 $8.000000000e+00, v49  }
0x73d: {  	v61 =	vadd.s32 v23, v40;
	v2 =	vadd.f32 v2, v34;
	v48 =	vmul.f32 $8.000000000e+00, v48;
	[tilespmem:v4+s31+$0x0] =	vst.idx.msk $0xffff, v0  }
0x73e: {  	s25 =	sadd.s32 $0x6, s7;
	[tilespmem:v57+s31+$0x0] =	vst.idx.msk $0xffff, v53;
	v0 =	vadd.f32 v49, v34;
	v53 =	vadd.s32 v27, v39;
	v4 =	vmul.f32 $8.000000000e+00, v58;
	v57 =	vld [tilespmem:s8+$0xF0]  }
0x73f: {  	v51 =	vmov s25;
	v58 =	vld [tilespmem:s8+$0xFFFFFF30];
	[tilespmem:v54+s31+$0x0] =	vst.idx.msk $0xffff, v2;
	v2 =	vadd.f32 v48, v34;
	v54 =	vmul.f32 $8.000000000e+00, v55  }
0x740: {  	v62 =	vadd.s32 v30, v38;
	[tilespmem:v52+s31+$0x0] =	vst.idx.msk $0xffff, v0;
	v63 =	vld [tilespmem:s8+$0xFFFFFF70];
	v0 =	vadd.f32 v4, v34;
	v4 =	vmul.f32 $8.000000000e+00, v59  }
0x741: {  	v38 =	vadd.s32 v6, v38;
	v49 =	vshrl.u32 v46, $0x3;
	v52 =	vld [tilespmem:s8+$0xFFFFFFB0];
	[tilespmem:v60+s31+$0x0] =	vst.idx.msk $0xffff, v2;
	v2 =	vadd.f32 v54, v34  }
0x742: {  	v46 =	vshrl.u32 v51, $0x3;
	v51 =	vld [tilespmem:s8+$0xFFFFFFF0];
	[tilespmem:v61+s31+$0x0] =	vst.idx.msk $0xffff, v0;
	v0 =	vadd.f32 v4, v34;
	v4 =	vadd.s32 v20, v45  }
0x743: {  	v54 =	vshll.u32 v3, v1;
	v3 =	vadd.s32 v8, v41;
	v45 =	vld [tilespmem:s8+$0x30];
	[tilespmem:v53+s31+$0x0] =	vst.idx.msk $0xffff, v2;
	v2 =	vmul.f32 $8.000000000e+00, v57  }
0x744: {  	p1 =	slt.u32 s7, $0x78;
	v39 =	vadd.s32 v26, v39;
	v48 =	vshrl.u32 v47, $0x3;
	v60 =	vmul.f32 $8.000000000e+00, v58;
	v61 =	vld [tilespmem:s8+$0x70]  }
.Ltmp16:
0x745: {  	v55 =	vshll.u32 v50, v1;
	[tilespmem:v62+s31+$0x0] =	vst.idx.msk $0xffff, v0;
	v0 =	vmul.f32 $8.000000000e+00, v63;
	v2 =	vadd.f32 v2, v33;
	(pc) =	sbr.rel @p1 .LBB2_31-.Ltmp16, $4  }
0x746: {  	v53 =	vadd.s32 v14, v43;
	v50 =	vadd.f32 v60, v33;
	v52 =	vmul.f32 $8.000000000e+00, v52  }
0x747: {  	v43 =	vadd.s32 v18, v42;
	v0 =	vadd.f32 v0, v33;
	v63 =	vmul.f32 $8.000000000e+00, v51;
	[tilespmem:v4+s31+$0x0] =	vst.idx.msk $0xffff, v2  }
0x748: {  	v47 =	vshrl.u32 v56, $0x3;
	v42 =	vadd.s32 v22, v40;
	[tilespmem:v3+s31+$0x0] =	vst.idx.msk $0xffff, v50;
	v56 =	vadd.f32 v52, v33  }
0x749: {  	s9 =	sadd.s32 $0x7, s7;
	s7 =	sadd.s32 $0x8, s7;
	v41 =	vld [tilespmem:s8+$0xB0];
	v51 =	vmul.f32 $8.000000000e+00, v45;
	[tilespmem:v44+s31+$0x0] =	vst.idx.msk $0xffff, v0;
	v52 =	vadd.f32 v63, v33;
	v40 =	vmul.f32 $8.000000000e+00, v61  }
0x74a: {  	v0 =	vmov s9  }
0x74b: {  	v0 =	vshrl.u32 v0, $0x3  }
0x74c: {  	v0 =	vshll.u32 v0, v1  }
0x74d: {  	v50 =	vbroadcast v0, $0x0  }
0x74e: {  	v3 =	vshll.u32 v48, v1;
	v45 =	vshll.u32 v49, v1;
	v49 =	vbroadcast v54, $0x0  }
0x74f: {  	v54 =	vshll.u32 v46, v1;
	v46 =	vbroadcast v3, $0x0;
	v3 =	vadd.s32 v31, v50;
	v31 =	vld [tilespmem:$0x1FE00];
	_ =	sdelay $0x2  }
0x750: {  	s7 =	sadd.s32 $0x200, s8;
	v48 =	vbroadcast v37, $0x0  }
0x751: {  	v2 =	vld [tilespmem:s7+$0xC0]  }
0x752: {  	v58 =	vadd.s32 v31, v48;
	v31 =	vld [tilespmem:$0x1FE40];
	_ =	sdelay $0x3  }
0x753: {  	v57 =	vld [tilespmem:s7+$0xFFFFFF40]  }
0x754: {  	v2 =	vmul.f32 $8.000000000e+00, v2;
	v60 =	vadd.s32 v31, v49;
	v31 =	vld [tilespmem:$0x1FE80];
	_ =	sdelay $0x1  }
0x755: {  	v4 =	vld [tilespmem:s7+$0xFFFFFF00];
	v2 =	vadd.f32 v2, v36  }
0x756: {  	v63 =	vshll.u32 v47, v1;
	v47 =	vbroadcast v55, $0x0;
	v55 =	vld [tilespmem:s7+$0xFFFFFFC0]  }
0x757: {  	v37 =	vbroadcast v45, $0x0;
	v0 =	vld [tilespmem:s7+$0xFFFFFF80];
	[tilespmem:v3+s31+$0x0] =	vst.idx.msk $0xffff, v2  }
0x758: {  	v45 =	vbroadcast v54, $0x0;
	v54 =	vmul.f32 $8.000000000e+00, v57;
	v57 =	vadd.s32 v31, v47;
	v31 =	vld [tilespmem:$0x1FF00]  }
0x759: {  	v59 =	vld [tilespmem:s7+$0x0]  }
0x75a: {  	v61 =	vld [tilespmem:s7+$0x40];
	v4 =	vmul.f32 $8.000000000e+00, v4  }
0x75b: {  	v44 =	vbroadcast v63, $0x0;
	v62 =	vld [tilespmem:s7+$0x80]  }
0x75c: {  	v63 =	vadd.s32 v32, v46;
	v4 =	vadd.f32 v4, v36;
	v0 =	vmul.f32 $8.000000000e+00, v0  }
0x75d: {  	v2 =	vadd.f32 v54, v36;
	v3 =	vmul.f32 $8.000000000e+00, v55;
	v54 =	vadd.s32 v31, v44  }
0x75e: {  	v0 =	vadd.f32 v0, v36;
	v55 =	vadd.s32 v25, v37;
	[tilespmem:v58+s31+$0x0] =	vst.idx.msk $0xffff, v4;
	v4 =	vmul.f32 $8.000000000e+00, v59;
	v58 =	vld [tilespmem:s7+$0xD0]  }
0x75f: {  	v3 =	vadd.f32 v3, v36;
	[tilespmem:v60+s31+$0x0] =	vst.idx.msk $0xffff, v2;
	v59 =	vmul.f32 $8.000000000e+00, v61;
	v60 =	vadd.s32 v24, v45;
	v2 =	vld [tilespmem:s7+$0xFFFFFF10]  }
0x760: {  	v32 =	vmul.f32 $8.000000000e+00, v62;
	v4 =	vadd.f32 v4, v36;
	[tilespmem:v57+s31+$0x0] =	vst.idx.msk $0xffff, v0;
	v0 =	vld [tilespmem:s7+$0xFFFFFF50]  }
0x761: {  	[tilespmem:v63+s31+$0x0] =	vst.idx.msk $0xffff, v3;
	v59 =	vadd.f32 v59, v36;
	v3 =	vld [tilespmem:s7+$0xFFFFFF90]  }
0x762: {  	v61 =	vld [tilespmem:s7+$0xFFFFFFD0];
	[tilespmem:v54+s31+$0x0] =	vst.idx.msk $0xffff, v4;
	v4 =	vadd.f32 v32, v36;
	v36 =	vadd.s32 v12, v50  }
0x763: {  	[tilespmem:v55+s31+$0x0] =	vst.idx.msk $0xffff, v59;
	v55 =	vmul.f32 $8.000000000e+00, v58;
	v54 =	vadd.s32 v9, v48;
	v57 =	vld [tilespmem:s7+$0x10]  }
0x764: {  	v59 =	vld [tilespmem:s7+$0x50];
	v2 =	vmul.f32 $8.000000000e+00, v2;
	v32 =	vadd.s32 v5, v49;
	[tilespmem:v60+s31+$0x0] =	vst.idx.msk $0xffff, v4  }
0x765: {  	v55 =	vadd.f32 v55, v35;
	v0 =	vmul.f32 $8.000000000e+00, v0;
	v4 =	vadd.s32 v17, v47;
	v60 =	vld [tilespmem:s7+$0x90]  }
0x766: {  	[tilespmem:v53+s31+$0x0] =	vst.idx.msk $0xffff, v56;
	v53 =	vadd.s32 v21, v46;
	v2 =	vadd.f32 v2, v35;
	v3 =	vmul.f32 $8.000000000e+00, v3  }
0x767: {  	v63 =	vadd.s32 v7, v44;
	v62 =	vmul.f32 $8.000000000e+00, v61;
	v0 =	vadd.f32 v0, v35;
	[tilespmem:v36+s31+$0x0] =	vst.idx.msk $0xffff, v55  }
0x768: {  	[tilespmem:v54+s31+$0x0] =	vst.idx.msk $0xffff, v2;
	v2 =	vadd.f32 v3, v35;
	v54 =	vadd.s32 v29, v37;
	v3 =	vmul.f32 $8.000000000e+00, v57;
	v56 =	vld [tilespmem:s7+$0xE0]  }
0x769: {  	v61 =	vadd.s32 v28, v45;
	[tilespmem:v32+s31+$0x0] =	vst.idx.msk $0xffff, v0;
	v36 =	vadd.f32 v62, v35;
	v32 =	vmul.f32 $8.000000000e+00, v59;
	v0 =	vld [tilespmem:s7+$0xFFFFFF20]  }
0x76a: {  	[tilespmem:v4+s31+$0x0] =	vst.idx.msk $0xffff, v2;
	v2 =	vld [tilespmem:s7+$0xFFFFFF60];
	v3 =	vadd.f32 v3, v35;
	v4 =	vmul.f32 $8.000000000e+00, v60  }
0x76b: {  	[tilespmem:v53+s31+$0x0] =	vst.idx.msk $0xffff, v36;
	v62 =	vadd.f32 v32, v35;
	v36 =	vld [tilespmem:s7+$0xFFFFFFA0]  }
0x76c: {  	[tilespmem:v63+s31+$0x0] =	vst.idx.msk $0xffff, v3;
	v3 =	vld [tilespmem:s7+$0xFFFFFFE0];
	v4 =	vadd.f32 v4, v35;
	v63 =	vadd.s32 v16, v50  }
0x76d: {  	v53 =	vadd.s32 v10, v48;
	[tilespmem:v54+s31+$0x0] =	vst.idx.msk $0xffff, v62;
	v54 =	vld [tilespmem:s7+$0x20];
	v32 =	vmul.f32 $8.000000000e+00, v56  }
0x76e: {  	v51 =	vadd.f32 v51, v33;
	v0 =	vmul.f32 $8.000000000e+00, v0;
	v56 =	vld [tilespmem:s7+$0x60];
	[tilespmem:v61+s31+$0x0] =	vst.idx.msk $0xffff, v4;
	v4 =	vadd.s32 v11, v49  }
0x76f: {  	[tilespmem:v43+s31+$0x0] =	vst.idx.msk $0xffff, v52;
	v60 =	vadd.s32 v15, v47;
	v2 =	vmul.f32 $8.000000000e+00, v2;
	v61 =	vld [tilespmem:s7+$0xA0];
	v55 =	vadd.f32 v32, v34  }
0x770: {  	[tilespmem:v42+s31+$0x0] =	vst.idx.msk $0xffff, v51;
	v62 =	vadd.s32 v19, v46;
	v0 =	vadd.f32 v0, v34;
	v36 =	vmul.f32 $8.000000000e+00, v36  }
0x771: {  	v2 =	vadd.f32 v2, v34;
	[tilespmem:v63+s31+$0x0] =	vst.idx.msk $0xffff, v55;
	v3 =	vmul.f32 $8.000000000e+00, v3;
	v63 =	vadd.s32 v23, v44  }
0x772: {  	v51 =	vadd.s32 v27, v37;
	[tilespmem:v53+s31+$0x0] =	vst.idx.msk $0xffff, v0;
	v0 =	vadd.f32 v36, v34;
	v32 =	vmul.f32 $8.000000000e+00, v54;
	v53 =	vld [tilespmem:s7+$0xF0]  }
0x773: {  	v57 =	vadd.s32 v30, v45;
	[tilespmem:v4+s31+$0x0] =	vst.idx.msk $0xffff, v2;
	v2 =	vld [tilespmem:s7+$0xFFFFFF30];
	v3 =	vadd.f32 v3, v34;
	v4 =	vmul.f32 $8.000000000e+00, v56  }
0x774: {  	[tilespmem:v60+s31+$0x0] =	vst.idx.msk $0xffff, v0;
	v0 =	vld [tilespmem:s7+$0xFFFFFF70];
	v36 =	vadd.f32 v32, v34;
	v58 =	vmul.f32 $8.000000000e+00, v61  }
0x775: {  	v59 =	vld [tilespmem:s7+$0xFFFFFFB0];
	[tilespmem:v62+s31+$0x0] =	vst.idx.msk $0xffff, v3;
	v3 =	vadd.f32 v4, v34  }
0x776: {  	v35 =	vadd.s32 v20, v50;
	v4 =	vmul.f32 $8.000000000e+00, v41;
	v41 =	vld [tilespmem:s7+$0xFFFFFFF0];
	[tilespmem:v63+s31+$0x0] =	vst.idx.msk $0xffff, v36;
	v60 =	vadd.f32 v58, v34  }
0x777: {  	v61 =	vadd.f32 v40, v33;
	v62 =	vadd.s32 v8, v48;
	v63 =	vld [tilespmem:s7+$0x30];
	[tilespmem:v51+s31+$0x0] =	vst.idx.msk $0xffff, v3;
	v3 =	vmul.f32 $8.000000000e+00, v53  }
0x778: {  	v55 =	vadd.s32 v13, v49;
	v4 =	vadd.f32 v4, v33;
	v2 =	vmul.f32 $8.000000000e+00, v2;
	v56 =	vld [tilespmem:s7+$0x70];
	[tilespmem:v57+s31+$0x0] =	vst.idx.msk $0xffff, v60  }
0x779: {  	[tilespmem:v39+s31+$0x0] =	vst.idx.msk $0xffff, v61;
	v57 =	vadd.s32 v14, v47;
	v0 =	vmul.f32 $8.000000000e+00, v0;
	v58 =	vld [tilespmem:s7+$0xB0];
	v3 =	vadd.f32 v3, v33  }
0x77a: {  	[tilespmem:v38+s31+$0x0] =	vst.idx.msk $0xffff, v4;
	v4 =	vmul.f32 $8.000000000e+00, v59;
	v59 =	vadd.s32 v18, v46;
	v2 =	vadd.f32 v2, v33  }
0x77b: {  	v61 =	vadd.s32 v22, v44;
	v0 =	vadd.f32 v0, v33;
	v60 =	vmul.f32 $8.000000000e+00, v41;
	[tilespmem:v35+s31+$0x0] =	vst.idx.msk $0xffff, v3  }
0x77c: {  	[tilespmem:v62+s31+$0x0] =	vst.idx.msk $0xffff, v2;
	v2 =	vadd.f32 v4, v33;
	v3 =	vmul.f32 $8.000000000e+00, v63;
	v4 =	vadd.s32 v26, v37  }
0x77d: {  	v63 =	vadd.s32 v6, v45;
	[tilespmem:v55+s31+$0x0] =	vst.idx.msk $0xffff, v0;
	v0 =	vadd.f32 v60, v33;
	v62 =	vmul.f32 $8.000000000e+00, v56  }
0x77e: {  	[tilespmem:v57+s31+$0x0] =	vst.idx.msk $0xffff, v2;
	v2 =	vadd.f32 v3, v33;
	v3 =	vmul.f32 $8.000000000e+00, v58  }
0x77f: {  	s6 =	sshll.u32 s6, $0x12;
	[tilespmem:v59+s31+$0x0] =	vst.idx.msk $0xffff, v0;
	v0 =	vadd.f32 v62, v33  }
0x780: {  	s6 =	sor.u32 s4, s6;
	[tilespmem:v61+s31+$0x0] =	vst.idx.msk $0xffff, v2;
	v2 =	vadd.f32 v3, v33  }
0x781: {  	s6 =	sshrl.u32 s6, $0x3;
	[tilespmem:v4+s31+$0x0] =	vst.idx.msk $0xffff, v0  }
0x782: {  	s8 =	simm.s32 $0x18600;
	s7 =	sadd.s32 s2, s6;
	[tilespmem:v63+s31+$0x0] =	vst.idx.msk $0xffff, v2  }
0x783: {  	[hbm4b:s7+s3] =	stream.linear.scatter [tilespmem:s8], [sflag:$0xB], $0x80, $0x38;
	[tilespmem:$0x1DA00] =	vst v63  }
0x784: {  	s9 =	simm.s32 $0x18688;
	s10 =	sadd.s32 $0x10, s7  }
0x785: {  	[hbm4b:s10+s3] =	stream.linear.scatter [tilespmem:s9], [sflag:$0xB], $0x80, $0x38;
	[tilespmem:$0x1DA00] =	vst v63  }
0x786: {  	s19 =	simm.s32 $0x18710;
	s24 =	simm.s32 $0x18798;
	s23 =	sadd.s32 $0x20, s7  }
0x787: {  	[hbm4b:s23+s3] =	stream.linear.scatter [tilespmem:s19], [sflag:$0xB], $0x80, $0x38;
	[tilespmem:$0x1DA00] =	vst v63  }
0x788: {  	s6 =	simm.s32 $0x440;
	s25 =	sadd.s32 $0x30, s7;
	s8 =	simm.s32 $0x2200  }
0x789: {  	[hbm4b:s25+s3] =	stream.linear.scatter [tilespmem:s24], [sflag:$0xB], $0x80, $0x38;
	[tilespmem:$0x1DA00] =	vst v63  }
0x78a: {  	s9 =	simm.s32 $0x18820;
	s10 =	sadd.s32 $0x40, s7;
	s19 =	simm.s32 $0x188A8  }
0x78b: {  	[hbm4b:s10+s3] =	stream.linear.scatter [tilespmem:s9], [sflag:$0xB], $0x80, $0x38;
	[tilespmem:$0x1DA00] =	vst v63  }
0x78c: {  	s23 =	sadd.s32 $0x50, s7;
	s24 =	simm.s32 $0x18930;
	s25 =	sadd.s32 $0x60, s7  }
0x78d: {  	[hbm4b:s23+s3] =	stream.linear.scatter [tilespmem:s19], [sflag:$0xB], $0x80, $0x38;
	[tilespmem:$0x1DA00] =	vst v63  }
0x78e: {  	s9 =	simm.s32 $0x189B8;
	s10 =	sadd.s32 $0x70, s7;
	s7 =	sadd.s32 $0x1000, s7  }
0x78f: {  	v63 =	vmovc v28;
	v3 =	vmovc v6;
	v0 =	vmov v10;
	v10 =	vmov v7;
	v2 =	vmov v5;
	[hbm4b:s25+s3] =	stream.linear.scatter [tilespmem:s24], [sflag:$0xB], $0x80, $0x38;
	[tilespmem:$0x1DA00] =	vst v63  }
.LBB2_33:
0x790: {  	[hbm4b:s10+s3] =	stream.linear.scatter [tilespmem:s9], [sflag:$0xB], $0x80, $0x38;
	[tilespmem:$0x1DA00] =	vst v63  }
0x791: {  	s9 =	smov.u32 s6;
	s6 =	smov.u32 s8  }
0x792: {  	s19 =	sadd.s32 $0x1100, s8;
	s6 =	sshra.s32 s6, $0x2;
	s10 =	sadd.s32 $0x18600, s9  }
0x793: {  	[hbm4b:s7+s3] =	stream.linear.scatter [tilespmem:s10], [sflag:$0xB], $0x80, $0x38;
	[tilespmem:$0x1DA00] =	vst v63  }
0x794: {  	p1 =	sne.s32 s8, $0x7700;
	s8 =	sadd.s32 $0x18688, s9;
	s10 =	sadd.s32 $0x10, s7  }
0x795: {  	[hbm4b:s10+s3] =	stream.linear.scatter [tilespmem:s8], [sflag:$0xB], $0x80, $0x38;
	[tilespmem:$0x1DA00] =	vst v63  }
0x796: {  	s8 =	sadd.s32 $0x18710, s9;
	s10 =	sadd.s32 $0x20, s7  }
0x797: {  	[hbm4b:s10+s3] =	stream.linear.scatter [tilespmem:s8], [sflag:$0xB], $0x80, $0x38;
	[tilespmem:$0x1DA00] =	vst v63  }
0x798: {  	s8 =	sadd.s32 $0x18798, s9;
	s10 =	sadd.s32 $0x30, s7  }
0x799: {  	[hbm4b:s10+s3] =	stream.linear.scatter [tilespmem:s8], [sflag:$0xB], $0x80, $0x38;
	[tilespmem:$0x1DA00] =	vst v63  }
0x79a: {  	s8 =	sadd.s32 $0x18820, s9;
	s10 =	sadd.s32 $0x40, s7  }
0x79b: {  	[hbm4b:s10+s3] =	stream.linear.scatter [tilespmem:s8], [sflag:$0xB], $0x80, $0x38;
	[tilespmem:$0x1DA00] =	vst v63  }
.Ltmp17:
0x79c: {  	s8 =	sadd.s32 $0x188A8, s9;
	s10 =	sadd.s32 $0x50, s7;
	(pc) =	sbr.rel @p1 .LBB2_33-.Ltmp17, $4  }
0x79d: {  	[hbm4b:s10+s3] =	stream.linear.scatter [tilespmem:s8], [sflag:$0xB], $0x80, $0x38;
	[tilespmem:$0x1DA00] =	vst v63  }
0x79e: {  	s8 =	sadd.s32 $0x18930, s9;
	s10 =	sadd.s32 $0x60, s7;
	s9 =	sadd.s32 $0x189B8, s9  }
0x79f: {  	[hbm4b:s10+s3] =	stream.linear.scatter [tilespmem:s8], [sflag:$0xB], $0x80, $0x38;
	[tilespmem:$0x1DA00] =	vst v63  }
0x7a0: {  	s10 =	sadd.s32 $0x70, s7;
	s7 =	sadd.s32 $0x1000, s7;
	s8 =	smov.u32 s19  }
0x7a1: {  	[hbm4b:s10+s3] =	stream.linear.scatter [tilespmem:s9], [sflag:$0xB], $0x80, $0x38;
	[tilespmem:$0x1DA00] =	vst v63  }
0x7a2: {  	s8 =	sadd.s32 $0x18600, s6  }
0x7a3: {  	[hbm4b:s7+s3] =	stream.linear.scatter [tilespmem:s8], [sflag:$0xB], $0x80, $0x38;
	[tilespmem:$0x1DA00] =	vst v63  }
0x7a4: {  	s24 =	sadd.s32 $0x18688, s6;
	s25 =	sadd.s32 $0x10, s7  }
0x7a5: {  	[hbm4b:s25+s3] =	stream.linear.scatter [tilespmem:s24], [sflag:$0xB], $0x80, $0x38;
	[tilespmem:$0x1DA00] =	vst v63  }
0x7a6: {  	s9 =	sadd.s32 $0x18710, s6;
	s10 =	sadd.s32 $0x20, s7  }
0x7a7: {  	[hbm4b:s10+s3] =	stream.linear.scatter [tilespmem:s9], [sflag:$0xB], $0x80, $0x38;
	[tilespmem:$0x1DA00] =	vst v63  }
0x7a8: {  	s19 =	sadd.s32 $0x18798, s6;
	s23 =	sadd.s32 $0x30, s7  }
0x7a9: {  	[hbm4b:s23+s3] =	stream.linear.scatter [tilespmem:s19], [sflag:$0xB], $0x80, $0x38;
	[tilespmem:$0x1DA00] =	vst v63  }
0x7aa: {  	s24 =	sadd.s32 $0x18820, s6;
	s25 =	sadd.s32 $0x40, s7  }
0x7ab: {  	[hbm4b:s25+s3] =	stream.linear.scatter [tilespmem:s24], [sflag:$0xB], $0x80, $0x38;
	[tilespmem:$0x1DA00] =	vst v63  }
0x7ac: {  	s9 =	sadd.s32 $0x188A8, s6;
	s10 =	sadd.s32 $0x50, s7  }
0x7ad: {  	[hbm4b:s10+s3] =	stream.linear.scatter [tilespmem:s9], [sflag:$0xB], $0x80, $0x38;
	[tilespmem:$0x1DA00] =	vst v63  }
.Ltmp18:
0x7ae: {  	_ = 	snop;
	(pc) =	sbr.rel @p0 .LBB2_36-.Ltmp18, $4  }
0x7af: {  	s19 =	sadd.s32 $0x18930, s6;
	s23 =	sadd.s32 $0x60, s7  }
0x7b0: {  	[hbm4b:s23+s3] =	stream.linear.scatter [tilespmem:s19], [sflag:$0xB], $0x80, $0x38;
	[tilespmem:$0x1DA00] =	vst v63  }
0x7b1: {  	s24 =	sadd.s32 $0x189B8, s6;
	s25 =	sadd.s32 $0x70, s7  }
0x7b2: {  	[hbm4b:s25+s3] =	stream.linear.scatter [tilespmem:s24], [sflag:$0xB], $0x80, $0x38;
	[tilespmem:$0x1DA00] =	vst v63  }
0x7b3: {  	v7 =	vld [tilespmem:$0x1FE00]  }
0x7b4: {  	v8 =	vld [tilespmem:$0x1FE30]  }
0x7b5: {  	v11 =	vld [tilespmem:$0x1FE40]  }
0x7b6: {  	v20 =	vld [tilespmem:$0x1FE60]  }
0x7b7: {  	v15 =	vld [tilespmem:$0x1FE80]  }
0x7b8: {  	v5 =	vld [tilespmem:$0x1FEA0]  }
0x7b9: {  	v19 =	vld [tilespmem:$0x1FEC0]  }
0x7ba: {  	v31 =	vld [tilespmem:$0x1FEE0]  }
0x7bb: {  	v23 =	vld [tilespmem:$0x1FF00]  }
0x7bc: {  	v27 =	vld [tilespmem:$0x1FF40]  }
.Ltmp19:
0x7bd: {  	v32 =	vld [tilespmem:$0x1FF80];
	(pc) =	sbr.rel .LBB2_2-.Ltmp19, $4  }
0x7be: {  	v28 =	vld [tilespmem:$0x1FFA0]  }
0x7bf: {  	v24 =	vld [tilespmem:$0x1FFD0]  }
0x7c0: {  	s6 =	sadd.s32 $0x680, s22;
	s20 =	sadd.s32 $0x1, s20;
	v4 =	vld [tilespmem:$0x1FFE0]  }
0x7c1: {  	v6 =	vld [tilespmem:$0x1FFF0];
	[tilespmem:s21], [sflag:$0x7] =	stream.indirect.gather [hbm4b:s5+s11], $0x40, s6, s11, $0xb8  }
.LBB2_37:
0x7c2: {  	_ =	sfence.sel $0x180000  }
0x7c3: {  	[bflag:$0x0] =	sbarrier.arrive $0xFFFF  }
0x7c4: {  	_ =	strace $0x90000047  }
0x7c5: {  	s0 =	stileid.u32;
	[bflag:$0x2] =	sbarrier.arrive $0xFFFF  }
0x7c6: {  	p0 =	sne.s32 s0, $0x0;
	s0 =	rddreg [dreg:$0x3]  }
0x7c7: {  	s0 =	sadd.s32 @!p0 $0x100000, s0  }
0x7c8: {  	[sflag:s0] =	ssyncadd.tile.s32 @!p0 $0x1;
	_ =	shalt  }
.Lfunc_end2:
_tile_overlayer_lowered:
.L_overlay_start_2:
0x7c9: {  	(tag) =	ssettag $0x2  }
0x7ca: {  	s0 =	rddreg [dreg:$0x0];
	s2 =	stileid.u32  }
0x7cb: {  	s1 =	rddreg [dreg:$0x1];
	p0 =	sne.s32 s2, $0x0  }
0x7cc: {  	s3 =	rddreg [dreg:$0x2];
	[bflag:$0x3] =	sbarrier.arrive $0xFFFF;
	s2 =	simm.s32 @!p0 $0x1C0C  }
0x7cd: {  	[timem:s3], [sflag:s2] =	dma.local @!p0 [hbm:s0], s1  }
0x7ce: {  	s0 =	simm.s32 @!p0 $0xC  }
0x7cf: {  	_ =	swait.ge @!p0 [sflag:s0], s1  }
0x7d0: {  	s1 =	ssub.s32 @!p0 $0x0, s1;
	[sflag:s0] =	ssyncset.done @!p0 $0x0  }
0x7d1: {  	[sflag:s0] =	ssyncadd.s32 @!p0 s1  }
0x7d2: {  	[bflag:$0x3] =	sbarrier.arrive $0xFFFF  }
0x7d3: {  	_ =	shalt  }

</sc_bundles>
